<compile_context>
chip_gen: v7x
topology: tpu7x:2x2x1
jax: 0.10.2.dev20260603
libtpu: 0.0.44.dev20260713+nightly
codegen_flags: <defaults>
</compile_context>

<pallas_src>
import functools

import jax
import jax.numpy as jnp
from jax import lax
from jax.experimental import pallas as pl
from jax.experimental.pallas import tpu as pltpu
from jax.experimental.pallas import tpu_sc as plsc

_NUM_WORKERS = 32


@functools.partial(jax.jit, static_argnames=())
def kernel(input, table):
    flat = input.reshape(-1).astype(jnp.int32)
    b_total = flat.shape[0]
    d = table.shape[1]
    bpw = b_total // _NUM_WORKERS
    ch = 128
    n_chunks = bpw // ch
    nbuf = min(8, n_chunks)

    mesh = plsc.VectorSubcoreMesh(core_axis_name="c", subcore_axis_name="s")

    @functools.partial(
        pl.kernel,
        mesh=mesh,
        compiler_params=pltpu.CompilerParams(use_tc_tiling_on_sc=False),
        out_type=jax.ShapeDtypeStruct((b_total // 128, 128, 2 * d), jnp.float32),
        scratch_types=(
            [pltpu.VMEM((bpw,), jnp.int32)]
            + [pltpu.VMEM((ch, d), jnp.float32) for _ in range(nbuf)]
            + [pltpu.SemaphoreType.DMA for _ in range(2 * nbuf)]
        ),
    )
    def gather_kernel(idx_hbm, table_hbm, out_hbm, idx_v, *bufs_and_sems):
        rows = bufs_and_sems[:nbuf]
        gsem = bufs_and_sems[nbuf:2 * nbuf]
        wsem = bufs_and_sems[2 * nbuf:3 * nbuf]

        wid = lax.axis_index("s") * 2 + lax.axis_index("c")
        base = wid * bpw
        pltpu.sync_copy(idx_hbm.at[pl.ds(base, bpw)], idx_v)

        def gather(c, b):
            return pltpu.async_copy(
                table_hbm.at[idx_v.at[pl.ds(c * ch, ch)]], rows[b], gsem[b])

        def write(c, b):
            return pltpu.async_copy(
                rows[b],
                out_hbm.at[(base + c * ch) // 128, :, pl.ds(0, d)], wsem[b])

        g = [gather(k, k) for k in range(nbuf)]
        w = [None] * nbuf
        for c in range(n_chunks):
            b = c % nbuf
            g[b].wait()
            w[b] = write(c, b)
            nc = c + nbuf
            if nc < n_chunks:
                w[b].wait()
                g[b] = gather(nc, b)
        for k in range(max(0, n_chunks - nbuf), n_chunks):
            w[k % nbuf].wait()

    tbl2 = jnp.pad(table, ((0, 0), (0, d))).reshape(2 * table.shape[0], d)
    outp = gather_kernel(flat * 2, tbl2)
    return outp[:, :, 0:d].reshape(b_total, d)

# --- scband reference (transcript-rebuilt; emitter-appended) ---
"""Pipeline reference for scband-partial-fixed-embedding-24833500906200 (READ-ONLY COPY).

The authoritative reference and input builder live on the scoring server;
editing this copy changes nothing except your own understanding.
"""

import jax, jax.numpy as jnp
import numpy as np

VOCAB = 100000
EMBED_DIM = 64
BATCH = 4096
HIST = 50

def setup_inputs(seed: int = 0) -> dict:
    key = jax.random.key(seed)
    k_idx, k_tab = jax.random.split(key)
    indices = jax.random.randint(k_idx, (BATCH, HIST), 0, VOCAB, dtype=jnp.int64 if jax.config.jax_enable_x64 else jnp.int32)
    # Single table materializes the dict of per-index parameters (fixed vecs + learned rows)
    table = jax.random.uniform(k_tab, (VOCAB, EMBED_DIM), dtype=jnp.float32, minval=-1.0, maxval=1.0)
    return {"input": indices, "table": table}

def reference(input, table):
    # forward: flatten indices, stack per-index embedding vectors -> gather rows
    flat = input.flatten()
    out = jnp.take(table, flat, axis=0)
    return out

if __name__ == "__main__":
    import jax
    _d = setup_inputs()
    print(jax.jit(kernel)(*tuple(_d.values())))

</pallas_src>

<mosaic_0001>
#map = affine_map<(d0, d1) -> (0)>
#map1 = affine_map<(d0, d1) -> (0, 0)>
#map2 = affine_map<(d0, d1) -> (0, 0, 0)>
module attributes {stable_mosaic.version = 14 : i64} {
  func.func @gather_kernel(%arg0: i32, %arg1: i32, %arg2: memref<204800xi32, #tpu.memory_space<hbm>>, %arg3: memref<200000x64xf32, #tpu.memory_space<hbm>>, %arg4: memref<1600x128x128xf32, #tpu.memory_space<hbm>>, %arg5: memref<6400xi32, #tpu.memory_space<vmem>>, %arg6: memref<128x64xf32, #tpu.memory_space<vmem>>, %arg7: memref<128x64xf32, #tpu.memory_space<vmem>>, %arg8: memref<128x64xf32, #tpu.memory_space<vmem>>, %arg9: memref<128x64xf32, #tpu.memory_space<vmem>>, %arg10: memref<128x64xf32, #tpu.memory_space<vmem>>, %arg11: memref<128x64xf32, #tpu.memory_space<vmem>>, %arg12: memref<128x64xf32, #tpu.memory_space<vmem>>, %arg13: memref<128x64xf32, #tpu.memory_space<vmem>>, %arg14: memref<!tpu.dma_semaphore, #tpu.memory_space<semaphore_mem>>, %arg15: memref<!tpu.dma_semaphore, #tpu.memory_space<semaphore_mem>>, %arg16: memref<!tpu.dma_semaphore, #tpu.memory_space<semaphore_mem>>, %arg17: memref<!tpu.dma_semaphore, #tpu.memory_space<semaphore_mem>>, %arg18: memref<!tpu.dma_semaphore, #tpu.memory_space<semaphore_mem>>, %arg19: memref<!tpu.dma_semaphore, #tpu.memory_space<semaphore_mem>>, %arg20: memref<!tpu.dma_semaphore, #tpu.memory_space<semaphore_mem>>, %arg21: memref<!tpu.dma_semaphore, #tpu.memory_space<semaphore_mem>>, %arg22: memref<!tpu.dma_semaphore, #tpu.memory_space<semaphore_mem>>, %arg23: memref<!tpu.dma_semaphore, #tpu.memory_space<semaphore_mem>>, %arg24: memref<!tpu.dma_semaphore, #tpu.memory_space<semaphore_mem>>, %arg25: memref<!tpu.dma_semaphore, #tpu.memory_space<semaphore_mem>>, %arg26: memref<!tpu.dma_semaphore, #tpu.memory_space<semaphore_mem>>, %arg27: memref<!tpu.dma_semaphore, #tpu.memory_space<semaphore_mem>>, %arg28: memref<!tpu.dma_semaphore, #tpu.memory_space<semaphore_mem>>, %arg29: memref<!tpu.dma_semaphore, #tpu.memory_space<semaphore_mem>>) attributes {dimension_semantics = [#tpu.dimension_semantics<core_parallel>, #tpu.dimension_semantics<subcore_parallel>], iteration_bounds = array<i64: 2, 16>, scalar_prefetch = 0 : i64, scratch_operands = 25 : i64, tpu.core_type = #tpu.core_type<sc_vector_subcore>, window_params = [{transform_indices = #map}, {transform_indices = #map1}, {transform_indices = #map2}]} {
    %mul3A = arith.constant 2 : i32
    %mul3A_0 = arith.muli %arg1, %mul3A : i32
    %add3A = arith.addi %mul3A_0, %arg0 : i32
    %mul3A_1 = arith.constant 6400 : i32
    %mul3A_2 = arith.muli %add3A, %mul3A_1 : i32
    "tpu.region"() ({
      %run_scoped3A = tpu.sem_alloc : memref<!tpu.dma_semaphore, #tpu.memory_space<semaphore_mem>>
      %dma_start3A_2593 = tpu.memref_slice %arg2[%mul3A_2] : memref<204800xi32, #tpu.memory_space<hbm>> -> memref<6400xi32, #tpu.memory_space<hbm>>
      %dma_start3A_2594 = tpu.memref_slice %arg2[%mul3A_2] : memref<204800xi32, #tpu.memory_space<hbm>> -> memref<6400xi32, #tpu.memory_space<hbm>>
      tpu.enqueue_dma source(%dma_start3A_2594 : memref<6400xi32, #tpu.memory_space<hbm>>) target(%arg5 : memref<6400xi32, #tpu.memory_space<vmem>>) target_semaphore(%run_scoped3A : memref<!tpu.dma_semaphore, #tpu.memory_space<semaphore_mem>>)
      %dma_wait3A_2595 = tpu.memref_slice %arg2[%mul3A_2] : memref<204800xi32, #tpu.memory_space<hbm>> -> memref<6400xi32, #tpu.memory_space<hbm>>
      %dma_wait3A_2596 = tpu.memref_slice %arg2[%mul3A_2] : memref<204800xi32, #tpu.memory_space<hbm>> -> memref<6400xi32, #tpu.memory_space<hbm>>
      tpu.wait_dma2 semaphore(%run_scoped3A : memref<!tpu.dma_semaphore, #tpu.memory_space<semaphore_mem>>) src(%dma_wait3A_2596 : memref<6400xi32, #tpu.memory_space<hbm>>) dst(%arg5 : memref<6400xi32, #tpu.memory_space<vmem>>)
      tpu.yield
    }) : () -> ()
    %dma_start3A = arith.constant 0 : i32
    %dma_start3A_3 = tpu.memref_slice %arg5[%dma_start3A] : memref<6400xi32, #tpu.memory_space<vmem>> -> memref<128xi32, #tpu.memory_space<vmem>>
    %dma_start3A_4 = arith.constant 0 : i32
    %dma_start3A_5 = arith.constant 0 : i32
    %dma_start3A_6 = tpu.memref_slice %arg3[%dma_start3A_4, %dma_start3A_5] : memref<200000x64xf32, #tpu.memory_space<hbm>> -> memref<200000x64xf32, #tpu.memory_space<hbm>>
    tpu.enqueue_indirect_dma source(%dma_start3A_6 : memref<200000x64xf32, #tpu.memory_space<hbm>>) target(%arg6 : memref<128x64xf32, #tpu.memory_space<vmem>>) offsets(%dma_start3A_3 : memref<128xi32, #tpu.memory_space<vmem>>) semaphore(%arg14 : memref<!tpu.dma_semaphore, #tpu.memory_space<semaphore_mem>>)
    %dma_start3A_7 = arith.constant 128 : i32
    %dma_start3A_8 = tpu.memref_slice %arg5[%dma_start3A_7] : memref<6400xi32, #tpu.memory_space<vmem>> -> memref<128xi32, #tpu.memory_space<vmem>>
    %dma_start3A_9 = arith.constant 0 : i32
    %dma_start3A_10 = arith.constant 0 : i32
    %dma_start3A_11 = tpu.memref_slice %arg3[%dma_start3A_9, %dma_start3A_10] : memref<200000x64xf32, #tpu.memory_space<hbm>> -> memref<200000x64xf32, #tpu.memory_space<hbm>>
    tpu.enqueue_indirect_dma source(%dma_start3A_11 : memref<200000x64xf32, #tpu.memory_space<hbm>>) target(%arg7 : memref<128x64xf32, #tpu.memory_space<vmem>>) offsets(%dma_start3A_8 : memref<128xi32, #tpu.memory_space<vmem>>) semaphore(%arg15 : memref<!tpu.dma_semaphore, #tpu.memory_space<semaphore_mem>>)
    %dma_start3A_12 = arith.constant 256 : i32
    %dma_start3A_13 = tpu.memref_slice %arg5[%dma_start3A_12] : memref<6400xi32, #tpu.memory_space<vmem>> -> memref<128xi32, #tpu.memory_space<vmem>>
    %dma_start3A_14 = arith.constant 0 : i32
    %dma_start3A_15 = arith.constant 0 : i32
    %dma_start3A_16 = tpu.memref_slice %arg3[%dma_start3A_14, %dma_start3A_15] : memref<200000x64xf32, #tpu.memory_space<hbm>> -> memref<200000x64xf32, #tpu.memory_space<hbm>>
    tpu.enqueue_indirect_dma source(%dma_start3A_16 : memref<200000x64xf32, #tpu.memory_space<hbm>>) target(%arg8 : memref<128x64xf32, #tpu.memory_space<vmem>>) offsets(%dma_start3A_13 : memref<128xi32, #tpu.memory_space<vmem>>) semaphore(%arg16 : memref<!tpu.dma_semaphore, #tpu.memory_space<semaphore_mem>>)
    %dma_start3A_17 = arith.constant 384 : i32
    %dma_start3A_18 = tpu.memref_slice %arg5[%dma_start3A_17] : memref<6400xi32, #tpu.memory_space<vmem>> -> memref<128xi32, #tpu.memory_space<vmem>>
    %dma_start3A_19 = arith.constant 0 : i32
    %dma_start3A_20 = arith.constant 0 : i32
    %dma_start3A_21 = tpu.memref_slice %arg3[%dma_start3A_19, %dma_start3A_20] : memref<200000x64xf32, #tpu.memory_space<hbm>> -> memref<200000x64xf32, #tpu.memory_space<hbm>>
    tpu.enqueue_indirect_dma source(%dma_start3A_21 : memref<200000x64xf32, #tpu.memory_space<hbm>>) target(%arg9 : memref<128x64xf32, #tpu.memory_space<vmem>>) offsets(%dma_start3A_18 : memref<128xi32, #tpu.memory_space<vmem>>) semaphore(%arg17 : memref<!tpu.dma_semaphore, #tpu.memory_space<semaphore_mem>>)
    %dma_start3A_22 = arith.constant 512 : i32
    %dma_start3A_23 = tpu.memref_slice %arg5[%dma_start3A_22] : memref<6400xi32, #tpu.memory_space<vmem>> -> memref<128xi32, #tpu.memory_space<vmem>>
    %dma_start3A_24 = arith.constant 0 : i32
    %dma_start3A_25 = arith.constant 0 : i32
    %dma_start3A_26 = tpu.memref_slice %arg3[%dma_start3A_24, %dma_start3A_25] : memref<200000x64xf32, #tpu.memory_space<hbm>> -> memref<200000x64xf32, #tpu.memory_space<hbm>>
    tpu.enqueue_indirect_dma source(%dma_start3A_26 : memref<200000x64xf32, #tpu.memory_space<hbm>>) target(%arg10 : memref<128x64xf32, #tpu.memory_space<vmem>>) offsets(%dma_start3A_23 : memref<128xi32, #tpu.memory_space<vmem>>) semaphore(%arg18 : memref<!tpu.dma_semaphore, #tpu.memory_space<semaphore_mem>>)
    %dma_start3A_27 = arith.constant 640 : i32
    %dma_start3A_28 = tpu.memref_slice %arg5[%dma_start3A_27] : memref<6400xi32, #tpu.memory_space<vmem>> -> memref<128xi32, #tpu.memory_space<vmem>>
    %dma_start3A_29 = arith.constant 0 : i32
    %dma_start3A_30 = arith.constant 0 : i32
    %dma_start3A_31 = tpu.memref_slice %arg3[%dma_start3A_29, %dma_start3A_30] : memref<200000x64xf32, #tpu.memory_space<hbm>> -> memref<200000x64xf32, #tpu.memory_space<hbm>>
    tpu.enqueue_indirect_dma source(%dma_start3A_31 : memref<200000x64xf32, #tpu.memory_space<hbm>>) target(%arg11 : memref<128x64xf32, #tpu.memory_space<vmem>>) offsets(%dma_start3A_28 : memref<128xi32, #tpu.memory_space<vmem>>) semaphore(%arg19 : memref<!tpu.dma_semaphore, #tpu.memory_space<semaphore_mem>>)
    %dma_start3A_32 = arith.constant 768 : i32
    %dma_start3A_33 = tpu.memref_slice %arg5[%dma_start3A_32] : memref<6400xi32, #tpu.memory_space<vmem>> -> memref<128xi32, #tpu.memory_space<vmem>>
    %dma_start3A_34 = arith.constant 0 : i32
    %dma_start3A_35 = arith.constant 0 : i32
    %dma_start3A_36 = tpu.memref_slice %arg3[%dma_start3A_34, %dma_start3A_35] : memref<200000x64xf32, #tpu.memory_space<hbm>> -> memref<200000x64xf32, #tpu.memory_space<hbm>>
    tpu.enqueue_indirect_dma source(%dma_start3A_36 : memref<200000x64xf32, #tpu.memory_space<hbm>>) target(%arg12 : memref<128x64xf32, #tpu.memory_space<vmem>>) offsets(%dma_start3A_33 : memref<128xi32, #tpu.memory_space<vmem>>) semaphore(%arg20 : memref<!tpu.dma_semaphore, #tpu.memory_space<semaphore_mem>>)
    %dma_start3A_37 = arith.constant 896 : i32
    %dma_start3A_38 = tpu.memref_slice %arg5[%dma_start3A_37] : memref<6400xi32, #tpu.memory_space<vmem>> -> memref<128xi32, #tpu.memory_space<vmem>>
    %dma_start3A_39 = arith.constant 0 : i32
    %dma_start3A_40 = arith.constant 0 : i32
    %dma_start3A_41 = tpu.memref_slice %arg3[%dma_start3A_39, %dma_start3A_40] : memref<200000x64xf32, #tpu.memory_space<hbm>> -> memref<200000x64xf32, #tpu.memory_space<hbm>>
    tpu.enqueue_indirect_dma source(%dma_start3A_41 : memref<200000x64xf32, #tpu.memory_space<hbm>>) target(%arg13 : memref<128x64xf32, #tpu.memory_space<vmem>>) offsets(%dma_start3A_38 : memref<128xi32, #tpu.memory_space<vmem>>) semaphore(%arg21 : memref<!tpu.dma_semaphore, #tpu.memory_space<semaphore_mem>>)
    %dma_wait3A = arith.constant 0 : i32
    %dma_wait3A_42 = tpu.memref_slice %arg5[%dma_wait3A] : memref<6400xi32, #tpu.memory_space<vmem>> -> memref<128xi32, #tpu.memory_space<vmem>>
    %dma_wait3A_43 = arith.constant 0 : i32
    %dma_wait3A_44 = arith.constant 0 : i32
    %dma_wait3A_45 = tpu.memref_slice %arg3[%dma_wait3A_43, %dma_wait3A_44] : memref<200000x64xf32, #tpu.memory_space<hbm>> -> memref<200000x64xf32, #tpu.memory_space<hbm>>
    tpu.wait_indirect_dma semaphore(%arg14 : memref<!tpu.dma_semaphore, #tpu.memory_space<semaphore_mem>>) src(%dma_wait3A_45 : memref<200000x64xf32, #tpu.memory_space<hbm>>) dst(%arg6 : memref<128x64xf32, #tpu.memory_space<vmem>>)
    %add3A_46 = arith.constant 0 : i32
    %add3A_47 = arith.addi %mul3A_2, %add3A_46 : i32
    %jit3A = arith.constant 128 : i32
    %div3A = arith.divsi %add3A_47, %jit3A : i32
    %sign3A = arith.constant 0 : i32
    %sign3A_48 = arith.cmpi sgt, %add3A_47, %sign3A : i32
    %sign3A_49 = arith.extui %sign3A_48 : i1 to i32
    %sign3A_50 = arith.constant 0 : i32
    %sign3A_51 = arith.cmpi slt, %add3A_47, %sign3A_50 : i32
    %sign3A_52 = arith.extui %sign3A_51 : i1 to i32
    %sign3A_53 = arith.subi %sign3A_49, %sign3A_52 : i32
    %sign3A_54 = arith.constant 0 : i32
    %sign3A_55 = arith.cmpi sgt, %jit3A, %sign3A_54 : i32
    %sign3A_56 = arith.extui %sign3A_55 : i1 to i32
    %sign3A_57 = arith.constant 0 : i32
    %sign3A_58 = arith.cmpi slt, %jit3A, %sign3A_57 : i32
    %sign3A_59 = arith.extui %sign3A_58 : i1 to i32
    %sign3A_60 = arith.subi %sign3A_56, %sign3A_59 : i32
    %ne3A = arith.cmpi ne, %sign3A_53, %sign3A_60 : i32
    %rem3A = arith.remsi %add3A_47, %jit3A : i32
    %ne3A_61 = arith.constant 0 : i32
    %ne3A_62 = arith.cmpi ne, %rem3A, %ne3A_61 : i32
    %and3A = arith.andi %ne3A, %ne3A_62 : i1
    %sub3A = arith.constant 1 : i32
    %sub3A_63 = arith.subi %div3A, %sub3A : i32
    %select_n3A = arith.select %and3A, %sub3A_63, %div3A : i32
    %dma_start3A_64 = arith.constant 0 : i32
    %dma_start3A_65 = arith.constant 0 : i32
    %dma_start3A_66 = tpu.memref_slice %arg4[%select_n3A, %dma_start3A_64, %dma_start3A_65] : memref<1600x128x128xf32, #tpu.memory_space<hbm>> -> memref<1x128x64xf32, #tpu.memory_space<hbm>>
    %dma_start3A_67 = tpu.memref_squeeze %dma_start3A_66 : memref<1x128x64xf32, #tpu.memory_space<hbm>> -> memref<128x64xf32, #tpu.memory_space<hbm>>
    %dma_start3A_68 = arith.constant 0 : i32
    %dma_start3A_69 = arith.constant 0 : i32
    %dma_start3A_70 = tpu.memref_slice %arg4[%select_n3A, %dma_start3A_68, %dma_start3A_69] : memref<1600x128x128xf32, #tpu.memory_space<hbm>> -> memref<1x128x64xf32, #tpu.memory_space<hbm>>
    %dma_start3A_71 = tpu.memref_squeeze %dma_start3A_70 : memref<1x128x64xf32, #tpu.memory_space<hbm>> -> memref<128x64xf32, #tpu.memory_space<hbm>>
    tpu.enqueue_dma source(%arg6 : memref<128x64xf32, #tpu.memory_space<vmem>>) target(%dma_start3A_71 : memref<128x64xf32, #tpu.memory_space<hbm>>) target_semaphore(%arg22 : memref<!tpu.dma_semaphore, #tpu.memory_space<semaphore_mem>>)
    %dma_wait3A_72 = arith.constant 0 : i32
    %dma_wait3A_73 = arith.constant 0 : i32
    %dma_wait3A_74 = tpu.memref_slice %arg4[%select_n3A, %dma_wait3A_72, %dma_wait3A_73] : memref<1600x128x128xf32, #tpu.memory_space<hbm>> -> memref<1x128x64xf32, #tpu.memory_space<hbm>>
    %dma_wait3A_75 = tpu.memref_squeeze %dma_wait3A_74 : memref<1x128x64xf32, #tpu.memory_space<hbm>> -> memref<128x64xf32, #tpu.memory_space<hbm>>
    %dma_wait3A_76 = arith.constant 0 : i32
    %dma_wait3A_77 = arith.constant 0 : i32
    %dma_wait3A_78 = tpu.memref_slice %arg4[%select_n3A, %dma_wait3A_76, %dma_wait3A_77] : memref<1600x128x128xf32, #tpu.memory_space<hbm>> -> memref<1x128x64xf32, #tpu.memory_space<hbm>>
    %dma_wait3A_79 = tpu.memref_squeeze %dma_wait3A_78 : memref<1x128x64xf32, #tpu.memory_space<hbm>> -> memref<128x64xf32, #tpu.memory_space<hbm>>
    tpu.wait_dma2 semaphore(%arg22 : memref<!tpu.dma_semaphore, #tpu.memory_space<semaphore_mem>>) src(%arg6 : memref<128x64xf32, #tpu.memory_space<vmem>>) dst(%dma_wait3A_79 : memref<128x64xf32, #tpu.memory_space<hbm>>)
    %dma_start3A_80 = arith.constant 1024 : i32
    %dma_start3A_81 = tpu.memref_slice %arg5[%dma_start3A_80] : memref<6400xi32, #tpu.memory_space<vmem>> -> memref<128xi32, #tpu.memory_space<vmem>>
    %dma_start3A_82 = arith.constant 0 : i32
    %dma_start3A_83 = arith.constant 0 : i32
    %dma_start3A_84 = tpu.memref_slice %arg3[%dma_start3A_82, %dma_start3A_83] : memref<200000x64xf32, #tpu.memory_space<hbm>> -> memref<200000x64xf32, #tpu.memory_space<hbm>>
    tpu.enqueue_indirect_dma source(%dma_start3A_84 : memref<200000x64xf32, #tpu.memory_space<hbm>>) target(%arg6 : memref<128x64xf32, #tpu.memory_space<vmem>>) offsets(%dma_start3A_81 : memref<128xi32, #tpu.memory_space<vmem>>) semaphore(%arg14 : memref<!tpu.dma_semaphore, #tpu.memory_space<semaphore_mem>>)
    %dma_wait3A_85 = arith.constant 128 : i32
    %dma_wait3A_86 = tpu.memref_slice %arg5[%dma_wait3A_85] : memref<6400xi32, #tpu.memory_space<vmem>> -> memref<128xi32, #tpu.memory_space<vmem>>
    %dma_wait3A_87 = arith.constant 0 : i32
    %dma_wait3A_88 = arith.constant 0 : i32
    %dma_wait3A_89 = tpu.memref_slice %arg3[%dma_wait3A_87, %dma_wait3A_88] : memref<200000x64xf32, #tpu.memory_space<hbm>> -> memref<200000x64xf32, #tpu.memory_space<hbm>>
    tpu.wait_indirect_dma semaphore(%arg15 : memref<!tpu.dma_semaphore, #tpu.memory_space<semaphore_mem>>) src(%dma_wait3A_89 : memref<200000x64xf32, #tpu.memory_space<hbm>>) dst(%arg7 : memref<128x64xf32, #tpu.memory_space<vmem>>)
    %add3A_90 = arith.constant 128 : i32
    %add3A_91 = arith.addi %mul3A_2, %add3A_90 : i32
    %jit3A_92 = arith.constant 128 : i32
    %div3A_93 = arith.divsi %add3A_91, %jit3A_92 : i32
    %sign3A_94 = arith.constant 0 : i32
    %sign3A_95 = arith.cmpi sgt, %add3A_91, %sign3A_94 : i32
    %sign3A_96 = arith.extui %sign3A_95 : i1 to i32
    %sign3A_97 = arith.constant 0 : i32
    %sign3A_98 = arith.cmpi slt, %add3A_91, %sign3A_97 : i32
    %sign3A_99 = arith.extui %sign3A_98 : i1 to i32
    %sign3A_100 = arith.subi %sign3A_96, %sign3A_99 : i32
    %sign3A_101 = arith.constant 0 : i32
    %sign3A_102 = arith.cmpi sgt, %jit3A_92, %sign3A_101 : i32
    %sign3A_103 = arith.extui %sign3A_102 : i1 to i32
    %sign3A_104 = arith.constant 0 : i32
    %sign3A_105 = arith.cmpi slt, %jit3A_92, %sign3A_104 : i32
    %sign3A_106 = arith.extui %sign3A_105 : i1 to i32
    %sign3A_107 = arith.subi %sign3A_103, %sign3A_106 : i32
    %ne3A_108 = arith.cmpi ne, %sign3A_100, %sign3A_107 : i32
    %rem3A_109 = arith.remsi %add3A_91, %jit3A_92 : i32
    %ne3A_110 = arith.constant 0 : i32
    %ne3A_111 = arith.cmpi ne, %rem3A_109, %ne3A_110 : i32
    %and3A_112 = arith.andi %ne3A_108, %ne3A_111 : i1
    %sub3A_113 = arith.constant 1 : i32
    %sub3A_114 = arith.subi %div3A_93, %sub3A_113 : i32
    %select_n3A_115 = arith.select %and3A_112, %sub3A_114, %div3A_93 : i32
    %dma_start3A_116 = arith.constant 0 : i32
    %dma_start3A_117 = arith.constant 0 : i32
    %dma_start3A_118 = tpu.memref_slice %arg4[%select_n3A_115, %dma_start3A_116, %dma_start3A_117] : memref<1600x128x128xf32, #tpu.memory_space<hbm>> -> memref<1x128x64xf32, #tpu.memory_space<hbm>>
    %dma_start3A_119 = tpu.memref_squeeze %dma_start3A_118 : memref<1x128x64xf32, #tpu.memory_space<hbm>> -> memref<128x64xf32, #tpu.memory_space<hbm>>
    %dma_start3A_120 = arith.constant 0 : i32
    %dma_start3A_121 = arith.constant 0 : i32
    %dma_start3A_122 = tpu.memref_slice %arg4[%select_n3A_115, %dma_start3A_120, %dma_start3A_121] : memref<1600x128x128xf32, #tpu.memory_space<hbm>> -> memref<1x128x64xf32, #tpu.memory_space<hbm>>
    %dma_start3A_123 = tpu.memref_squeeze %dma_start3A_122 : memref<1x128x64xf32, #tpu.memory_space<hbm>> -> memref<128x64xf32, #tpu.memory_space<hbm>>
    tpu.enqueue_dma source(%arg7 : memref<128x64xf32, #tpu.memory_space<vmem>>) target(%dma_start3A_123 : memref<128x64xf32, #tpu.memory_space<hbm>>) target_semaphore(%arg23 : memref<!tpu.dma_semaphore, #tpu.memory_space<semaphore_mem>>)
    %dma_wait3A_124 = arith.constant 0 : i32
    %dma_wait3A_125 = arith.constant 0 : i32
    %dma_wait3A_126 = tpu.memref_slice %arg4[%select_n3A_115, %dma_wait3A_124, %dma_wait3A_125] : memref<1600x128x128xf32, #tpu.memory_space<hbm>> -> memref<1x128x64xf32, #tpu.memory_space<hbm>>
    %dma_wait3A_127 = tpu.memref_squeeze %dma_wait3A_126 : memref<1x128x64xf32, #tpu.memory_space<hbm>> -> memref<128x64xf32, #tpu.memory_space<hbm>>
    %dma_wait3A_128 = arith.constant 0 : i32
    %dma_wait3A_129 = arith.constant 0 : i32
    %dma_wait3A_130 = tpu.memref_slice %arg4[%select_n3A_115, %dma_wait3A_128, %dma_wait3A_129] : memref<1600x128x128xf32, #tpu.memory_space<hbm>> -> memref<1x128x64xf32, #tpu.memory_space<hbm>>
    %dma_wait3A_131 = tpu.memref_squeeze %dma_wait3A_130 : memref<1x128x64xf32, #tpu.memory_space<hbm>> -> memref<128x64xf32, #tpu.memory_space<hbm>>
    tpu.wait_dma2 semaphore(%arg23 : memref<!tpu.dma_semaphore, #tpu.memory_space<semaphore_mem>>) src(%arg7 : memref<128x64xf32, #tpu.memory_space<vmem>>) dst(%dma_wait3A_131 : memref<128x64xf32, #tpu.memory_space<hbm>>)
    %dma_start3A_132 = arith.constant 1152 : i32
    %dma_start3A_133 = tpu.memref_slice %arg5[%dma_start3A_132] : memref<6400xi32, #tpu.memory_space<vmem>> -> memref<128xi32, #tpu.memory_space<vmem>>
    %dma_start3A_134 = arith.constant 0 : i32
    %dma_start3A_135 = arith.constant 0 : i32
    %dma_start3A_136 = tpu.memref_slice %arg3[%dma_start3A_134, %dma_start3A_135] : memref<200000x64xf32, #tpu.memory_space<hbm>> -> memref<200000x64xf32, #tpu.memory_space<hbm>>
    tpu.enqueue_indirect_dma source(%dma_start3A_136 : memref<200000x64xf32, #tpu.memory_space<hbm>>) target(%arg7 : memref<128x64xf32, #tpu.memory_space<vmem>>) offsets(%dma_start3A_133 : memref<128xi32, #tpu.memory_space<vmem>>) semaphore(%arg15 : memref<!tpu.dma_semaphore, #tpu.memory_space<semaphore_mem>>)
    %dma_wait3A_137 = arith.constant 256 : i32
    %dma_wait3A_138 = tpu.memref_slice %arg5[%dma_wait3A_137] : memref<6400xi32, #tpu.memory_space<vmem>> -> memref<128xi32, #tpu.memory_space<vmem>>
    %dma_wait3A_139 = arith.constant 0 : i32
    %dma_wait3A_140 = arith.constant 0 : i32
    %dma_wait3A_141 = tpu.memref_slice %arg3[%dma_wait3A_139, %dma_wait3A_140] : memref<200000x64xf32, #tpu.memory_space<hbm>> -> memref<200000x64xf32, #tpu.memory_space<hbm>>
    tpu.wait_indirect_dma semaphore(%arg16 : memref<!tpu.dma_semaphore, #tpu.memory_space<semaphore_mem>>) src(%dma_wait3A_141 : memref<200000x64xf32, #tpu.memory_space<hbm>>) dst(%arg8 : memref<128x64xf32, #tpu.memory_space<vmem>>)
    %add3A_142 = arith.constant 256 : i32
    %add3A_143 = arith.addi %mul3A_2, %add3A_142 : i32
    %jit3A_144 = arith.constant 128 : i32
    %div3A_145 = arith.divsi %add3A_143, %jit3A_144 : i32
    %sign3A_146 = arith.constant 0 : i32
    %sign3A_147 = arith.cmpi sgt, %add3A_143, %sign3A_146 : i32
    %sign3A_148 = arith.extui %sign3A_147 : i1 to i32
    %sign3A_149 = arith.constant 0 : i32
    %sign3A_150 = arith.cmpi slt, %add3A_143, %sign3A_149 : i32
    %sign3A_151 = arith.extui %sign3A_150 : i1 to i32
    %sign3A_152 = arith.subi %sign3A_148, %sign3A_151 : i32
    %sign3A_153 = arith.constant 0 : i32
    %sign3A_154 = arith.cmpi sgt, %jit3A_144, %sign3A_153 : i32
    %sign3A_155 = arith.extui %sign3A_154 : i1 to i32
    %sign3A_156 = arith.constant 0 : i32
    %sign3A_157 = arith.cmpi slt, %jit3A_144, %sign3A_156 : i32
    %sign3A_158 = arith.extui %sign3A_157 : i1 to i32
    %sign3A_159 = arith.subi %sign3A_155, %sign3A_158 : i32
    %ne3A_160 = arith.cmpi ne, %sign3A_152, %sign3A_159 : i32
    %rem3A_161 = arith.remsi %add3A_143, %jit3A_144 : i32
    %ne3A_162 = arith.constant 0 : i32
    %ne3A_163 = arith.cmpi ne, %rem3A_161, %ne3A_162 : i32
    %and3A_164 = arith.andi %ne3A_160, %ne3A_163 : i1
    %sub3A_165 = arith.constant 1 : i32
    %sub3A_166 = arith.subi %div3A_145, %sub3A_165 : i32
    %select_n3A_167 = arith.select %and3A_164, %sub3A_166, %div3A_145 : i32
    %dma_start3A_168 = arith.constant 0 : i32
    %dma_start3A_169 = arith.constant 0 : i32
    %dma_start3A_170 = tpu.memref_slice %arg4[%select_n3A_167, %dma_start3A_168, %dma_start3A_169] : memref<1600x128x128xf32, #tpu.memory_space<hbm>> -> memref<1x128x64xf32, #tpu.memory_space<hbm>>
    %dma_start3A_171 = tpu.memref_squeeze %dma_start3A_170 : memref<1x128x64xf32, #tpu.memory_space<hbm>> -> memref<128x64xf32, #tpu.memory_space<hbm>>
    %dma_start3A_172 = arith.constant 0 : i32
    %dma_start3A_173 = arith.constant 0 : i32
    %dma_start3A_174 = tpu.memref_slice %arg4[%select_n3A_167, %dma_start3A_172, %dma_start3A_173] : memref<1600x128x128xf32, #tpu.memory_space<hbm>> -> memref<1x128x64xf32, #tpu.memory_space<hbm>>
    %dma_start3A_175 = tpu.memref_squeeze %dma_start3A_174 : memref<1x128x64xf32, #tpu.memory_space<hbm>> -> memref<128x64xf32, #tpu.memory_space<hbm>>
    tpu.enqueue_dma source(%arg8 : memref<128x64xf32, #tpu.memory_space<vmem>>) target(%dma_start3A_175 : memref<128x64xf32, #tpu.memory_space<hbm>>) target_semaphore(%arg24 : memref<!tpu.dma_semaphore, #tpu.memory_space<semaphore_mem>>)
    %dma_wait3A_176 = arith.constant 0 : i32
    %dma_wait3A_177 = arith.constant 0 : i32
    %dma_wait3A_178 = tpu.memref_slice %arg4[%select_n3A_167, %dma_wait3A_176, %dma_wait3A_177] : memref<1600x128x128xf32, #tpu.memory_space<hbm>> -> memref<1x128x64xf32, #tpu.memory_space<hbm>>
    %dma_wait3A_179 = tpu.memref_squeeze %dma_wait3A_178 : memref<1x128x64xf32, #tpu.memory_space<hbm>> -> memref<128x64xf32, #tpu.memory_space<hbm>>
    %dma_wait3A_180 = arith.constant 0 : i32
    %dma_wait3A_181 = arith.constant 0 : i32
    %dma_wait3A_182 = tpu.memref_slice %arg4[%select_n3A_167, %dma_wait3A_180, %dma_wait3A_181] : memref<1600x128x128xf32, #tpu.memory_space<hbm>> -> memref<1x128x64xf32, #tpu.memory_space<hbm>>
    %dma_wait3A_183 = tpu.memref_squeeze %dma_wait3A_182 : memref<1x128x64xf32, #tpu.memory_space<hbm>> -> memref<128x64xf32, #tpu.memory_space<hbm>>
    tpu.wait_dma2 semaphore(%arg24 : memref<!tpu.dma_semaphore, #tpu.memory_space<semaphore_mem>>) src(%arg8 : memref<128x64xf32, #tpu.memory_space<vmem>>) dst(%dma_wait3A_183 : memref<128x64xf32, #tpu.memory_space<hbm>>)
    %dma_start3A_184 = arith.constant 1280 : i32
    %dma_start3A_185 = tpu.memref_slice %arg5[%dma_start3A_184] : memref<6400xi32, #tpu.memory_space<vmem>> -> memref<128xi32, #tpu.memory_space<vmem>>
    %dma_start3A_186 = arith.constant 0 : i32
    %dma_start3A_187 = arith.constant 0 : i32
    %dma_start3A_188 = tpu.memref_slice %arg3[%dma_start3A_186, %dma_start3A_187] : memref<200000x64xf32, #tpu.memory_space<hbm>> -> memref<200000x64xf32, #tpu.memory_space<hbm>>
    tpu.enqueue_indirect_dma source(%dma_start3A_188 : memref<200000x64xf32, #tpu.memory_space<hbm>>) target(%arg8 : memref<128x64xf32, #tpu.memory_space<vmem>>) offsets(%dma_start3A_185 : memref<128xi32, #tpu.memory_space<vmem>>) semaphore(%arg16 : memref<!tpu.dma_semaphore, #tpu.memory_space<semaphore_mem>>)
    %dma_wait3A_189 = arith.constant 384 : i32
    %dma_wait3A_190 = tpu.memref_slice %arg5[%dma_wait3A_189] : memref<6400xi32, #tpu.memory_space<vmem>> -> memref<128xi32, #tpu.memory_space<vmem>>
    %dma_wait3A_191 = arith.constant 0 : i32
    %dma_wait3A_192 = arith.constant 0 : i32
    %dma_wait3A_193 = tpu.memref_slice %arg3[%dma_wait3A_191, %dma_wait3A_192] : memref<200000x64xf32, #tpu.memory_space<hbm>> -> memref<200000x64xf32, #tpu.memory_space<hbm>>
    tpu.wait_indirect_dma semaphore(%arg17 : memref<!tpu.dma_semaphore, #tpu.memory_space<semaphore_mem>>) src(%dma_wait3A_193 : memref<200000x64xf32, #tpu.memory_space<hbm>>) dst(%arg9 : memref<128x64xf32, #tpu.memory_space<vmem>>)
    %add3A_194 = arith.constant 384 : i32
    %add3A_195 = arith.addi %mul3A_2, %add3A_194 : i32
    %jit3A_196 = arith.constant 128 : i32
    %div3A_197 = arith.divsi %add3A_195, %jit3A_196 : i32
    %sign3A_198 = arith.constant 0 : i32
    %sign3A_199 = arith.cmpi sgt, %add3A_195, %sign3A_198 : i32
    %sign3A_200 = arith.extui %sign3A_199 : i1 to i32
    %sign3A_201 = arith.constant 0 : i32
    %sign3A_202 = arith.cmpi slt, %add3A_195, %sign3A_201 : i32
    %sign3A_203 = arith.extui %sign3A_202 : i1 to i32
    %sign3A_204 = arith.subi %sign3A_200, %sign3A_203 : i32
    %sign3A_205 = arith.constant 0 : i32
    %sign3A_206 = arith.cmpi sgt, %jit3A_196, %sign3A_205 : i32
    %sign3A_207 = arith.extui %sign3A_206 : i1 to i32
    %sign3A_208 = arith.constant 0 : i32
    %sign3A_209 = arith.cmpi slt, %jit3A_196, %sign3A_208 : i32
    %sign3A_210 = arith.extui %sign3A_209 : i1 to i32
    %sign3A_211 = arith.subi %sign3A_207, %sign3A_210 : i32
    %ne3A_212 = arith.cmpi ne, %sign3A_204, %sign3A_211 : i32
    %rem3A_213 = arith.remsi %add3A_195, %jit3A_196 : i32
    %ne3A_214 = arith.constant 0 : i32
    %ne3A_215 = arith.cmpi ne, %rem3A_213, %ne3A_214 : i32
    %and3A_216 = arith.andi %ne3A_212, %ne3A_215 : i1
    %sub3A_217 = arith.constant 1 : i32
    %sub3A_218 = arith.subi %div3A_197, %sub3A_217 : i32
    %select_n3A_219 = arith.select %and3A_216, %sub3A_218, %div3A_197 : i32
    %dma_start3A_220 = arith.constant 0 : i32
    %dma_start3A_221 = arith.constant 0 : i32
    %dma_start3A_222 = tpu.memref_slice %arg4[%select_n3A_219, %dma_start3A_220, %dma_start3A_221] : memref<1600x128x128xf32, #tpu.memory_space<hbm>> -> memref<1x128x64xf32, #tpu.memory_space<hbm>>
    %dma_start3A_223 = tpu.memref_squeeze %dma_start3A_222 : memref<1x128x64xf32, #tpu.memory_space<hbm>> -> memref<128x64xf32, #tpu.memory_space<hbm>>
    %dma_start3A_224 = arith.constant 0 : i32
    %dma_start3A_225 = arith.constant 0 : i32
    %dma_start3A_226 = tpu.memref_slice %arg4[%select_n3A_219, %dma_start3A_224, %dma_start3A_225] : memref<1600x128x128xf32, #tpu.memory_space<hbm>> -> memref<1x128x64xf32, #tpu.memory_space<hbm>>
    %dma_start3A_227 = tpu.memref_squeeze %dma_start3A_226 : memref<1x128x64xf32, #tpu.memory_space<hbm>> -> memref<128x64xf32, #tpu.memory_space<hbm>>
    tpu.enqueue_dma source(%arg9 : memref<128x64xf32, #tpu.memory_space<vmem>>) target(%dma_start3A_227 : memref<128x64xf32, #tpu.memory_space<hbm>>) target_semaphore(%arg25 : memref<!tpu.dma_semaphore, #tpu.memory_space<semaphore_mem>>)
    %dma_wait3A_228 = arith.constant 0 : i32
    %dma_wait3A_229 = arith.constant 0 : i32
    %dma_wait3A_230 = tpu.memref_slice %arg4[%select_n3A_219, %dma_wait3A_228, %dma_wait3A_229] : memref<1600x128x128xf32, #tpu.memory_space<hbm>> -> memref<1x128x64xf32, #tpu.memory_space<hbm>>
    %dma_wait3A_231 = tpu.memref_squeeze %dma_wait3A_230 : memref<1x128x64xf32, #tpu.memory_space<hbm>> -> memref<128x64xf32, #tpu.memory_space<hbm>>
    %dma_wait3A_232 = arith.constant 0 : i32
    %dma_wait3A_233 = arith.constant 0 : i32
    %dma_wait3A_234 = tpu.memref_slice %arg4[%select_n3A_219, %dma_wait3A_232, %dma_wait3A_233] : memref<1600x128x128xf32, #tpu.memory_space<hbm>> -> memref<1x128x64xf32, #tpu.memory_space<hbm>>
    %dma_wait3A_235 = tpu.memref_squeeze %dma_wait3A_234 : memref<1x128x64xf32, #tpu.memory_space<hbm>> -> memref<128x64xf32, #tpu.memory_space<hbm>>
    tpu.wait_dma2 semaphore(%arg25 : memref<!tpu.dma_semaphore, #tpu.memory_space<semaphore_mem>>) src(%arg9 : memref<128x64xf32, #tpu.memory_space<vmem>>) dst(%dma_wait3A_235 : memref<128x64xf32, #tpu.memory_space<hbm>>)
    %dma_start3A_236 = arith.constant 1408 : i32
    %dma_start3A_237 = tpu.memref_slice %arg5[%dma_start3A_236] : memref<6400xi32, #tpu.memory_space<vmem>> -> memref<128xi32, #tpu.memory_space<vmem>>
    %dma_start3A_238 = arith.constant 0 : i32
    %dma_start3A_239 = arith.constant 0 : i32
    %dma_start3A_240 = tpu.memref_slice %arg3[%dma_start3A_238, %dma_start3A_239] : memref<200000x64xf32, #tpu.memory_space<hbm>> -> memref<200000x64xf32, #tpu.memory_space<hbm>>
    tpu.enqueue_indirect_dma source(%dma_start3A_240 : memref<200000x64xf32, #tpu.memory_space<hbm>>) target(%arg9 : memref<128x64xf32, #tpu.memory_space<vmem>>) offsets(%dma_start3A_237 : memref<128xi32, #tpu.memory_space<vmem>>) semaphore(%arg17 : memref<!tpu.dma_semaphore, #tpu.memory_space<semaphore_mem>>)
    %dma_wait3A_241 = arith.constant 512 : i32
    %dma_wait3A_242 = tpu.memref_slice %arg5[%dma_wait3A_241] : memref<6400xi32, #tpu.memory_space<vmem>> -> memref<128xi32, #tpu.memory_space<vmem>>
    %dma_wait3A_243 = arith.constant 0 : i32
    %dma_wait3A_244 = arith.constant 0 : i32
    %dma_wait3A_245 = tpu.memref_slice %arg3[%dma_wait3A_243, %dma_wait3A_244] : memref<200000x64xf32, #tpu.memory_space<hbm>> -> memref<200000x64xf32, #tpu.memory_space<hbm>>
    tpu.wait_indirect_dma semaphore(%arg18 : memref<!tpu.dma_semaphore, #tpu.memory_space<semaphore_mem>>) src(%dma_wait3A_245 : memref<200000x64xf32, #tpu.memory_space<hbm>>) dst(%arg10 : memref<128x64xf32, #tpu.memory_space<vmem>>)
    %add3A_246 = arith.constant 512 : i32
    %add3A_247 = arith.addi %mul3A_2, %add3A_246 : i32
    %jit3A_248 = arith.constant 128 : i32
    %div3A_249 = arith.divsi %add3A_247, %jit3A_248 : i32
    %sign3A_250 = arith.constant 0 : i32
    %sign3A_251 = arith.cmpi sgt, %add3A_247, %sign3A_250 : i32
    %sign3A_252 = arith.extui %sign3A_251 : i1 to i32
    %sign3A_253 = arith.constant 0 : i32
    %sign3A_254 = arith.cmpi slt, %add3A_247, %sign3A_253 : i32
    %sign3A_255 = arith.extui %sign3A_254 : i1 to i32
    %sign3A_256 = arith.subi %sign3A_252, %sign3A_255 : i32
    %sign3A_257 = arith.constant 0 : i32
    %sign3A_258 = arith.cmpi sgt, %jit3A_248, %sign3A_257 : i32
    %sign3A_259 = arith.extui %sign3A_258 : i1 to i32
    %sign3A_260 = arith.constant 0 : i32
    %sign3A_261 = arith.cmpi slt, %jit3A_248, %sign3A_260 : i32
    %sign3A_262 = arith.extui %sign3A_261 : i1 to i32
    %sign3A_263 = arith.subi %sign3A_259, %sign3A_262 : i32
    %ne3A_264 = arith.cmpi ne, %sign3A_256, %sign3A_263 : i32
    %rem3A_265 = arith.remsi %add3A_247, %jit3A_248 : i32
    %ne3A_266 = arith.constant 0 : i32
    %ne3A_267 = arith.cmpi ne, %rem3A_265, %ne3A_266 : i32
    %and3A_268 = arith.andi %ne3A_264, %ne3A_267 : i1
    %sub3A_269 = arith.constant 1 : i32
    %sub3A_270 = arith.subi %div3A_249, %sub3A_269 : i32
    %select_n3A_271 = arith.select %and3A_268, %sub3A_270, %div3A_249 : i32
    %dma_start3A_272 = arith.constant 0 : i32
    %dma_start3A_273 = arith.constant 0 : i32
    %dma_start3A_274 = tpu.memref_slice %arg4[%select_n3A_271, %dma_start3A_272, %dma_start3A_273] : memref<1600x128x128xf32, #tpu.memory_space<hbm>> -> memref<1x128x64xf32, #tpu.memory_space<hbm>>
    %dma_start3A_275 = tpu.memref_squeeze %dma_start3A_274 : memref<1x128x64xf32, #tpu.memory_space<hbm>> -> memref<128x64xf32, #tpu.memory_space<hbm>>
    %dma_start3A_276 = arith.constant 0 : i32
    %dma_start3A_277 = arith.constant 0 : i32
    %dma_start3A_278 = tpu.memref_slice %arg4[%select_n3A_271, %dma_start3A_276, %dma_start3A_277] : memref<1600x128x128xf32, #tpu.memory_space<hbm>> -> memref<1x128x64xf32, #tpu.memory_space<hbm>>
    %dma_start3A_279 = tpu.memref_squeeze %dma_start3A_278 : memref<1x128x64xf32, #tpu.memory_space<hbm>> -> memref<128x64xf32, #tpu.memory_space<hbm>>
    tpu.enqueue_dma source(%arg10 : memref<128x64xf32, #tpu.memory_space<vmem>>) target(%dma_start3A_279 : memref<128x64xf32, #tpu.memory_space<hbm>>) target_semaphore(%arg26 : memref<!tpu.dma_semaphore, #tpu.memory_space<semaphore_mem>>)
    %dma_wait3A_280 = arith.constant 0 : i32
    %dma_wait3A_281 = arith.constant 0 : i32
    %dma_wait3A_282 = tpu.memref_slice %arg4[%select_n3A_271, %dma_wait3A_280, %dma_wait3A_281] : memref<1600x128x128xf32, #tpu.memory_space<hbm>> -> memref<1x128x64xf32, #tpu.memory_space<hbm>>
    %dma_wait3A_283 = tpu.memref_squeeze %dma_wait3A_282 : memref<1x128x64xf32, #tpu.memory_space<hbm>> -> memref<128x64xf32, #tpu.memory_space<hbm>>
    %dma_wait3A_284 = arith.constant 0 : i32
    %dma_wait3A_285 = arith.constant 0 : i32
    %dma_wait3A_286 = tpu.memref_slice %arg4[%select_n3A_271, %dma_wait3A_284, %dma_wait3A_285] : memref<1600x128x128xf32, #tpu.memory_space<hbm>> -> memref<1x128x64xf32, #tpu.memory_space<hbm>>
    %dma_wait3A_287 = tpu.memref_squeeze %dma_wait3A_286 : memref<1x128x64xf32, #tpu.memory_space<hbm>> -> memref<128x64xf32, #tpu.memory_space<hbm>>
    tpu.wait_dma2 semaphore(%arg26 : memref<!tpu.dma_semaphore, #tpu.memory_space<semaphore_mem>>) src(%arg10 : memref<128x64xf32, #tpu.memory_space<vmem>>) dst(%dma_wait3A_287 : memref<128x64xf32, #tpu.memory_space<hbm>>)
    %dma_start3A_288 = arith.constant 1536 : i32
    %dma_start3A_289 = tpu.memref_slice %arg5[%dma_start3A_288] : memref<6400xi32, #tpu.memory_space<vmem>> -> memref<128xi32, #tpu.memory_space<vmem>>
    %dma_start3A_290 = arith.constant 0 : i32
    %dma_start3A_291 = arith.constant 0 : i32
    %dma_start3A_292 = tpu.memref_slice %arg3[%dma_start3A_290, %dma_start3A_291] : memref<200000x64xf32, #tpu.memory_space<hbm>> -> memref<200000x64xf32, #tpu.memory_space<hbm>>
    tpu.enqueue_indirect_dma source(%dma_start3A_292 : memref<200000x64xf32, #tpu.memory_space<hbm>>) target(%arg10 : memref<128x64xf32, #tpu.memory_space<vmem>>) offsets(%dma_start3A_289 : memref<128xi32, #tpu.memory_space<vmem>>) semaphore(%arg18 : memref<!tpu.dma_semaphore, #tpu.memory_space<semaphore_mem>>)
    %dma_wait3A_293 = arith.constant 640 : i32
    %dma_wait3A_294 = tpu.memref_slice %arg5[%dma_wait3A_293] : memref<6400xi32, #tpu.memory_space<vmem>> -> memref<128xi32, #tpu.memory_space<vmem>>
    %dma_wait3A_295 = arith.constant 0 : i32
    %dma_wait3A_296 = arith.constant 0 : i32
    %dma_wait3A_297 = tpu.memref_slice %arg3[%dma_wait3A_295, %dma_wait3A_296] : memref<200000x64xf32, #tpu.memory_space<hbm>> -> memref<200000x64xf32, #tpu.memory_space<hbm>>
    tpu.wait_indirect_dma semaphore(%arg19 : memref<!tpu.dma_semaphore, #tpu.memory_space<semaphore_mem>>) src(%dma_wait3A_297 : memref<200000x64xf32, #tpu.memory_space<hbm>>) dst(%arg11 : memref<128x64xf32, #tpu.memory_space<vmem>>)
    %add3A_298 = arith.constant 640 : i32
    %add3A_299 = arith.addi %mul3A_2, %add3A_298 : i32
    %jit3A_300 = arith.constant 128 : i32
    %div3A_301 = arith.divsi %add3A_299, %jit3A_300 : i32
    %sign3A_302 = arith.constant 0 : i32
    %sign3A_303 = arith.cmpi sgt, %add3A_299, %sign3A_302 : i32
    %sign3A_304 = arith.extui %sign3A_303 : i1 to i32
    %sign3A_305 = arith.constant 0 : i32
    %sign3A_306 = arith.cmpi slt, %add3A_299, %sign3A_305 : i32
    %sign3A_307 = arith.extui %sign3A_306 : i1 to i32
    %sign3A_308 = arith.subi %sign3A_304, %sign3A_307 : i32
    %sign3A_309 = arith.constant 0 : i32
    %sign3A_310 = arith.cmpi sgt, %jit3A_300, %sign3A_309 : i32
    %sign3A_311 = arith.extui %sign3A_310 : i1 to i32
    %sign3A_312 = arith.constant 0 : i32
    %sign3A_313 = arith.cmpi slt, %jit3A_300, %sign3A_312 : i32
    %sign3A_314 = arith.extui %sign3A_313 : i1 to i32
    %sign3A_315 = arith.subi %sign3A_311, %sign3A_314 : i32
    %ne3A_316 = arith.cmpi ne, %sign3A_308, %sign3A_315 : i32
    %rem3A_317 = arith.remsi %add3A_299, %jit3A_300 : i32
    %ne3A_318 = arith.constant 0 : i32
    %ne3A_319 = arith.cmpi ne, %rem3A_317, %ne3A_318 : i32
    %and3A_320 = arith.andi %ne3A_316, %ne3A_319 : i1
    %sub3A_321 = arith.constant 1 : i32
    %sub3A_322 = arith.subi %div3A_301, %sub3A_321 : i32
    %select_n3A_323 = arith.select %and3A_320, %sub3A_322, %div3A_301 : i32
    %dma_start3A_324 = arith.constant 0 : i32
    %dma_start3A_325 = arith.constant 0 : i32
    %dma_start3A_326 = tpu.memref_slice %arg4[%select_n3A_323, %dma_start3A_324, %dma_start3A_325] : memref<1600x128x128xf32, #tpu.memory_space<hbm>> -> memref<1x128x64xf32, #tpu.memory_space<hbm>>
    %dma_start3A_327 = tpu.memref_squeeze %dma_start3A_326 : memref<1x128x64xf32, #tpu.memory_space<hbm>> -> memref<128x64xf32, #tpu.memory_space<hbm>>
    %dma_start3A_328 = arith.constant 0 : i32
    %dma_start3A_329 = arith.constant 0 : i32
    %dma_start3A_330 = tpu.memref_slice %arg4[%select_n3A_323, %dma_start3A_328, %dma_start3A_329] : memref<1600x128x128xf32, #tpu.memory_space<hbm>> -> memref<1x128x64xf32, #tpu.memory_space<hbm>>
    %dma_start3A_331 = tpu.memref_squeeze %dma_start3A_330 : memref<1x128x64xf32, #tpu.memory_space<hbm>> -> memref<128x64xf32, #tpu.memory_space<hbm>>
    tpu.enqueue_dma source(%arg11 : memref<128x64xf32, #tpu.memory_space<vmem>>) target(%dma_start3A_331 : memref<128x64xf32, #tpu.memory_space<hbm>>) target_semaphore(%arg27 : memref<!tpu.dma_semaphore, #tpu.memory_space<semaphore_mem>>)
    %dma_wait3A_332 = arith.constant 0 : i32
    %dma_wait3A_333 = arith.constant 0 : i32
    %dma_wait3A_334 = tpu.memref_slice %arg4[%select_n3A_323, %dma_wait3A_332, %dma_wait3A_333] : memref<1600x128x128xf32, #tpu.memory_space<hbm>> -> memref<1x128x64xf32, #tpu.memory_space<hbm>>
    %dma_wait3A_335 = tpu.memref_squeeze %dma_wait3A_334 : memref<1x128x64xf32, #tpu.memory_space<hbm>> -> memref<128x64xf32, #tpu.memory_space<hbm>>
    %dma_wait3A_336 = arith.constant 0 : i32
    %dma_wait3A_337 = arith.constant 0 : i32
    %dma_wait3A_338 = tpu.memref_slice %arg4[%select_n3A_323, %dma_wait3A_336, %dma_wait3A_337] : memref<1600x128x128xf32, #tpu.memory_space<hbm>> -> memref<1x128x64xf32, #tpu.memory_space<hbm>>
    %dma_wait3A_339 = tpu.memref_squeeze %dma_wait3A_338 : memref<1x128x64xf32, #tpu.memory_space<hbm>> -> memref<128x64xf32, #tpu.memory_space<hbm>>
    tpu.wait_dma2 semaphore(%arg27 : memref<!tpu.dma_semaphore, #tpu.memory_space<semaphore_mem>>) src(%arg11 : memref<128x64xf32, #tpu.memory_space<vmem>>) dst(%dma_wait3A_339 : memref<128x64xf32, #tpu.memory_space<hbm>>)
    %dma_start3A_340 = arith.constant 1664 : i32
    %dma_start3A_341 = tpu.memref_slice %arg5[%dma_start3A_340] : memref<6400xi32, #tpu.memory_space<vmem>> -> memref<128xi32, #tpu.memory_space<vmem>>
    %dma_start3A_342 = arith.constant 0 : i32
    %dma_start3A_343 = arith.constant 0 : i32
    %dma_start3A_344 = tpu.memref_slice %arg3[%dma_start3A_342, %dma_start3A_343] : memref<200000x64xf32, #tpu.memory_space<hbm>> -> memref<200000x64xf32, #tpu.memory_space<hbm>>
    tpu.enqueue_indirect_dma source(%dma_start3A_344 : memref<200000x64xf32, #tpu.memory_space<hbm>>) target(%arg11 : memref<128x64xf32, #tpu.memory_space<vmem>>) offsets(%dma_start3A_341 : memref<128xi32, #tpu.memory_space<vmem>>) semaphore(%arg19 : memref<!tpu.dma_semaphore, #tpu.memory_space<semaphore_mem>>)
    %dma_wait3A_345 = arith.constant 768 : i32
    %dma_wait3A_346 = tpu.memref_slice %arg5[%dma_wait3A_345] : memref<6400xi32, #tpu.memory_space<vmem>> -> memref<128xi32, #tpu.memory_space<vmem>>
    %dma_wait3A_347 = arith.constant 0 : i32
    %dma_wait3A_348 = arith.constant 0 : i32
    %dma_wait3A_349 = tpu.memref_slice %arg3[%dma_wait3A_347, %dma_wait3A_348] : memref<200000x64xf32, #tpu.memory_space<hbm>> -> memref<200000x64xf32, #tpu.memory_space<hbm>>
    tpu.wait_indirect_dma semaphore(%arg20 : memref<!tpu.dma_semaphore, #tpu.memory_space<semaphore_mem>>) src(%dma_wait3A_349 : memref<200000x64xf32, #tpu.memory_space<hbm>>) dst(%arg12 : memref<128x64xf32, #tpu.memory_space<vmem>>)
    %add3A_350 = arith.constant 768 : i32
    %add3A_351 = arith.addi %mul3A_2, %add3A_350 : i32
    %jit3A_352 = arith.constant 128 : i32
    %div3A_353 = arith.divsi %add3A_351, %jit3A_352 : i32
    %sign3A_354 = arith.constant 0 : i32
    %sign3A_355 = arith.cmpi sgt, %add3A_351, %sign3A_354 : i32
    %sign3A_356 = arith.extui %sign3A_355 : i1 to i32
    %sign3A_357 = arith.constant 0 : i32
    %sign3A_358 = arith.cmpi slt, %add3A_351, %sign3A_357 : i32
    %sign3A_359 = arith.extui %sign3A_358 : i1 to i32
    %sign3A_360 = arith.subi %sign3A_356, %sign3A_359 : i32
    %sign3A_361 = arith.constant 0 : i32
    %sign3A_362 = arith.cmpi sgt, %jit3A_352, %sign3A_361 : i32
    %sign3A_363 = arith.extui %sign3A_362 : i1 to i32
    %sign3A_364 = arith.constant 0 : i32
    %sign3A_365 = arith.cmpi slt, %jit3A_352, %sign3A_364 : i32
    %sign3A_366 = arith.extui %sign3A_365 : i1 to i32
    %sign3A_367 = arith.subi %sign3A_363, %sign3A_366 : i32
    %ne3A_368 = arith.cmpi ne, %sign3A_360, %sign3A_367 : i32
    %rem3A_369 = arith.remsi %add3A_351, %jit3A_352 : i32
    %ne3A_370 = arith.constant 0 : i32
    %ne3A_371 = arith.cmpi ne, %rem3A_369, %ne3A_370 : i32
    %and3A_372 = arith.andi %ne3A_368, %ne3A_371 : i1
    %sub3A_373 = arith.constant 1 : i32
    %sub3A_374 = arith.subi %div3A_353, %sub3A_373 : i32
    %select_n3A_375 = arith.select %and3A_372, %sub3A_374, %div3A_353 : i32
    %dma_start3A_376 = arith.constant 0 : i32
    %dma_start3A_377 = arith.constant 0 : i32
    %dma_start3A_378 = tpu.memref_slice %arg4[%select_n3A_375, %dma_start3A_376, %dma_start3A_377] : memref<1600x128x128xf32, #tpu.memory_space<hbm>> -> memref<1x128x64xf32, #tpu.memory_space<hbm>>
    %dma_start3A_379 = tpu.memref_squeeze %dma_start3A_378 : memref<1x128x64xf32, #tpu.memory_space<hbm>> -> memref<128x64xf32, #tpu.memory_space<hbm>>
    %dma_start3A_380 = arith.constant 0 : i32
    %dma_start3A_381 = arith.constant 0 : i32
    %dma_start3A_382 = tpu.memref_slice %arg4[%select_n3A_375, %dma_start3A_380, %dma_start3A_381] : memref<1600x128x128xf32, #tpu.memory_space<hbm>> -> memref<1x128x64xf32, #tpu.memory_space<hbm>>
    %dma_start3A_383 = tpu.memref_squeeze %dma_start3A_382 : memref<1x128x64xf32, #tpu.memory_space<hbm>> -> memref<128x64xf32, #tpu.memory_space<hbm>>
    tpu.enqueue_dma source(%arg12 : memref<128x64xf32, #tpu.memory_space<vmem>>) target(%dma_start3A_383 : memref<128x64xf32, #tpu.memory_space<hbm>>) target_semaphore(%arg28 : memref<!tpu.dma_semaphore, #tpu.memory_space<semaphore_mem>>)
    %dma_wait3A_384 = arith.constant 0 : i32
    %dma_wait3A_385 = arith.constant 0 : i32
    %dma_wait3A_386 = tpu.memref_slice %arg4[%select_n3A_375, %dma_wait3A_384, %dma_wait3A_385] : memref<1600x128x128xf32, #tpu.memory_space<hbm>> -> memref<1x128x64xf32, #tpu.memory_space<hbm>>
    %dma_wait3A_387 = tpu.memref_squeeze %dma_wait3A_386 : memref<1x128x64xf32, #tpu.memory_space<hbm>> -> memref<128x64xf32, #tpu.memory_space<hbm>>
    %dma_wait3A_388 = arith.constant 0 : i32
    %dma_wait3A_389 = arith.constant 0 : i32
    %dma_wait3A_390 = tpu.memref_slice %arg4[%select_n3A_375, %dma_wait3A_388, %dma_wait3A_389] : memref<1600x128x128xf32, #tpu.memory_space<hbm>> -> memref<1x128x64xf32, #tpu.memory_space<hbm>>
    %dma_wait3A_391 = tpu.memref_squeeze %dma_wait3A_390 : memref<1x128x64xf32, #tpu.memory_space<hbm>> -> memref<128x64xf32, #tpu.memory_space<hbm>>
    tpu.wait_dma2 semaphore(%arg28 : memref<!tpu.dma_semaphore, #tpu.memory_space<semaphore_mem>>) src(%arg12 : memref<128x64xf32, #tpu.memory_space<vmem>>) dst(%dma_wait3A_391 : memref<128x64xf32, #tpu.memory_space<hbm>>)
    %dma_start3A_392 = arith.constant 1792 : i32
    %dma_start3A_393 = tpu.memref_slice %arg5[%dma_start3A_392] : memref<6400xi32, #tpu.memory_space<vmem>> -> memref<128xi32, #tpu.memory_space<vmem>>
    %dma_start3A_394 = arith.constant 0 : i32
    %dma_start3A_395 = arith.constant 0 : i32
    %dma_start3A_396 = tpu.memref_slice %arg3[%dma_start3A_394, %dma_start3A_395] : memref<200000x64xf32, #tpu.memory_space<hbm>> -> memref<200000x64xf32, #tpu.memory_space<hbm>>
    tpu.enqueue_indirect_dma source(%dma_start3A_396 : memref<200000x64xf32, #tpu.memory_space<hbm>>) target(%arg12 : memref<128x64xf32, #tpu.memory_space<vmem>>) offsets(%dma_start3A_393 : memref<128xi32, #tpu.memory_space<vmem>>) semaphore(%arg20 : memref<!tpu.dma_semaphore, #tpu.memory_space<semaphore_mem>>)
    %dma_wait3A_397 = arith.constant 896 : i32
    %dma_wait3A_398 = tpu.memref_slice %arg5[%dma_wait3A_397] : memref<6400xi32, #tpu.memory_space<vmem>> -> memref<128xi32, #tpu.memory_space<vmem>>
    %dma_wait3A_399 = arith.constant 0 : i32
    %dma_wait3A_400 = arith.constant 0 : i32
    %dma_wait3A_401 = tpu.memref_slice %arg3[%dma_wait3A_399, %dma_wait3A_400] : memref<200000x64xf32, #tpu.memory_space<hbm>> -> memref<200000x64xf32, #tpu.memory_space<hbm>>
    tpu.wait_indirect_dma semaphore(%arg21 : memref<!tpu.dma_semaphore, #tpu.memory_space<semaphore_mem>>) src(%dma_wait3A_401 : memref<200000x64xf32, #tpu.memory_space<hbm>>) dst(%arg13 : memref<128x64xf32, #tpu.memory_space<vmem>>)
    %add3A_402 = arith.constant 896 : i32
    %add3A_403 = arith.addi %mul3A_2, %add3A_402 : i32
    %jit3A_404 = arith.constant 128 : i32
    %div3A_405 = arith.divsi %add3A_403, %jit3A_404 : i32
    %sign3A_406 = arith.constant 0 : i32
    %sign3A_407 = arith.cmpi sgt, %add3A_403, %sign3A_406 : i32
    %sign3A_408 = arith.extui %sign3A_407 : i1 to i32
    %sign3A_409 = arith.constant 0 : i32
    %sign3A_410 = arith.cmpi slt, %add3A_403, %sign3A_409 : i32
    %sign3A_411 = arith.extui %sign3A_410 : i1 to i32
    %sign3A_412 = arith.subi %sign3A_408, %sign3A_411 : i32
    %sign3A_413 = arith.constant 0 : i32
    %sign3A_414 = arith.cmpi sgt, %jit3A_404, %sign3A_413 : i32
    %sign3A_415 = arith.extui %sign3A_414 : i1 to i32
    %sign3A_416 = arith.constant 0 : i32
    %sign3A_417 = arith.cmpi slt, %jit3A_404, %sign3A_416 : i32
    %sign3A_418 = arith.extui %sign3A_417 : i1 to i32
    %sign3A_419 = arith.subi %sign3A_415, %sign3A_418 : i32
    %ne3A_420 = arith.cmpi ne, %sign3A_412, %sign3A_419 : i32
    %rem3A_421 = arith.remsi %add3A_403, %jit3A_404 : i32
    %ne3A_422 = arith.constant 0 : i32
    %ne3A_423 = arith.cmpi ne, %rem3A_421, %ne3A_422 : i32
    %and3A_424 = arith.andi %ne3A_420, %ne3A_423 : i1
    %sub3A_425 = arith.constant 1 : i32
    %sub3A_426 = arith.subi %div3A_405, %sub3A_425 : i32
    %select_n3A_427 = arith.select %and3A_424, %sub3A_426, %div3A_405 : i32
    %dma_start3A_428 = arith.constant 0 : i32
    %dma_start3A_429 = arith.constant 0 : i32
    %dma_start3A_430 = tpu.memref_slice %arg4[%select_n3A_427, %dma_start3A_428, %dma_start3A_429] : memref<1600x128x128xf32, #tpu.memory_space<hbm>> -> memref<1x128x64xf32, #tpu.memory_space<hbm>>
    %dma_start3A_431 = tpu.memref_squeeze %dma_start3A_430 : memref<1x128x64xf32, #tpu.memory_space<hbm>> -> memref<128x64xf32, #tpu.memory_space<hbm>>
    %dma_start3A_432 = arith.constant 0 : i32
    %dma_start3A_433 = arith.constant 0 : i32
    %dma_start3A_434 = tpu.memref_slice %arg4[%select_n3A_427, %dma_start3A_432, %dma_start3A_433] : memref<1600x128x128xf32, #tpu.memory_space<hbm>> -> memref<1x128x64xf32, #tpu.memory_space<hbm>>
    %dma_start3A_435 = tpu.memref_squeeze %dma_start3A_434 : memref<1x128x64xf32, #tpu.memory_space<hbm>> -> memref<128x64xf32, #tpu.memory_space<hbm>>
    tpu.enqueue_dma source(%arg13 : memref<128x64xf32, #tpu.memory_space<vmem>>) target(%dma_start3A_435 : memref<128x64xf32, #tpu.memory_space<hbm>>) target_semaphore(%arg29 : memref<!tpu.dma_semaphore, #tpu.memory_space<semaphore_mem>>)
    %dma_wait3A_436 = arith.constant 0 : i32
    %dma_wait3A_437 = arith.constant 0 : i32
    %dma_wait3A_438 = tpu.memref_slice %arg4[%select_n3A_427, %dma_wait3A_436, %dma_wait3A_437] : memref<1600x128x128xf32, #tpu.memory_space<hbm>> -> memref<1x128x64xf32, #tpu.memory_space<hbm>>
    %dma_wait3A_439 = tpu.memref_squeeze %dma_wait3A_438 : memref<1x128x64xf32, #tpu.memory_space<hbm>> -> memref<128x64xf32, #tpu.memory_space<hbm>>
    %dma_wait3A_440 = arith.constant 0 : i32
    %dma_wait3A_441 = arith.constant 0 : i32
    %dma_wait3A_442 = tpu.memref_slice %arg4[%select_n3A_427, %dma_wait3A_440, %dma_wait3A_441] : memref<1600x128x128xf32, #tpu.memory_space<hbm>> -> memref<1x128x64xf32, #tpu.memory_space<hbm>>
    %dma_wait3A_443 = tpu.memref_squeeze %dma_wait3A_442 : memref<1x128x64xf32, #tpu.memory_space<hbm>> -> memref<128x64xf32, #tpu.memory_space<hbm>>
    tpu.wait_dma2 semaphore(%arg29 : memref<!tpu.dma_semaphore, #tpu.memory_space<semaphore_mem>>) src(%arg13 : memref<128x64xf32, #tpu.memory_space<vmem>>) dst(%dma_wait3A_443 : memref<128x64xf32, #tpu.memory_space<hbm>>)
    %dma_start3A_444 = arith.constant 1920 : i32
    %dma_start3A_445 = tpu.memref_slice %arg5[%dma_start3A_444] : memref<6400xi32, #tpu.memory_space<vmem>> -> memref<128xi32, #tpu.memory_space<vmem>>
    %dma_start3A_446 = arith.constant 0 : i32
    %dma_start3A_447 = arith.constant 0 : i32
    %dma_start3A_448 = tpu.memref_slice %arg3[%dma_start3A_446, %dma_start3A_447] : memref<200000x64xf32, #tpu.memory_space<hbm>> -> memref<200000x64xf32, #tpu.memory_space<hbm>>
    tpu.enqueue_indirect_dma source(%dma_start3A_448 : memref<200000x64xf32, #tpu.memory_space<hbm>>) target(%arg13 : memref<128x64xf32, #tpu.memory_space<vmem>>) offsets(%dma_start3A_445 : memref<128xi32, #tpu.memory_space<vmem>>) semaphore(%arg21 : memref<!tpu.dma_semaphore, #tpu.memory_space<semaphore_mem>>)
    %dma_wait3A_449 = arith.constant 1024 : i32
    %dma_wait3A_450 = tpu.memref_slice %arg5[%dma_wait3A_449] : memref<6400xi32, #tpu.memory_space<vmem>> -> memref<128xi32, #tpu.memory_space<vmem>>
    %dma_wait3A_451 = arith.constant 0 : i32
    %dma_wait3A_452 = arith.constant 0 : i32
    %dma_wait3A_453 = tpu.memref_slice %arg3[%dma_wait3A_451, %dma_wait3A_452] : memref<200000x64xf32, #tpu.memory_space<hbm>> -> memref<200000x64xf32, #tpu.memory_space<hbm>>
    tpu.wait_indirect_dma semaphore(%arg14 : memref<!tpu.dma_semaphore, #tpu.memory_space<semaphore_mem>>) src(%dma_wait3A_453 : memref<200000x64xf32, #tpu.memory_space<hbm>>) dst(%arg6 : memref<128x64xf32, #tpu.memory_space<vmem>>)
    %add3A_454 = arith.constant 1024 : i32
    %add3A_455 = arith.addi %mul3A_2, %add3A_454 : i32
    %jit3A_456 = arith.constant 128 : i32
    %div3A_457 = arith.divsi %add3A_455, %jit3A_456 : i32
    %sign3A_458 = arith.constant 0 : i32
    %sign3A_459 = arith.cmpi sgt, %add3A_455, %sign3A_458 : i32
    %sign3A_460 = arith.extui %sign3A_459 : i1 to i32
    %sign3A_461 = arith.constant 0 : i32
    %sign3A_462 = arith.cmpi slt, %add3A_455, %sign3A_461 : i32
    %sign3A_463 = arith.extui %sign3A_462 : i1 to i32
    %sign3A_464 = arith.subi %sign3A_460, %sign3A_463 : i32
    %sign3A_465 = arith.constant 0 : i32
    %sign3A_466 = arith.cmpi sgt, %jit3A_456, %sign3A_465 : i32
    %sign3A_467 = arith.extui %sign3A_466 : i1 to i32
    %sign3A_468 = arith.constant 0 : i32
    %sign3A_469 = arith.cmpi slt, %jit3A_456, %sign3A_468 : i32
    %sign3A_470 = arith.extui %sign3A_469 : i1 to i32
    %sign3A_471 = arith.subi %sign3A_467, %sign3A_470 : i32
    %ne3A_472 = arith.cmpi ne, %sign3A_464, %sign3A_471 : i32
    %rem3A_473 = arith.remsi %add3A_455, %jit3A_456 : i32
    %ne3A_474 = arith.constant 0 : i32
    %ne3A_475 = arith.cmpi ne, %rem3A_473, %ne3A_474 : i32
    %and3A_476 = arith.andi %ne3A_472, %ne3A_475 : i1
    %sub3A_477 = arith.constant 1 : i32
    %sub3A_478 = arith.subi %div3A_457, %sub3A_477 : i32
    %select_n3A_479 = arith.select %and3A_476, %sub3A_478, %div3A_457 : i32
    %dma_start3A_480 = arith.constant 0 : i32
    %dma_start3A_481 = arith.constant 0 : i32
    %dma_start3A_482 = tpu.memref_slice %arg4[%select_n3A_479, %dma_start3A_480, %dma_start3A_481] : memref<1600x128x128xf32, #tpu.memory_space<hbm>> -> memref<1x128x64xf32, #tpu.memory_space<hbm>>
    %dma_start3A_483 = tpu.memref_squeeze %dma_start3A_482 : memref<1x128x64xf32, #tpu.memory_space<hbm>> -> memref<128x64xf32, #tpu.memory_space<hbm>>
    %dma_start3A_484 = arith.constant 0 : i32
    %dma_start3A_485 = arith.constant 0 : i32
    %dma_start3A_486 = tpu.memref_slice %arg4[%select_n3A_479, %dma_start3A_484, %dma_start3A_485] : memref<1600x128x128xf32, #tpu.memory_space<hbm>> -> memref<1x128x64xf32, #tpu.memory_space<hbm>>
    %dma_start3A_487 = tpu.memref_squeeze %dma_start3A_486 : memref<1x128x64xf32, #tpu.memory_space<hbm>> -> memref<128x64xf32, #tpu.memory_space<hbm>>
    tpu.enqueue_dma source(%arg6 : memref<128x64xf32, #tpu.memory_space<vmem>>) target(%dma_start3A_487 : memref<128x64xf32, #tpu.memory_space<hbm>>) target_semaphore(%arg22 : memref<!tpu.dma_semaphore, #tpu.memory_space<semaphore_mem>>)
    %dma_wait3A_488 = arith.constant 0 : i32
    %dma_wait3A_489 = arith.constant 0 : i32
    %dma_wait3A_490 = tpu.memref_slice %arg4[%select_n3A_479, %dma_wait3A_488, %dma_wait3A_489] : memref<1600x128x128xf32, #tpu.memory_space<hbm>> -> memref<1x128x64xf32, #tpu.memory_space<hbm>>
    %dma_wait3A_491 = tpu.memref_squeeze %dma_wait3A_490 : memref<1x128x64xf32, #tpu.memory_space<hbm>> -> memref<128x64xf32, #tpu.memory_space<hbm>>
    %dma_wait3A_492 = arith.constant 0 : i32
    %dma_wait3A_493 = arith.constant 0 : i32
    %dma_wait3A_494 = tpu.memref_slice %arg4[%select_n3A_479, %dma_wait3A_492, %dma_wait3A_493] : memref<1600x128x128xf32, #tpu.memory_space<hbm>> -> memref<1x128x64xf32, #tpu.memory_space<hbm>>
    %dma_wait3A_495 = tpu.memref_squeeze %dma_wait3A_494 : memref<1x128x64xf32, #tpu.memory_space<hbm>> -> memref<128x64xf32, #tpu.memory_space<hbm>>
    tpu.wait_dma2 semaphore(%arg22 : memref<!tpu.dma_semaphore, #tpu.memory_space<semaphore_mem>>) src(%arg6 : memref<128x64xf32, #tpu.memory_space<vmem>>) dst(%dma_wait3A_495 : memref<128x64xf32, #tpu.memory_space<hbm>>)
    %dma_start3A_496 = arith.constant 2048 : i32
    %dma_start3A_497 = tpu.memref_slice %arg5[%dma_start3A_496] : memref<6400xi32, #tpu.memory_space<vmem>> -> memref<128xi32, #tpu.memory_space<vmem>>
    %dma_start3A_498 = arith.constant 0 : i32
    %dma_start3A_499 = arith.constant 0 : i32
    %dma_start3A_500 = tpu.memref_slice %arg3[%dma_start3A_498, %dma_start3A_499] : memref<200000x64xf32, #tpu.memory_space<hbm>> -> memref<200000x64xf32, #tpu.memory_space<hbm>>
    tpu.enqueue_indirect_dma source(%dma_start3A_500 : memref<200000x64xf32, #tpu.memory_space<hbm>>) target(%arg6 : memref<128x64xf32, #tpu.memory_space<vmem>>) offsets(%dma_start3A_497 : memref<128xi32, #tpu.memory_space<vmem>>) semaphore(%arg14 : memref<!tpu.dma_semaphore, #tpu.memory_space<semaphore_mem>>)
    %dma_wait3A_501 = arith.constant 1152 : i32
    %dma_wait3A_502 = tpu.memref_slice %arg5[%dma_wait3A_501] : memref<6400xi32, #tpu.memory_space<vmem>> -> memref<128xi32, #tpu.memory_space<vmem>>
    %dma_wait3A_503 = arith.constant 0 : i32
    %dma_wait3A_504 = arith.constant 0 : i32
    %dma_wait3A_505 = tpu.memref_slice %arg3[%dma_wait3A_503, %dma_wait3A_504] : memref<200000x64xf32, #tpu.memory_space<hbm>> -> memref<200000x64xf32, #tpu.memory_space<hbm>>
    tpu.wait_indirect_dma semaphore(%arg15 : memref<!tpu.dma_semaphore, #tpu.memory_space<semaphore_mem>>) src(%dma_wait3A_505 : memref<200000x64xf32, #tpu.memory_space<hbm>>) dst(%arg7 : memref<128x64xf32, #tpu.memory_space<vmem>>)
    %add3A_506 = arith.constant 1152 : i32
    %add3A_507 = arith.addi %mul3A_2, %add3A_506 : i32
    %jit3A_508 = arith.constant 128 : i32
    %div3A_509 = arith.divsi %add3A_507, %jit3A_508 : i32
    %sign3A_510 = arith.constant 0 : i32
    %sign3A_511 = arith.cmpi sgt, %add3A_507, %sign3A_510 : i32
    %sign3A_512 = arith.extui %sign3A_511 : i1 to i32
    %sign3A_513 = arith.constant 0 : i32
    %sign3A_514 = arith.cmpi slt, %add3A_507, %sign3A_513 : i32
    %sign3A_515 = arith.extui %sign3A_514 : i1 to i32
    %sign3A_516 = arith.subi %sign3A_512, %sign3A_515 : i32
    %sign3A_517 = arith.constant 0 : i32
    %sign3A_518 = arith.cmpi sgt, %jit3A_508, %sign3A_517 : i32
    %sign3A_519 = arith.extui %sign3A_518 : i1 to i32
    %sign3A_520 = arith.constant 0 : i32
    %sign3A_521 = arith.cmpi slt, %jit3A_508, %sign3A_520 : i32
    %sign3A_522 = arith.extui %sign3A_521 : i1 to i32
    %sign3A_523 = arith.subi %sign3A_519, %sign3A_522 : i32
    %ne3A_524 = arith.cmpi ne, %sign3A_516, %sign3A_523 : i32
    %rem3A_525 = arith.remsi %add3A_507, %jit3A_508 : i32
    %ne3A_526 = arith.constant 0 : i32
    %ne3A_527 = arith.cmpi ne, %rem3A_525, %ne3A_526 : i32
    %and3A_528 = arith.andi %ne3A_524, %ne3A_527 : i1
    %sub3A_529 = arith.constant 1 : i32
    %sub3A_530 = arith.subi %div3A_509, %sub3A_529 : i32
    %select_n3A_531 = arith.select %and3A_528, %sub3A_530, %div3A_509 : i32
    %dma_start3A_532 = arith.constant 0 : i32
    %dma_start3A_533 = arith.constant 0 : i32
    %dma_start3A_534 = tpu.memref_slice %arg4[%select_n3A_531, %dma_start3A_532, %dma_start3A_533] : memref<1600x128x128xf32, #tpu.memory_space<hbm>> -> memref<1x128x64xf32, #tpu.memory_space<hbm>>
    %dma_start3A_535 = tpu.memref_squeeze %dma_start3A_534 : memref<1x128x64xf32, #tpu.memory_space<hbm>> -> memref<128x64xf32, #tpu.memory_space<hbm>>
    %dma_start3A_536 = arith.constant 0 : i32
    %dma_start3A_537 = arith.constant 0 : i32
    %dma_start3A_538 = tpu.memref_slice %arg4[%select_n3A_531, %dma_start3A_536, %dma_start3A_537] : memref<1600x128x128xf32, #tpu.memory_space<hbm>> -> memref<1x128x64xf32, #tpu.memory_space<hbm>>
    %dma_start3A_539 = tpu.memref_squeeze %dma_start3A_538 : memref<1x128x64xf32, #tpu.memory_space<hbm>> -> memref<128x64xf32, #tpu.memory_space<hbm>>
    tpu.enqueue_dma source(%arg7 : memref<128x64xf32, #tpu.memory_space<vmem>>) target(%dma_start3A_539 : memref<128x64xf32, #tpu.memory_space<hbm>>) target_semaphore(%arg23 : memref<!tpu.dma_semaphore, #tpu.memory_space<semaphore_mem>>)
    %dma_wait3A_540 = arith.constant 0 : i32
    %dma_wait3A_541 = arith.constant 0 : i32
    %dma_wait3A_542 = tpu.memref_slice %arg4[%select_n3A_531, %dma_wait3A_540, %dma_wait3A_541] : memref<1600x128x128xf32, #tpu.memory_space<hbm>> -> memref<1x128x64xf32, #tpu.memory_space<hbm>>
    %dma_wait3A_543 = tpu.memref_squeeze %dma_wait3A_542 : memref<1x128x64xf32, #tpu.memory_space<hbm>> -> memref<128x64xf32, #tpu.memory_space<hbm>>
    %dma_wait3A_544 = arith.constant 0 : i32
    %dma_wait3A_545 = arith.constant 0 : i32
    %dma_wait3A_546 = tpu.memref_slice %arg4[%select_n3A_531, %dma_wait3A_544, %dma_wait3A_545] : memref<1600x128x128xf32, #tpu.memory_space<hbm>> -> memref<1x128x64xf32, #tpu.memory_space<hbm>>
    %dma_wait3A_547 = tpu.memref_squeeze %dma_wait3A_546 : memref<1x128x64xf32, #tpu.memory_space<hbm>> -> memref<128x64xf32, #tpu.memory_space<hbm>>
    tpu.wait_dma2 semaphore(%arg23 : memref<!tpu.dma_semaphore, #tpu.memory_space<semaphore_mem>>) src(%arg7 : memref<128x64xf32, #tpu.memory_space<vmem>>) dst(%dma_wait3A_547 : memref<128x64xf32, #tpu.memory_space<hbm>>)
    %dma_start3A_548 = arith.constant 2176 : i32
    %dma_start3A_549 = tpu.memref_slice %arg5[%dma_start3A_548] : memref<6400xi32, #tpu.memory_space<vmem>> -> memref<128xi32, #tpu.memory_space<vmem>>
    %dma_start3A_550 = arith.constant 0 : i32
    %dma_start3A_551 = arith.constant 0 : i32
    %dma_start3A_552 = tpu.memref_slice %arg3[%dma_start3A_550, %dma_start3A_551] : memref<200000x64xf32, #tpu.memory_space<hbm>> -> memref<200000x64xf32, #tpu.memory_space<hbm>>
    tpu.enqueue_indirect_dma source(%dma_start3A_552 : memref<200000x64xf32, #tpu.memory_space<hbm>>) target(%arg7 : memref<128x64xf32, #tpu.memory_space<vmem>>) offsets(%dma_start3A_549 : memref<128xi32, #tpu.memory_space<vmem>>) semaphore(%arg15 : memref<!tpu.dma_semaphore, #tpu.memory_space<semaphore_mem>>)
    %dma_wait3A_553 = arith.constant 1280 : i32
    %dma_wait3A_554 = tpu.memref_slice %arg5[%dma_wait3A_553] : memref<6400xi32, #tpu.memory_space<vmem>> -> memref<128xi32, #tpu.memory_space<vmem>>
    %dma_wait3A_555 = arith.constant 0 : i32
    %dma_wait3A_556 = arith.constant 0 : i32
    %dma_wait3A_557 = tpu.memref_slice %arg3[%dma_wait3A_555, %dma_wait3A_556] : memref<200000x64xf32, #tpu.memory_space<hbm>> -> memref<200000x64xf32, #tpu.memory_space<hbm>>
    tpu.wait_indirect_dma semaphore(%arg16 : memref<!tpu.dma_semaphore, #tpu.memory_space<semaphore_mem>>) src(%dma_wait3A_557 : memref<200000x64xf32, #tpu.memory_space<hbm>>) dst(%arg8 : memref<128x64xf32, #tpu.memory_space<vmem>>)
    %add3A_558 = arith.constant 1280 : i32
    %add3A_559 = arith.addi %mul3A_2, %add3A_558 : i32
    %jit3A_560 = arith.constant 128 : i32
    %div3A_561 = arith.divsi %add3A_559, %jit3A_560 : i32
    %sign3A_562 = arith.constant 0 : i32
    %sign3A_563 = arith.cmpi sgt, %add3A_559, %sign3A_562 : i32
    %sign3A_564 = arith.extui %sign3A_563 : i1 to i32
    %sign3A_565 = arith.constant 0 : i32
    %sign3A_566 = arith.cmpi slt, %add3A_559, %sign3A_565 : i32
    %sign3A_567 = arith.extui %sign3A_566 : i1 to i32
    %sign3A_568 = arith.subi %sign3A_564, %sign3A_567 : i32
    %sign3A_569 = arith.constant 0 : i32
    %sign3A_570 = arith.cmpi sgt, %jit3A_560, %sign3A_569 : i32
    %sign3A_571 = arith.extui %sign3A_570 : i1 to i32
    %sign3A_572 = arith.constant 0 : i32
    %sign3A_573 = arith.cmpi slt, %jit3A_560, %sign3A_572 : i32
    %sign3A_574 = arith.extui %sign3A_573 : i1 to i32
    %sign3A_575 = arith.subi %sign3A_571, %sign3A_574 : i32
    %ne3A_576 = arith.cmpi ne, %sign3A_568, %sign3A_575 : i32
    %rem3A_577 = arith.remsi %add3A_559, %jit3A_560 : i32
    %ne3A_578 = arith.constant 0 : i32
    %ne3A_579 = arith.cmpi ne, %rem3A_577, %ne3A_578 : i32
    %and3A_580 = arith.andi %ne3A_576, %ne3A_579 : i1
    %sub3A_581 = arith.constant 1 : i32
    %sub3A_582 = arith.subi %div3A_561, %sub3A_581 : i32
    %select_n3A_583 = arith.select %and3A_580, %sub3A_582, %div3A_561 : i32
    %dma_start3A_584 = arith.constant 0 : i32
    %dma_start3A_585 = arith.constant 0 : i32
    %dma_start3A_586 = tpu.memref_slice %arg4[%select_n3A_583, %dma_start3A_584, %dma_start3A_585] : memref<1600x128x128xf32, #tpu.memory_space<hbm>> -> memref<1x128x64xf32, #tpu.memory_space<hbm>>
    %dma_start3A_587 = tpu.memref_squeeze %dma_start3A_586 : memref<1x128x64xf32, #tpu.memory_space<hbm>> -> memref<128x64xf32, #tpu.memory_space<hbm>>
    %dma_start3A_588 = arith.constant 0 : i32
    %dma_start3A_589 = arith.constant 0 : i32
    %dma_start3A_590 = tpu.memref_slice %arg4[%select_n3A_583, %dma_start3A_588, %dma_start3A_589] : memref<1600x128x128xf32, #tpu.memory_space<hbm>> -> memref<1x128x64xf32, #tpu.memory_space<hbm>>
    %dma_start3A_591 = tpu.memref_squeeze %dma_start3A_590 : memref<1x128x64xf32, #tpu.memory_space<hbm>> -> memref<128x64xf32, #tpu.memory_space<hbm>>
    tpu.enqueue_dma source(%arg8 : memref<128x64xf32, #tpu.memory_space<vmem>>) target(%dma_start3A_591 : memref<128x64xf32, #tpu.memory_space<hbm>>) target_semaphore(%arg24 : memref<!tpu.dma_semaphore, #tpu.memory_space<semaphore_mem>>)
    %dma_wait3A_592 = arith.constant 0 : i32
    %dma_wait3A_593 = arith.constant 0 : i32
    %dma_wait3A_594 = tpu.memref_slice %arg4[%select_n3A_583, %dma_wait3A_592, %dma_wait3A_593] : memref<1600x128x128xf32, #tpu.memory_space<hbm>> -> memref<1x128x64xf32, #tpu.memory_space<hbm>>
    %dma_wait3A_595 = tpu.memref_squeeze %dma_wait3A_594 : memref<1x128x64xf32, #tpu.memory_space<hbm>> -> memref<128x64xf32, #tpu.memory_space<hbm>>
    %dma_wait3A_596 = arith.constant 0 : i32
    %dma_wait3A_597 = arith.constant 0 : i32
    %dma_wait3A_598 = tpu.memref_slice %arg4[%select_n3A_583, %dma_wait3A_596, %dma_wait3A_597] : memref<1600x128x128xf32, #tpu.memory_space<hbm>> -> memref<1x128x64xf32, #tpu.memory_space<hbm>>
    %dma_wait3A_599 = tpu.memref_squeeze %dma_wait3A_598 : memref<1x128x64xf32, #tpu.memory_space<hbm>> -> memref<128x64xf32, #tpu.memory_space<hbm>>
    tpu.wait_dma2 semaphore(%arg24 : memref<!tpu.dma_semaphore, #tpu.memory_space<semaphore_mem>>) src(%arg8 : memref<128x64xf32, #tpu.memory_space<vmem>>) dst(%dma_wait3A_599 : memref<128x64xf32, #tpu.memory_space<hbm>>)
    %dma_start3A_600 = arith.constant 2304 : i32
    %dma_start3A_601 = tpu.memref_slice %arg5[%dma_start3A_600] : memref<6400xi32, #tpu.memory_space<vmem>> -> memref<128xi32, #tpu.memory_space<vmem>>
    %dma_start3A_602 = arith.constant 0 : i32
    %dma_start3A_603 = arith.constant 0 : i32
    %dma_start3A_604 = tpu.memref_slice %arg3[%dma_start3A_602, %dma_start3A_603] : memref<200000x64xf32, #tpu.memory_space<hbm>> -> memref<200000x64xf32, #tpu.memory_space<hbm>>
    tpu.enqueue_indirect_dma source(%dma_start3A_604 : memref<200000x64xf32, #tpu.memory_space<hbm>>) target(%arg8 : memref<128x64xf32, #tpu.memory_space<vmem>>) offsets(%dma_start3A_601 : memref<128xi32, #tpu.memory_space<vmem>>) semaphore(%arg16 : memref<!tpu.dma_semaphore, #tpu.memory_space<semaphore_mem>>)
    %dma_wait3A_605 = arith.constant 1408 : i32
    %dma_wait3A_606 = tpu.memref_slice %arg5[%dma_wait3A_605] : memref<6400xi32, #tpu.memory_space<vmem>> -> memref<128xi32, #tpu.memory_space<vmem>>
    %dma_wait3A_607 = arith.constant 0 : i32
    %dma_wait3A_608 = arith.constant 0 : i32
    %dma_wait3A_609 = tpu.memref_slice %arg3[%dma_wait3A_607, %dma_wait3A_608] : memref<200000x64xf32, #tpu.memory_space<hbm>> -> memref<200000x64xf32, #tpu.memory_space<hbm>>
    tpu.wait_indirect_dma semaphore(%arg17 : memref<!tpu.dma_semaphore, #tpu.memory_space<semaphore_mem>>) src(%dma_wait3A_609 : memref<200000x64xf32, #tpu.memory_space<hbm>>) dst(%arg9 : memref<128x64xf32, #tpu.memory_space<vmem>>)
    %add3A_610 = arith.constant 1408 : i32
    %add3A_611 = arith.addi %mul3A_2, %add3A_610 : i32
    %jit3A_612 = arith.constant 128 : i32
    %div3A_613 = arith.divsi %add3A_611, %jit3A_612 : i32
    %sign3A_614 = arith.constant 0 : i32
    %sign3A_615 = arith.cmpi sgt, %add3A_611, %sign3A_614 : i32
    %sign3A_616 = arith.extui %sign3A_615 : i1 to i32
    %sign3A_617 = arith.constant 0 : i32
    %sign3A_618 = arith.cmpi slt, %add3A_611, %sign3A_617 : i32
    %sign3A_619 = arith.extui %sign3A_618 : i1 to i32
    %sign3A_620 = arith.subi %sign3A_616, %sign3A_619 : i32
    %sign3A_621 = arith.constant 0 : i32
    %sign3A_622 = arith.cmpi sgt, %jit3A_612, %sign3A_621 : i32
    %sign3A_623 = arith.extui %sign3A_622 : i1 to i32
    %sign3A_624 = arith.constant 0 : i32
    %sign3A_625 = arith.cmpi slt, %jit3A_612, %sign3A_624 : i32
    %sign3A_626 = arith.extui %sign3A_625 : i1 to i32
    %sign3A_627 = arith.subi %sign3A_623, %sign3A_626 : i32
    %ne3A_628 = arith.cmpi ne, %sign3A_620, %sign3A_627 : i32
    %rem3A_629 = arith.remsi %add3A_611, %jit3A_612 : i32
    %ne3A_630 = arith.constant 0 : i32
    %ne3A_631 = arith.cmpi ne, %rem3A_629, %ne3A_630 : i32
    %and3A_632 = arith.andi %ne3A_628, %ne3A_631 : i1
    %sub3A_633 = arith.constant 1 : i32
    %sub3A_634 = arith.subi %div3A_613, %sub3A_633 : i32
    %select_n3A_635 = arith.select %and3A_632, %sub3A_634, %div3A_613 : i32
    %dma_start3A_636 = arith.constant 0 : i32
    %dma_start3A_637 = arith.constant 0 : i32
    %dma_start3A_638 = tpu.memref_slice %arg4[%select_n3A_635, %dma_start3A_636, %dma_start3A_637] : memref<1600x128x128xf32, #tpu.memory_space<hbm>> -> memref<1x128x64xf32, #tpu.memory_space<hbm>>
    %dma_start3A_639 = tpu.memref_squeeze %dma_start3A_638 : memref<1x128x64xf32, #tpu.memory_space<hbm>> -> memref<128x64xf32, #tpu.memory_space<hbm>>
    %dma_start3A_640 = arith.constant 0 : i32
    %dma_start3A_641 = arith.constant 0 : i32
    %dma_start3A_642 = tpu.memref_slice %arg4[%select_n3A_635, %dma_start3A_640, %dma_start3A_641] : memref<1600x128x128xf32, #tpu.memory_space<hbm>> -> memref<1x128x64xf32, #tpu.memory_space<hbm>>
    %dma_start3A_643 = tpu.memref_squeeze %dma_start3A_642 : memref<1x128x64xf32, #tpu.memory_space<hbm>> -> memref<128x64xf32, #tpu.memory_space<hbm>>
    tpu.enqueue_dma source(%arg9 : memref<128x64xf32, #tpu.memory_space<vmem>>) target(%dma_start3A_643 : memref<128x64xf32, #tpu.memory_space<hbm>>) target_semaphore(%arg25 : memref<!tpu.dma_semaphore, #tpu.memory_space<semaphore_mem>>)
    %dma_wait3A_644 = arith.constant 0 : i32
    %dma_wait3A_645 = arith.constant 0 : i32
    %dma_wait3A_646 = tpu.memref_slice %arg4[%select_n3A_635, %dma_wait3A_644, %dma_wait3A_645] : memref<1600x128x128xf32, #tpu.memory_space<hbm>> -> memref<1x128x64xf32, #tpu.memory_space<hbm>>
    %dma_wait3A_647 = tpu.memref_squeeze %dma_wait3A_646 : memref<1x128x64xf32, #tpu.memory_space<hbm>> -> memref<128x64xf32, #tpu.memory_space<hbm>>
    %dma_wait3A_648 = arith.constant 0 : i32
    %dma_wait3A_649 = arith.constant 0 : i32
    %dma_wait3A_650 = tpu.memref_slice %arg4[%select_n3A_635, %dma_wait3A_648, %dma_wait3A_649] : memref<1600x128x128xf32, #tpu.memory_space<hbm>> -> memref<1x128x64xf32, #tpu.memory_space<hbm>>
    %dma_wait3A_651 = tpu.memref_squeeze %dma_wait3A_650 : memref<1x128x64xf32, #tpu.memory_space<hbm>> -> memref<128x64xf32, #tpu.memory_space<hbm>>
    tpu.wait_dma2 semaphore(%arg25 : memref<!tpu.dma_semaphore, #tpu.memory_space<semaphore_mem>>) src(%arg9 : memref<128x64xf32, #tpu.memory_space<vmem>>) dst(%dma_wait3A_651 : memref<128x64xf32, #tpu.memory_space<hbm>>)
    %dma_start3A_652 = arith.constant 2432 : i32
    %dma_start3A_653 = tpu.memref_slice %arg5[%dma_start3A_652] : memref<6400xi32, #tpu.memory_space<vmem>> -> memref<128xi32, #tpu.memory_space<vmem>>
    %dma_start3A_654 = arith.constant 0 : i32
    %dma_start3A_655 = arith.constant 0 : i32
    %dma_start3A_656 = tpu.memref_slice %arg3[%dma_start3A_654, %dma_start3A_655] : memref<200000x64xf32, #tpu.memory_space<hbm>> -> memref<200000x64xf32, #tpu.memory_space<hbm>>
    tpu.enqueue_indirect_dma source(%dma_start3A_656 : memref<200000x64xf32, #tpu.memory_space<hbm>>) target(%arg9 : memref<128x64xf32, #tpu.memory_space<vmem>>) offsets(%dma_start3A_653 : memref<128xi32, #tpu.memory_space<vmem>>) semaphore(%arg17 : memref<!tpu.dma_semaphore, #tpu.memory_space<semaphore_mem>>)
    %dma_wait3A_657 = arith.constant 1536 : i32
    %dma_wait3A_658 = tpu.memref_slice %arg5[%dma_wait3A_657] : memref<6400xi32, #tpu.memory_space<vmem>> -> memref<128xi32, #tpu.memory_space<vmem>>
    %dma_wait3A_659 = arith.constant 0 : i32
    %dma_wait3A_660 = arith.constant 0 : i32
    %dma_wait3A_661 = tpu.memref_slice %arg3[%dma_wait3A_659, %dma_wait3A_660] : memref<200000x64xf32, #tpu.memory_space<hbm>> -> memref<200000x64xf32, #tpu.memory_space<hbm>>
    tpu.wait_indirect_dma semaphore(%arg18 : memref<!tpu.dma_semaphore, #tpu.memory_space<semaphore_mem>>) src(%dma_wait3A_661 : memref<200000x64xf32, #tpu.memory_space<hbm>>) dst(%arg10 : memref<128x64xf32, #tpu.memory_space<vmem>>)
    %add3A_662 = arith.constant 1536 : i32
    %add3A_663 = arith.addi %mul3A_2, %add3A_662 : i32
    %jit3A_664 = arith.constant 128 : i32
    %div3A_665 = arith.divsi %add3A_663, %jit3A_664 : i32
    %sign3A_666 = arith.constant 0 : i32
    %sign3A_667 = arith.cmpi sgt, %add3A_663, %sign3A_666 : i32
    %sign3A_668 = arith.extui %sign3A_667 : i1 to i32
    %sign3A_669 = arith.constant 0 : i32
    %sign3A_670 = arith.cmpi slt, %add3A_663, %sign3A_669 : i32
    %sign3A_671 = arith.extui %sign3A_670 : i1 to i32
    %sign3A_672 = arith.subi %sign3A_668, %sign3A_671 : i32
    %sign3A_673 = arith.constant 0 : i32
    %sign3A_674 = arith.cmpi sgt, %jit3A_664, %sign3A_673 : i32
    %sign3A_675 = arith.extui %sign3A_674 : i1 to i32
    %sign3A_676 = arith.constant 0 : i32
    %sign3A_677 = arith.cmpi slt, %jit3A_664, %sign3A_676 : i32
    %sign3A_678 = arith.extui %sign3A_677 : i1 to i32
    %sign3A_679 = arith.subi %sign3A_675, %sign3A_678 : i32
    %ne3A_680 = arith.cmpi ne, %sign3A_672, %sign3A_679 : i32
    %rem3A_681 = arith.remsi %add3A_663, %jit3A_664 : i32
    %ne3A_682 = arith.constant 0 : i32
    %ne3A_683 = arith.cmpi ne, %rem3A_681, %ne3A_682 : i32
    %and3A_684 = arith.andi %ne3A_680, %ne3A_683 : i1
    %sub3A_685 = arith.constant 1 : i32
    %sub3A_686 = arith.subi %div3A_665, %sub3A_685 : i32
    %select_n3A_687 = arith.select %and3A_684, %sub3A_686, %div3A_665 : i32
    %dma_start3A_688 = arith.constant 0 : i32
    %dma_start3A_689 = arith.constant 0 : i32
    %dma_start3A_690 = tpu.memref_slice %arg4[%select_n3A_687, %dma_start3A_688, %dma_start3A_689] : memref<1600x128x128xf32, #tpu.memory_space<hbm>> -> memref<1x128x64xf32, #tpu.memory_space<hbm>>
    %dma_start3A_691 = tpu.memref_squeeze %dma_start3A_690 : memref<1x128x64xf32, #tpu.memory_space<hbm>> -> memref<128x64xf32, #tpu.memory_space<hbm>>
    %dma_start3A_692 = arith.constant 0 : i32
    %dma_start3A_693 = arith.constant 0 : i32
    %dma_start3A_694 = tpu.memref_slice %arg4[%select_n3A_687, %dma_start3A_692, %dma_start3A_693] : memref<1600x128x128xf32, #tpu.memory_space<hbm>> -> memref<1x128x64xf32, #tpu.memory_space<hbm>>
    %dma_start3A_695 = tpu.memref_squeeze %dma_start3A_694 : memref<1x128x64xf32, #tpu.memory_space<hbm>> -> memref<128x64xf32, #tpu.memory_space<hbm>>
    tpu.enqueue_dma source(%arg10 : memref<128x64xf32, #tpu.memory_space<vmem>>) target(%dma_start3A_695 : memref<128x64xf32, #tpu.memory_space<hbm>>) target_semaphore(%arg26 : memref<!tpu.dma_semaphore, #tpu.memory_space<semaphore_mem>>)
    %dma_wait3A_696 = arith.constant 0 : i32
    %dma_wait3A_697 = arith.constant 0 : i32
    %dma_wait3A_698 = tpu.memref_slice %arg4[%select_n3A_687, %dma_wait3A_696, %dma_wait3A_697] : memref<1600x128x128xf32, #tpu.memory_space<hbm>> -> memref<1x128x64xf32, #tpu.memory_space<hbm>>
    %dma_wait3A_699 = tpu.memref_squeeze %dma_wait3A_698 : memref<1x128x64xf32, #tpu.memory_space<hbm>> -> memref<128x64xf32, #tpu.memory_space<hbm>>
    %dma_wait3A_700 = arith.constant 0 : i32
    %dma_wait3A_701 = arith.constant 0 : i32
    %dma_wait3A_702 = tpu.memref_slice %arg4[%select_n3A_687, %dma_wait3A_700, %dma_wait3A_701] : memref<1600x128x128xf32, #tpu.memory_space<hbm>> -> memref<1x128x64xf32, #tpu.memory_space<hbm>>
    %dma_wait3A_703 = tpu.memref_squeeze %dma_wait3A_702 : memref<1x128x64xf32, #tpu.memory_space<hbm>> -> memref<128x64xf32, #tpu.memory_space<hbm>>
    tpu.wait_dma2 semaphore(%arg26 : memref<!tpu.dma_semaphore, #tpu.memory_space<semaphore_mem>>) src(%arg10 : memref<128x64xf32, #tpu.memory_space<vmem>>) dst(%dma_wait3A_703 : memref<128x64xf32, #tpu.memory_space<hbm>>)
    %dma_start3A_704 = arith.constant 2560 : i32
    %dma_start3A_705 = tpu.memref_slice %arg5[%dma_start3A_704] : memref<6400xi32, #tpu.memory_space<vmem>> -> memref<128xi32, #tpu.memory_space<vmem>>
    %dma_start3A_706 = arith.constant 0 : i32
    %dma_start3A_707 = arith.constant 0 : i32
    %dma_start3A_708 = tpu.memref_slice %arg3[%dma_start3A_706, %dma_start3A_707] : memref<200000x64xf32, #tpu.memory_space<hbm>> -> memref<200000x64xf32, #tpu.memory_space<hbm>>
    tpu.enqueue_indirect_dma source(%dma_start3A_708 : memref<200000x64xf32, #tpu.memory_space<hbm>>) target(%arg10 : memref<128x64xf32, #tpu.memory_space<vmem>>) offsets(%dma_start3A_705 : memref<128xi32, #tpu.memory_space<vmem>>) semaphore(%arg18 : memref<!tpu.dma_semaphore, #tpu.memory_space<semaphore_mem>>)
    %dma_wait3A_709 = arith.constant 1664 : i32
    %dma_wait3A_710 = tpu.memref_slice %arg5[%dma_wait3A_709] : memref<6400xi32, #tpu.memory_space<vmem>> -> memref<128xi32, #tpu.memory_space<vmem>>
    %dma_wait3A_711 = arith.constant 0 : i32
    %dma_wait3A_712 = arith.constant 0 : i32
    %dma_wait3A_713 = tpu.memref_slice %arg3[%dma_wait3A_711, %dma_wait3A_712] : memref<200000x64xf32, #tpu.memory_space<hbm>> -> memref<200000x64xf32, #tpu.memory_space<hbm>>
    tpu.wait_indirect_dma semaphore(%arg19 : memref<!tpu.dma_semaphore, #tpu.memory_space<semaphore_mem>>) src(%dma_wait3A_713 : memref<200000x64xf32, #tpu.memory_space<hbm>>) dst(%arg11 : memref<128x64xf32, #tpu.memory_space<vmem>>)
    %add3A_714 = arith.constant 1664 : i32
    %add3A_715 = arith.addi %mul3A_2, %add3A_714 : i32
    %jit3A_716 = arith.constant 128 : i32
    %div3A_717 = arith.divsi %add3A_715, %jit3A_716 : i32
    %sign3A_718 = arith.constant 0 : i32
    %sign3A_719 = arith.cmpi sgt, %add3A_715, %sign3A_718 : i32
    %sign3A_720 = arith.extui %sign3A_719 : i1 to i32
    %sign3A_721 = arith.constant 0 : i32
    %sign3A_722 = arith.cmpi slt, %add3A_715, %sign3A_721 : i32
    %sign3A_723 = arith.extui %sign3A_722 : i1 to i32
    %sign3A_724 = arith.subi %sign3A_720, %sign3A_723 : i32
    %sign3A_725 = arith.constant 0 : i32
    %sign3A_726 = arith.cmpi sgt, %jit3A_716, %sign3A_725 : i32
    %sign3A_727 = arith.extui %sign3A_726 : i1 to i32
    %sign3A_728 = arith.constant 0 : i32
    %sign3A_729 = arith.cmpi slt, %jit3A_716, %sign3A_728 : i32
    %sign3A_730 = arith.extui %sign3A_729 : i1 to i32
    %sign3A_731 = arith.subi %sign3A_727, %sign3A_730 : i32
    %ne3A_732 = arith.cmpi ne, %sign3A_724, %sign3A_731 : i32
    %rem3A_733 = arith.remsi %add3A_715, %jit3A_716 : i32
    %ne3A_734 = arith.constant 0 : i32
    %ne3A_735 = arith.cmpi ne, %rem3A_733, %ne3A_734 : i32
    %and3A_736 = arith.andi %ne3A_732, %ne3A_735 : i1
    %sub3A_737 = arith.constant 1 : i32
    %sub3A_738 = arith.subi %div3A_717, %sub3A_737 : i32
    %select_n3A_739 = arith.select %and3A_736, %sub3A_738, %div3A_717 : i32
    %dma_start3A_740 = arith.constant 0 : i32
    %dma_start3A_741 = arith.constant 0 : i32
    %dma_start3A_742 = tpu.memref_slice %arg4[%select_n3A_739, %dma_start3A_740, %dma_start3A_741] : memref<1600x128x128xf32, #tpu.memory_space<hbm>> -> memref<1x128x64xf32, #tpu.memory_space<hbm>>
    %dma_start3A_743 = tpu.memref_squeeze %dma_start3A_742 : memref<1x128x64xf32, #tpu.memory_space<hbm>> -> memref<128x64xf32, #tpu.memory_space<hbm>>
    %dma_start3A_744 = arith.constant 0 : i32
    %dma_start3A_745 = arith.constant 0 : i32
    %dma_start3A_746 = tpu.memref_slice %arg4[%select_n3A_739, %dma_start3A_744, %dma_start3A_745] : memref<1600x128x128xf32, #tpu.memory_space<hbm>> -> memref<1x128x64xf32, #tpu.memory_space<hbm>>
    %dma_start3A_747 = tpu.memref_squeeze %dma_start3A_746 : memref<1x128x64xf32, #tpu.memory_space<hbm>> -> memref<128x64xf32, #tpu.memory_space<hbm>>
    tpu.enqueue_dma source(%arg11 : memref<128x64xf32, #tpu.memory_space<vmem>>) target(%dma_start3A_747 : memref<128x64xf32, #tpu.memory_space<hbm>>) target_semaphore(%arg27 : memref<!tpu.dma_semaphore, #tpu.memory_space<semaphore_mem>>)
    %dma_wait3A_748 = arith.constant 0 : i32
    %dma_wait3A_749 = arith.constant 0 : i32
    %dma_wait3A_750 = tpu.memref_slice %arg4[%select_n3A_739, %dma_wait3A_748, %dma_wait3A_749] : memref<1600x128x128xf32, #tpu.memory_space<hbm>> -> memref<1x128x64xf32, #tpu.memory_space<hbm>>
    %dma_wait3A_751 = tpu.memref_squeeze %dma_wait3A_750 : memref<1x128x64xf32, #tpu.memory_space<hbm>> -> memref<128x64xf32, #tpu.memory_space<hbm>>
    %dma_wait3A_752 = arith.constant 0 : i32
    %dma_wait3A_753 = arith.constant 0 : i32
    %dma_wait3A_754 = tpu.memref_slice %arg4[%select_n3A_739, %dma_wait3A_752, %dma_wait3A_753] : memref<1600x128x128xf32, #tpu.memory_space<hbm>> -> memref<1x128x64xf32, #tpu.memory_space<hbm>>
    %dma_wait3A_755 = tpu.memref_squeeze %dma_wait3A_754 : memref<1x128x64xf32, #tpu.memory_space<hbm>> -> memref<128x64xf32, #tpu.memory_space<hbm>>
    tpu.wait_dma2 semaphore(%arg27 : memref<!tpu.dma_semaphore, #tpu.memory_space<semaphore_mem>>) src(%arg11 : memref<128x64xf32, #tpu.memory_space<vmem>>) dst(%dma_wait3A_755 : memref<128x64xf32, #tpu.memory_space<hbm>>)
    %dma_start3A_756 = arith.constant 2688 : i32
    %dma_start3A_757 = tpu.memref_slice %arg5[%dma_start3A_756] : memref<6400xi32, #tpu.memory_space<vmem>> -> memref<128xi32, #tpu.memory_space<vmem>>
    %dma_start3A_758 = arith.constant 0 : i32
    %dma_start3A_759 = arith.constant 0 : i32
    %dma_start3A_760 = tpu.memref_slice %arg3[%dma_start3A_758, %dma_start3A_759] : memref<200000x64xf32, #tpu.memory_space<hbm>> -> memref<200000x64xf32, #tpu.memory_space<hbm>>
    tpu.enqueue_indirect_dma source(%dma_start3A_760 : memref<200000x64xf32, #tpu.memory_space<hbm>>) target(%arg11 : memref<128x64xf32, #tpu.memory_space<vmem>>) offsets(%dma_start3A_757 : memref<128xi32, #tpu.memory_space<vmem>>) semaphore(%arg19 : memref<!tpu.dma_semaphore, #tpu.memory_space<semaphore_mem>>)
    %dma_wait3A_761 = arith.constant 1792 : i32
    %dma_wait3A_762 = tpu.memref_slice %arg5[%dma_wait3A_761] : memref<6400xi32, #tpu.memory_space<vmem>> -> memref<128xi32, #tpu.memory_space<vmem>>
    %dma_wait3A_763 = arith.constant 0 : i32
    %dma_wait3A_764 = arith.constant 0 : i32
    %dma_wait3A_765 = tpu.memref_slice %arg3[%dma_wait3A_763, %dma_wait3A_764] : memref<200000x64xf32, #tpu.memory_space<hbm>> -> memref<200000x64xf32, #tpu.memory_space<hbm>>
    tpu.wait_indirect_dma semaphore(%arg20 : memref<!tpu.dma_semaphore, #tpu.memory_space<semaphore_mem>>) src(%dma_wait3A_765 : memref<200000x64xf32, #tpu.memory_space<hbm>>) dst(%arg12 : memref<128x64xf32, #tpu.memory_space<vmem>>)
    %add3A_766 = arith.constant 1792 : i32
    %add3A_767 = arith.addi %mul3A_2, %add3A_766 : i32
    %jit3A_768 = arith.constant 128 : i32
    %div3A_769 = arith.divsi %add3A_767, %jit3A_768 : i32
    %sign3A_770 = arith.constant 0 : i32
    %sign3A_771 = arith.cmpi sgt, %add3A_767, %sign3A_770 : i32
    %sign3A_772 = arith.extui %sign3A_771 : i1 to i32
    %sign3A_773 = arith.constant 0 : i32
    %sign3A_774 = arith.cmpi slt, %add3A_767, %sign3A_773 : i32
    %sign3A_775 = arith.extui %sign3A_774 : i1 to i32
    %sign3A_776 = arith.subi %sign3A_772, %sign3A_775 : i32
    %sign3A_777 = arith.constant 0 : i32
    %sign3A_778 = arith.cmpi sgt, %jit3A_768, %sign3A_777 : i32
    %sign3A_779 = arith.extui %sign3A_778 : i1 to i32
    %sign3A_780 = arith.constant 0 : i32
    %sign3A_781 = arith.cmpi slt, %jit3A_768, %sign3A_780 : i32
    %sign3A_782 = arith.extui %sign3A_781 : i1 to i32
    %sign3A_783 = arith.subi %sign3A_779, %sign3A_782 : i32
    %ne3A_784 = arith.cmpi ne, %sign3A_776, %sign3A_783 : i32
    %rem3A_785 = arith.remsi %add3A_767, %jit3A_768 : i32
    %ne3A_786 = arith.constant 0 : i32
    %ne3A_787 = arith.cmpi ne, %rem3A_785, %ne3A_786 : i32
    %and3A_788 = arith.andi %ne3A_784, %ne3A_787 : i1
    %sub3A_789 = arith.constant 1 : i32
    %sub3A_790 = arith.subi %div3A_769, %sub3A_789 : i32
    %select_n3A_791 = arith.select %and3A_788, %sub3A_790, %div3A_769 : i32
    %dma_start3A_792 = arith.constant 0 : i32
    %dma_start3A_793 = arith.constant 0 : i32
    %dma_start3A_794 = tpu.memref_slice %arg4[%select_n3A_791, %dma_start3A_792, %dma_start3A_793] : memref<1600x128x128xf32, #tpu.memory_space<hbm>> -> memref<1x128x64xf32, #tpu.memory_space<hbm>>
    %dma_start3A_795 = tpu.memref_squeeze %dma_start3A_794 : memref<1x128x64xf32, #tpu.memory_space<hbm>> -> memref<128x64xf32, #tpu.memory_space<hbm>>
    %dma_start3A_796 = arith.constant 0 : i32
    %dma_start3A_797 = arith.constant 0 : i32
    %dma_start3A_798 = tpu.memref_slice %arg4[%select_n3A_791, %dma_start3A_796, %dma_start3A_797] : memref<1600x128x128xf32, #tpu.memory_space<hbm>> -> memref<1x128x64xf32, #tpu.memory_space<hbm>>
    %dma_start3A_799 = tpu.memref_squeeze %dma_start3A_798 : memref<1x128x64xf32, #tpu.memory_space<hbm>> -> memref<128x64xf32, #tpu.memory_space<hbm>>
    tpu.enqueue_dma source(%arg12 : memref<128x64xf32, #tpu.memory_space<vmem>>) target(%dma_start3A_799 : memref<128x64xf32, #tpu.memory_space<hbm>>) target_semaphore(%arg28 : memref<!tpu.dma_semaphore, #tpu.memory_space<semaphore_mem>>)
    %dma_wait3A_800 = arith.constant 0 : i32
    %dma_wait3A_801 = arith.constant 0 : i32
    %dma_wait3A_802 = tpu.memref_slice %arg4[%select_n3A_791, %dma_wait3A_800, %dma_wait3A_801] : memref<1600x128x128xf32, #tpu.memory_space<hbm>> -> memref<1x128x64xf32, #tpu.memory_space<hbm>>
    %dma_wait3A_803 = tpu.memref_squeeze %dma_wait3A_802 : memref<1x128x64xf32, #tpu.memory_space<hbm>> -> memref<128x64xf32, #tpu.memory_space<hbm>>
    %dma_wait3A_804 = arith.constant 0 : i32
    %dma_wait3A_805 = arith.constant 0 : i32
    %dma_wait3A_806 = tpu.memref_slice %arg4[%select_n3A_791, %dma_wait3A_804, %dma_wait3A_805] : memref<1600x128x128xf32, #tpu.memory_space<hbm>> -> memref<1x128x64xf32, #tpu.memory_space<hbm>>
    %dma_wait3A_807 = tpu.memref_squeeze %dma_wait3A_806 : memref<1x128x64xf32, #tpu.memory_space<hbm>> -> memref<128x64xf32, #tpu.memory_space<hbm>>
    tpu.wait_dma2 semaphore(%arg28 : memref<!tpu.dma_semaphore, #tpu.memory_space<semaphore_mem>>) src(%arg12 : memref<128x64xf32, #tpu.memory_space<vmem>>) dst(%dma_wait3A_807 : memref<128x64xf32, #tpu.memory_space<hbm>>)
    %dma_start3A_808 = arith.constant 2816 : i32
    %dma_start3A_809 = tpu.memref_slice %arg5[%dma_start3A_808] : memref<6400xi32, #tpu.memory_space<vmem>> -> memref<128xi32, #tpu.memory_space<vmem>>
    %dma_start3A_810 = arith.constant 0 : i32
    %dma_start3A_811 = arith.constant 0 : i32
    %dma_start3A_812 = tpu.memref_slice %arg3[%dma_start3A_810, %dma_start3A_811] : memref<200000x64xf32, #tpu.memory_space<hbm>> -> memref<200000x64xf32, #tpu.memory_space<hbm>>
    tpu.enqueue_indirect_dma source(%dma_start3A_812 : memref<200000x64xf32, #tpu.memory_space<hbm>>) target(%arg12 : memref<128x64xf32, #tpu.memory_space<vmem>>) offsets(%dma_start3A_809 : memref<128xi32, #tpu.memory_space<vmem>>) semaphore(%arg20 : memref<!tpu.dma_semaphore, #tpu.memory_space<semaphore_mem>>)
    %dma_wait3A_813 = arith.constant 1920 : i32
    %dma_wait3A_814 = tpu.memref_slice %arg5[%dma_wait3A_813] : memref<6400xi32, #tpu.memory_space<vmem>> -> memref<128xi32, #tpu.memory_space<vmem>>
    %dma_wait3A_815 = arith.constant 0 : i32
    %dma_wait3A_816 = arith.constant 0 : i32
    %dma_wait3A_817 = tpu.memref_slice %arg3[%dma_wait3A_815, %dma_wait3A_816] : memref<200000x64xf32, #tpu.memory_space<hbm>> -> memref<200000x64xf32, #tpu.memory_space<hbm>>
    tpu.wait_indirect_dma semaphore(%arg21 : memref<!tpu.dma_semaphore, #tpu.memory_space<semaphore_mem>>) src(%dma_wait3A_817 : memref<200000x64xf32, #tpu.memory_space<hbm>>) dst(%arg13 : memref<128x64xf32, #tpu.memory_space<vmem>>)
    %add3A_818 = arith.constant 1920 : i32
    %add3A_819 = arith.addi %mul3A_2, %add3A_818 : i32
    %jit3A_820 = arith.constant 128 : i32
    %div3A_821 = arith.divsi %add3A_819, %jit3A_820 : i32
    %sign3A_822 = arith.constant 0 : i32
    %sign3A_823 = arith.cmpi sgt, %add3A_819, %sign3A_822 : i32
    %sign3A_824 = arith.extui %sign3A_823 : i1 to i32
    %sign3A_825 = arith.constant 0 : i32
    %sign3A_826 = arith.cmpi slt, %add3A_819, %sign3A_825 : i32
    %sign3A_827 = arith.extui %sign3A_826 : i1 to i32
    %sign3A_828 = arith.subi %sign3A_824, %sign3A_827 : i32
    %sign3A_829 = arith.constant 0 : i32
    %sign3A_830 = arith.cmpi sgt, %jit3A_820, %sign3A_829 : i32
    %sign3A_831 = arith.extui %sign3A_830 : i1 to i32
    %sign3A_832 = arith.constant 0 : i32
    %sign3A_833 = arith.cmpi slt, %jit3A_820, %sign3A_832 : i32
    %sign3A_834 = arith.extui %sign3A_833 : i1 to i32
    %sign3A_835 = arith.subi %sign3A_831, %sign3A_834 : i32
    %ne3A_836 = arith.cmpi ne, %sign3A_828, %sign3A_835 : i32
    %rem3A_837 = arith.remsi %add3A_819, %jit3A_820 : i32
    %ne3A_838 = arith.constant 0 : i32
    %ne3A_839 = arith.cmpi ne, %rem3A_837, %ne3A_838 : i32
    %and3A_840 = arith.andi %ne3A_836, %ne3A_839 : i1
    %sub3A_841 = arith.constant 1 : i32
    %sub3A_842 = arith.subi %div3A_821, %sub3A_841 : i32
    %select_n3A_843 = arith.select %and3A_840, %sub3A_842, %div3A_821 : i32
    %dma_start3A_844 = arith.constant 0 : i32
    %dma_start3A_845 = arith.constant 0 : i32
    %dma_start3A_846 = tpu.memref_slice %arg4[%select_n3A_843, %dma_start3A_844, %dma_start3A_845] : memref<1600x128x128xf32, #tpu.memory_space<hbm>> -> memref<1x128x64xf32, #tpu.memory_space<hbm>>
    %dma_start3A_847 = tpu.memref_squeeze %dma_start3A_846 : memref<1x128x64xf32, #tpu.memory_space<hbm>> -> memref<128x64xf32, #tpu.memory_space<hbm>>
    %dma_start3A_848 = arith.constant 0 : i32
    %dma_start3A_849 = arith.constant 0 : i32
    %dma_start3A_850 = tpu.memref_slice %arg4[%select_n3A_843, %dma_start3A_848, %dma_start3A_849] : memref<1600x128x128xf32, #tpu.memory_space<hbm>> -> memref<1x128x64xf32, #tpu.memory_space<hbm>>
    %dma_start3A_851 = tpu.memref_squeeze %dma_start3A_850 : memref<1x128x64xf32, #tpu.memory_space<hbm>> -> memref<128x64xf32, #tpu.memory_space<hbm>>
    tpu.enqueue_dma source(%arg13 : memref<128x64xf32, #tpu.memory_space<vmem>>) target(%dma_start3A_851 : memref<128x64xf32, #tpu.memory_space<hbm>>) target_semaphore(%arg29 : memref<!tpu.dma_semaphore, #tpu.memory_space<semaphore_mem>>)
    %dma_wait3A_852 = arith.constant 0 : i32
    %dma_wait3A_853 = arith.constant 0 : i32
    %dma_wait3A_854 = tpu.memref_slice %arg4[%select_n3A_843, %dma_wait3A_852, %dma_wait3A_853] : memref<1600x128x128xf32, #tpu.memory_space<hbm>> -> memref<1x128x64xf32, #tpu.memory_space<hbm>>
    %dma_wait3A_855 = tpu.memref_squeeze %dma_wait3A_854 : memref<1x128x64xf32, #tpu.memory_space<hbm>> -> memref<128x64xf32, #tpu.memory_space<hbm>>
    %dma_wait3A_856 = arith.constant 0 : i32
    %dma_wait3A_857 = arith.constant 0 : i32
    %dma_wait3A_858 = tpu.memref_slice %arg4[%select_n3A_843, %dma_wait3A_856, %dma_wait3A_857] : memref<1600x128x128xf32, #tpu.memory_space<hbm>> -> memref<1x128x64xf32, #tpu.memory_space<hbm>>
    %dma_wait3A_859 = tpu.memref_squeeze %dma_wait3A_858 : memref<1x128x64xf32, #tpu.memory_space<hbm>> -> memref<128x64xf32, #tpu.memory_space<hbm>>
    tpu.wait_dma2 semaphore(%arg29 : memref<!tpu.dma_semaphore, #tpu.memory_space<semaphore_mem>>) src(%arg13 : memref<128x64xf32, #tpu.memory_space<vmem>>) dst(%dma_wait3A_859 : memref<128x64xf32, #tpu.memory_space<hbm>>)
    %dma_start3A_860 = arith.constant 2944 : i32
    %dma_start3A_861 = tpu.memref_slice %arg5[%dma_start3A_860] : memref<6400xi32, #tpu.memory_space<vmem>> -> memref<128xi32, #tpu.memory_space<vmem>>
    %dma_start3A_862 = arith.constant 0 : i32
    %dma_start3A_863 = arith.constant 0 : i32
    %dma_start3A_864 = tpu.memref_slice %arg3[%dma_start3A_862, %dma_start3A_863] : memref<200000x64xf32, #tpu.memory_space<hbm>> -> memref<200000x64xf32, #tpu.memory_space<hbm>>
    tpu.enqueue_indirect_dma source(%dma_start3A_864 : memref<200000x64xf32, #tpu.memory_space<hbm>>) target(%arg13 : memref<128x64xf32, #tpu.memory_space<vmem>>) offsets(%dma_start3A_861 : memref<128xi32, #tpu.memory_space<vmem>>) semaphore(%arg21 : memref<!tpu.dma_semaphore, #tpu.memory_space<semaphore_mem>>)
    %dma_wait3A_865 = arith.constant 2048 : i32
    %dma_wait3A_866 = tpu.memref_slice %arg5[%dma_wait3A_865] : memref<6400xi32, #tpu.memory_space<vmem>> -> memref<128xi32, #tpu.memory_space<vmem>>
    %dma_wait3A_867 = arith.constant 0 : i32
    %dma_wait3A_868 = arith.constant 0 : i32
    %dma_wait3A_869 = tpu.memref_slice %arg3[%dma_wait3A_867, %dma_wait3A_868] : memref<200000x64xf32, #tpu.memory_space<hbm>> -> memref<200000x64xf32, #tpu.memory_space<hbm>>
    tpu.wait_indirect_dma semaphore(%arg14 : memref<!tpu.dma_semaphore, #tpu.memory_space<semaphore_mem>>) src(%dma_wait3A_869 : memref<200000x64xf32, #tpu.memory_space<hbm>>) dst(%arg6 : memref<128x64xf32, #tpu.memory_space<vmem>>)
    %add3A_870 = arith.constant 2048 : i32
    %add3A_871 = arith.addi %mul3A_2, %add3A_870 : i32
    %jit3A_872 = arith.constant 128 : i32
    %div3A_873 = arith.divsi %add3A_871, %jit3A_872 : i32
    %sign3A_874 = arith.constant 0 : i32
    %sign3A_875 = arith.cmpi sgt, %add3A_871, %sign3A_874 : i32
    %sign3A_876 = arith.extui %sign3A_875 : i1 to i32
    %sign3A_877 = arith.constant 0 : i32
    %sign3A_878 = arith.cmpi slt, %add3A_871, %sign3A_877 : i32
    %sign3A_879 = arith.extui %sign3A_878 : i1 to i32
    %sign3A_880 = arith.subi %sign3A_876, %sign3A_879 : i32
    %sign3A_881 = arith.constant 0 : i32
    %sign3A_882 = arith.cmpi sgt, %jit3A_872, %sign3A_881 : i32
    %sign3A_883 = arith.extui %sign3A_882 : i1 to i32
    %sign3A_884 = arith.constant 0 : i32
    %sign3A_885 = arith.cmpi slt, %jit3A_872, %sign3A_884 : i32
    %sign3A_886 = arith.extui %sign3A_885 : i1 to i32
    %sign3A_887 = arith.subi %sign3A_883, %sign3A_886 : i32
    %ne3A_888 = arith.cmpi ne, %sign3A_880, %sign3A_887 : i32
    %rem3A_889 = arith.remsi %add3A_871, %jit3A_872 : i32
    %ne3A_890 = arith.constant 0 : i32
    %ne3A_891 = arith.cmpi ne, %rem3A_889, %ne3A_890 : i32
    %and3A_892 = arith.andi %ne3A_888, %ne3A_891 : i1
    %sub3A_893 = arith.constant 1 : i32
    %sub3A_894 = arith.subi %div3A_873, %sub3A_893 : i32
    %select_n3A_895 = arith.select %and3A_892, %sub3A_894, %div3A_873 : i32
    %dma_start3A_896 = arith.constant 0 : i32
    %dma_start3A_897 = arith.constant 0 : i32
    %dma_start3A_898 = tpu.memref_slice %arg4[%select_n3A_895, %dma_start3A_896, %dma_start3A_897] : memref<1600x128x128xf32, #tpu.memory_space<hbm>> -> memref<1x128x64xf32, #tpu.memory_space<hbm>>
    %dma_start3A_899 = tpu.memref_squeeze %dma_start3A_898 : memref<1x128x64xf32, #tpu.memory_space<hbm>> -> memref<128x64xf32, #tpu.memory_space<hbm>>
    %dma_start3A_900 = arith.constant 0 : i32
    %dma_start3A_901 = arith.constant 0 : i32
    %dma_start3A_902 = tpu.memref_slice %arg4[%select_n3A_895, %dma_start3A_900, %dma_start3A_901] : memref<1600x128x128xf32, #tpu.memory_space<hbm>> -> memref<1x128x64xf32, #tpu.memory_space<hbm>>
    %dma_start3A_903 = tpu.memref_squeeze %dma_start3A_902 : memref<1x128x64xf32, #tpu.memory_space<hbm>> -> memref<128x64xf32, #tpu.memory_space<hbm>>
    tpu.enqueue_dma source(%arg6 : memref<128x64xf32, #tpu.memory_space<vmem>>) target(%dma_start3A_903 : memref<128x64xf32, #tpu.memory_space<hbm>>) target_semaphore(%arg22 : memref<!tpu.dma_semaphore, #tpu.memory_space<semaphore_mem>>)
    %dma_wait3A_904 = arith.constant 0 : i32
    %dma_wait3A_905 = arith.constant 0 : i32
    %dma_wait3A_906 = tpu.memref_slice %arg4[%select_n3A_895, %dma_wait3A_904, %dma_wait3A_905] : memref<1600x128x128xf32, #tpu.memory_space<hbm>> -> memref<1x128x64xf32, #tpu.memory_space<hbm>>
    %dma_wait3A_907 = tpu.memref_squeeze %dma_wait3A_906 : memref<1x128x64xf32, #tpu.memory_space<hbm>> -> memref<128x64xf32, #tpu.memory_space<hbm>>
    %dma_wait3A_908 = arith.constant 0 : i32
    %dma_wait3A_909 = arith.constant 0 : i32
    %dma_wait3A_910 = tpu.memref_slice %arg4[%select_n3A_895, %dma_wait3A_908, %dma_wait3A_909] : memref<1600x128x128xf32, #tpu.memory_space<hbm>> -> memref<1x128x64xf32, #tpu.memory_space<hbm>>
    %dma_wait3A_911 = tpu.memref_squeeze %dma_wait3A_910 : memref<1x128x64xf32, #tpu.memory_space<hbm>> -> memref<128x64xf32, #tpu.memory_space<hbm>>
    tpu.wait_dma2 semaphore(%arg22 : memref<!tpu.dma_semaphore, #tpu.memory_space<semaphore_mem>>) src(%arg6 : memref<128x64xf32, #tpu.memory_space<vmem>>) dst(%dma_wait3A_911 : memref<128x64xf32, #tpu.memory_space<hbm>>)
    %dma_start3A_912 = arith.constant 3072 : i32
    %dma_start3A_913 = tpu.memref_slice %arg5[%dma_start3A_912] : memref<6400xi32, #tpu.memory_space<vmem>> -> memref<128xi32, #tpu.memory_space<vmem>>
    %dma_start3A_914 = arith.constant 0 : i32
    %dma_start3A_915 = arith.constant 0 : i32
    %dma_start3A_916 = tpu.memref_slice %arg3[%dma_start3A_914, %dma_start3A_915] : memref<200000x64xf32, #tpu.memory_space<hbm>> -> memref<200000x64xf32, #tpu.memory_space<hbm>>
    tpu.enqueue_indirect_dma source(%dma_start3A_916 : memref<200000x64xf32, #tpu.memory_space<hbm>>) target(%arg6 : memref<128x64xf32, #tpu.memory_space<vmem>>) offsets(%dma_start3A_913 : memref<128xi32, #tpu.memory_space<vmem>>) semaphore(%arg14 : memref<!tpu.dma_semaphore, #tpu.memory_space<semaphore_mem>>)
    %dma_wait3A_917 = arith.constant 2176 : i32
    %dma_wait3A_918 = tpu.memref_slice %arg5[%dma_wait3A_917] : memref<6400xi32, #tpu.memory_space<vmem>> -> memref<128xi32, #tpu.memory_space<vmem>>
    %dma_wait3A_919 = arith.constant 0 : i32
    %dma_wait3A_920 = arith.constant 0 : i32
    %dma_wait3A_921 = tpu.memref_slice %arg3[%dma_wait3A_919, %dma_wait3A_920] : memref<200000x64xf32, #tpu.memory_space<hbm>> -> memref<200000x64xf32, #tpu.memory_space<hbm>>
    tpu.wait_indirect_dma semaphore(%arg15 : memref<!tpu.dma_semaphore, #tpu.memory_space<semaphore_mem>>) src(%dma_wait3A_921 : memref<200000x64xf32, #tpu.memory_space<hbm>>) dst(%arg7 : memref<128x64xf32, #tpu.memory_space<vmem>>)
    %add3A_922 = arith.constant 2176 : i32
    %add3A_923 = arith.addi %mul3A_2, %add3A_922 : i32
    %jit3A_924 = arith.constant 128 : i32
    %div3A_925 = arith.divsi %add3A_923, %jit3A_924 : i32
    %sign3A_926 = arith.constant 0 : i32
    %sign3A_927 = arith.cmpi sgt, %add3A_923, %sign3A_926 : i32
    %sign3A_928 = arith.extui %sign3A_927 : i1 to i32
    %sign3A_929 = arith.constant 0 : i32
    %sign3A_930 = arith.cmpi slt, %add3A_923, %sign3A_929 : i32
    %sign3A_931 = arith.extui %sign3A_930 : i1 to i32
    %sign3A_932 = arith.subi %sign3A_928, %sign3A_931 : i32
    %sign3A_933 = arith.constant 0 : i32
    %sign3A_934 = arith.cmpi sgt, %jit3A_924, %sign3A_933 : i32
    %sign3A_935 = arith.extui %sign3A_934 : i1 to i32
    %sign3A_936 = arith.constant 0 : i32
    %sign3A_937 = arith.cmpi slt, %jit3A_924, %sign3A_936 : i32
    %sign3A_938 = arith.extui %sign3A_937 : i1 to i32
    %sign3A_939 = arith.subi %sign3A_935, %sign3A_938 : i32
    %ne3A_940 = arith.cmpi ne, %sign3A_932, %sign3A_939 : i32
    %rem3A_941 = arith.remsi %add3A_923, %jit3A_924 : i32
    %ne3A_942 = arith.constant 0 : i32
    %ne3A_943 = arith.cmpi ne, %rem3A_941, %ne3A_942 : i32
    %and3A_944 = arith.andi %ne3A_940, %ne3A_943 : i1
    %sub3A_945 = arith.constant 1 : i32
    %sub3A_946 = arith.subi %div3A_925, %sub3A_945 : i32
    %select_n3A_947 = arith.select %and3A_944, %sub3A_946, %div3A_925 : i32
    %dma_start3A_948 = arith.constant 0 : i32
    %dma_start3A_949 = arith.constant 0 : i32
    %dma_start3A_950 = tpu.memref_slice %arg4[%select_n3A_947, %dma_start3A_948, %dma_start3A_949] : memref<1600x128x128xf32, #tpu.memory_space<hbm>> -> memref<1x128x64xf32, #tpu.memory_space<hbm>>
    %dma_start3A_951 = tpu.memref_squeeze %dma_start3A_950 : memref<1x128x64xf32, #tpu.memory_space<hbm>> -> memref<128x64xf32, #tpu.memory_space<hbm>>
    %dma_start3A_952 = arith.constant 0 : i32
    %dma_start3A_953 = arith.constant 0 : i32
    %dma_start3A_954 = tpu.memref_slice %arg4[%select_n3A_947, %dma_start3A_952, %dma_start3A_953] : memref<1600x128x128xf32, #tpu.memory_space<hbm>> -> memref<1x128x64xf32, #tpu.memory_space<hbm>>
    %dma_start3A_955 = tpu.memref_squeeze %dma_start3A_954 : memref<1x128x64xf32, #tpu.memory_space<hbm>> -> memref<128x64xf32, #tpu.memory_space<hbm>>
    tpu.enqueue_dma source(%arg7 : memref<128x64xf32, #tpu.memory_space<vmem>>) target(%dma_start3A_955 : memref<128x64xf32, #tpu.memory_space<hbm>>) target_semaphore(%arg23 : memref<!tpu.dma_semaphore, #tpu.memory_space<semaphore_mem>>)
    %dma_wait3A_956 = arith.constant 0 : i32
    %dma_wait3A_957 = arith.constant 0 : i32
    %dma_wait3A_958 = tpu.memref_slice %arg4[%select_n3A_947, %dma_wait3A_956, %dma_wait3A_957] : memref<1600x128x128xf32, #tpu.memory_space<hbm>> -> memref<1x128x64xf32, #tpu.memory_space<hbm>>
    %dma_wait3A_959 = tpu.memref_squeeze %dma_wait3A_958 : memref<1x128x64xf32, #tpu.memory_space<hbm>> -> memref<128x64xf32, #tpu.memory_space<hbm>>
    %dma_wait3A_960 = arith.constant 0 : i32
    %dma_wait3A_961 = arith.constant 0 : i32
    %dma_wait3A_962 = tpu.memref_slice %arg4[%select_n3A_947, %dma_wait3A_960, %dma_wait3A_961] : memref<1600x128x128xf32, #tpu.memory_space<hbm>> -> memref<1x128x64xf32, #tpu.memory_space<hbm>>
    %dma_wait3A_963 = tpu.memref_squeeze %dma_wait3A_962 : memref<1x128x64xf32, #tpu.memory_space<hbm>> -> memref<128x64xf32, #tpu.memory_space<hbm>>
    tpu.wait_dma2 semaphore(%arg23 : memref<!tpu.dma_semaphore, #tpu.memory_space<semaphore_mem>>) src(%arg7 : memref<128x64xf32, #tpu.memory_space<vmem>>) dst(%dma_wait3A_963 : memref<128x64xf32, #tpu.memory_space<hbm>>)
    %dma_start3A_964 = arith.constant 3200 : i32
    %dma_start3A_965 = tpu.memref_slice %arg5[%dma_start3A_964] : memref<6400xi32, #tpu.memory_space<vmem>> -> memref<128xi32, #tpu.memory_space<vmem>>
    %dma_start3A_966 = arith.constant 0 : i32
    %dma_start3A_967 = arith.constant 0 : i32
    %dma_start3A_968 = tpu.memref_slice %arg3[%dma_start3A_966, %dma_start3A_967] : memref<200000x64xf32, #tpu.memory_space<hbm>> -> memref<200000x64xf32, #tpu.memory_space<hbm>>
    tpu.enqueue_indirect_dma source(%dma_start3A_968 : memref<200000x64xf32, #tpu.memory_space<hbm>>) target(%arg7 : memref<128x64xf32, #tpu.memory_space<vmem>>) offsets(%dma_start3A_965 : memref<128xi32, #tpu.memory_space<vmem>>) semaphore(%arg15 : memref<!tpu.dma_semaphore, #tpu.memory_space<semaphore_mem>>)
    %dma_wait3A_969 = arith.constant 2304 : i32
    %dma_wait3A_970 = tpu.memref_slice %arg5[%dma_wait3A_969] : memref<6400xi32, #tpu.memory_space<vmem>> -> memref<128xi32, #tpu.memory_space<vmem>>
    %dma_wait3A_971 = arith.constant 0 : i32
    %dma_wait3A_972 = arith.constant 0 : i32
    %dma_wait3A_973 = tpu.memref_slice %arg3[%dma_wait3A_971, %dma_wait3A_972] : memref<200000x64xf32, #tpu.memory_space<hbm>> -> memref<200000x64xf32, #tpu.memory_space<hbm>>
    tpu.wait_indirect_dma semaphore(%arg16 : memref<!tpu.dma_semaphore, #tpu.memory_space<semaphore_mem>>) src(%dma_wait3A_973 : memref<200000x64xf32, #tpu.memory_space<hbm>>) dst(%arg8 : memref<128x64xf32, #tpu.memory_space<vmem>>)
    %add3A_974 = arith.constant 2304 : i32
    %add3A_975 = arith.addi %mul3A_2, %add3A_974 : i32
    %jit3A_976 = arith.constant 128 : i32
    %div3A_977 = arith.divsi %add3A_975, %jit3A_976 : i32
    %sign3A_978 = arith.constant 0 : i32
    %sign3A_979 = arith.cmpi sgt, %add3A_975, %sign3A_978 : i32
    %sign3A_980 = arith.extui %sign3A_979 : i1 to i32
    %sign3A_981 = arith.constant 0 : i32
    %sign3A_982 = arith.cmpi slt, %add3A_975, %sign3A_981 : i32
    %sign3A_983 = arith.extui %sign3A_982 : i1 to i32
    %sign3A_984 = arith.subi %sign3A_980, %sign3A_983 : i32
    %sign3A_985 = arith.constant 0 : i32
    %sign3A_986 = arith.cmpi sgt, %jit3A_976, %sign3A_985 : i32
    %sign3A_987 = arith.extui %sign3A_986 : i1 to i32
    %sign3A_988 = arith.constant 0 : i32
    %sign3A_989 = arith.cmpi slt, %jit3A_976, %sign3A_988 : i32
    %sign3A_990 = arith.extui %sign3A_989 : i1 to i32
    %sign3A_991 = arith.subi %sign3A_987, %sign3A_990 : i32
    %ne3A_992 = arith.cmpi ne, %sign3A_984, %sign3A_991 : i32
    %rem3A_993 = arith.remsi %add3A_975, %jit3A_976 : i32
    %ne3A_994 = arith.constant 0 : i32
    %ne3A_995 = arith.cmpi ne, %rem3A_993, %ne3A_994 : i32
    %and3A_996 = arith.andi %ne3A_992, %ne3A_995 : i1
    %sub3A_997 = arith.constant 1 : i32
    %sub3A_998 = arith.subi %div3A_977, %sub3A_997 : i32
    %select_n3A_999 = arith.select %and3A_996, %sub3A_998, %div3A_977 : i32
    %dma_start3A_1000 = arith.constant 0 : i32
    %dma_start3A_1001 = arith.constant 0 : i32
    %dma_start3A_1002 = tpu.memref_slice %arg4[%select_n3A_999, %dma_start3A_1000, %dma_start3A_1001] : memref<1600x128x128xf32, #tpu.memory_space<hbm>> -> memref<1x128x64xf32, #tpu.memory_space<hbm>>
    %dma_start3A_1003 = tpu.memref_squeeze %dma_start3A_1002 : memref<1x128x64xf32, #tpu.memory_space<hbm>> -> memref<128x64xf32, #tpu.memory_space<hbm>>
    %dma_start3A_1004 = arith.constant 0 : i32
    %dma_start3A_1005 = arith.constant 0 : i32
    %dma_start3A_1006 = tpu.memref_slice %arg4[%select_n3A_999, %dma_start3A_1004, %dma_start3A_1005] : memref<1600x128x128xf32, #tpu.memory_space<hbm>> -> memref<1x128x64xf32, #tpu.memory_space<hbm>>
    %dma_start3A_1007 = tpu.memref_squeeze %dma_start3A_1006 : memref<1x128x64xf32, #tpu.memory_space<hbm>> -> memref<128x64xf32, #tpu.memory_space<hbm>>
    tpu.enqueue_dma source(%arg8 : memref<128x64xf32, #tpu.memory_space<vmem>>) target(%dma_start3A_1007 : memref<128x64xf32, #tpu.memory_space<hbm>>) target_semaphore(%arg24 : memref<!tpu.dma_semaphore, #tpu.memory_space<semaphore_mem>>)
    %dma_wait3A_1008 = arith.constant 0 : i32
    %dma_wait3A_1009 = arith.constant 0 : i32
    %dma_wait3A_1010 = tpu.memref_slice %arg4[%select_n3A_999, %dma_wait3A_1008, %dma_wait3A_1009] : memref<1600x128x128xf32, #tpu.memory_space<hbm>> -> memref<1x128x64xf32, #tpu.memory_space<hbm>>
    %dma_wait3A_1011 = tpu.memref_squeeze %dma_wait3A_1010 : memref<1x128x64xf32, #tpu.memory_space<hbm>> -> memref<128x64xf32, #tpu.memory_space<hbm>>
    %dma_wait3A_1012 = arith.constant 0 : i32
    %dma_wait3A_1013 = arith.constant 0 : i32
    %dma_wait3A_1014 = tpu.memref_slice %arg4[%select_n3A_999, %dma_wait3A_1012, %dma_wait3A_1013] : memref<1600x128x128xf32, #tpu.memory_space<hbm>> -> memref<1x128x64xf32, #tpu.memory_space<hbm>>
    %dma_wait3A_1015 = tpu.memref_squeeze %dma_wait3A_1014 : memref<1x128x64xf32, #tpu.memory_space<hbm>> -> memref<128x64xf32, #tpu.memory_space<hbm>>
    tpu.wait_dma2 semaphore(%arg24 : memref<!tpu.dma_semaphore, #tpu.memory_space<semaphore_mem>>) src(%arg8 : memref<128x64xf32, #tpu.memory_space<vmem>>) dst(%dma_wait3A_1015 : memref<128x64xf32, #tpu.memory_space<hbm>>)
    %dma_start3A_1016 = arith.constant 3328 : i32
    %dma_start3A_1017 = tpu.memref_slice %arg5[%dma_start3A_1016] : memref<6400xi32, #tpu.memory_space<vmem>> -> memref<128xi32, #tpu.memory_space<vmem>>
    %dma_start3A_1018 = arith.constant 0 : i32
    %dma_start3A_1019 = arith.constant 0 : i32
    %dma_start3A_1020 = tpu.memref_slice %arg3[%dma_start3A_1018, %dma_start3A_1019] : memref<200000x64xf32, #tpu.memory_space<hbm>> -> memref<200000x64xf32, #tpu.memory_space<hbm>>
    tpu.enqueue_indirect_dma source(%dma_start3A_1020 : memref<200000x64xf32, #tpu.memory_space<hbm>>) target(%arg8 : memref<128x64xf32, #tpu.memory_space<vmem>>) offsets(%dma_start3A_1017 : memref<128xi32, #tpu.memory_space<vmem>>) semaphore(%arg16 : memref<!tpu.dma_semaphore, #tpu.memory_space<semaphore_mem>>)
    %dma_wait3A_1021 = arith.constant 2432 : i32
    %dma_wait3A_1022 = tpu.memref_slice %arg5[%dma_wait3A_1021] : memref<6400xi32, #tpu.memory_space<vmem>> -> memref<128xi32, #tpu.memory_space<vmem>>
    %dma_wait3A_1023 = arith.constant 0 : i32
    %dma_wait3A_1024 = arith.constant 0 : i32
    %dma_wait3A_1025 = tpu.memref_slice %arg3[%dma_wait3A_1023, %dma_wait3A_1024] : memref<200000x64xf32, #tpu.memory_space<hbm>> -> memref<200000x64xf32, #tpu.memory_space<hbm>>
    tpu.wait_indirect_dma semaphore(%arg17 : memref<!tpu.dma_semaphore, #tpu.memory_space<semaphore_mem>>) src(%dma_wait3A_1025 : memref<200000x64xf32, #tpu.memory_space<hbm>>) dst(%arg9 : memref<128x64xf32, #tpu.memory_space<vmem>>)
    %add3A_1026 = arith.constant 2432 : i32
    %add3A_1027 = arith.addi %mul3A_2, %add3A_1026 : i32
    %jit3A_1028 = arith.constant 128 : i32
    %div3A_1029 = arith.divsi %add3A_1027, %jit3A_1028 : i32
    %sign3A_1030 = arith.constant 0 : i32
    %sign3A_1031 = arith.cmpi sgt, %add3A_1027, %sign3A_1030 : i32
    %sign3A_1032 = arith.extui %sign3A_1031 : i1 to i32
    %sign3A_1033 = arith.constant 0 : i32
    %sign3A_1034 = arith.cmpi slt, %add3A_1027, %sign3A_1033 : i32
    %sign3A_1035 = arith.extui %sign3A_1034 : i1 to i32
    %sign3A_1036 = arith.subi %sign3A_1032, %sign3A_1035 : i32
    %sign3A_1037 = arith.constant 0 : i32
    %sign3A_1038 = arith.cmpi sgt, %jit3A_1028, %sign3A_1037 : i32
    %sign3A_1039 = arith.extui %sign3A_1038 : i1 to i32
    %sign3A_1040 = arith.constant 0 : i32
    %sign3A_1041 = arith.cmpi slt, %jit3A_1028, %sign3A_1040 : i32
    %sign3A_1042 = arith.extui %sign3A_1041 : i1 to i32
    %sign3A_1043 = arith.subi %sign3A_1039, %sign3A_1042 : i32
    %ne3A_1044 = arith.cmpi ne, %sign3A_1036, %sign3A_1043 : i32
    %rem3A_1045 = arith.remsi %add3A_1027, %jit3A_1028 : i32
    %ne3A_1046 = arith.constant 0 : i32
    %ne3A_1047 = arith.cmpi ne, %rem3A_1045, %ne3A_1046 : i32
    %and3A_1048 = arith.andi %ne3A_1044, %ne3A_1047 : i1
    %sub3A_1049 = arith.constant 1 : i32
    %sub3A_1050 = arith.subi %div3A_1029, %sub3A_1049 : i32
    %select_n3A_1051 = arith.select %and3A_1048, %sub3A_1050, %div3A_1029 : i32
    %dma_start3A_1052 = arith.constant 0 : i32
    %dma_start3A_1053 = arith.constant 0 : i32
    %dma_start3A_1054 = tpu.memref_slice %arg4[%select_n3A_1051, %dma_start3A_1052, %dma_start3A_1053] : memref<1600x128x128xf32, #tpu.memory_space<hbm>> -> memref<1x128x64xf32, #tpu.memory_space<hbm>>
    %dma_start3A_1055 = tpu.memref_squeeze %dma_start3A_1054 : memref<1x128x64xf32, #tpu.memory_space<hbm>> -> memref<128x64xf32, #tpu.memory_space<hbm>>
    %dma_start3A_1056 = arith.constant 0 : i32
    %dma_start3A_1057 = arith.constant 0 : i32
    %dma_start3A_1058 = tpu.memref_slice %arg4[%select_n3A_1051, %dma_start3A_1056, %dma_start3A_1057] : memref<1600x128x128xf32, #tpu.memory_space<hbm>> -> memref<1x128x64xf32, #tpu.memory_space<hbm>>
    %dma_start3A_1059 = tpu.memref_squeeze %dma_start3A_1058 : memref<1x128x64xf32, #tpu.memory_space<hbm>> -> memref<128x64xf32, #tpu.memory_space<hbm>>
    tpu.enqueue_dma source(%arg9 : memref<128x64xf32, #tpu.memory_space<vmem>>) target(%dma_start3A_1059 : memref<128x64xf32, #tpu.memory_space<hbm>>) target_semaphore(%arg25 : memref<!tpu.dma_semaphore, #tpu.memory_space<semaphore_mem>>)
    %dma_wait3A_1060 = arith.constant 0 : i32
    %dma_wait3A_1061 = arith.constant 0 : i32
    %dma_wait3A_1062 = tpu.memref_slice %arg4[%select_n3A_1051, %dma_wait3A_1060, %dma_wait3A_1061] : memref<1600x128x128xf32, #tpu.memory_space<hbm>> -> memref<1x128x64xf32, #tpu.memory_space<hbm>>
    %dma_wait3A_1063 = tpu.memref_squeeze %dma_wait3A_1062 : memref<1x128x64xf32, #tpu.memory_space<hbm>> -> memref<128x64xf32, #tpu.memory_space<hbm>>
    %dma_wait3A_1064 = arith.constant 0 : i32
    %dma_wait3A_1065 = arith.constant 0 : i32
    %dma_wait3A_1066 = tpu.memref_slice %arg4[%select_n3A_1051, %dma_wait3A_1064, %dma_wait3A_1065] : memref<1600x128x128xf32, #tpu.memory_space<hbm>> -> memref<1x128x64xf32, #tpu.memory_space<hbm>>
    %dma_wait3A_1067 = tpu.memref_squeeze %dma_wait3A_1066 : memref<1x128x64xf32, #tpu.memory_space<hbm>> -> memref<128x64xf32, #tpu.memory_space<hbm>>
    tpu.wait_dma2 semaphore(%arg25 : memref<!tpu.dma_semaphore, #tpu.memory_space<semaphore_mem>>) src(%arg9 : memref<128x64xf32, #tpu.memory_space<vmem>>) dst(%dma_wait3A_1067 : memref<128x64xf32, #tpu.memory_space<hbm>>)
    %dma_start3A_1068 = arith.constant 3456 : i32
    %dma_start3A_1069 = tpu.memref_slice %arg5[%dma_start3A_1068] : memref<6400xi32, #tpu.memory_space<vmem>> -> memref<128xi32, #tpu.memory_space<vmem>>
    %dma_start3A_1070 = arith.constant 0 : i32
    %dma_start3A_1071 = arith.constant 0 : i32
    %dma_start3A_1072 = tpu.memref_slice %arg3[%dma_start3A_1070, %dma_start3A_1071] : memref<200000x64xf32, #tpu.memory_space<hbm>> -> memref<200000x64xf32, #tpu.memory_space<hbm>>
    tpu.enqueue_indirect_dma source(%dma_start3A_1072 : memref<200000x64xf32, #tpu.memory_space<hbm>>) target(%arg9 : memref<128x64xf32, #tpu.memory_space<vmem>>) offsets(%dma_start3A_1069 : memref<128xi32, #tpu.memory_space<vmem>>) semaphore(%arg17 : memref<!tpu.dma_semaphore, #tpu.memory_space<semaphore_mem>>)
    %dma_wait3A_1073 = arith.constant 2560 : i32
    %dma_wait3A_1074 = tpu.memref_slice %arg5[%dma_wait3A_1073] : memref<6400xi32, #tpu.memory_space<vmem>> -> memref<128xi32, #tpu.memory_space<vmem>>
    %dma_wait3A_1075 = arith.constant 0 : i32
    %dma_wait3A_1076 = arith.constant 0 : i32
    %dma_wait3A_1077 = tpu.memref_slice %arg3[%dma_wait3A_1075, %dma_wait3A_1076] : memref<200000x64xf32, #tpu.memory_space<hbm>> -> memref<200000x64xf32, #tpu.memory_space<hbm>>
    tpu.wait_indirect_dma semaphore(%arg18 : memref<!tpu.dma_semaphore, #tpu.memory_space<semaphore_mem>>) src(%dma_wait3A_1077 : memref<200000x64xf32, #tpu.memory_space<hbm>>) dst(%arg10 : memref<128x64xf32, #tpu.memory_space<vmem>>)
    %add3A_1078 = arith.constant 2560 : i32
    %add3A_1079 = arith.addi %mul3A_2, %add3A_1078 : i32
    %jit3A_1080 = arith.constant 128 : i32
    %div3A_1081 = arith.divsi %add3A_1079, %jit3A_1080 : i32
    %sign3A_1082 = arith.constant 0 : i32
    %sign3A_1083 = arith.cmpi sgt, %add3A_1079, %sign3A_1082 : i32
    %sign3A_1084 = arith.extui %sign3A_1083 : i1 to i32
    %sign3A_1085 = arith.constant 0 : i32
    %sign3A_1086 = arith.cmpi slt, %add3A_1079, %sign3A_1085 : i32
    %sign3A_1087 = arith.extui %sign3A_1086 : i1 to i32
    %sign3A_1088 = arith.subi %sign3A_1084, %sign3A_1087 : i32
    %sign3A_1089 = arith.constant 0 : i32
    %sign3A_1090 = arith.cmpi sgt, %jit3A_1080, %sign3A_1089 : i32
    %sign3A_1091 = arith.extui %sign3A_1090 : i1 to i32
    %sign3A_1092 = arith.constant 0 : i32
    %sign3A_1093 = arith.cmpi slt, %jit3A_1080, %sign3A_1092 : i32
    %sign3A_1094 = arith.extui %sign3A_1093 : i1 to i32
    %sign3A_1095 = arith.subi %sign3A_1091, %sign3A_1094 : i32
    %ne3A_1096 = arith.cmpi ne, %sign3A_1088, %sign3A_1095 : i32
    %rem3A_1097 = arith.remsi %add3A_1079, %jit3A_1080 : i32
    %ne3A_1098 = arith.constant 0 : i32
    %ne3A_1099 = arith.cmpi ne, %rem3A_1097, %ne3A_1098 : i32
    %and3A_1100 = arith.andi %ne3A_1096, %ne3A_1099 : i1
    %sub3A_1101 = arith.constant 1 : i32
    %sub3A_1102 = arith.subi %div3A_1081, %sub3A_1101 : i32
    %select_n3A_1103 = arith.select %and3A_1100, %sub3A_1102, %div3A_1081 : i32
    %dma_start3A_1104 = arith.constant 0 : i32
    %dma_start3A_1105 = arith.constant 0 : i32
    %dma_start3A_1106 = tpu.memref_slice %arg4[%select_n3A_1103, %dma_start3A_1104, %dma_start3A_1105] : memref<1600x128x128xf32, #tpu.memory_space<hbm>> -> memref<1x128x64xf32, #tpu.memory_space<hbm>>
    %dma_start3A_1107 = tpu.memref_squeeze %dma_start3A_1106 : memref<1x128x64xf32, #tpu.memory_space<hbm>> -> memref<128x64xf32, #tpu.memory_space<hbm>>
    %dma_start3A_1108 = arith.constant 0 : i32
    %dma_start3A_1109 = arith.constant 0 : i32
    %dma_start3A_1110 = tpu.memref_slice %arg4[%select_n3A_1103, %dma_start3A_1108, %dma_start3A_1109] : memref<1600x128x128xf32, #tpu.memory_space<hbm>> -> memref<1x128x64xf32, #tpu.memory_space<hbm>>
    %dma_start3A_1111 = tpu.memref_squeeze %dma_start3A_1110 : memref<1x128x64xf32, #tpu.memory_space<hbm>> -> memref<128x64xf32, #tpu.memory_space<hbm>>
    tpu.enqueue_dma source(%arg10 : memref<128x64xf32, #tpu.memory_space<vmem>>) target(%dma_start3A_1111 : memref<128x64xf32, #tpu.memory_space<hbm>>) target_semaphore(%arg26 : memref<!tpu.dma_semaphore, #tpu.memory_space<semaphore_mem>>)
    %dma_wait3A_1112 = arith.constant 0 : i32
    %dma_wait3A_1113 = arith.constant 0 : i32
    %dma_wait3A_1114 = tpu.memref_slice %arg4[%select_n3A_1103, %dma_wait3A_1112, %dma_wait3A_1113] : memref<1600x128x128xf32, #tpu.memory_space<hbm>> -> memref<1x128x64xf32, #tpu.memory_space<hbm>>
    %dma_wait3A_1115 = tpu.memref_squeeze %dma_wait3A_1114 : memref<1x128x64xf32, #tpu.memory_space<hbm>> -> memref<128x64xf32, #tpu.memory_space<hbm>>
    %dma_wait3A_1116 = arith.constant 0 : i32
    %dma_wait3A_1117 = arith.constant 0 : i32
    %dma_wait3A_1118 = tpu.memref_slice %arg4[%select_n3A_1103, %dma_wait3A_1116, %dma_wait3A_1117] : memref<1600x128x128xf32, #tpu.memory_space<hbm>> -> memref<1x128x64xf32, #tpu.memory_space<hbm>>
    %dma_wait3A_1119 = tpu.memref_squeeze %dma_wait3A_1118 : memref<1x128x64xf32, #tpu.memory_space<hbm>> -> memref<128x64xf32, #tpu.memory_space<hbm>>
    tpu.wait_dma2 semaphore(%arg26 : memref<!tpu.dma_semaphore, #tpu.memory_space<semaphore_mem>>) src(%arg10 : memref<128x64xf32, #tpu.memory_space<vmem>>) dst(%dma_wait3A_1119 : memref<128x64xf32, #tpu.memory_space<hbm>>)
    %dma_start3A_1120 = arith.constant 3584 : i32
    %dma_start3A_1121 = tpu.memref_slice %arg5[%dma_start3A_1120] : memref<6400xi32, #tpu.memory_space<vmem>> -> memref<128xi32, #tpu.memory_space<vmem>>
    %dma_start3A_1122 = arith.constant 0 : i32
    %dma_start3A_1123 = arith.constant 0 : i32
    %dma_start3A_1124 = tpu.memref_slice %arg3[%dma_start3A_1122, %dma_start3A_1123] : memref<200000x64xf32, #tpu.memory_space<hbm>> -> memref<200000x64xf32, #tpu.memory_space<hbm>>
    tpu.enqueue_indirect_dma source(%dma_start3A_1124 : memref<200000x64xf32, #tpu.memory_space<hbm>>) target(%arg10 : memref<128x64xf32, #tpu.memory_space<vmem>>) offsets(%dma_start3A_1121 : memref<128xi32, #tpu.memory_space<vmem>>) semaphore(%arg18 : memref<!tpu.dma_semaphore, #tpu.memory_space<semaphore_mem>>)
    %dma_wait3A_1125 = arith.constant 2688 : i32
    %dma_wait3A_1126 = tpu.memref_slice %arg5[%dma_wait3A_1125] : memref<6400xi32, #tpu.memory_space<vmem>> -> memref<128xi32, #tpu.memory_space<vmem>>
    %dma_wait3A_1127 = arith.constant 0 : i32
    %dma_wait3A_1128 = arith.constant 0 : i32
    %dma_wait3A_1129 = tpu.memref_slice %arg3[%dma_wait3A_1127, %dma_wait3A_1128] : memref<200000x64xf32, #tpu.memory_space<hbm>> -> memref<200000x64xf32, #tpu.memory_space<hbm>>
    tpu.wait_indirect_dma semaphore(%arg19 : memref<!tpu.dma_semaphore, #tpu.memory_space<semaphore_mem>>) src(%dma_wait3A_1129 : memref<200000x64xf32, #tpu.memory_space<hbm>>) dst(%arg11 : memref<128x64xf32, #tpu.memory_space<vmem>>)
    %add3A_1130 = arith.constant 2688 : i32
    %add3A_1131 = arith.addi %mul3A_2, %add3A_1130 : i32
    %jit3A_1132 = arith.constant 128 : i32
    %div3A_1133 = arith.divsi %add3A_1131, %jit3A_1132 : i32
    %sign3A_1134 = arith.constant 0 : i32
    %sign3A_1135 = arith.cmpi sgt, %add3A_1131, %sign3A_1134 : i32
    %sign3A_1136 = arith.extui %sign3A_1135 : i1 to i32
    %sign3A_1137 = arith.constant 0 : i32
    %sign3A_1138 = arith.cmpi slt, %add3A_1131, %sign3A_1137 : i32
    %sign3A_1139 = arith.extui %sign3A_1138 : i1 to i32
    %sign3A_1140 = arith.subi %sign3A_1136, %sign3A_1139 : i32
    %sign3A_1141 = arith.constant 0 : i32
    %sign3A_1142 = arith.cmpi sgt, %jit3A_1132, %sign3A_1141 : i32
    %sign3A_1143 = arith.extui %sign3A_1142 : i1 to i32
    %sign3A_1144 = arith.constant 0 : i32
    %sign3A_1145 = arith.cmpi slt, %jit3A_1132, %sign3A_1144 : i32
    %sign3A_1146 = arith.extui %sign3A_1145 : i1 to i32
    %sign3A_1147 = arith.subi %sign3A_1143, %sign3A_1146 : i32
    %ne3A_1148 = arith.cmpi ne, %sign3A_1140, %sign3A_1147 : i32
    %rem3A_1149 = arith.remsi %add3A_1131, %jit3A_1132 : i32
    %ne3A_1150 = arith.constant 0 : i32
    %ne3A_1151 = arith.cmpi ne, %rem3A_1149, %ne3A_1150 : i32
    %and3A_1152 = arith.andi %ne3A_1148, %ne3A_1151 : i1
    %sub3A_1153 = arith.constant 1 : i32
    %sub3A_1154 = arith.subi %div3A_1133, %sub3A_1153 : i32
    %select_n3A_1155 = arith.select %and3A_1152, %sub3A_1154, %div3A_1133 : i32
    %dma_start3A_1156 = arith.constant 0 : i32
    %dma_start3A_1157 = arith.constant 0 : i32
    %dma_start3A_1158 = tpu.memref_slice %arg4[%select_n3A_1155, %dma_start3A_1156, %dma_start3A_1157] : memref<1600x128x128xf32, #tpu.memory_space<hbm>> -> memref<1x128x64xf32, #tpu.memory_space<hbm>>
    %dma_start3A_1159 = tpu.memref_squeeze %dma_start3A_1158 : memref<1x128x64xf32, #tpu.memory_space<hbm>> -> memref<128x64xf32, #tpu.memory_space<hbm>>
    %dma_start3A_1160 = arith.constant 0 : i32
    %dma_start3A_1161 = arith.constant 0 : i32
    %dma_start3A_1162 = tpu.memref_slice %arg4[%select_n3A_1155, %dma_start3A_1160, %dma_start3A_1161] : memref<1600x128x128xf32, #tpu.memory_space<hbm>> -> memref<1x128x64xf32, #tpu.memory_space<hbm>>
    %dma_start3A_1163 = tpu.memref_squeeze %dma_start3A_1162 : memref<1x128x64xf32, #tpu.memory_space<hbm>> -> memref<128x64xf32, #tpu.memory_space<hbm>>
    tpu.enqueue_dma source(%arg11 : memref<128x64xf32, #tpu.memory_space<vmem>>) target(%dma_start3A_1163 : memref<128x64xf32, #tpu.memory_space<hbm>>) target_semaphore(%arg27 : memref<!tpu.dma_semaphore, #tpu.memory_space<semaphore_mem>>)
    %dma_wait3A_1164 = arith.constant 0 : i32
    %dma_wait3A_1165 = arith.constant 0 : i32
    %dma_wait3A_1166 = tpu.memref_slice %arg4[%select_n3A_1155, %dma_wait3A_1164, %dma_wait3A_1165] : memref<1600x128x128xf32, #tpu.memory_space<hbm>> -> memref<1x128x64xf32, #tpu.memory_space<hbm>>
    %dma_wait3A_1167 = tpu.memref_squeeze %dma_wait3A_1166 : memref<1x128x64xf32, #tpu.memory_space<hbm>> -> memref<128x64xf32, #tpu.memory_space<hbm>>
    %dma_wait3A_1168 = arith.constant 0 : i32
    %dma_wait3A_1169 = arith.constant 0 : i32
    %dma_wait3A_1170 = tpu.memref_slice %arg4[%select_n3A_1155, %dma_wait3A_1168, %dma_wait3A_1169] : memref<1600x128x128xf32, #tpu.memory_space<hbm>> -> memref<1x128x64xf32, #tpu.memory_space<hbm>>
    %dma_wait3A_1171 = tpu.memref_squeeze %dma_wait3A_1170 : memref<1x128x64xf32, #tpu.memory_space<hbm>> -> memref<128x64xf32, #tpu.memory_space<hbm>>
    tpu.wait_dma2 semaphore(%arg27 : memref<!tpu.dma_semaphore, #tpu.memory_space<semaphore_mem>>) src(%arg11 : memref<128x64xf32, #tpu.memory_space<vmem>>) dst(%dma_wait3A_1171 : memref<128x64xf32, #tpu.memory_space<hbm>>)
    %dma_start3A_1172 = arith.constant 3712 : i32
    %dma_start3A_1173 = tpu.memref_slice %arg5[%dma_start3A_1172] : memref<6400xi32, #tpu.memory_space<vmem>> -> memref<128xi32, #tpu.memory_space<vmem>>
    %dma_start3A_1174 = arith.constant 0 : i32
    %dma_start3A_1175 = arith.constant 0 : i32
    %dma_start3A_1176 = tpu.memref_slice %arg3[%dma_start3A_1174, %dma_start3A_1175] : memref<200000x64xf32, #tpu.memory_space<hbm>> -> memref<200000x64xf32, #tpu.memory_space<hbm>>
    tpu.enqueue_indirect_dma source(%dma_start3A_1176 : memref<200000x64xf32, #tpu.memory_space<hbm>>) target(%arg11 : memref<128x64xf32, #tpu.memory_space<vmem>>) offsets(%dma_start3A_1173 : memref<128xi32, #tpu.memory_space<vmem>>) semaphore(%arg19 : memref<!tpu.dma_semaphore, #tpu.memory_space<semaphore_mem>>)
    %dma_wait3A_1177 = arith.constant 2816 : i32
    %dma_wait3A_1178 = tpu.memref_slice %arg5[%dma_wait3A_1177] : memref<6400xi32, #tpu.memory_space<vmem>> -> memref<128xi32, #tpu.memory_space<vmem>>
    %dma_wait3A_1179 = arith.constant 0 : i32
    %dma_wait3A_1180 = arith.constant 0 : i32
    %dma_wait3A_1181 = tpu.memref_slice %arg3[%dma_wait3A_1179, %dma_wait3A_1180] : memref<200000x64xf32, #tpu.memory_space<hbm>> -> memref<200000x64xf32, #tpu.memory_space<hbm>>
    tpu.wait_indirect_dma semaphore(%arg20 : memref<!tpu.dma_semaphore, #tpu.memory_space<semaphore_mem>>) src(%dma_wait3A_1181 : memref<200000x64xf32, #tpu.memory_space<hbm>>) dst(%arg12 : memref<128x64xf32, #tpu.memory_space<vmem>>)
    %add3A_1182 = arith.constant 2816 : i32
    %add3A_1183 = arith.addi %mul3A_2, %add3A_1182 : i32
    %jit3A_1184 = arith.constant 128 : i32
    %div3A_1185 = arith.divsi %add3A_1183, %jit3A_1184 : i32
    %sign3A_1186 = arith.constant 0 : i32
    %sign3A_1187 = arith.cmpi sgt, %add3A_1183, %sign3A_1186 : i32
    %sign3A_1188 = arith.extui %sign3A_1187 : i1 to i32
    %sign3A_1189 = arith.constant 0 : i32
    %sign3A_1190 = arith.cmpi slt, %add3A_1183, %sign3A_1189 : i32
    %sign3A_1191 = arith.extui %sign3A_1190 : i1 to i32
    %sign3A_1192 = arith.subi %sign3A_1188, %sign3A_1191 : i32
    %sign3A_1193 = arith.constant 0 : i32
    %sign3A_1194 = arith.cmpi sgt, %jit3A_1184, %sign3A_1193 : i32
    %sign3A_1195 = arith.extui %sign3A_1194 : i1 to i32
    %sign3A_1196 = arith.constant 0 : i32
    %sign3A_1197 = arith.cmpi slt, %jit3A_1184, %sign3A_1196 : i32
    %sign3A_1198 = arith.extui %sign3A_1197 : i1 to i32
    %sign3A_1199 = arith.subi %sign3A_1195, %sign3A_1198 : i32
    %ne3A_1200 = arith.cmpi ne, %sign3A_1192, %sign3A_1199 : i32
    %rem3A_1201 = arith.remsi %add3A_1183, %jit3A_1184 : i32
    %ne3A_1202 = arith.constant 0 : i32
    %ne3A_1203 = arith.cmpi ne, %rem3A_1201, %ne3A_1202 : i32
    %and3A_1204 = arith.andi %ne3A_1200, %ne3A_1203 : i1
    %sub3A_1205 = arith.constant 1 : i32
    %sub3A_1206 = arith.subi %div3A_1185, %sub3A_1205 : i32
    %select_n3A_1207 = arith.select %and3A_1204, %sub3A_1206, %div3A_1185 : i32
    %dma_start3A_1208 = arith.constant 0 : i32
    %dma_start3A_1209 = arith.constant 0 : i32
    %dma_start3A_1210 = tpu.memref_slice %arg4[%select_n3A_1207, %dma_start3A_1208, %dma_start3A_1209] : memref<1600x128x128xf32, #tpu.memory_space<hbm>> -> memref<1x128x64xf32, #tpu.memory_space<hbm>>
    %dma_start3A_1211 = tpu.memref_squeeze %dma_start3A_1210 : memref<1x128x64xf32, #tpu.memory_space<hbm>> -> memref<128x64xf32, #tpu.memory_space<hbm>>
    %dma_start3A_1212 = arith.constant 0 : i32
    %dma_start3A_1213 = arith.constant 0 : i32
    %dma_start3A_1214 = tpu.memref_slice %arg4[%select_n3A_1207, %dma_start3A_1212, %dma_start3A_1213] : memref<1600x128x128xf32, #tpu.memory_space<hbm>> -> memref<1x128x64xf32, #tpu.memory_space<hbm>>
    %dma_start3A_1215 = tpu.memref_squeeze %dma_start3A_1214 : memref<1x128x64xf32, #tpu.memory_space<hbm>> -> memref<128x64xf32, #tpu.memory_space<hbm>>
    tpu.enqueue_dma source(%arg12 : memref<128x64xf32, #tpu.memory_space<vmem>>) target(%dma_start3A_1215 : memref<128x64xf32, #tpu.memory_space<hbm>>) target_semaphore(%arg28 : memref<!tpu.dma_semaphore, #tpu.memory_space<semaphore_mem>>)
    %dma_wait3A_1216 = arith.constant 0 : i32
    %dma_wait3A_1217 = arith.constant 0 : i32
    %dma_wait3A_1218 = tpu.memref_slice %arg4[%select_n3A_1207, %dma_wait3A_1216, %dma_wait3A_1217] : memref<1600x128x128xf32, #tpu.memory_space<hbm>> -> memref<1x128x64xf32, #tpu.memory_space<hbm>>
    %dma_wait3A_1219 = tpu.memref_squeeze %dma_wait3A_1218 : memref<1x128x64xf32, #tpu.memory_space<hbm>> -> memref<128x64xf32, #tpu.memory_space<hbm>>
    %dma_wait3A_1220 = arith.constant 0 : i32
    %dma_wait3A_1221 = arith.constant 0 : i32
    %dma_wait3A_1222 = tpu.memref_slice %arg4[%select_n3A_1207, %dma_wait3A_1220, %dma_wait3A_1221] : memref<1600x128x128xf32, #tpu.memory_space<hbm>> -> memref<1x128x64xf32, #tpu.memory_space<hbm>>
    %dma_wait3A_1223 = tpu.memref_squeeze %dma_wait3A_1222 : memref<1x128x64xf32, #tpu.memory_space<hbm>> -> memref<128x64xf32, #tpu.memory_space<hbm>>
    tpu.wait_dma2 semaphore(%arg28 : memref<!tpu.dma_semaphore, #tpu.memory_space<semaphore_mem>>) src(%arg12 : memref<128x64xf32, #tpu.memory_space<vmem>>) dst(%dma_wait3A_1223 : memref<128x64xf32, #tpu.memory_space<hbm>>)
    %dma_start3A_1224 = arith.constant 3840 : i32
    %dma_start3A_1225 = tpu.memref_slice %arg5[%dma_start3A_1224] : memref<6400xi32, #tpu.memory_space<vmem>> -> memref<128xi32, #tpu.memory_space<vmem>>
    %dma_start3A_1226 = arith.constant 0 : i32
    %dma_start3A_1227 = arith.constant 0 : i32
    %dma_start3A_1228 = tpu.memref_slice %arg3[%dma_start3A_1226, %dma_start3A_1227] : memref<200000x64xf32, #tpu.memory_space<hbm>> -> memref<200000x64xf32, #tpu.memory_space<hbm>>
    tpu.enqueue_indirect_dma source(%dma_start3A_1228 : memref<200000x64xf32, #tpu.memory_space<hbm>>) target(%arg12 : memref<128x64xf32, #tpu.memory_space<vmem>>) offsets(%dma_start3A_1225 : memref<128xi32, #tpu.memory_space<vmem>>) semaphore(%arg20 : memref<!tpu.dma_semaphore, #tpu.memory_space<semaphore_mem>>)
    %dma_wait3A_1229 = arith.constant 2944 : i32
    %dma_wait3A_1230 = tpu.memref_slice %arg5[%dma_wait3A_1229] : memref<6400xi32, #tpu.memory_space<vmem>> -> memref<128xi32, #tpu.memory_space<vmem>>
    %dma_wait3A_1231 = arith.constant 0 : i32
    %dma_wait3A_1232 = arith.constant 0 : i32
    %dma_wait3A_1233 = tpu.memref_slice %arg3[%dma_wait3A_1231, %dma_wait3A_1232] : memref<200000x64xf32, #tpu.memory_space<hbm>> -> memref<200000x64xf32, #tpu.memory_space<hbm>>
    tpu.wait_indirect_dma semaphore(%arg21 : memref<!tpu.dma_semaphore, #tpu.memory_space<semaphore_mem>>) src(%dma_wait3A_1233 : memref<200000x64xf32, #tpu.memory_space<hbm>>) dst(%arg13 : memref<128x64xf32, #tpu.memory_space<vmem>>)
    %add3A_1234 = arith.constant 2944 : i32
    %add3A_1235 = arith.addi %mul3A_2, %add3A_1234 : i32
    %jit3A_1236 = arith.constant 128 : i32
    %div3A_1237 = arith.divsi %add3A_1235, %jit3A_1236 : i32
    %sign3A_1238 = arith.constant 0 : i32
    %sign3A_1239 = arith.cmpi sgt, %add3A_1235, %sign3A_1238 : i32
    %sign3A_1240 = arith.extui %sign3A_1239 : i1 to i32
    %sign3A_1241 = arith.constant 0 : i32
    %sign3A_1242 = arith.cmpi slt, %add3A_1235, %sign3A_1241 : i32
    %sign3A_1243 = arith.extui %sign3A_1242 : i1 to i32
    %sign3A_1244 = arith.subi %sign3A_1240, %sign3A_1243 : i32
    %sign3A_1245 = arith.constant 0 : i32
    %sign3A_1246 = arith.cmpi sgt, %jit3A_1236, %sign3A_1245 : i32
    %sign3A_1247 = arith.extui %sign3A_1246 : i1 to i32
    %sign3A_1248 = arith.constant 0 : i32
    %sign3A_1249 = arith.cmpi slt, %jit3A_1236, %sign3A_1248 : i32
    %sign3A_1250 = arith.extui %sign3A_1249 : i1 to i32
    %sign3A_1251 = arith.subi %sign3A_1247, %sign3A_1250 : i32
    %ne3A_1252 = arith.cmpi ne, %sign3A_1244, %sign3A_1251 : i32
    %rem3A_1253 = arith.remsi %add3A_1235, %jit3A_1236 : i32
    %ne3A_1254 = arith.constant 0 : i32
    %ne3A_1255 = arith.cmpi ne, %rem3A_1253, %ne3A_1254 : i32
    %and3A_1256 = arith.andi %ne3A_1252, %ne3A_1255 : i1
    %sub3A_1257 = arith.constant 1 : i32
    %sub3A_1258 = arith.subi %div3A_1237, %sub3A_1257 : i32
    %select_n3A_1259 = arith.select %and3A_1256, %sub3A_1258, %div3A_1237 : i32
    %dma_start3A_1260 = arith.constant 0 : i32
    %dma_start3A_1261 = arith.constant 0 : i32
    %dma_start3A_1262 = tpu.memref_slice %arg4[%select_n3A_1259, %dma_start3A_1260, %dma_start3A_1261] : memref<1600x128x128xf32, #tpu.memory_space<hbm>> -> memref<1x128x64xf32, #tpu.memory_space<hbm>>
    %dma_start3A_1263 = tpu.memref_squeeze %dma_start3A_1262 : memref<1x128x64xf32, #tpu.memory_space<hbm>> -> memref<128x64xf32, #tpu.memory_space<hbm>>
    %dma_start3A_1264 = arith.constant 0 : i32
    %dma_start3A_1265 = arith.constant 0 : i32
    %dma_start3A_1266 = tpu.memref_slice %arg4[%select_n3A_1259, %dma_start3A_1264, %dma_start3A_1265] : memref<1600x128x128xf32, #tpu.memory_space<hbm>> -> memref<1x128x64xf32, #tpu.memory_space<hbm>>
    %dma_start3A_1267 = tpu.memref_squeeze %dma_start3A_1266 : memref<1x128x64xf32, #tpu.memory_space<hbm>> -> memref<128x64xf32, #tpu.memory_space<hbm>>
    tpu.enqueue_dma source(%arg13 : memref<128x64xf32, #tpu.memory_space<vmem>>) target(%dma_start3A_1267 : memref<128x64xf32, #tpu.memory_space<hbm>>) target_semaphore(%arg29 : memref<!tpu.dma_semaphore, #tpu.memory_space<semaphore_mem>>)
    %dma_wait3A_1268 = arith.constant 0 : i32
    %dma_wait3A_1269 = arith.constant 0 : i32
    %dma_wait3A_1270 = tpu.memref_slice %arg4[%select_n3A_1259, %dma_wait3A_1268, %dma_wait3A_1269] : memref<1600x128x128xf32, #tpu.memory_space<hbm>> -> memref<1x128x64xf32, #tpu.memory_space<hbm>>
    %dma_wait3A_1271 = tpu.memref_squeeze %dma_wait3A_1270 : memref<1x128x64xf32, #tpu.memory_space<hbm>> -> memref<128x64xf32, #tpu.memory_space<hbm>>
    %dma_wait3A_1272 = arith.constant 0 : i32
    %dma_wait3A_1273 = arith.constant 0 : i32
    %dma_wait3A_1274 = tpu.memref_slice %arg4[%select_n3A_1259, %dma_wait3A_1272, %dma_wait3A_1273] : memref<1600x128x128xf32, #tpu.memory_space<hbm>> -> memref<1x128x64xf32, #tpu.memory_space<hbm>>
    %dma_wait3A_1275 = tpu.memref_squeeze %dma_wait3A_1274 : memref<1x128x64xf32, #tpu.memory_space<hbm>> -> memref<128x64xf32, #tpu.memory_space<hbm>>
    tpu.wait_dma2 semaphore(%arg29 : memref<!tpu.dma_semaphore, #tpu.memory_space<semaphore_mem>>) src(%arg13 : memref<128x64xf32, #tpu.memory_space<vmem>>) dst(%dma_wait3A_1275 : memref<128x64xf32, #tpu.memory_space<hbm>>)
    %dma_start3A_1276 = arith.constant 3968 : i32
    %dma_start3A_1277 = tpu.memref_slice %arg5[%dma_start3A_1276] : memref<6400xi32, #tpu.memory_space<vmem>> -> memref<128xi32, #tpu.memory_space<vmem>>
    %dma_start3A_1278 = arith.constant 0 : i32
    %dma_start3A_1279 = arith.constant 0 : i32
    %dma_start3A_1280 = tpu.memref_slice %arg3[%dma_start3A_1278, %dma_start3A_1279] : memref<200000x64xf32, #tpu.memory_space<hbm>> -> memref<200000x64xf32, #tpu.memory_space<hbm>>
    tpu.enqueue_indirect_dma source(%dma_start3A_1280 : memref<200000x64xf32, #tpu.memory_space<hbm>>) target(%arg13 : memref<128x64xf32, #tpu.memory_space<vmem>>) offsets(%dma_start3A_1277 : memref<128xi32, #tpu.memory_space<vmem>>) semaphore(%arg21 : memref<!tpu.dma_semaphore, #tpu.memory_space<semaphore_mem>>)
    %dma_wait3A_1281 = arith.constant 3072 : i32
    %dma_wait3A_1282 = tpu.memref_slice %arg5[%dma_wait3A_1281] : memref<6400xi32, #tpu.memory_space<vmem>> -> memref<128xi32, #tpu.memory_space<vmem>>
    %dma_wait3A_1283 = arith.constant 0 : i32
    %dma_wait3A_1284 = arith.constant 0 : i32
    %dma_wait3A_1285 = tpu.memref_slice %arg3[%dma_wait3A_1283, %dma_wait3A_1284] : memref<200000x64xf32, #tpu.memory_space<hbm>> -> memref<200000x64xf32, #tpu.memory_space<hbm>>
    tpu.wait_indirect_dma semaphore(%arg14 : memref<!tpu.dma_semaphore, #tpu.memory_space<semaphore_mem>>) src(%dma_wait3A_1285 : memref<200000x64xf32, #tpu.memory_space<hbm>>) dst(%arg6 : memref<128x64xf32, #tpu.memory_space<vmem>>)
    %add3A_1286 = arith.constant 3072 : i32
    %add3A_1287 = arith.addi %mul3A_2, %add3A_1286 : i32
    %jit3A_1288 = arith.constant 128 : i32
    %div3A_1289 = arith.divsi %add3A_1287, %jit3A_1288 : i32
    %sign3A_1290 = arith.constant 0 : i32
    %sign3A_1291 = arith.cmpi sgt, %add3A_1287, %sign3A_1290 : i32
    %sign3A_1292 = arith.extui %sign3A_1291 : i1 to i32
    %sign3A_1293 = arith.constant 0 : i32
    %sign3A_1294 = arith.cmpi slt, %add3A_1287, %sign3A_1293 : i32
    %sign3A_1295 = arith.extui %sign3A_1294 : i1 to i32
    %sign3A_1296 = arith.subi %sign3A_1292, %sign3A_1295 : i32
    %sign3A_1297 = arith.constant 0 : i32
    %sign3A_1298 = arith.cmpi sgt, %jit3A_1288, %sign3A_1297 : i32
    %sign3A_1299 = arith.extui %sign3A_1298 : i1 to i32
    %sign3A_1300 = arith.constant 0 : i32
    %sign3A_1301 = arith.cmpi slt, %jit3A_1288, %sign3A_1300 : i32
    %sign3A_1302 = arith.extui %sign3A_1301 : i1 to i32
    %sign3A_1303 = arith.subi %sign3A_1299, %sign3A_1302 : i32
    %ne3A_1304 = arith.cmpi ne, %sign3A_1296, %sign3A_1303 : i32
    %rem3A_1305 = arith.remsi %add3A_1287, %jit3A_1288 : i32
    %ne3A_1306 = arith.constant 0 : i32
    %ne3A_1307 = arith.cmpi ne, %rem3A_1305, %ne3A_1306 : i32
    %and3A_1308 = arith.andi %ne3A_1304, %ne3A_1307 : i1
    %sub3A_1309 = arith.constant 1 : i32
    %sub3A_1310 = arith.subi %div3A_1289, %sub3A_1309 : i32
    %select_n3A_1311 = arith.select %and3A_1308, %sub3A_1310, %div3A_1289 : i32
    %dma_start3A_1312 = arith.constant 0 : i32
    %dma_start3A_1313 = arith.constant 0 : i32
    %dma_start3A_1314 = tpu.memref_slice %arg4[%select_n3A_1311, %dma_start3A_1312, %dma_start3A_1313] : memref<1600x128x128xf32, #tpu.memory_space<hbm>> -> memref<1x128x64xf32, #tpu.memory_space<hbm>>
    %dma_start3A_1315 = tpu.memref_squeeze %dma_start3A_1314 : memref<1x128x64xf32, #tpu.memory_space<hbm>> -> memref<128x64xf32, #tpu.memory_space<hbm>>
    %dma_start3A_1316 = arith.constant 0 : i32
    %dma_start3A_1317 = arith.constant 0 : i32
    %dma_start3A_1318 = tpu.memref_slice %arg4[%select_n3A_1311, %dma_start3A_1316, %dma_start3A_1317] : memref<1600x128x128xf32, #tpu.memory_space<hbm>> -> memref<1x128x64xf32, #tpu.memory_space<hbm>>
    %dma_start3A_1319 = tpu.memref_squeeze %dma_start3A_1318 : memref<1x128x64xf32, #tpu.memory_space<hbm>> -> memref<128x64xf32, #tpu.memory_space<hbm>>
    tpu.enqueue_dma source(%arg6 : memref<128x64xf32, #tpu.memory_space<vmem>>) target(%dma_start3A_1319 : memref<128x64xf32, #tpu.memory_space<hbm>>) target_semaphore(%arg22 : memref<!tpu.dma_semaphore, #tpu.memory_space<semaphore_mem>>)
    %dma_wait3A_1320 = arith.constant 0 : i32
    %dma_wait3A_1321 = arith.constant 0 : i32
    %dma_wait3A_1322 = tpu.memref_slice %arg4[%select_n3A_1311, %dma_wait3A_1320, %dma_wait3A_1321] : memref<1600x128x128xf32, #tpu.memory_space<hbm>> -> memref<1x128x64xf32, #tpu.memory_space<hbm>>
    %dma_wait3A_1323 = tpu.memref_squeeze %dma_wait3A_1322 : memref<1x128x64xf32, #tpu.memory_space<hbm>> -> memref<128x64xf32, #tpu.memory_space<hbm>>
    %dma_wait3A_1324 = arith.constant 0 : i32
    %dma_wait3A_1325 = arith.constant 0 : i32
    %dma_wait3A_1326 = tpu.memref_slice %arg4[%select_n3A_1311, %dma_wait3A_1324, %dma_wait3A_1325] : memref<1600x128x128xf32, #tpu.memory_space<hbm>> -> memref<1x128x64xf32, #tpu.memory_space<hbm>>
    %dma_wait3A_1327 = tpu.memref_squeeze %dma_wait3A_1326 : memref<1x128x64xf32, #tpu.memory_space<hbm>> -> memref<128x64xf32, #tpu.memory_space<hbm>>
    tpu.wait_dma2 semaphore(%arg22 : memref<!tpu.dma_semaphore, #tpu.memory_space<semaphore_mem>>) src(%arg6 : memref<128x64xf32, #tpu.memory_space<vmem>>) dst(%dma_wait3A_1327 : memref<128x64xf32, #tpu.memory_space<hbm>>)
    %dma_start3A_1328 = arith.constant 4096 : i32
    %dma_start3A_1329 = tpu.memref_slice %arg5[%dma_start3A_1328] : memref<6400xi32, #tpu.memory_space<vmem>> -> memref<128xi32, #tpu.memory_space<vmem>>
    %dma_start3A_1330 = arith.constant 0 : i32
    %dma_start3A_1331 = arith.constant 0 : i32
    %dma_start3A_1332 = tpu.memref_slice %arg3[%dma_start3A_1330, %dma_start3A_1331] : memref<200000x64xf32, #tpu.memory_space<hbm>> -> memref<200000x64xf32, #tpu.memory_space<hbm>>
    tpu.enqueue_indirect_dma source(%dma_start3A_1332 : memref<200000x64xf32, #tpu.memory_space<hbm>>) target(%arg6 : memref<128x64xf32, #tpu.memory_space<vmem>>) offsets(%dma_start3A_1329 : memref<128xi32, #tpu.memory_space<vmem>>) semaphore(%arg14 : memref<!tpu.dma_semaphore, #tpu.memory_space<semaphore_mem>>)
    %dma_wait3A_1333 = arith.constant 3200 : i32
    %dma_wait3A_1334 = tpu.memref_slice %arg5[%dma_wait3A_1333] : memref<6400xi32, #tpu.memory_space<vmem>> -> memref<128xi32, #tpu.memory_space<vmem>>
    %dma_wait3A_1335 = arith.constant 0 : i32
    %dma_wait3A_1336 = arith.constant 0 : i32
    %dma_wait3A_1337 = tpu.memref_slice %arg3[%dma_wait3A_1335, %dma_wait3A_1336] : memref<200000x64xf32, #tpu.memory_space<hbm>> -> memref<200000x64xf32, #tpu.memory_space<hbm>>
    tpu.wait_indirect_dma semaphore(%arg15 : memref<!tpu.dma_semaphore, #tpu.memory_space<semaphore_mem>>) src(%dma_wait3A_1337 : memref<200000x64xf32, #tpu.memory_space<hbm>>) dst(%arg7 : memref<128x64xf32, #tpu.memory_space<vmem>>)
    %add3A_1338 = arith.constant 3200 : i32
    %add3A_1339 = arith.addi %mul3A_2, %add3A_1338 : i32
    %jit3A_1340 = arith.constant 128 : i32
    %div3A_1341 = arith.divsi %add3A_1339, %jit3A_1340 : i32
    %sign3A_1342 = arith.constant 0 : i32
    %sign3A_1343 = arith.cmpi sgt, %add3A_1339, %sign3A_1342 : i32
    %sign3A_1344 = arith.extui %sign3A_1343 : i1 to i32
    %sign3A_1345 = arith.constant 0 : i32
    %sign3A_1346 = arith.cmpi slt, %add3A_1339, %sign3A_1345 : i32
    %sign3A_1347 = arith.extui %sign3A_1346 : i1 to i32
    %sign3A_1348 = arith.subi %sign3A_1344, %sign3A_1347 : i32
    %sign3A_1349 = arith.constant 0 : i32
    %sign3A_1350 = arith.cmpi sgt, %jit3A_1340, %sign3A_1349 : i32
    %sign3A_1351 = arith.extui %sign3A_1350 : i1 to i32
    %sign3A_1352 = arith.constant 0 : i32
    %sign3A_1353 = arith.cmpi slt, %jit3A_1340, %sign3A_1352 : i32
    %sign3A_1354 = arith.extui %sign3A_1353 : i1 to i32
    %sign3A_1355 = arith.subi %sign3A_1351, %sign3A_1354 : i32
    %ne3A_1356 = arith.cmpi ne, %sign3A_1348, %sign3A_1355 : i32
    %rem3A_1357 = arith.remsi %add3A_1339, %jit3A_1340 : i32
    %ne3A_1358 = arith.constant 0 : i32
    %ne3A_1359 = arith.cmpi ne, %rem3A_1357, %ne3A_1358 : i32
    %and3A_1360 = arith.andi %ne3A_1356, %ne3A_1359 : i1
    %sub3A_1361 = arith.constant 1 : i32
    %sub3A_1362 = arith.subi %div3A_1341, %sub3A_1361 : i32
    %select_n3A_1363 = arith.select %and3A_1360, %sub3A_1362, %div3A_1341 : i32
    %dma_start3A_1364 = arith.constant 0 : i32
    %dma_start3A_1365 = arith.constant 0 : i32
    %dma_start3A_1366 = tpu.memref_slice %arg4[%select_n3A_1363, %dma_start3A_1364, %dma_start3A_1365] : memref<1600x128x128xf32, #tpu.memory_space<hbm>> -> memref<1x128x64xf32, #tpu.memory_space<hbm>>
    %dma_start3A_1367 = tpu.memref_squeeze %dma_start3A_1366 : memref<1x128x64xf32, #tpu.memory_space<hbm>> -> memref<128x64xf32, #tpu.memory_space<hbm>>
    %dma_start3A_1368 = arith.constant 0 : i32
    %dma_start3A_1369 = arith.constant 0 : i32
    %dma_start3A_1370 = tpu.memref_slice %arg4[%select_n3A_1363, %dma_start3A_1368, %dma_start3A_1369] : memref<1600x128x128xf32, #tpu.memory_space<hbm>> -> memref<1x128x64xf32, #tpu.memory_space<hbm>>
    %dma_start3A_1371 = tpu.memref_squeeze %dma_start3A_1370 : memref<1x128x64xf32, #tpu.memory_space<hbm>> -> memref<128x64xf32, #tpu.memory_space<hbm>>
    tpu.enqueue_dma source(%arg7 : memref<128x64xf32, #tpu.memory_space<vmem>>) target(%dma_start3A_1371 : memref<128x64xf32, #tpu.memory_space<hbm>>) target_semaphore(%arg23 : memref<!tpu.dma_semaphore, #tpu.memory_space<semaphore_mem>>)
    %dma_wait3A_1372 = arith.constant 0 : i32
    %dma_wait3A_1373 = arith.constant 0 : i32
    %dma_wait3A_1374 = tpu.memref_slice %arg4[%select_n3A_1363, %dma_wait3A_1372, %dma_wait3A_1373] : memref<1600x128x128xf32, #tpu.memory_space<hbm>> -> memref<1x128x64xf32, #tpu.memory_space<hbm>>
    %dma_wait3A_1375 = tpu.memref_squeeze %dma_wait3A_1374 : memref<1x128x64xf32, #tpu.memory_space<hbm>> -> memref<128x64xf32, #tpu.memory_space<hbm>>
    %dma_wait3A_1376 = arith.constant 0 : i32
    %dma_wait3A_1377 = arith.constant 0 : i32
    %dma_wait3A_1378 = tpu.memref_slice %arg4[%select_n3A_1363, %dma_wait3A_1376, %dma_wait3A_1377] : memref<1600x128x128xf32, #tpu.memory_space<hbm>> -> memref<1x128x64xf32, #tpu.memory_space<hbm>>
    %dma_wait3A_1379 = tpu.memref_squeeze %dma_wait3A_1378 : memref<1x128x64xf32, #tpu.memory_space<hbm>> -> memref<128x64xf32, #tpu.memory_space<hbm>>
    tpu.wait_dma2 semaphore(%arg23 : memref<!tpu.dma_semaphore, #tpu.memory_space<semaphore_mem>>) src(%arg7 : memref<128x64xf32, #tpu.memory_space<vmem>>) dst(%dma_wait3A_1379 : memref<128x64xf32, #tpu.memory_space<hbm>>)
    %dma_start3A_1380 = arith.constant 4224 : i32
    %dma_start3A_1381 = tpu.memref_slice %arg5[%dma_start3A_1380] : memref<6400xi32, #tpu.memory_space<vmem>> -> memref<128xi32, #tpu.memory_space<vmem>>
    %dma_start3A_1382 = arith.constant 0 : i32
    %dma_start3A_1383 = arith.constant 0 : i32
    %dma_start3A_1384 = tpu.memref_slice %arg3[%dma_start3A_1382, %dma_start3A_1383] : memref<200000x64xf32, #tpu.memory_space<hbm>> -> memref<200000x64xf32, #tpu.memory_space<hbm>>
    tpu.enqueue_indirect_dma source(%dma_start3A_1384 : memref<200000x64xf32, #tpu.memory_space<hbm>>) target(%arg7 : memref<128x64xf32, #tpu.memory_space<vmem>>) offsets(%dma_start3A_1381 : memref<128xi32, #tpu.memory_space<vmem>>) semaphore(%arg15 : memref<!tpu.dma_semaphore, #tpu.memory_space<semaphore_mem>>)
    %dma_wait3A_1385 = arith.constant 3328 : i32
    %dma_wait3A_1386 = tpu.memref_slice %arg5[%dma_wait3A_1385] : memref<6400xi32, #tpu.memory_space<vmem>> -> memref<128xi32, #tpu.memory_space<vmem>>
    %dma_wait3A_1387 = arith.constant 0 : i32
    %dma_wait3A_1388 = arith.constant 0 : i32
    %dma_wait3A_1389 = tpu.memref_slice %arg3[%dma_wait3A_1387, %dma_wait3A_1388] : memref<200000x64xf32, #tpu.memory_space<hbm>> -> memref<200000x64xf32, #tpu.memory_space<hbm>>
    tpu.wait_indirect_dma semaphore(%arg16 : memref<!tpu.dma_semaphore, #tpu.memory_space<semaphore_mem>>) src(%dma_wait3A_1389 : memref<200000x64xf32, #tpu.memory_space<hbm>>) dst(%arg8 : memref<128x64xf32, #tpu.memory_space<vmem>>)
    %add3A_1390 = arith.constant 3328 : i32
    %add3A_1391 = arith.addi %mul3A_2, %add3A_1390 : i32
    %jit3A_1392 = arith.constant 128 : i32
    %div3A_1393 = arith.divsi %add3A_1391, %jit3A_1392 : i32
    %sign3A_1394 = arith.constant 0 : i32
    %sign3A_1395 = arith.cmpi sgt, %add3A_1391, %sign3A_1394 : i32
    %sign3A_1396 = arith.extui %sign3A_1395 : i1 to i32
    %sign3A_1397 = arith.constant 0 : i32
    %sign3A_1398 = arith.cmpi slt, %add3A_1391, %sign3A_1397 : i32
    %sign3A_1399 = arith.extui %sign3A_1398 : i1 to i32
    %sign3A_1400 = arith.subi %sign3A_1396, %sign3A_1399 : i32
    %sign3A_1401 = arith.constant 0 : i32
    %sign3A_1402 = arith.cmpi sgt, %jit3A_1392, %sign3A_1401 : i32
    %sign3A_1403 = arith.extui %sign3A_1402 : i1 to i32
    %sign3A_1404 = arith.constant 0 : i32
    %sign3A_1405 = arith.cmpi slt, %jit3A_1392, %sign3A_1404 : i32
    %sign3A_1406 = arith.extui %sign3A_1405 : i1 to i32
    %sign3A_1407 = arith.subi %sign3A_1403, %sign3A_1406 : i32
    %ne3A_1408 = arith.cmpi ne, %sign3A_1400, %sign3A_1407 : i32
    %rem3A_1409 = arith.remsi %add3A_1391, %jit3A_1392 : i32
    %ne3A_1410 = arith.constant 0 : i32
    %ne3A_1411 = arith.cmpi ne, %rem3A_1409, %ne3A_1410 : i32
    %and3A_1412 = arith.andi %ne3A_1408, %ne3A_1411 : i1
    %sub3A_1413 = arith.constant 1 : i32
    %sub3A_1414 = arith.subi %div3A_1393, %sub3A_1413 : i32
    %select_n3A_1415 = arith.select %and3A_1412, %sub3A_1414, %div3A_1393 : i32
    %dma_start3A_1416 = arith.constant 0 : i32
    %dma_start3A_1417 = arith.constant 0 : i32
    %dma_start3A_1418 = tpu.memref_slice %arg4[%select_n3A_1415, %dma_start3A_1416, %dma_start3A_1417] : memref<1600x128x128xf32, #tpu.memory_space<hbm>> -> memref<1x128x64xf32, #tpu.memory_space<hbm>>
    %dma_start3A_1419 = tpu.memref_squeeze %dma_start3A_1418 : memref<1x128x64xf32, #tpu.memory_space<hbm>> -> memref<128x64xf32, #tpu.memory_space<hbm>>
    %dma_start3A_1420 = arith.constant 0 : i32
    %dma_start3A_1421 = arith.constant 0 : i32
    %dma_start3A_1422 = tpu.memref_slice %arg4[%select_n3A_1415, %dma_start3A_1420, %dma_start3A_1421] : memref<1600x128x128xf32, #tpu.memory_space<hbm>> -> memref<1x128x64xf32, #tpu.memory_space<hbm>>
    %dma_start3A_1423 = tpu.memref_squeeze %dma_start3A_1422 : memref<1x128x64xf32, #tpu.memory_space<hbm>> -> memref<128x64xf32, #tpu.memory_space<hbm>>
    tpu.enqueue_dma source(%arg8 : memref<128x64xf32, #tpu.memory_space<vmem>>) target(%dma_start3A_1423 : memref<128x64xf32, #tpu.memory_space<hbm>>) target_semaphore(%arg24 : memref<!tpu.dma_semaphore, #tpu.memory_space<semaphore_mem>>)
    %dma_wait3A_1424 = arith.constant 0 : i32
    %dma_wait3A_1425 = arith.constant 0 : i32
    %dma_wait3A_1426 = tpu.memref_slice %arg4[%select_n3A_1415, %dma_wait3A_1424, %dma_wait3A_1425] : memref<1600x128x128xf32, #tpu.memory_space<hbm>> -> memref<1x128x64xf32, #tpu.memory_space<hbm>>
    %dma_wait3A_1427 = tpu.memref_squeeze %dma_wait3A_1426 : memref<1x128x64xf32, #tpu.memory_space<hbm>> -> memref<128x64xf32, #tpu.memory_space<hbm>>
    %dma_wait3A_1428 = arith.constant 0 : i32
    %dma_wait3A_1429 = arith.constant 0 : i32
    %dma_wait3A_1430 = tpu.memref_slice %arg4[%select_n3A_1415, %dma_wait3A_1428, %dma_wait3A_1429] : memref<1600x128x128xf32, #tpu.memory_space<hbm>> -> memref<1x128x64xf32, #tpu.memory_space<hbm>>
    %dma_wait3A_1431 = tpu.memref_squeeze %dma_wait3A_1430 : memref<1x128x64xf32, #tpu.memory_space<hbm>> -> memref<128x64xf32, #tpu.memory_space<hbm>>
    tpu.wait_dma2 semaphore(%arg24 : memref<!tpu.dma_semaphore, #tpu.memory_space<semaphore_mem>>) src(%arg8 : memref<128x64xf32, #tpu.memory_space<vmem>>) dst(%dma_wait3A_1431 : memref<128x64xf32, #tpu.memory_space<hbm>>)
    %dma_start3A_1432 = arith.constant 4352 : i32
    %dma_start3A_1433 = tpu.memref_slice %arg5[%dma_start3A_1432] : memref<6400xi32, #tpu.memory_space<vmem>> -> memref<128xi32, #tpu.memory_space<vmem>>
    %dma_start3A_1434 = arith.constant 0 : i32
    %dma_start3A_1435 = arith.constant 0 : i32
    %dma_start3A_1436 = tpu.memref_slice %arg3[%dma_start3A_1434, %dma_start3A_1435] : memref<200000x64xf32, #tpu.memory_space<hbm>> -> memref<200000x64xf32, #tpu.memory_space<hbm>>
    tpu.enqueue_indirect_dma source(%dma_start3A_1436 : memref<200000x64xf32, #tpu.memory_space<hbm>>) target(%arg8 : memref<128x64xf32, #tpu.memory_space<vmem>>) offsets(%dma_start3A_1433 : memref<128xi32, #tpu.memory_space<vmem>>) semaphore(%arg16 : memref<!tpu.dma_semaphore, #tpu.memory_space<semaphore_mem>>)
    %dma_wait3A_1437 = arith.constant 3456 : i32
    %dma_wait3A_1438 = tpu.memref_slice %arg5[%dma_wait3A_1437] : memref<6400xi32, #tpu.memory_space<vmem>> -> memref<128xi32, #tpu.memory_space<vmem>>
    %dma_wait3A_1439 = arith.constant 0 : i32
    %dma_wait3A_1440 = arith.constant 0 : i32
    %dma_wait3A_1441 = tpu.memref_slice %arg3[%dma_wait3A_1439, %dma_wait3A_1440] : memref<200000x64xf32, #tpu.memory_space<hbm>> -> memref<200000x64xf32, #tpu.memory_space<hbm>>
    tpu.wait_indirect_dma semaphore(%arg17 : memref<!tpu.dma_semaphore, #tpu.memory_space<semaphore_mem>>) src(%dma_wait3A_1441 : memref<200000x64xf32, #tpu.memory_space<hbm>>) dst(%arg9 : memref<128x64xf32, #tpu.memory_space<vmem>>)
    %add3A_1442 = arith.constant 3456 : i32
    %add3A_1443 = arith.addi %mul3A_2, %add3A_1442 : i32
    %jit3A_1444 = arith.constant 128 : i32
    %div3A_1445 = arith.divsi %add3A_1443, %jit3A_1444 : i32
    %sign3A_1446 = arith.constant 0 : i32
    %sign3A_1447 = arith.cmpi sgt, %add3A_1443, %sign3A_1446 : i32
    %sign3A_1448 = arith.extui %sign3A_1447 : i1 to i32
    %sign3A_1449 = arith.constant 0 : i32
    %sign3A_1450 = arith.cmpi slt, %add3A_1443, %sign3A_1449 : i32
    %sign3A_1451 = arith.extui %sign3A_1450 : i1 to i32
    %sign3A_1452 = arith.subi %sign3A_1448, %sign3A_1451 : i32
    %sign3A_1453 = arith.constant 0 : i32
    %sign3A_1454 = arith.cmpi sgt, %jit3A_1444, %sign3A_1453 : i32
    %sign3A_1455 = arith.extui %sign3A_1454 : i1 to i32
    %sign3A_1456 = arith.constant 0 : i32
    %sign3A_1457 = arith.cmpi slt, %jit3A_1444, %sign3A_1456 : i32
    %sign3A_1458 = arith.extui %sign3A_1457 : i1 to i32
    %sign3A_1459 = arith.subi %sign3A_1455, %sign3A_1458 : i32
    %ne3A_1460 = arith.cmpi ne, %sign3A_1452, %sign3A_1459 : i32
    %rem3A_1461 = arith.remsi %add3A_1443, %jit3A_1444 : i32
    %ne3A_1462 = arith.constant 0 : i32
    %ne3A_1463 = arith.cmpi ne, %rem3A_1461, %ne3A_1462 : i32
    %and3A_1464 = arith.andi %ne3A_1460, %ne3A_1463 : i1
    %sub3A_1465 = arith.constant 1 : i32
    %sub3A_1466 = arith.subi %div3A_1445, %sub3A_1465 : i32
    %select_n3A_1467 = arith.select %and3A_1464, %sub3A_1466, %div3A_1445 : i32
    %dma_start3A_1468 = arith.constant 0 : i32
    %dma_start3A_1469 = arith.constant 0 : i32
    %dma_start3A_1470 = tpu.memref_slice %arg4[%select_n3A_1467, %dma_start3A_1468, %dma_start3A_1469] : memref<1600x128x128xf32, #tpu.memory_space<hbm>> -> memref<1x128x64xf32, #tpu.memory_space<hbm>>
    %dma_start3A_1471 = tpu.memref_squeeze %dma_start3A_1470 : memref<1x128x64xf32, #tpu.memory_space<hbm>> -> memref<128x64xf32, #tpu.memory_space<hbm>>
    %dma_start3A_1472 = arith.constant 0 : i32
    %dma_start3A_1473 = arith.constant 0 : i32
    %dma_start3A_1474 = tpu.memref_slice %arg4[%select_n3A_1467, %dma_start3A_1472, %dma_start3A_1473] : memref<1600x128x128xf32, #tpu.memory_space<hbm>> -> memref<1x128x64xf32, #tpu.memory_space<hbm>>
    %dma_start3A_1475 = tpu.memref_squeeze %dma_start3A_1474 : memref<1x128x64xf32, #tpu.memory_space<hbm>> -> memref<128x64xf32, #tpu.memory_space<hbm>>
    tpu.enqueue_dma source(%arg9 : memref<128x64xf32, #tpu.memory_space<vmem>>) target(%dma_start3A_1475 : memref<128x64xf32, #tpu.memory_space<hbm>>) target_semaphore(%arg25 : memref<!tpu.dma_semaphore, #tpu.memory_space<semaphore_mem>>)
    %dma_wait3A_1476 = arith.constant 0 : i32
    %dma_wait3A_1477 = arith.constant 0 : i32
    %dma_wait3A_1478 = tpu.memref_slice %arg4[%select_n3A_1467, %dma_wait3A_1476, %dma_wait3A_1477] : memref<1600x128x128xf32, #tpu.memory_space<hbm>> -> memref<1x128x64xf32, #tpu.memory_space<hbm>>
    %dma_wait3A_1479 = tpu.memref_squeeze %dma_wait3A_1478 : memref<1x128x64xf32, #tpu.memory_space<hbm>> -> memref<128x64xf32, #tpu.memory_space<hbm>>
    %dma_wait3A_1480 = arith.constant 0 : i32
    %dma_wait3A_1481 = arith.constant 0 : i32
    %dma_wait3A_1482 = tpu.memref_slice %arg4[%select_n3A_1467, %dma_wait3A_1480, %dma_wait3A_1481] : memref<1600x128x128xf32, #tpu.memory_space<hbm>> -> memref<1x128x64xf32, #tpu.memory_space<hbm>>
    %dma_wait3A_1483 = tpu.memref_squeeze %dma_wait3A_1482 : memref<1x128x64xf32, #tpu.memory_space<hbm>> -> memref<128x64xf32, #tpu.memory_space<hbm>>
    tpu.wait_dma2 semaphore(%arg25 : memref<!tpu.dma_semaphore, #tpu.memory_space<semaphore_mem>>) src(%arg9 : memref<128x64xf32, #tpu.memory_space<vmem>>) dst(%dma_wait3A_1483 : memref<128x64xf32, #tpu.memory_space<hbm>>)
    %dma_start3A_1484 = arith.constant 4480 : i32
    %dma_start3A_1485 = tpu.memref_slice %arg5[%dma_start3A_1484] : memref<6400xi32, #tpu.memory_space<vmem>> -> memref<128xi32, #tpu.memory_space<vmem>>
    %dma_start3A_1486 = arith.constant 0 : i32
    %dma_start3A_1487 = arith.constant 0 : i32
    %dma_start3A_1488 = tpu.memref_slice %arg3[%dma_start3A_1486, %dma_start3A_1487] : memref<200000x64xf32, #tpu.memory_space<hbm>> -> memref<200000x64xf32, #tpu.memory_space<hbm>>
    tpu.enqueue_indirect_dma source(%dma_start3A_1488 : memref<200000x64xf32, #tpu.memory_space<hbm>>) target(%arg9 : memref<128x64xf32, #tpu.memory_space<vmem>>) offsets(%dma_start3A_1485 : memref<128xi32, #tpu.memory_space<vmem>>) semaphore(%arg17 : memref<!tpu.dma_semaphore, #tpu.memory_space<semaphore_mem>>)
    %dma_wait3A_1489 = arith.constant 3584 : i32
    %dma_wait3A_1490 = tpu.memref_slice %arg5[%dma_wait3A_1489] : memref<6400xi32, #tpu.memory_space<vmem>> -> memref<128xi32, #tpu.memory_space<vmem>>
    %dma_wait3A_1491 = arith.constant 0 : i32
    %dma_wait3A_1492 = arith.constant 0 : i32
    %dma_wait3A_1493 = tpu.memref_slice %arg3[%dma_wait3A_1491, %dma_wait3A_1492] : memref<200000x64xf32, #tpu.memory_space<hbm>> -> memref<200000x64xf32, #tpu.memory_space<hbm>>
    tpu.wait_indirect_dma semaphore(%arg18 : memref<!tpu.dma_semaphore, #tpu.memory_space<semaphore_mem>>) src(%dma_wait3A_1493 : memref<200000x64xf32, #tpu.memory_space<hbm>>) dst(%arg10 : memref<128x64xf32, #tpu.memory_space<vmem>>)
    %add3A_1494 = arith.constant 3584 : i32
    %add3A_1495 = arith.addi %mul3A_2, %add3A_1494 : i32
    %jit3A_1496 = arith.constant 128 : i32
    %div3A_1497 = arith.divsi %add3A_1495, %jit3A_1496 : i32
    %sign3A_1498 = arith.constant 0 : i32
    %sign3A_1499 = arith.cmpi sgt, %add3A_1495, %sign3A_1498 : i32
    %sign3A_1500 = arith.extui %sign3A_1499 : i1 to i32
    %sign3A_1501 = arith.constant 0 : i32
    %sign3A_1502 = arith.cmpi slt, %add3A_1495, %sign3A_1501 : i32
    %sign3A_1503 = arith.extui %sign3A_1502 : i1 to i32
    %sign3A_1504 = arith.subi %sign3A_1500, %sign3A_1503 : i32
    %sign3A_1505 = arith.constant 0 : i32
    %sign3A_1506 = arith.cmpi sgt, %jit3A_1496, %sign3A_1505 : i32
    %sign3A_1507 = arith.extui %sign3A_1506 : i1 to i32
    %sign3A_1508 = arith.constant 0 : i32
    %sign3A_1509 = arith.cmpi slt, %jit3A_1496, %sign3A_1508 : i32
    %sign3A_1510 = arith.extui %sign3A_1509 : i1 to i32
    %sign3A_1511 = arith.subi %sign3A_1507, %sign3A_1510 : i32
    %ne3A_1512 = arith.cmpi ne, %sign3A_1504, %sign3A_1511 : i32
    %rem3A_1513 = arith.remsi %add3A_1495, %jit3A_1496 : i32
    %ne3A_1514 = arith.constant 0 : i32
    %ne3A_1515 = arith.cmpi ne, %rem3A_1513, %ne3A_1514 : i32
    %and3A_1516 = arith.andi %ne3A_1512, %ne3A_1515 : i1
    %sub3A_1517 = arith.constant 1 : i32
    %sub3A_1518 = arith.subi %div3A_1497, %sub3A_1517 : i32
    %select_n3A_1519 = arith.select %and3A_1516, %sub3A_1518, %div3A_1497 : i32
    %dma_start3A_1520 = arith.constant 0 : i32
    %dma_start3A_1521 = arith.constant 0 : i32
    %dma_start3A_1522 = tpu.memref_slice %arg4[%select_n3A_1519, %dma_start3A_1520, %dma_start3A_1521] : memref<1600x128x128xf32, #tpu.memory_space<hbm>> -> memref<1x128x64xf32, #tpu.memory_space<hbm>>
    %dma_start3A_1523 = tpu.memref_squeeze %dma_start3A_1522 : memref<1x128x64xf32, #tpu.memory_space<hbm>> -> memref<128x64xf32, #tpu.memory_space<hbm>>
    %dma_start3A_1524 = arith.constant 0 : i32
    %dma_start3A_1525 = arith.constant 0 : i32
    %dma_start3A_1526 = tpu.memref_slice %arg4[%select_n3A_1519, %dma_start3A_1524, %dma_start3A_1525] : memref<1600x128x128xf32, #tpu.memory_space<hbm>> -> memref<1x128x64xf32, #tpu.memory_space<hbm>>
    %dma_start3A_1527 = tpu.memref_squeeze %dma_start3A_1526 : memref<1x128x64xf32, #tpu.memory_space<hbm>> -> memref<128x64xf32, #tpu.memory_space<hbm>>
    tpu.enqueue_dma source(%arg10 : memref<128x64xf32, #tpu.memory_space<vmem>>) target(%dma_start3A_1527 : memref<128x64xf32, #tpu.memory_space<hbm>>) target_semaphore(%arg26 : memref<!tpu.dma_semaphore, #tpu.memory_space<semaphore_mem>>)
    %dma_wait3A_1528 = arith.constant 0 : i32
    %dma_wait3A_1529 = arith.constant 0 : i32
    %dma_wait3A_1530 = tpu.memref_slice %arg4[%select_n3A_1519, %dma_wait3A_1528, %dma_wait3A_1529] : memref<1600x128x128xf32, #tpu.memory_space<hbm>> -> memref<1x128x64xf32, #tpu.memory_space<hbm>>
    %dma_wait3A_1531 = tpu.memref_squeeze %dma_wait3A_1530 : memref<1x128x64xf32, #tpu.memory_space<hbm>> -> memref<128x64xf32, #tpu.memory_space<hbm>>
    %dma_wait3A_1532 = arith.constant 0 : i32
    %dma_wait3A_1533 = arith.constant 0 : i32
    %dma_wait3A_1534 = tpu.memref_slice %arg4[%select_n3A_1519, %dma_wait3A_1532, %dma_wait3A_1533] : memref<1600x128x128xf32, #tpu.memory_space<hbm>> -> memref<1x128x64xf32, #tpu.memory_space<hbm>>
    %dma_wait3A_1535 = tpu.memref_squeeze %dma_wait3A_1534 : memref<1x128x64xf32, #tpu.memory_space<hbm>> -> memref<128x64xf32, #tpu.memory_space<hbm>>
    tpu.wait_dma2 semaphore(%arg26 : memref<!tpu.dma_semaphore, #tpu.memory_space<semaphore_mem>>) src(%arg10 : memref<128x64xf32, #tpu.memory_space<vmem>>) dst(%dma_wait3A_1535 : memref<128x64xf32, #tpu.memory_space<hbm>>)
    %dma_start3A_1536 = arith.constant 4608 : i32
    %dma_start3A_1537 = tpu.memref_slice %arg5[%dma_start3A_1536] : memref<6400xi32, #tpu.memory_space<vmem>> -> memref<128xi32, #tpu.memory_space<vmem>>
    %dma_start3A_1538 = arith.constant 0 : i32
    %dma_start3A_1539 = arith.constant 0 : i32
    %dma_start3A_1540 = tpu.memref_slice %arg3[%dma_start3A_1538, %dma_start3A_1539] : memref<200000x64xf32, #tpu.memory_space<hbm>> -> memref<200000x64xf32, #tpu.memory_space<hbm>>
    tpu.enqueue_indirect_dma source(%dma_start3A_1540 : memref<200000x64xf32, #tpu.memory_space<hbm>>) target(%arg10 : memref<128x64xf32, #tpu.memory_space<vmem>>) offsets(%dma_start3A_1537 : memref<128xi32, #tpu.memory_space<vmem>>) semaphore(%arg18 : memref<!tpu.dma_semaphore, #tpu.memory_space<semaphore_mem>>)
    %dma_wait3A_1541 = arith.constant 3712 : i32
    %dma_wait3A_1542 = tpu.memref_slice %arg5[%dma_wait3A_1541] : memref<6400xi32, #tpu.memory_space<vmem>> -> memref<128xi32, #tpu.memory_space<vmem>>
    %dma_wait3A_1543 = arith.constant 0 : i32
    %dma_wait3A_1544 = arith.constant 0 : i32
    %dma_wait3A_1545 = tpu.memref_slice %arg3[%dma_wait3A_1543, %dma_wait3A_1544] : memref<200000x64xf32, #tpu.memory_space<hbm>> -> memref<200000x64xf32, #tpu.memory_space<hbm>>
    tpu.wait_indirect_dma semaphore(%arg19 : memref<!tpu.dma_semaphore, #tpu.memory_space<semaphore_mem>>) src(%dma_wait3A_1545 : memref<200000x64xf32, #tpu.memory_space<hbm>>) dst(%arg11 : memref<128x64xf32, #tpu.memory_space<vmem>>)
    %add3A_1546 = arith.constant 3712 : i32
    %add3A_1547 = arith.addi %mul3A_2, %add3A_1546 : i32
    %jit3A_1548 = arith.constant 128 : i32
    %div3A_1549 = arith.divsi %add3A_1547, %jit3A_1548 : i32
    %sign3A_1550 = arith.constant 0 : i32
    %sign3A_1551 = arith.cmpi sgt, %add3A_1547, %sign3A_1550 : i32
    %sign3A_1552 = arith.extui %sign3A_1551 : i1 to i32
    %sign3A_1553 = arith.constant 0 : i32
    %sign3A_1554 = arith.cmpi slt, %add3A_1547, %sign3A_1553 : i32
    %sign3A_1555 = arith.extui %sign3A_1554 : i1 to i32
    %sign3A_1556 = arith.subi %sign3A_1552, %sign3A_1555 : i32
    %sign3A_1557 = arith.constant 0 : i32
    %sign3A_1558 = arith.cmpi sgt, %jit3A_1548, %sign3A_1557 : i32
    %sign3A_1559 = arith.extui %sign3A_1558 : i1 to i32
    %sign3A_1560 = arith.constant 0 : i32
    %sign3A_1561 = arith.cmpi slt, %jit3A_1548, %sign3A_1560 : i32
    %sign3A_1562 = arith.extui %sign3A_1561 : i1 to i32
    %sign3A_1563 = arith.subi %sign3A_1559, %sign3A_1562 : i32
    %ne3A_1564 = arith.cmpi ne, %sign3A_1556, %sign3A_1563 : i32
    %rem3A_1565 = arith.remsi %add3A_1547, %jit3A_1548 : i32
    %ne3A_1566 = arith.constant 0 : i32
    %ne3A_1567 = arith.cmpi ne, %rem3A_1565, %ne3A_1566 : i32
    %and3A_1568 = arith.andi %ne3A_1564, %ne3A_1567 : i1
    %sub3A_1569 = arith.constant 1 : i32
    %sub3A_1570 = arith.subi %div3A_1549, %sub3A_1569 : i32
    %select_n3A_1571 = arith.select %and3A_1568, %sub3A_1570, %div3A_1549 : i32
    %dma_start3A_1572 = arith.constant 0 : i32
    %dma_start3A_1573 = arith.constant 0 : i32
    %dma_start3A_1574 = tpu.memref_slice %arg4[%select_n3A_1571, %dma_start3A_1572, %dma_start3A_1573] : memref<1600x128x128xf32, #tpu.memory_space<hbm>> -> memref<1x128x64xf32, #tpu.memory_space<hbm>>
    %dma_start3A_1575 = tpu.memref_squeeze %dma_start3A_1574 : memref<1x128x64xf32, #tpu.memory_space<hbm>> -> memref<128x64xf32, #tpu.memory_space<hbm>>
    %dma_start3A_1576 = arith.constant 0 : i32
    %dma_start3A_1577 = arith.constant 0 : i32
    %dma_start3A_1578 = tpu.memref_slice %arg4[%select_n3A_1571, %dma_start3A_1576, %dma_start3A_1577] : memref<1600x128x128xf32, #tpu.memory_space<hbm>> -> memref<1x128x64xf32, #tpu.memory_space<hbm>>
    %dma_start3A_1579 = tpu.memref_squeeze %dma_start3A_1578 : memref<1x128x64xf32, #tpu.memory_space<hbm>> -> memref<128x64xf32, #tpu.memory_space<hbm>>
    tpu.enqueue_dma source(%arg11 : memref<128x64xf32, #tpu.memory_space<vmem>>) target(%dma_start3A_1579 : memref<128x64xf32, #tpu.memory_space<hbm>>) target_semaphore(%arg27 : memref<!tpu.dma_semaphore, #tpu.memory_space<semaphore_mem>>)
    %dma_wait3A_1580 = arith.constant 0 : i32
    %dma_wait3A_1581 = arith.constant 0 : i32
    %dma_wait3A_1582 = tpu.memref_slice %arg4[%select_n3A_1571, %dma_wait3A_1580, %dma_wait3A_1581] : memref<1600x128x128xf32, #tpu.memory_space<hbm>> -> memref<1x128x64xf32, #tpu.memory_space<hbm>>
    %dma_wait3A_1583 = tpu.memref_squeeze %dma_wait3A_1582 : memref<1x128x64xf32, #tpu.memory_space<hbm>> -> memref<128x64xf32, #tpu.memory_space<hbm>>
    %dma_wait3A_1584 = arith.constant 0 : i32
    %dma_wait3A_1585 = arith.constant 0 : i32
    %dma_wait3A_1586 = tpu.memref_slice %arg4[%select_n3A_1571, %dma_wait3A_1584, %dma_wait3A_1585] : memref<1600x128x128xf32, #tpu.memory_space<hbm>> -> memref<1x128x64xf32, #tpu.memory_space<hbm>>
    %dma_wait3A_1587 = tpu.memref_squeeze %dma_wait3A_1586 : memref<1x128x64xf32, #tpu.memory_space<hbm>> -> memref<128x64xf32, #tpu.memory_space<hbm>>
    tpu.wait_dma2 semaphore(%arg27 : memref<!tpu.dma_semaphore, #tpu.memory_space<semaphore_mem>>) src(%arg11 : memref<128x64xf32, #tpu.memory_space<vmem>>) dst(%dma_wait3A_1587 : memref<128x64xf32, #tpu.memory_space<hbm>>)
    %dma_start3A_1588 = arith.constant 4736 : i32
    %dma_start3A_1589 = tpu.memref_slice %arg5[%dma_start3A_1588] : memref<6400xi32, #tpu.memory_space<vmem>> -> memref<128xi32, #tpu.memory_space<vmem>>
    %dma_start3A_1590 = arith.constant 0 : i32
    %dma_start3A_1591 = arith.constant 0 : i32
    %dma_start3A_1592 = tpu.memref_slice %arg3[%dma_start3A_1590, %dma_start3A_1591] : memref<200000x64xf32, #tpu.memory_space<hbm>> -> memref<200000x64xf32, #tpu.memory_space<hbm>>
    tpu.enqueue_indirect_dma source(%dma_start3A_1592 : memref<200000x64xf32, #tpu.memory_space<hbm>>) target(%arg11 : memref<128x64xf32, #tpu.memory_space<vmem>>) offsets(%dma_start3A_1589 : memref<128xi32, #tpu.memory_space<vmem>>) semaphore(%arg19 : memref<!tpu.dma_semaphore, #tpu.memory_space<semaphore_mem>>)
    %dma_wait3A_1593 = arith.constant 3840 : i32
    %dma_wait3A_1594 = tpu.memref_slice %arg5[%dma_wait3A_1593] : memref<6400xi32, #tpu.memory_space<vmem>> -> memref<128xi32, #tpu.memory_space<vmem>>
    %dma_wait3A_1595 = arith.constant 0 : i32
    %dma_wait3A_1596 = arith.constant 0 : i32
    %dma_wait3A_1597 = tpu.memref_slice %arg3[%dma_wait3A_1595, %dma_wait3A_1596] : memref<200000x64xf32, #tpu.memory_space<hbm>> -> memref<200000x64xf32, #tpu.memory_space<hbm>>
    tpu.wait_indirect_dma semaphore(%arg20 : memref<!tpu.dma_semaphore, #tpu.memory_space<semaphore_mem>>) src(%dma_wait3A_1597 : memref<200000x64xf32, #tpu.memory_space<hbm>>) dst(%arg12 : memref<128x64xf32, #tpu.memory_space<vmem>>)
    %add3A_1598 = arith.constant 3840 : i32
    %add3A_1599 = arith.addi %mul3A_2, %add3A_1598 : i32
    %jit3A_1600 = arith.constant 128 : i32
    %div3A_1601 = arith.divsi %add3A_1599, %jit3A_1600 : i32
    %sign3A_1602 = arith.constant 0 : i32
    %sign3A_1603 = arith.cmpi sgt, %add3A_1599, %sign3A_1602 : i32
    %sign3A_1604 = arith.extui %sign3A_1603 : i1 to i32
    %sign3A_1605 = arith.constant 0 : i32
    %sign3A_1606 = arith.cmpi slt, %add3A_1599, %sign3A_1605 : i32
    %sign3A_1607 = arith.extui %sign3A_1606 : i1 to i32
    %sign3A_1608 = arith.subi %sign3A_1604, %sign3A_1607 : i32
    %sign3A_1609 = arith.constant 0 : i32
    %sign3A_1610 = arith.cmpi sgt, %jit3A_1600, %sign3A_1609 : i32
    %sign3A_1611 = arith.extui %sign3A_1610 : i1 to i32
    %sign3A_1612 = arith.constant 0 : i32
    %sign3A_1613 = arith.cmpi slt, %jit3A_1600, %sign3A_1612 : i32
    %sign3A_1614 = arith.extui %sign3A_1613 : i1 to i32
    %sign3A_1615 = arith.subi %sign3A_1611, %sign3A_1614 : i32
    %ne3A_1616 = arith.cmpi ne, %sign3A_1608, %sign3A_1615 : i32
    %rem3A_1617 = arith.remsi %add3A_1599, %jit3A_1600 : i32
    %ne3A_1618 = arith.constant 0 : i32
    %ne3A_1619 = arith.cmpi ne, %rem3A_1617, %ne3A_1618 : i32
    %and3A_1620 = arith.andi %ne3A_1616, %ne3A_1619 : i1
    %sub3A_1621 = arith.constant 1 : i32
    %sub3A_1622 = arith.subi %div3A_1601, %sub3A_1621 : i32
    %select_n3A_1623 = arith.select %and3A_1620, %sub3A_1622, %div3A_1601 : i32
    %dma_start3A_1624 = arith.constant 0 : i32
    %dma_start3A_1625 = arith.constant 0 : i32
    %dma_start3A_1626 = tpu.memref_slice %arg4[%select_n3A_1623, %dma_start3A_1624, %dma_start3A_1625] : memref<1600x128x128xf32, #tpu.memory_space<hbm>> -> memref<1x128x64xf32, #tpu.memory_space<hbm>>
    %dma_start3A_1627 = tpu.memref_squeeze %dma_start3A_1626 : memref<1x128x64xf32, #tpu.memory_space<hbm>> -> memref<128x64xf32, #tpu.memory_space<hbm>>
    %dma_start3A_1628 = arith.constant 0 : i32
    %dma_start3A_1629 = arith.constant 0 : i32
    %dma_start3A_1630 = tpu.memref_slice %arg4[%select_n3A_1623, %dma_start3A_1628, %dma_start3A_1629] : memref<1600x128x128xf32, #tpu.memory_space<hbm>> -> memref<1x128x64xf32, #tpu.memory_space<hbm>>
    %dma_start3A_1631 = tpu.memref_squeeze %dma_start3A_1630 : memref<1x128x64xf32, #tpu.memory_space<hbm>> -> memref<128x64xf32, #tpu.memory_space<hbm>>
    tpu.enqueue_dma source(%arg12 : memref<128x64xf32, #tpu.memory_space<vmem>>) target(%dma_start3A_1631 : memref<128x64xf32, #tpu.memory_space<hbm>>) target_semaphore(%arg28 : memref<!tpu.dma_semaphore, #tpu.memory_space<semaphore_mem>>)
    %dma_wait3A_1632 = arith.constant 0 : i32
    %dma_wait3A_1633 = arith.constant 0 : i32
    %dma_wait3A_1634 = tpu.memref_slice %arg4[%select_n3A_1623, %dma_wait3A_1632, %dma_wait3A_1633] : memref<1600x128x128xf32, #tpu.memory_space<hbm>> -> memref<1x128x64xf32, #tpu.memory_space<hbm>>
    %dma_wait3A_1635 = tpu.memref_squeeze %dma_wait3A_1634 : memref<1x128x64xf32, #tpu.memory_space<hbm>> -> memref<128x64xf32, #tpu.memory_space<hbm>>
    %dma_wait3A_1636 = arith.constant 0 : i32
    %dma_wait3A_1637 = arith.constant 0 : i32
    %dma_wait3A_1638 = tpu.memref_slice %arg4[%select_n3A_1623, %dma_wait3A_1636, %dma_wait3A_1637] : memref<1600x128x128xf32, #tpu.memory_space<hbm>> -> memref<1x128x64xf32, #tpu.memory_space<hbm>>
    %dma_wait3A_1639 = tpu.memref_squeeze %dma_wait3A_1638 : memref<1x128x64xf32, #tpu.memory_space<hbm>> -> memref<128x64xf32, #tpu.memory_space<hbm>>
    tpu.wait_dma2 semaphore(%arg28 : memref<!tpu.dma_semaphore, #tpu.memory_space<semaphore_mem>>) src(%arg12 : memref<128x64xf32, #tpu.memory_space<vmem>>) dst(%dma_wait3A_1639 : memref<128x64xf32, #tpu.memory_space<hbm>>)
    %dma_start3A_1640 = arith.constant 4864 : i32
    %dma_start3A_1641 = tpu.memref_slice %arg5[%dma_start3A_1640] : memref<6400xi32, #tpu.memory_space<vmem>> -> memref<128xi32, #tpu.memory_space<vmem>>
    %dma_start3A_1642 = arith.constant 0 : i32
    %dma_start3A_1643 = arith.constant 0 : i32
    %dma_start3A_1644 = tpu.memref_slice %arg3[%dma_start3A_1642, %dma_start3A_1643] : memref<200000x64xf32, #tpu.memory_space<hbm>> -> memref<200000x64xf32, #tpu.memory_space<hbm>>
    tpu.enqueue_indirect_dma source(%dma_start3A_1644 : memref<200000x64xf32, #tpu.memory_space<hbm>>) target(%arg12 : memref<128x64xf32, #tpu.memory_space<vmem>>) offsets(%dma_start3A_1641 : memref<128xi32, #tpu.memory_space<vmem>>) semaphore(%arg20 : memref<!tpu.dma_semaphore, #tpu.memory_space<semaphore_mem>>)
    %dma_wait3A_1645 = arith.constant 3968 : i32
    %dma_wait3A_1646 = tpu.memref_slice %arg5[%dma_wait3A_1645] : memref<6400xi32, #tpu.memory_space<vmem>> -> memref<128xi32, #tpu.memory_space<vmem>>
    %dma_wait3A_1647 = arith.constant 0 : i32
    %dma_wait3A_1648 = arith.constant 0 : i32
    %dma_wait3A_1649 = tpu.memref_slice %arg3[%dma_wait3A_1647, %dma_wait3A_1648] : memref<200000x64xf32, #tpu.memory_space<hbm>> -> memref<200000x64xf32, #tpu.memory_space<hbm>>
    tpu.wait_indirect_dma semaphore(%arg21 : memref<!tpu.dma_semaphore, #tpu.memory_space<semaphore_mem>>) src(%dma_wait3A_1649 : memref<200000x64xf32, #tpu.memory_space<hbm>>) dst(%arg13 : memref<128x64xf32, #tpu.memory_space<vmem>>)
    %add3A_1650 = arith.constant 3968 : i32
    %add3A_1651 = arith.addi %mul3A_2, %add3A_1650 : i32
    %jit3A_1652 = arith.constant 128 : i32
    %div3A_1653 = arith.divsi %add3A_1651, %jit3A_1652 : i32
    %sign3A_1654 = arith.constant 0 : i32
    %sign3A_1655 = arith.cmpi sgt, %add3A_1651, %sign3A_1654 : i32
    %sign3A_1656 = arith.extui %sign3A_1655 : i1 to i32
    %sign3A_1657 = arith.constant 0 : i32
    %sign3A_1658 = arith.cmpi slt, %add3A_1651, %sign3A_1657 : i32
    %sign3A_1659 = arith.extui %sign3A_1658 : i1 to i32
    %sign3A_1660 = arith.subi %sign3A_1656, %sign3A_1659 : i32
    %sign3A_1661 = arith.constant 0 : i32
    %sign3A_1662 = arith.cmpi sgt, %jit3A_1652, %sign3A_1661 : i32
    %sign3A_1663 = arith.extui %sign3A_1662 : i1 to i32
    %sign3A_1664 = arith.constant 0 : i32
    %sign3A_1665 = arith.cmpi slt, %jit3A_1652, %sign3A_1664 : i32
    %sign3A_1666 = arith.extui %sign3A_1665 : i1 to i32
    %sign3A_1667 = arith.subi %sign3A_1663, %sign3A_1666 : i32
    %ne3A_1668 = arith.cmpi ne, %sign3A_1660, %sign3A_1667 : i32
    %rem3A_1669 = arith.remsi %add3A_1651, %jit3A_1652 : i32
    %ne3A_1670 = arith.constant 0 : i32
    %ne3A_1671 = arith.cmpi ne, %rem3A_1669, %ne3A_1670 : i32
    %and3A_1672 = arith.andi %ne3A_1668, %ne3A_1671 : i1
    %sub3A_1673 = arith.constant 1 : i32
    %sub3A_1674 = arith.subi %div3A_1653, %sub3A_1673 : i32
    %select_n3A_1675 = arith.select %and3A_1672, %sub3A_1674, %div3A_1653 : i32
    %dma_start3A_1676 = arith.constant 0 : i32
    %dma_start3A_1677 = arith.constant 0 : i32
    %dma_start3A_1678 = tpu.memref_slice %arg4[%select_n3A_1675, %dma_start3A_1676, %dma_start3A_1677] : memref<1600x128x128xf32, #tpu.memory_space<hbm>> -> memref<1x128x64xf32, #tpu.memory_space<hbm>>
    %dma_start3A_1679 = tpu.memref_squeeze %dma_start3A_1678 : memref<1x128x64xf32, #tpu.memory_space<hbm>> -> memref<128x64xf32, #tpu.memory_space<hbm>>
    %dma_start3A_1680 = arith.constant 0 : i32
    %dma_start3A_1681 = arith.constant 0 : i32
    %dma_start3A_1682 = tpu.memref_slice %arg4[%select_n3A_1675, %dma_start3A_1680, %dma_start3A_1681] : memref<1600x128x128xf32, #tpu.memory_space<hbm>> -> memref<1x128x64xf32, #tpu.memory_space<hbm>>
    %dma_start3A_1683 = tpu.memref_squeeze %dma_start3A_1682 : memref<1x128x64xf32, #tpu.memory_space<hbm>> -> memref<128x64xf32, #tpu.memory_space<hbm>>
    tpu.enqueue_dma source(%arg13 : memref<128x64xf32, #tpu.memory_space<vmem>>) target(%dma_start3A_1683 : memref<128x64xf32, #tpu.memory_space<hbm>>) target_semaphore(%arg29 : memref<!tpu.dma_semaphore, #tpu.memory_space<semaphore_mem>>)
    %dma_wait3A_1684 = arith.constant 0 : i32
    %dma_wait3A_1685 = arith.constant 0 : i32
    %dma_wait3A_1686 = tpu.memref_slice %arg4[%select_n3A_1675, %dma_wait3A_1684, %dma_wait3A_1685] : memref<1600x128x128xf32, #tpu.memory_space<hbm>> -> memref<1x128x64xf32, #tpu.memory_space<hbm>>
    %dma_wait3A_1687 = tpu.memref_squeeze %dma_wait3A_1686 : memref<1x128x64xf32, #tpu.memory_space<hbm>> -> memref<128x64xf32, #tpu.memory_space<hbm>>
    %dma_wait3A_1688 = arith.constant 0 : i32
    %dma_wait3A_1689 = arith.constant 0 : i32
    %dma_wait3A_1690 = tpu.memref_slice %arg4[%select_n3A_1675, %dma_wait3A_1688, %dma_wait3A_1689] : memref<1600x128x128xf32, #tpu.memory_space<hbm>> -> memref<1x128x64xf32, #tpu.memory_space<hbm>>
    %dma_wait3A_1691 = tpu.memref_squeeze %dma_wait3A_1690 : memref<1x128x64xf32, #tpu.memory_space<hbm>> -> memref<128x64xf32, #tpu.memory_space<hbm>>
    tpu.wait_dma2 semaphore(%arg29 : memref<!tpu.dma_semaphore, #tpu.memory_space<semaphore_mem>>) src(%arg13 : memref<128x64xf32, #tpu.memory_space<vmem>>) dst(%dma_wait3A_1691 : memref<128x64xf32, #tpu.memory_space<hbm>>)
    %dma_start3A_1692 = arith.constant 4992 : i32
    %dma_start3A_1693 = tpu.memref_slice %arg5[%dma_start3A_1692] : memref<6400xi32, #tpu.memory_space<vmem>> -> memref<128xi32, #tpu.memory_space<vmem>>
    %dma_start3A_1694 = arith.constant 0 : i32
    %dma_start3A_1695 = arith.constant 0 : i32
    %dma_start3A_1696 = tpu.memref_slice %arg3[%dma_start3A_1694, %dma_start3A_1695] : memref<200000x64xf32, #tpu.memory_space<hbm>> -> memref<200000x64xf32, #tpu.memory_space<hbm>>
    tpu.enqueue_indirect_dma source(%dma_start3A_1696 : memref<200000x64xf32, #tpu.memory_space<hbm>>) target(%arg13 : memref<128x64xf32, #tpu.memory_space<vmem>>) offsets(%dma_start3A_1693 : memref<128xi32, #tpu.memory_space<vmem>>) semaphore(%arg21 : memref<!tpu.dma_semaphore, #tpu.memory_space<semaphore_mem>>)
    %dma_wait3A_1697 = arith.constant 4096 : i32
    %dma_wait3A_1698 = tpu.memref_slice %arg5[%dma_wait3A_1697] : memref<6400xi32, #tpu.memory_space<vmem>> -> memref<128xi32, #tpu.memory_space<vmem>>
    %dma_wait3A_1699 = arith.constant 0 : i32
    %dma_wait3A_1700 = arith.constant 0 : i32
    %dma_wait3A_1701 = tpu.memref_slice %arg3[%dma_wait3A_1699, %dma_wait3A_1700] : memref<200000x64xf32, #tpu.memory_space<hbm>> -> memref<200000x64xf32, #tpu.memory_space<hbm>>
    tpu.wait_indirect_dma semaphore(%arg14 : memref<!tpu.dma_semaphore, #tpu.memory_space<semaphore_mem>>) src(%dma_wait3A_1701 : memref<200000x64xf32, #tpu.memory_space<hbm>>) dst(%arg6 : memref<128x64xf32, #tpu.memory_space<vmem>>)
    %add3A_1702 = arith.constant 4096 : i32
    %add3A_1703 = arith.addi %mul3A_2, %add3A_1702 : i32
    %jit3A_1704 = arith.constant 128 : i32
    %div3A_1705 = arith.divsi %add3A_1703, %jit3A_1704 : i32
    %sign3A_1706 = arith.constant 0 : i32
    %sign3A_1707 = arith.cmpi sgt, %add3A_1703, %sign3A_1706 : i32
    %sign3A_1708 = arith.extui %sign3A_1707 : i1 to i32
    %sign3A_1709 = arith.constant 0 : i32
    %sign3A_1710 = arith.cmpi slt, %add3A_1703, %sign3A_1709 : i32
    %sign3A_1711 = arith.extui %sign3A_1710 : i1 to i32
    %sign3A_1712 = arith.subi %sign3A_1708, %sign3A_1711 : i32
    %sign3A_1713 = arith.constant 0 : i32
    %sign3A_1714 = arith.cmpi sgt, %jit3A_1704, %sign3A_1713 : i32
    %sign3A_1715 = arith.extui %sign3A_1714 : i1 to i32
    %sign3A_1716 = arith.constant 0 : i32
    %sign3A_1717 = arith.cmpi slt, %jit3A_1704, %sign3A_1716 : i32
    %sign3A_1718 = arith.extui %sign3A_1717 : i1 to i32
    %sign3A_1719 = arith.subi %sign3A_1715, %sign3A_1718 : i32
    %ne3A_1720 = arith.cmpi ne, %sign3A_1712, %sign3A_1719 : i32
    %rem3A_1721 = arith.remsi %add3A_1703, %jit3A_1704 : i32
    %ne3A_1722 = arith.constant 0 : i32
    %ne3A_1723 = arith.cmpi ne, %rem3A_1721, %ne3A_1722 : i32
    %and3A_1724 = arith.andi %ne3A_1720, %ne3A_1723 : i1
    %sub3A_1725 = arith.constant 1 : i32
    %sub3A_1726 = arith.subi %div3A_1705, %sub3A_1725 : i32
    %select_n3A_1727 = arith.select %and3A_1724, %sub3A_1726, %div3A_1705 : i32
    %dma_start3A_1728 = arith.constant 0 : i32
    %dma_start3A_1729 = arith.constant 0 : i32
    %dma_start3A_1730 = tpu.memref_slice %arg4[%select_n3A_1727, %dma_start3A_1728, %dma_start3A_1729] : memref<1600x128x128xf32, #tpu.memory_space<hbm>> -> memref<1x128x64xf32, #tpu.memory_space<hbm>>
    %dma_start3A_1731 = tpu.memref_squeeze %dma_start3A_1730 : memref<1x128x64xf32, #tpu.memory_space<hbm>> -> memref<128x64xf32, #tpu.memory_space<hbm>>
    %dma_start3A_1732 = arith.constant 0 : i32
    %dma_start3A_1733 = arith.constant 0 : i32
    %dma_start3A_1734 = tpu.memref_slice %arg4[%select_n3A_1727, %dma_start3A_1732, %dma_start3A_1733] : memref<1600x128x128xf32, #tpu.memory_space<hbm>> -> memref<1x128x64xf32, #tpu.memory_space<hbm>>
    %dma_start3A_1735 = tpu.memref_squeeze %dma_start3A_1734 : memref<1x128x64xf32, #tpu.memory_space<hbm>> -> memref<128x64xf32, #tpu.memory_space<hbm>>
    tpu.enqueue_dma source(%arg6 : memref<128x64xf32, #tpu.memory_space<vmem>>) target(%dma_start3A_1735 : memref<128x64xf32, #tpu.memory_space<hbm>>) target_semaphore(%arg22 : memref<!tpu.dma_semaphore, #tpu.memory_space<semaphore_mem>>)
    %dma_wait3A_1736 = arith.constant 0 : i32
    %dma_wait3A_1737 = arith.constant 0 : i32
    %dma_wait3A_1738 = tpu.memref_slice %arg4[%select_n3A_1727, %dma_wait3A_1736, %dma_wait3A_1737] : memref<1600x128x128xf32, #tpu.memory_space<hbm>> -> memref<1x128x64xf32, #tpu.memory_space<hbm>>
    %dma_wait3A_1739 = tpu.memref_squeeze %dma_wait3A_1738 : memref<1x128x64xf32, #tpu.memory_space<hbm>> -> memref<128x64xf32, #tpu.memory_space<hbm>>
    %dma_wait3A_1740 = arith.constant 0 : i32
    %dma_wait3A_1741 = arith.constant 0 : i32
    %dma_wait3A_1742 = tpu.memref_slice %arg4[%select_n3A_1727, %dma_wait3A_1740, %dma_wait3A_1741] : memref<1600x128x128xf32, #tpu.memory_space<hbm>> -> memref<1x128x64xf32, #tpu.memory_space<hbm>>
    %dma_wait3A_1743 = tpu.memref_squeeze %dma_wait3A_1742 : memref<1x128x64xf32, #tpu.memory_space<hbm>> -> memref<128x64xf32, #tpu.memory_space<hbm>>
    tpu.wait_dma2 semaphore(%arg22 : memref<!tpu.dma_semaphore, #tpu.memory_space<semaphore_mem>>) src(%arg6 : memref<128x64xf32, #tpu.memory_space<vmem>>) dst(%dma_wait3A_1743 : memref<128x64xf32, #tpu.memory_space<hbm>>)
    %dma_start3A_1744 = arith.constant 5120 : i32
    %dma_start3A_1745 = tpu.memref_slice %arg5[%dma_start3A_1744] : memref<6400xi32, #tpu.memory_space<vmem>> -> memref<128xi32, #tpu.memory_space<vmem>>
    %dma_start3A_1746 = arith.constant 0 : i32
    %dma_start3A_1747 = arith.constant 0 : i32
    %dma_start3A_1748 = tpu.memref_slice %arg3[%dma_start3A_1746, %dma_start3A_1747] : memref<200000x64xf32, #tpu.memory_space<hbm>> -> memref<200000x64xf32, #tpu.memory_space<hbm>>
    tpu.enqueue_indirect_dma source(%dma_start3A_1748 : memref<200000x64xf32, #tpu.memory_space<hbm>>) target(%arg6 : memref<128x64xf32, #tpu.memory_space<vmem>>) offsets(%dma_start3A_1745 : memref<128xi32, #tpu.memory_space<vmem>>) semaphore(%arg14 : memref<!tpu.dma_semaphore, #tpu.memory_space<semaphore_mem>>)
    %dma_wait3A_1749 = arith.constant 4224 : i32
    %dma_wait3A_1750 = tpu.memref_slice %arg5[%dma_wait3A_1749] : memref<6400xi32, #tpu.memory_space<vmem>> -> memref<128xi32, #tpu.memory_space<vmem>>
    %dma_wait3A_1751 = arith.constant 0 : i32
    %dma_wait3A_1752 = arith.constant 0 : i32
    %dma_wait3A_1753 = tpu.memref_slice %arg3[%dma_wait3A_1751, %dma_wait3A_1752] : memref<200000x64xf32, #tpu.memory_space<hbm>> -> memref<200000x64xf32, #tpu.memory_space<hbm>>
    tpu.wait_indirect_dma semaphore(%arg15 : memref<!tpu.dma_semaphore, #tpu.memory_space<semaphore_mem>>) src(%dma_wait3A_1753 : memref<200000x64xf32, #tpu.memory_space<hbm>>) dst(%arg7 : memref<128x64xf32, #tpu.memory_space<vmem>>)
    %add3A_1754 = arith.constant 4224 : i32
    %add3A_1755 = arith.addi %mul3A_2, %add3A_1754 : i32
    %jit3A_1756 = arith.constant 128 : i32
    %div3A_1757 = arith.divsi %add3A_1755, %jit3A_1756 : i32
    %sign3A_1758 = arith.constant 0 : i32
    %sign3A_1759 = arith.cmpi sgt, %add3A_1755, %sign3A_1758 : i32
    %sign3A_1760 = arith.extui %sign3A_1759 : i1 to i32
    %sign3A_1761 = arith.constant 0 : i32
    %sign3A_1762 = arith.cmpi slt, %add3A_1755, %sign3A_1761 : i32
    %sign3A_1763 = arith.extui %sign3A_1762 : i1 to i32
    %sign3A_1764 = arith.subi %sign3A_1760, %sign3A_1763 : i32
    %sign3A_1765 = arith.constant 0 : i32
    %sign3A_1766 = arith.cmpi sgt, %jit3A_1756, %sign3A_1765 : i32
    %sign3A_1767 = arith.extui %sign3A_1766 : i1 to i32
    %sign3A_1768 = arith.constant 0 : i32
    %sign3A_1769 = arith.cmpi slt, %jit3A_1756, %sign3A_1768 : i32
    %sign3A_1770 = arith.extui %sign3A_1769 : i1 to i32
    %sign3A_1771 = arith.subi %sign3A_1767, %sign3A_1770 : i32
    %ne3A_1772 = arith.cmpi ne, %sign3A_1764, %sign3A_1771 : i32
    %rem3A_1773 = arith.remsi %add3A_1755, %jit3A_1756 : i32
    %ne3A_1774 = arith.constant 0 : i32
    %ne3A_1775 = arith.cmpi ne, %rem3A_1773, %ne3A_1774 : i32
    %and3A_1776 = arith.andi %ne3A_1772, %ne3A_1775 : i1
    %sub3A_1777 = arith.constant 1 : i32
    %sub3A_1778 = arith.subi %div3A_1757, %sub3A_1777 : i32
    %select_n3A_1779 = arith.select %and3A_1776, %sub3A_1778, %div3A_1757 : i32
    %dma_start3A_1780 = arith.constant 0 : i32
    %dma_start3A_1781 = arith.constant 0 : i32
    %dma_start3A_1782 = tpu.memref_slice %arg4[%select_n3A_1779, %dma_start3A_1780, %dma_start3A_1781] : memref<1600x128x128xf32, #tpu.memory_space<hbm>> -> memref<1x128x64xf32, #tpu.memory_space<hbm>>
    %dma_start3A_1783 = tpu.memref_squeeze %dma_start3A_1782 : memref<1x128x64xf32, #tpu.memory_space<hbm>> -> memref<128x64xf32, #tpu.memory_space<hbm>>
    %dma_start3A_1784 = arith.constant 0 : i32
    %dma_start3A_1785 = arith.constant 0 : i32
    %dma_start3A_1786 = tpu.memref_slice %arg4[%select_n3A_1779, %dma_start3A_1784, %dma_start3A_1785] : memref<1600x128x128xf32, #tpu.memory_space<hbm>> -> memref<1x128x64xf32, #tpu.memory_space<hbm>>
    %dma_start3A_1787 = tpu.memref_squeeze %dma_start3A_1786 : memref<1x128x64xf32, #tpu.memory_space<hbm>> -> memref<128x64xf32, #tpu.memory_space<hbm>>
    tpu.enqueue_dma source(%arg7 : memref<128x64xf32, #tpu.memory_space<vmem>>) target(%dma_start3A_1787 : memref<128x64xf32, #tpu.memory_space<hbm>>) target_semaphore(%arg23 : memref<!tpu.dma_semaphore, #tpu.memory_space<semaphore_mem>>)
    %dma_wait3A_1788 = arith.constant 0 : i32
    %dma_wait3A_1789 = arith.constant 0 : i32
    %dma_wait3A_1790 = tpu.memref_slice %arg4[%select_n3A_1779, %dma_wait3A_1788, %dma_wait3A_1789] : memref<1600x128x128xf32, #tpu.memory_space<hbm>> -> memref<1x128x64xf32, #tpu.memory_space<hbm>>
    %dma_wait3A_1791 = tpu.memref_squeeze %dma_wait3A_1790 : memref<1x128x64xf32, #tpu.memory_space<hbm>> -> memref<128x64xf32, #tpu.memory_space<hbm>>
    %dma_wait3A_1792 = arith.constant 0 : i32
    %dma_wait3A_1793 = arith.constant 0 : i32
    %dma_wait3A_1794 = tpu.memref_slice %arg4[%select_n3A_1779, %dma_wait3A_1792, %dma_wait3A_1793] : memref<1600x128x128xf32, #tpu.memory_space<hbm>> -> memref<1x128x64xf32, #tpu.memory_space<hbm>>
    %dma_wait3A_1795 = tpu.memref_squeeze %dma_wait3A_1794 : memref<1x128x64xf32, #tpu.memory_space<hbm>> -> memref<128x64xf32, #tpu.memory_space<hbm>>
    tpu.wait_dma2 semaphore(%arg23 : memref<!tpu.dma_semaphore, #tpu.memory_space<semaphore_mem>>) src(%arg7 : memref<128x64xf32, #tpu.memory_space<vmem>>) dst(%dma_wait3A_1795 : memref<128x64xf32, #tpu.memory_space<hbm>>)
    %dma_start3A_1796 = arith.constant 5248 : i32
    %dma_start3A_1797 = tpu.memref_slice %arg5[%dma_start3A_1796] : memref<6400xi32, #tpu.memory_space<vmem>> -> memref<128xi32, #tpu.memory_space<vmem>>
    %dma_start3A_1798 = arith.constant 0 : i32
    %dma_start3A_1799 = arith.constant 0 : i32
    %dma_start3A_1800 = tpu.memref_slice %arg3[%dma_start3A_1798, %dma_start3A_1799] : memref<200000x64xf32, #tpu.memory_space<hbm>> -> memref<200000x64xf32, #tpu.memory_space<hbm>>
    tpu.enqueue_indirect_dma source(%dma_start3A_1800 : memref<200000x64xf32, #tpu.memory_space<hbm>>) target(%arg7 : memref<128x64xf32, #tpu.memory_space<vmem>>) offsets(%dma_start3A_1797 : memref<128xi32, #tpu.memory_space<vmem>>) semaphore(%arg15 : memref<!tpu.dma_semaphore, #tpu.memory_space<semaphore_mem>>)
    %dma_wait3A_1801 = arith.constant 4352 : i32
    %dma_wait3A_1802 = tpu.memref_slice %arg5[%dma_wait3A_1801] : memref<6400xi32, #tpu.memory_space<vmem>> -> memref<128xi32, #tpu.memory_space<vmem>>
    %dma_wait3A_1803 = arith.constant 0 : i32
    %dma_wait3A_1804 = arith.constant 0 : i32
    %dma_wait3A_1805 = tpu.memref_slice %arg3[%dma_wait3A_1803, %dma_wait3A_1804] : memref<200000x64xf32, #tpu.memory_space<hbm>> -> memref<200000x64xf32, #tpu.memory_space<hbm>>
    tpu.wait_indirect_dma semaphore(%arg16 : memref<!tpu.dma_semaphore, #tpu.memory_space<semaphore_mem>>) src(%dma_wait3A_1805 : memref<200000x64xf32, #tpu.memory_space<hbm>>) dst(%arg8 : memref<128x64xf32, #tpu.memory_space<vmem>>)
    %add3A_1806 = arith.constant 4352 : i32
    %add3A_1807 = arith.addi %mul3A_2, %add3A_1806 : i32
    %jit3A_1808 = arith.constant 128 : i32
    %div3A_1809 = arith.divsi %add3A_1807, %jit3A_1808 : i32
    %sign3A_1810 = arith.constant 0 : i32
    %sign3A_1811 = arith.cmpi sgt, %add3A_1807, %sign3A_1810 : i32
    %sign3A_1812 = arith.extui %sign3A_1811 : i1 to i32
    %sign3A_1813 = arith.constant 0 : i32
    %sign3A_1814 = arith.cmpi slt, %add3A_1807, %sign3A_1813 : i32
    %sign3A_1815 = arith.extui %sign3A_1814 : i1 to i32
    %sign3A_1816 = arith.subi %sign3A_1812, %sign3A_1815 : i32
    %sign3A_1817 = arith.constant 0 : i32
    %sign3A_1818 = arith.cmpi sgt, %jit3A_1808, %sign3A_1817 : i32
    %sign3A_1819 = arith.extui %sign3A_1818 : i1 to i32
    %sign3A_1820 = arith.constant 0 : i32
    %sign3A_1821 = arith.cmpi slt, %jit3A_1808, %sign3A_1820 : i32
    %sign3A_1822 = arith.extui %sign3A_1821 : i1 to i32
    %sign3A_1823 = arith.subi %sign3A_1819, %sign3A_1822 : i32
    %ne3A_1824 = arith.cmpi ne, %sign3A_1816, %sign3A_1823 : i32
    %rem3A_1825 = arith.remsi %add3A_1807, %jit3A_1808 : i32
    %ne3A_1826 = arith.constant 0 : i32
    %ne3A_1827 = arith.cmpi ne, %rem3A_1825, %ne3A_1826 : i32
    %and3A_1828 = arith.andi %ne3A_1824, %ne3A_1827 : i1
    %sub3A_1829 = arith.constant 1 : i32
    %sub3A_1830 = arith.subi %div3A_1809, %sub3A_1829 : i32
    %select_n3A_1831 = arith.select %and3A_1828, %sub3A_1830, %div3A_1809 : i32
    %dma_start3A_1832 = arith.constant 0 : i32
    %dma_start3A_1833 = arith.constant 0 : i32
    %dma_start3A_1834 = tpu.memref_slice %arg4[%select_n3A_1831, %dma_start3A_1832, %dma_start3A_1833] : memref<1600x128x128xf32, #tpu.memory_space<hbm>> -> memref<1x128x64xf32, #tpu.memory_space<hbm>>
    %dma_start3A_1835 = tpu.memref_squeeze %dma_start3A_1834 : memref<1x128x64xf32, #tpu.memory_space<hbm>> -> memref<128x64xf32, #tpu.memory_space<hbm>>
    %dma_start3A_1836 = arith.constant 0 : i32
    %dma_start3A_1837 = arith.constant 0 : i32
    %dma_start3A_1838 = tpu.memref_slice %arg4[%select_n3A_1831, %dma_start3A_1836, %dma_start3A_1837] : memref<1600x128x128xf32, #tpu.memory_space<hbm>> -> memref<1x128x64xf32, #tpu.memory_space<hbm>>
    %dma_start3A_1839 = tpu.memref_squeeze %dma_start3A_1838 : memref<1x128x64xf32, #tpu.memory_space<hbm>> -> memref<128x64xf32, #tpu.memory_space<hbm>>
    tpu.enqueue_dma source(%arg8 : memref<128x64xf32, #tpu.memory_space<vmem>>) target(%dma_start3A_1839 : memref<128x64xf32, #tpu.memory_space<hbm>>) target_semaphore(%arg24 : memref<!tpu.dma_semaphore, #tpu.memory_space<semaphore_mem>>)
    %dma_wait3A_1840 = arith.constant 0 : i32
    %dma_wait3A_1841 = arith.constant 0 : i32
    %dma_wait3A_1842 = tpu.memref_slice %arg4[%select_n3A_1831, %dma_wait3A_1840, %dma_wait3A_1841] : memref<1600x128x128xf32, #tpu.memory_space<hbm>> -> memref<1x128x64xf32, #tpu.memory_space<hbm>>
    %dma_wait3A_1843 = tpu.memref_squeeze %dma_wait3A_1842 : memref<1x128x64xf32, #tpu.memory_space<hbm>> -> memref<128x64xf32, #tpu.memory_space<hbm>>
    %dma_wait3A_1844 = arith.constant 0 : i32
    %dma_wait3A_1845 = arith.constant 0 : i32
    %dma_wait3A_1846 = tpu.memref_slice %arg4[%select_n3A_1831, %dma_wait3A_1844, %dma_wait3A_1845] : memref<1600x128x128xf32, #tpu.memory_space<hbm>> -> memref<1x128x64xf32, #tpu.memory_space<hbm>>
    %dma_wait3A_1847 = tpu.memref_squeeze %dma_wait3A_1846 : memref<1x128x64xf32, #tpu.memory_space<hbm>> -> memref<128x64xf32, #tpu.memory_space<hbm>>
    tpu.wait_dma2 semaphore(%arg24 : memref<!tpu.dma_semaphore, #tpu.memory_space<semaphore_mem>>) src(%arg8 : memref<128x64xf32, #tpu.memory_space<vmem>>) dst(%dma_wait3A_1847 : memref<128x64xf32, #tpu.memory_space<hbm>>)
    %dma_start3A_1848 = arith.constant 5376 : i32
    %dma_start3A_1849 = tpu.memref_slice %arg5[%dma_start3A_1848] : memref<6400xi32, #tpu.memory_space<vmem>> -> memref<128xi32, #tpu.memory_space<vmem>>
    %dma_start3A_1850 = arith.constant 0 : i32
    %dma_start3A_1851 = arith.constant 0 : i32
    %dma_start3A_1852 = tpu.memref_slice %arg3[%dma_start3A_1850, %dma_start3A_1851] : memref<200000x64xf32, #tpu.memory_space<hbm>> -> memref<200000x64xf32, #tpu.memory_space<hbm>>
    tpu.enqueue_indirect_dma source(%dma_start3A_1852 : memref<200000x64xf32, #tpu.memory_space<hbm>>) target(%arg8 : memref<128x64xf32, #tpu.memory_space<vmem>>) offsets(%dma_start3A_1849 : memref<128xi32, #tpu.memory_space<vmem>>) semaphore(%arg16 : memref<!tpu.dma_semaphore, #tpu.memory_space<semaphore_mem>>)
    %dma_wait3A_1853 = arith.constant 4480 : i32
    %dma_wait3A_1854 = tpu.memref_slice %arg5[%dma_wait3A_1853] : memref<6400xi32, #tpu.memory_space<vmem>> -> memref<128xi32, #tpu.memory_space<vmem>>
    %dma_wait3A_1855 = arith.constant 0 : i32
    %dma_wait3A_1856 = arith.constant 0 : i32
    %dma_wait3A_1857 = tpu.memref_slice %arg3[%dma_wait3A_1855, %dma_wait3A_1856] : memref<200000x64xf32, #tpu.memory_space<hbm>> -> memref<200000x64xf32, #tpu.memory_space<hbm>>
    tpu.wait_indirect_dma semaphore(%arg17 : memref<!tpu.dma_semaphore, #tpu.memory_space<semaphore_mem>>) src(%dma_wait3A_1857 : memref<200000x64xf32, #tpu.memory_space<hbm>>) dst(%arg9 : memref<128x64xf32, #tpu.memory_space<vmem>>)
    %add3A_1858 = arith.constant 4480 : i32
    %add3A_1859 = arith.addi %mul3A_2, %add3A_1858 : i32
    %jit3A_1860 = arith.constant 128 : i32
    %div3A_1861 = arith.divsi %add3A_1859, %jit3A_1860 : i32
    %sign3A_1862 = arith.constant 0 : i32
    %sign3A_1863 = arith.cmpi sgt, %add3A_1859, %sign3A_1862 : i32
    %sign3A_1864 = arith.extui %sign3A_1863 : i1 to i32
    %sign3A_1865 = arith.constant 0 : i32
    %sign3A_1866 = arith.cmpi slt, %add3A_1859, %sign3A_1865 : i32
    %sign3A_1867 = arith.extui %sign3A_1866 : i1 to i32
    %sign3A_1868 = arith.subi %sign3A_1864, %sign3A_1867 : i32
    %sign3A_1869 = arith.constant 0 : i32
    %sign3A_1870 = arith.cmpi sgt, %jit3A_1860, %sign3A_1869 : i32
    %sign3A_1871 = arith.extui %sign3A_1870 : i1 to i32
    %sign3A_1872 = arith.constant 0 : i32
    %sign3A_1873 = arith.cmpi slt, %jit3A_1860, %sign3A_1872 : i32
    %sign3A_1874 = arith.extui %sign3A_1873 : i1 to i32
    %sign3A_1875 = arith.subi %sign3A_1871, %sign3A_1874 : i32
    %ne3A_1876 = arith.cmpi ne, %sign3A_1868, %sign3A_1875 : i32
    %rem3A_1877 = arith.remsi %add3A_1859, %jit3A_1860 : i32
    %ne3A_1878 = arith.constant 0 : i32
    %ne3A_1879 = arith.cmpi ne, %rem3A_1877, %ne3A_1878 : i32
    %and3A_1880 = arith.andi %ne3A_1876, %ne3A_1879 : i1
    %sub3A_1881 = arith.constant 1 : i32
    %sub3A_1882 = arith.subi %div3A_1861, %sub3A_1881 : i32
    %select_n3A_1883 = arith.select %and3A_1880, %sub3A_1882, %div3A_1861 : i32
    %dma_start3A_1884 = arith.constant 0 : i32
    %dma_start3A_1885 = arith.constant 0 : i32
    %dma_start3A_1886 = tpu.memref_slice %arg4[%select_n3A_1883, %dma_start3A_1884, %dma_start3A_1885] : memref<1600x128x128xf32, #tpu.memory_space<hbm>> -> memref<1x128x64xf32, #tpu.memory_space<hbm>>
    %dma_start3A_1887 = tpu.memref_squeeze %dma_start3A_1886 : memref<1x128x64xf32, #tpu.memory_space<hbm>> -> memref<128x64xf32, #tpu.memory_space<hbm>>
    %dma_start3A_1888 = arith.constant 0 : i32
    %dma_start3A_1889 = arith.constant 0 : i32
    %dma_start3A_1890 = tpu.memref_slice %arg4[%select_n3A_1883, %dma_start3A_1888, %dma_start3A_1889] : memref<1600x128x128xf32, #tpu.memory_space<hbm>> -> memref<1x128x64xf32, #tpu.memory_space<hbm>>
    %dma_start3A_1891 = tpu.memref_squeeze %dma_start3A_1890 : memref<1x128x64xf32, #tpu.memory_space<hbm>> -> memref<128x64xf32, #tpu.memory_space<hbm>>
    tpu.enqueue_dma source(%arg9 : memref<128x64xf32, #tpu.memory_space<vmem>>) target(%dma_start3A_1891 : memref<128x64xf32, #tpu.memory_space<hbm>>) target_semaphore(%arg25 : memref<!tpu.dma_semaphore, #tpu.memory_space<semaphore_mem>>)
    %dma_wait3A_1892 = arith.constant 0 : i32
    %dma_wait3A_1893 = arith.constant 0 : i32
    %dma_wait3A_1894 = tpu.memref_slice %arg4[%select_n3A_1883, %dma_wait3A_1892, %dma_wait3A_1893] : memref<1600x128x128xf32, #tpu.memory_space<hbm>> -> memref<1x128x64xf32, #tpu.memory_space<hbm>>
    %dma_wait3A_1895 = tpu.memref_squeeze %dma_wait3A_1894 : memref<1x128x64xf32, #tpu.memory_space<hbm>> -> memref<128x64xf32, #tpu.memory_space<hbm>>
    %dma_wait3A_1896 = arith.constant 0 : i32
    %dma_wait3A_1897 = arith.constant 0 : i32
    %dma_wait3A_1898 = tpu.memref_slice %arg4[%select_n3A_1883, %dma_wait3A_1896, %dma_wait3A_1897] : memref<1600x128x128xf32, #tpu.memory_space<hbm>> -> memref<1x128x64xf32, #tpu.memory_space<hbm>>
    %dma_wait3A_1899 = tpu.memref_squeeze %dma_wait3A_1898 : memref<1x128x64xf32, #tpu.memory_space<hbm>> -> memref<128x64xf32, #tpu.memory_space<hbm>>
    tpu.wait_dma2 semaphore(%arg25 : memref<!tpu.dma_semaphore, #tpu.memory_space<semaphore_mem>>) src(%arg9 : memref<128x64xf32, #tpu.memory_space<vmem>>) dst(%dma_wait3A_1899 : memref<128x64xf32, #tpu.memory_space<hbm>>)
    %dma_start3A_1900 = arith.constant 5504 : i32
    %dma_start3A_1901 = tpu.memref_slice %arg5[%dma_start3A_1900] : memref<6400xi32, #tpu.memory_space<vmem>> -> memref<128xi32, #tpu.memory_space<vmem>>
    %dma_start3A_1902 = arith.constant 0 : i32
    %dma_start3A_1903 = arith.constant 0 : i32
    %dma_start3A_1904 = tpu.memref_slice %arg3[%dma_start3A_1902, %dma_start3A_1903] : memref<200000x64xf32, #tpu.memory_space<hbm>> -> memref<200000x64xf32, #tpu.memory_space<hbm>>
    tpu.enqueue_indirect_dma source(%dma_start3A_1904 : memref<200000x64xf32, #tpu.memory_space<hbm>>) target(%arg9 : memref<128x64xf32, #tpu.memory_space<vmem>>) offsets(%dma_start3A_1901 : memref<128xi32, #tpu.memory_space<vmem>>) semaphore(%arg17 : memref<!tpu.dma_semaphore, #tpu.memory_space<semaphore_mem>>)
    %dma_wait3A_1905 = arith.constant 4608 : i32
    %dma_wait3A_1906 = tpu.memref_slice %arg5[%dma_wait3A_1905] : memref<6400xi32, #tpu.memory_space<vmem>> -> memref<128xi32, #tpu.memory_space<vmem>>
    %dma_wait3A_1907 = arith.constant 0 : i32
    %dma_wait3A_1908 = arith.constant 0 : i32
    %dma_wait3A_1909 = tpu.memref_slice %arg3[%dma_wait3A_1907, %dma_wait3A_1908] : memref<200000x64xf32, #tpu.memory_space<hbm>> -> memref<200000x64xf32, #tpu.memory_space<hbm>>
    tpu.wait_indirect_dma semaphore(%arg18 : memref<!tpu.dma_semaphore, #tpu.memory_space<semaphore_mem>>) src(%dma_wait3A_1909 : memref<200000x64xf32, #tpu.memory_space<hbm>>) dst(%arg10 : memref<128x64xf32, #tpu.memory_space<vmem>>)
    %add3A_1910 = arith.constant 4608 : i32
    %add3A_1911 = arith.addi %mul3A_2, %add3A_1910 : i32
    %jit3A_1912 = arith.constant 128 : i32
    %div3A_1913 = arith.divsi %add3A_1911, %jit3A_1912 : i32
    %sign3A_1914 = arith.constant 0 : i32
    %sign3A_1915 = arith.cmpi sgt, %add3A_1911, %sign3A_1914 : i32
    %sign3A_1916 = arith.extui %sign3A_1915 : i1 to i32
    %sign3A_1917 = arith.constant 0 : i32
    %sign3A_1918 = arith.cmpi slt, %add3A_1911, %sign3A_1917 : i32
    %sign3A_1919 = arith.extui %sign3A_1918 : i1 to i32
    %sign3A_1920 = arith.subi %sign3A_1916, %sign3A_1919 : i32
    %sign3A_1921 = arith.constant 0 : i32
    %sign3A_1922 = arith.cmpi sgt, %jit3A_1912, %sign3A_1921 : i32
    %sign3A_1923 = arith.extui %sign3A_1922 : i1 to i32
    %sign3A_1924 = arith.constant 0 : i32
    %sign3A_1925 = arith.cmpi slt, %jit3A_1912, %sign3A_1924 : i32
    %sign3A_1926 = arith.extui %sign3A_1925 : i1 to i32
    %sign3A_1927 = arith.subi %sign3A_1923, %sign3A_1926 : i32
    %ne3A_1928 = arith.cmpi ne, %sign3A_1920, %sign3A_1927 : i32
    %rem3A_1929 = arith.remsi %add3A_1911, %jit3A_1912 : i32
    %ne3A_1930 = arith.constant 0 : i32
    %ne3A_1931 = arith.cmpi ne, %rem3A_1929, %ne3A_1930 : i32
    %and3A_1932 = arith.andi %ne3A_1928, %ne3A_1931 : i1
    %sub3A_1933 = arith.constant 1 : i32
    %sub3A_1934 = arith.subi %div3A_1913, %sub3A_1933 : i32
    %select_n3A_1935 = arith.select %and3A_1932, %sub3A_1934, %div3A_1913 : i32
    %dma_start3A_1936 = arith.constant 0 : i32
    %dma_start3A_1937 = arith.constant 0 : i32
    %dma_start3A_1938 = tpu.memref_slice %arg4[%select_n3A_1935, %dma_start3A_1936, %dma_start3A_1937] : memref<1600x128x128xf32, #tpu.memory_space<hbm>> -> memref<1x128x64xf32, #tpu.memory_space<hbm>>
    %dma_start3A_1939 = tpu.memref_squeeze %dma_start3A_1938 : memref<1x128x64xf32, #tpu.memory_space<hbm>> -> memref<128x64xf32, #tpu.memory_space<hbm>>
    %dma_start3A_1940 = arith.constant 0 : i32
    %dma_start3A_1941 = arith.constant 0 : i32
    %dma_start3A_1942 = tpu.memref_slice %arg4[%select_n3A_1935, %dma_start3A_1940, %dma_start3A_1941] : memref<1600x128x128xf32, #tpu.memory_space<hbm>> -> memref<1x128x64xf32, #tpu.memory_space<hbm>>
    %dma_start3A_1943 = tpu.memref_squeeze %dma_start3A_1942 : memref<1x128x64xf32, #tpu.memory_space<hbm>> -> memref<128x64xf32, #tpu.memory_space<hbm>>
    tpu.enqueue_dma source(%arg10 : memref<128x64xf32, #tpu.memory_space<vmem>>) target(%dma_start3A_1943 : memref<128x64xf32, #tpu.memory_space<hbm>>) target_semaphore(%arg26 : memref<!tpu.dma_semaphore, #tpu.memory_space<semaphore_mem>>)
    %dma_wait3A_1944 = arith.constant 0 : i32
    %dma_wait3A_1945 = arith.constant 0 : i32
    %dma_wait3A_1946 = tpu.memref_slice %arg4[%select_n3A_1935, %dma_wait3A_1944, %dma_wait3A_1945] : memref<1600x128x128xf32, #tpu.memory_space<hbm>> -> memref<1x128x64xf32, #tpu.memory_space<hbm>>
    %dma_wait3A_1947 = tpu.memref_squeeze %dma_wait3A_1946 : memref<1x128x64xf32, #tpu.memory_space<hbm>> -> memref<128x64xf32, #tpu.memory_space<hbm>>
    %dma_wait3A_1948 = arith.constant 0 : i32
    %dma_wait3A_1949 = arith.constant 0 : i32
    %dma_wait3A_1950 = tpu.memref_slice %arg4[%select_n3A_1935, %dma_wait3A_1948, %dma_wait3A_1949] : memref<1600x128x128xf32, #tpu.memory_space<hbm>> -> memref<1x128x64xf32, #tpu.memory_space<hbm>>
    %dma_wait3A_1951 = tpu.memref_squeeze %dma_wait3A_1950 : memref<1x128x64xf32, #tpu.memory_space<hbm>> -> memref<128x64xf32, #tpu.memory_space<hbm>>
    tpu.wait_dma2 semaphore(%arg26 : memref<!tpu.dma_semaphore, #tpu.memory_space<semaphore_mem>>) src(%arg10 : memref<128x64xf32, #tpu.memory_space<vmem>>) dst(%dma_wait3A_1951 : memref<128x64xf32, #tpu.memory_space<hbm>>)
    %dma_start3A_1952 = arith.constant 5632 : i32
    %dma_start3A_1953 = tpu.memref_slice %arg5[%dma_start3A_1952] : memref<6400xi32, #tpu.memory_space<vmem>> -> memref<128xi32, #tpu.memory_space<vmem>>
    %dma_start3A_1954 = arith.constant 0 : i32
    %dma_start3A_1955 = arith.constant 0 : i32
    %dma_start3A_1956 = tpu.memref_slice %arg3[%dma_start3A_1954, %dma_start3A_1955] : memref<200000x64xf32, #tpu.memory_space<hbm>> -> memref<200000x64xf32, #tpu.memory_space<hbm>>
    tpu.enqueue_indirect_dma source(%dma_start3A_1956 : memref<200000x64xf32, #tpu.memory_space<hbm>>) target(%arg10 : memref<128x64xf32, #tpu.memory_space<vmem>>) offsets(%dma_start3A_1953 : memref<128xi32, #tpu.memory_space<vmem>>) semaphore(%arg18 : memref<!tpu.dma_semaphore, #tpu.memory_space<semaphore_mem>>)
    %dma_wait3A_1957 = arith.constant 4736 : i32
    %dma_wait3A_1958 = tpu.memref_slice %arg5[%dma_wait3A_1957] : memref<6400xi32, #tpu.memory_space<vmem>> -> memref<128xi32, #tpu.memory_space<vmem>>
    %dma_wait3A_1959 = arith.constant 0 : i32
    %dma_wait3A_1960 = arith.constant 0 : i32
    %dma_wait3A_1961 = tpu.memref_slice %arg3[%dma_wait3A_1959, %dma_wait3A_1960] : memref<200000x64xf32, #tpu.memory_space<hbm>> -> memref<200000x64xf32, #tpu.memory_space<hbm>>
    tpu.wait_indirect_dma semaphore(%arg19 : memref<!tpu.dma_semaphore, #tpu.memory_space<semaphore_mem>>) src(%dma_wait3A_1961 : memref<200000x64xf32, #tpu.memory_space<hbm>>) dst(%arg11 : memref<128x64xf32, #tpu.memory_space<vmem>>)
    %add3A_1962 = arith.constant 4736 : i32
    %add3A_1963 = arith.addi %mul3A_2, %add3A_1962 : i32
    %jit3A_1964 = arith.constant 128 : i32
    %div3A_1965 = arith.divsi %add3A_1963, %jit3A_1964 : i32
    %sign3A_1966 = arith.constant 0 : i32
    %sign3A_1967 = arith.cmpi sgt, %add3A_1963, %sign3A_1966 : i32
    %sign3A_1968 = arith.extui %sign3A_1967 : i1 to i32
    %sign3A_1969 = arith.constant 0 : i32
    %sign3A_1970 = arith.cmpi slt, %add3A_1963, %sign3A_1969 : i32
    %sign3A_1971 = arith.extui %sign3A_1970 : i1 to i32
    %sign3A_1972 = arith.subi %sign3A_1968, %sign3A_1971 : i32
    %sign3A_1973 = arith.constant 0 : i32
    %sign3A_1974 = arith.cmpi sgt, %jit3A_1964, %sign3A_1973 : i32
    %sign3A_1975 = arith.extui %sign3A_1974 : i1 to i32
    %sign3A_1976 = arith.constant 0 : i32
    %sign3A_1977 = arith.cmpi slt, %jit3A_1964, %sign3A_1976 : i32
    %sign3A_1978 = arith.extui %sign3A_1977 : i1 to i32
    %sign3A_1979 = arith.subi %sign3A_1975, %sign3A_1978 : i32
    %ne3A_1980 = arith.cmpi ne, %sign3A_1972, %sign3A_1979 : i32
    %rem3A_1981 = arith.remsi %add3A_1963, %jit3A_1964 : i32
    %ne3A_1982 = arith.constant 0 : i32
    %ne3A_1983 = arith.cmpi ne, %rem3A_1981, %ne3A_1982 : i32
    %and3A_1984 = arith.andi %ne3A_1980, %ne3A_1983 : i1
    %sub3A_1985 = arith.constant 1 : i32
    %sub3A_1986 = arith.subi %div3A_1965, %sub3A_1985 : i32
    %select_n3A_1987 = arith.select %and3A_1984, %sub3A_1986, %div3A_1965 : i32
    %dma_start3A_1988 = arith.constant 0 : i32
    %dma_start3A_1989 = arith.constant 0 : i32
    %dma_start3A_1990 = tpu.memref_slice %arg4[%select_n3A_1987, %dma_start3A_1988, %dma_start3A_1989] : memref<1600x128x128xf32, #tpu.memory_space<hbm>> -> memref<1x128x64xf32, #tpu.memory_space<hbm>>
    %dma_start3A_1991 = tpu.memref_squeeze %dma_start3A_1990 : memref<1x128x64xf32, #tpu.memory_space<hbm>> -> memref<128x64xf32, #tpu.memory_space<hbm>>
    %dma_start3A_1992 = arith.constant 0 : i32
    %dma_start3A_1993 = arith.constant 0 : i32
    %dma_start3A_1994 = tpu.memref_slice %arg4[%select_n3A_1987, %dma_start3A_1992, %dma_start3A_1993] : memref<1600x128x128xf32, #tpu.memory_space<hbm>> -> memref<1x128x64xf32, #tpu.memory_space<hbm>>
    %dma_start3A_1995 = tpu.memref_squeeze %dma_start3A_1994 : memref<1x128x64xf32, #tpu.memory_space<hbm>> -> memref<128x64xf32, #tpu.memory_space<hbm>>
    tpu.enqueue_dma source(%arg11 : memref<128x64xf32, #tpu.memory_space<vmem>>) target(%dma_start3A_1995 : memref<128x64xf32, #tpu.memory_space<hbm>>) target_semaphore(%arg27 : memref<!tpu.dma_semaphore, #tpu.memory_space<semaphore_mem>>)
    %dma_wait3A_1996 = arith.constant 0 : i32
    %dma_wait3A_1997 = arith.constant 0 : i32
    %dma_wait3A_1998 = tpu.memref_slice %arg4[%select_n3A_1987, %dma_wait3A_1996, %dma_wait3A_1997] : memref<1600x128x128xf32, #tpu.memory_space<hbm>> -> memref<1x128x64xf32, #tpu.memory_space<hbm>>
    %dma_wait3A_1999 = tpu.memref_squeeze %dma_wait3A_1998 : memref<1x128x64xf32, #tpu.memory_space<hbm>> -> memref<128x64xf32, #tpu.memory_space<hbm>>
    %dma_wait3A_2000 = arith.constant 0 : i32
    %dma_wait3A_2001 = arith.constant 0 : i32
    %dma_wait3A_2002 = tpu.memref_slice %arg4[%select_n3A_1987, %dma_wait3A_2000, %dma_wait3A_2001] : memref<1600x128x128xf32, #tpu.memory_space<hbm>> -> memref<1x128x64xf32, #tpu.memory_space<hbm>>
    %dma_wait3A_2003 = tpu.memref_squeeze %dma_wait3A_2002 : memref<1x128x64xf32, #tpu.memory_space<hbm>> -> memref<128x64xf32, #tpu.memory_space<hbm>>
    tpu.wait_dma2 semaphore(%arg27 : memref<!tpu.dma_semaphore, #tpu.memory_space<semaphore_mem>>) src(%arg11 : memref<128x64xf32, #tpu.memory_space<vmem>>) dst(%dma_wait3A_2003 : memref<128x64xf32, #tpu.memory_space<hbm>>)
    %dma_start3A_2004 = arith.constant 5760 : i32
    %dma_start3A_2005 = tpu.memref_slice %arg5[%dma_start3A_2004] : memref<6400xi32, #tpu.memory_space<vmem>> -> memref<128xi32, #tpu.memory_space<vmem>>
    %dma_start3A_2006 = arith.constant 0 : i32
    %dma_start3A_2007 = arith.constant 0 : i32
    %dma_start3A_2008 = tpu.memref_slice %arg3[%dma_start3A_2006, %dma_start3A_2007] : memref<200000x64xf32, #tpu.memory_space<hbm>> -> memref<200000x64xf32, #tpu.memory_space<hbm>>
    tpu.enqueue_indirect_dma source(%dma_start3A_2008 : memref<200000x64xf32, #tpu.memory_space<hbm>>) target(%arg11 : memref<128x64xf32, #tpu.memory_space<vmem>>) offsets(%dma_start3A_2005 : memref<128xi32, #tpu.memory_space<vmem>>) semaphore(%arg19 : memref<!tpu.dma_semaphore, #tpu.memory_space<semaphore_mem>>)
    %dma_wait3A_2009 = arith.constant 4864 : i32
    %dma_wait3A_2010 = tpu.memref_slice %arg5[%dma_wait3A_2009] : memref<6400xi32, #tpu.memory_space<vmem>> -> memref<128xi32, #tpu.memory_space<vmem>>
    %dma_wait3A_2011 = arith.constant 0 : i32
    %dma_wait3A_2012 = arith.constant 0 : i32
    %dma_wait3A_2013 = tpu.memref_slice %arg3[%dma_wait3A_2011, %dma_wait3A_2012] : memref<200000x64xf32, #tpu.memory_space<hbm>> -> memref<200000x64xf32, #tpu.memory_space<hbm>>
    tpu.wait_indirect_dma semaphore(%arg20 : memref<!tpu.dma_semaphore, #tpu.memory_space<semaphore_mem>>) src(%dma_wait3A_2013 : memref<200000x64xf32, #tpu.memory_space<hbm>>) dst(%arg12 : memref<128x64xf32, #tpu.memory_space<vmem>>)
    %add3A_2014 = arith.constant 4864 : i32
    %add3A_2015 = arith.addi %mul3A_2, %add3A_2014 : i32
    %jit3A_2016 = arith.constant 128 : i32
    %div3A_2017 = arith.divsi %add3A_2015, %jit3A_2016 : i32
    %sign3A_2018 = arith.constant 0 : i32
    %sign3A_2019 = arith.cmpi sgt, %add3A_2015, %sign3A_2018 : i32
    %sign3A_2020 = arith.extui %sign3A_2019 : i1 to i32
    %sign3A_2021 = arith.constant 0 : i32
    %sign3A_2022 = arith.cmpi slt, %add3A_2015, %sign3A_2021 : i32
    %sign3A_2023 = arith.extui %sign3A_2022 : i1 to i32
    %sign3A_2024 = arith.subi %sign3A_2020, %sign3A_2023 : i32
    %sign3A_2025 = arith.constant 0 : i32
    %sign3A_2026 = arith.cmpi sgt, %jit3A_2016, %sign3A_2025 : i32
    %sign3A_2027 = arith.extui %sign3A_2026 : i1 to i32
    %sign3A_2028 = arith.constant 0 : i32
    %sign3A_2029 = arith.cmpi slt, %jit3A_2016, %sign3A_2028 : i32
    %sign3A_2030 = arith.extui %sign3A_2029 : i1 to i32
    %sign3A_2031 = arith.subi %sign3A_2027, %sign3A_2030 : i32
    %ne3A_2032 = arith.cmpi ne, %sign3A_2024, %sign3A_2031 : i32
    %rem3A_2033 = arith.remsi %add3A_2015, %jit3A_2016 : i32
    %ne3A_2034 = arith.constant 0 : i32
    %ne3A_2035 = arith.cmpi ne, %rem3A_2033, %ne3A_2034 : i32
    %and3A_2036 = arith.andi %ne3A_2032, %ne3A_2035 : i1
    %sub3A_2037 = arith.constant 1 : i32
    %sub3A_2038 = arith.subi %div3A_2017, %sub3A_2037 : i32
    %select_n3A_2039 = arith.select %and3A_2036, %sub3A_2038, %div3A_2017 : i32
    %dma_start3A_2040 = arith.constant 0 : i32
    %dma_start3A_2041 = arith.constant 0 : i32
    %dma_start3A_2042 = tpu.memref_slice %arg4[%select_n3A_2039, %dma_start3A_2040, %dma_start3A_2041] : memref<1600x128x128xf32, #tpu.memory_space<hbm>> -> memref<1x128x64xf32, #tpu.memory_space<hbm>>
    %dma_start3A_2043 = tpu.memref_squeeze %dma_start3A_2042 : memref<1x128x64xf32, #tpu.memory_space<hbm>> -> memref<128x64xf32, #tpu.memory_space<hbm>>
    %dma_start3A_2044 = arith.constant 0 : i32
    %dma_start3A_2045 = arith.constant 0 : i32
    %dma_start3A_2046 = tpu.memref_slice %arg4[%select_n3A_2039, %dma_start3A_2044, %dma_start3A_2045] : memref<1600x128x128xf32, #tpu.memory_space<hbm>> -> memref<1x128x64xf32, #tpu.memory_space<hbm>>
    %dma_start3A_2047 = tpu.memref_squeeze %dma_start3A_2046 : memref<1x128x64xf32, #tpu.memory_space<hbm>> -> memref<128x64xf32, #tpu.memory_space<hbm>>
    tpu.enqueue_dma source(%arg12 : memref<128x64xf32, #tpu.memory_space<vmem>>) target(%dma_start3A_2047 : memref<128x64xf32, #tpu.memory_space<hbm>>) target_semaphore(%arg28 : memref<!tpu.dma_semaphore, #tpu.memory_space<semaphore_mem>>)
    %dma_wait3A_2048 = arith.constant 0 : i32
    %dma_wait3A_2049 = arith.constant 0 : i32
    %dma_wait3A_2050 = tpu.memref_slice %arg4[%select_n3A_2039, %dma_wait3A_2048, %dma_wait3A_2049] : memref<1600x128x128xf32, #tpu.memory_space<hbm>> -> memref<1x128x64xf32, #tpu.memory_space<hbm>>
    %dma_wait3A_2051 = tpu.memref_squeeze %dma_wait3A_2050 : memref<1x128x64xf32, #tpu.memory_space<hbm>> -> memref<128x64xf32, #tpu.memory_space<hbm>>
    %dma_wait3A_2052 = arith.constant 0 : i32
    %dma_wait3A_2053 = arith.constant 0 : i32
    %dma_wait3A_2054 = tpu.memref_slice %arg4[%select_n3A_2039, %dma_wait3A_2052, %dma_wait3A_2053] : memref<1600x128x128xf32, #tpu.memory_space<hbm>> -> memref<1x128x64xf32, #tpu.memory_space<hbm>>
    %dma_wait3A_2055 = tpu.memref_squeeze %dma_wait3A_2054 : memref<1x128x64xf32, #tpu.memory_space<hbm>> -> memref<128x64xf32, #tpu.memory_space<hbm>>
    tpu.wait_dma2 semaphore(%arg28 : memref<!tpu.dma_semaphore, #tpu.memory_space<semaphore_mem>>) src(%arg12 : memref<128x64xf32, #tpu.memory_space<vmem>>) dst(%dma_wait3A_2055 : memref<128x64xf32, #tpu.memory_space<hbm>>)
    %dma_start3A_2056 = arith.constant 5888 : i32
    %dma_start3A_2057 = tpu.memref_slice %arg5[%dma_start3A_2056] : memref<6400xi32, #tpu.memory_space<vmem>> -> memref<128xi32, #tpu.memory_space<vmem>>
    %dma_start3A_2058 = arith.constant 0 : i32
    %dma_start3A_2059 = arith.constant 0 : i32
    %dma_start3A_2060 = tpu.memref_slice %arg3[%dma_start3A_2058, %dma_start3A_2059] : memref<200000x64xf32, #tpu.memory_space<hbm>> -> memref<200000x64xf32, #tpu.memory_space<hbm>>
    tpu.enqueue_indirect_dma source(%dma_start3A_2060 : memref<200000x64xf32, #tpu.memory_space<hbm>>) target(%arg12 : memref<128x64xf32, #tpu.memory_space<vmem>>) offsets(%dma_start3A_2057 : memref<128xi32, #tpu.memory_space<vmem>>) semaphore(%arg20 : memref<!tpu.dma_semaphore, #tpu.memory_space<semaphore_mem>>)
    %dma_wait3A_2061 = arith.constant 4992 : i32
    %dma_wait3A_2062 = tpu.memref_slice %arg5[%dma_wait3A_2061] : memref<6400xi32, #tpu.memory_space<vmem>> -> memref<128xi32, #tpu.memory_space<vmem>>
    %dma_wait3A_2063 = arith.constant 0 : i32
    %dma_wait3A_2064 = arith.constant 0 : i32
    %dma_wait3A_2065 = tpu.memref_slice %arg3[%dma_wait3A_2063, %dma_wait3A_2064] : memref<200000x64xf32, #tpu.memory_space<hbm>> -> memref<200000x64xf32, #tpu.memory_space<hbm>>
    tpu.wait_indirect_dma semaphore(%arg21 : memref<!tpu.dma_semaphore, #tpu.memory_space<semaphore_mem>>) src(%dma_wait3A_2065 : memref<200000x64xf32, #tpu.memory_space<hbm>>) dst(%arg13 : memref<128x64xf32, #tpu.memory_space<vmem>>)
    %add3A_2066 = arith.constant 4992 : i32
    %add3A_2067 = arith.addi %mul3A_2, %add3A_2066 : i32
    %jit3A_2068 = arith.constant 128 : i32
    %div3A_2069 = arith.divsi %add3A_2067, %jit3A_2068 : i32
    %sign3A_2070 = arith.constant 0 : i32
    %sign3A_2071 = arith.cmpi sgt, %add3A_2067, %sign3A_2070 : i32
    %sign3A_2072 = arith.extui %sign3A_2071 : i1 to i32
    %sign3A_2073 = arith.constant 0 : i32
    %sign3A_2074 = arith.cmpi slt, %add3A_2067, %sign3A_2073 : i32
    %sign3A_2075 = arith.extui %sign3A_2074 : i1 to i32
    %sign3A_2076 = arith.subi %sign3A_2072, %sign3A_2075 : i32
    %sign3A_2077 = arith.constant 0 : i32
    %sign3A_2078 = arith.cmpi sgt, %jit3A_2068, %sign3A_2077 : i32
    %sign3A_2079 = arith.extui %sign3A_2078 : i1 to i32
    %sign3A_2080 = arith.constant 0 : i32
    %sign3A_2081 = arith.cmpi slt, %jit3A_2068, %sign3A_2080 : i32
    %sign3A_2082 = arith.extui %sign3A_2081 : i1 to i32
    %sign3A_2083 = arith.subi %sign3A_2079, %sign3A_2082 : i32
    %ne3A_2084 = arith.cmpi ne, %sign3A_2076, %sign3A_2083 : i32
    %rem3A_2085 = arith.remsi %add3A_2067, %jit3A_2068 : i32
    %ne3A_2086 = arith.constant 0 : i32
    %ne3A_2087 = arith.cmpi ne, %rem3A_2085, %ne3A_2086 : i32
    %and3A_2088 = arith.andi %ne3A_2084, %ne3A_2087 : i1
    %sub3A_2089 = arith.constant 1 : i32
    %sub3A_2090 = arith.subi %div3A_2069, %sub3A_2089 : i32
    %select_n3A_2091 = arith.select %and3A_2088, %sub3A_2090, %div3A_2069 : i32
    %dma_start3A_2092 = arith.constant 0 : i32
    %dma_start3A_2093 = arith.constant 0 : i32
    %dma_start3A_2094 = tpu.memref_slice %arg4[%select_n3A_2091, %dma_start3A_2092, %dma_start3A_2093] : memref<1600x128x128xf32, #tpu.memory_space<hbm>> -> memref<1x128x64xf32, #tpu.memory_space<hbm>>
    %dma_start3A_2095 = tpu.memref_squeeze %dma_start3A_2094 : memref<1x128x64xf32, #tpu.memory_space<hbm>> -> memref<128x64xf32, #tpu.memory_space<hbm>>
    %dma_start3A_2096 = arith.constant 0 : i32
    %dma_start3A_2097 = arith.constant 0 : i32
    %dma_start3A_2098 = tpu.memref_slice %arg4[%select_n3A_2091, %dma_start3A_2096, %dma_start3A_2097] : memref<1600x128x128xf32, #tpu.memory_space<hbm>> -> memref<1x128x64xf32, #tpu.memory_space<hbm>>
    %dma_start3A_2099 = tpu.memref_squeeze %dma_start3A_2098 : memref<1x128x64xf32, #tpu.memory_space<hbm>> -> memref<128x64xf32, #tpu.memory_space<hbm>>
    tpu.enqueue_dma source(%arg13 : memref<128x64xf32, #tpu.memory_space<vmem>>) target(%dma_start3A_2099 : memref<128x64xf32, #tpu.memory_space<hbm>>) target_semaphore(%arg29 : memref<!tpu.dma_semaphore, #tpu.memory_space<semaphore_mem>>)
    %dma_wait3A_2100 = arith.constant 0 : i32
    %dma_wait3A_2101 = arith.constant 0 : i32
    %dma_wait3A_2102 = tpu.memref_slice %arg4[%select_n3A_2091, %dma_wait3A_2100, %dma_wait3A_2101] : memref<1600x128x128xf32, #tpu.memory_space<hbm>> -> memref<1x128x64xf32, #tpu.memory_space<hbm>>
    %dma_wait3A_2103 = tpu.memref_squeeze %dma_wait3A_2102 : memref<1x128x64xf32, #tpu.memory_space<hbm>> -> memref<128x64xf32, #tpu.memory_space<hbm>>
    %dma_wait3A_2104 = arith.constant 0 : i32
    %dma_wait3A_2105 = arith.constant 0 : i32
    %dma_wait3A_2106 = tpu.memref_slice %arg4[%select_n3A_2091, %dma_wait3A_2104, %dma_wait3A_2105] : memref<1600x128x128xf32, #tpu.memory_space<hbm>> -> memref<1x128x64xf32, #tpu.memory_space<hbm>>
    %dma_wait3A_2107 = tpu.memref_squeeze %dma_wait3A_2106 : memref<1x128x64xf32, #tpu.memory_space<hbm>> -> memref<128x64xf32, #tpu.memory_space<hbm>>
    tpu.wait_dma2 semaphore(%arg29 : memref<!tpu.dma_semaphore, #tpu.memory_space<semaphore_mem>>) src(%arg13 : memref<128x64xf32, #tpu.memory_space<vmem>>) dst(%dma_wait3A_2107 : memref<128x64xf32, #tpu.memory_space<hbm>>)
    %dma_start3A_2108 = arith.constant 6016 : i32
    %dma_start3A_2109 = tpu.memref_slice %arg5[%dma_start3A_2108] : memref<6400xi32, #tpu.memory_space<vmem>> -> memref<128xi32, #tpu.memory_space<vmem>>
    %dma_start3A_2110 = arith.constant 0 : i32
    %dma_start3A_2111 = arith.constant 0 : i32
    %dma_start3A_2112 = tpu.memref_slice %arg3[%dma_start3A_2110, %dma_start3A_2111] : memref<200000x64xf32, #tpu.memory_space<hbm>> -> memref<200000x64xf32, #tpu.memory_space<hbm>>
    tpu.enqueue_indirect_dma source(%dma_start3A_2112 : memref<200000x64xf32, #tpu.memory_space<hbm>>) target(%arg13 : memref<128x64xf32, #tpu.memory_space<vmem>>) offsets(%dma_start3A_2109 : memref<128xi32, #tpu.memory_space<vmem>>) semaphore(%arg21 : memref<!tpu.dma_semaphore, #tpu.memory_space<semaphore_mem>>)
    %dma_wait3A_2113 = arith.constant 5120 : i32
    %dma_wait3A_2114 = tpu.memref_slice %arg5[%dma_wait3A_2113] : memref<6400xi32, #tpu.memory_space<vmem>> -> memref<128xi32, #tpu.memory_space<vmem>>
    %dma_wait3A_2115 = arith.constant 0 : i32
    %dma_wait3A_2116 = arith.constant 0 : i32
    %dma_wait3A_2117 = tpu.memref_slice %arg3[%dma_wait3A_2115, %dma_wait3A_2116] : memref<200000x64xf32, #tpu.memory_space<hbm>> -> memref<200000x64xf32, #tpu.memory_space<hbm>>
    tpu.wait_indirect_dma semaphore(%arg14 : memref<!tpu.dma_semaphore, #tpu.memory_space<semaphore_mem>>) src(%dma_wait3A_2117 : memref<200000x64xf32, #tpu.memory_space<hbm>>) dst(%arg6 : memref<128x64xf32, #tpu.memory_space<vmem>>)
    %add3A_2118 = arith.constant 5120 : i32
    %add3A_2119 = arith.addi %mul3A_2, %add3A_2118 : i32
    %jit3A_2120 = arith.constant 128 : i32
    %div3A_2121 = arith.divsi %add3A_2119, %jit3A_2120 : i32
    %sign3A_2122 = arith.constant 0 : i32
    %sign3A_2123 = arith.cmpi sgt, %add3A_2119, %sign3A_2122 : i32
    %sign3A_2124 = arith.extui %sign3A_2123 : i1 to i32
    %sign3A_2125 = arith.constant 0 : i32
    %sign3A_2126 = arith.cmpi slt, %add3A_2119, %sign3A_2125 : i32
    %sign3A_2127 = arith.extui %sign3A_2126 : i1 to i32
    %sign3A_2128 = arith.subi %sign3A_2124, %sign3A_2127 : i32
    %sign3A_2129 = arith.constant 0 : i32
    %sign3A_2130 = arith.cmpi sgt, %jit3A_2120, %sign3A_2129 : i32
    %sign3A_2131 = arith.extui %sign3A_2130 : i1 to i32
    %sign3A_2132 = arith.constant 0 : i32
    %sign3A_2133 = arith.cmpi slt, %jit3A_2120, %sign3A_2132 : i32
    %sign3A_2134 = arith.extui %sign3A_2133 : i1 to i32
    %sign3A_2135 = arith.subi %sign3A_2131, %sign3A_2134 : i32
    %ne3A_2136 = arith.cmpi ne, %sign3A_2128, %sign3A_2135 : i32
    %rem3A_2137 = arith.remsi %add3A_2119, %jit3A_2120 : i32
    %ne3A_2138 = arith.constant 0 : i32
    %ne3A_2139 = arith.cmpi ne, %rem3A_2137, %ne3A_2138 : i32
    %and3A_2140 = arith.andi %ne3A_2136, %ne3A_2139 : i1
    %sub3A_2141 = arith.constant 1 : i32
    %sub3A_2142 = arith.subi %div3A_2121, %sub3A_2141 : i32
    %select_n3A_2143 = arith.select %and3A_2140, %sub3A_2142, %div3A_2121 : i32
    %dma_start3A_2144 = arith.constant 0 : i32
    %dma_start3A_2145 = arith.constant 0 : i32
    %dma_start3A_2146 = tpu.memref_slice %arg4[%select_n3A_2143, %dma_start3A_2144, %dma_start3A_2145] : memref<1600x128x128xf32, #tpu.memory_space<hbm>> -> memref<1x128x64xf32, #tpu.memory_space<hbm>>
    %dma_start3A_2147 = tpu.memref_squeeze %dma_start3A_2146 : memref<1x128x64xf32, #tpu.memory_space<hbm>> -> memref<128x64xf32, #tpu.memory_space<hbm>>
    %dma_start3A_2148 = arith.constant 0 : i32
    %dma_start3A_2149 = arith.constant 0 : i32
    %dma_start3A_2150 = tpu.memref_slice %arg4[%select_n3A_2143, %dma_start3A_2148, %dma_start3A_2149] : memref<1600x128x128xf32, #tpu.memory_space<hbm>> -> memref<1x128x64xf32, #tpu.memory_space<hbm>>
    %dma_start3A_2151 = tpu.memref_squeeze %dma_start3A_2150 : memref<1x128x64xf32, #tpu.memory_space<hbm>> -> memref<128x64xf32, #tpu.memory_space<hbm>>
    tpu.enqueue_dma source(%arg6 : memref<128x64xf32, #tpu.memory_space<vmem>>) target(%dma_start3A_2151 : memref<128x64xf32, #tpu.memory_space<hbm>>) target_semaphore(%arg22 : memref<!tpu.dma_semaphore, #tpu.memory_space<semaphore_mem>>)
    %dma_wait3A_2152 = arith.constant 0 : i32
    %dma_wait3A_2153 = arith.constant 0 : i32
    %dma_wait3A_2154 = tpu.memref_slice %arg4[%select_n3A_2143, %dma_wait3A_2152, %dma_wait3A_2153] : memref<1600x128x128xf32, #tpu.memory_space<hbm>> -> memref<1x128x64xf32, #tpu.memory_space<hbm>>
    %dma_wait3A_2155 = tpu.memref_squeeze %dma_wait3A_2154 : memref<1x128x64xf32, #tpu.memory_space<hbm>> -> memref<128x64xf32, #tpu.memory_space<hbm>>
    %dma_wait3A_2156 = arith.constant 0 : i32
    %dma_wait3A_2157 = arith.constant 0 : i32
    %dma_wait3A_2158 = tpu.memref_slice %arg4[%select_n3A_2143, %dma_wait3A_2156, %dma_wait3A_2157] : memref<1600x128x128xf32, #tpu.memory_space<hbm>> -> memref<1x128x64xf32, #tpu.memory_space<hbm>>
    %dma_wait3A_2159 = tpu.memref_squeeze %dma_wait3A_2158 : memref<1x128x64xf32, #tpu.memory_space<hbm>> -> memref<128x64xf32, #tpu.memory_space<hbm>>
    tpu.wait_dma2 semaphore(%arg22 : memref<!tpu.dma_semaphore, #tpu.memory_space<semaphore_mem>>) src(%arg6 : memref<128x64xf32, #tpu.memory_space<vmem>>) dst(%dma_wait3A_2159 : memref<128x64xf32, #tpu.memory_space<hbm>>)
    %dma_start3A_2160 = arith.constant 6144 : i32
    %dma_start3A_2161 = tpu.memref_slice %arg5[%dma_start3A_2160] : memref<6400xi32, #tpu.memory_space<vmem>> -> memref<128xi32, #tpu.memory_space<vmem>>
    %dma_start3A_2162 = arith.constant 0 : i32
    %dma_start3A_2163 = arith.constant 0 : i32
    %dma_start3A_2164 = tpu.memref_slice %arg3[%dma_start3A_2162, %dma_start3A_2163] : memref<200000x64xf32, #tpu.memory_space<hbm>> -> memref<200000x64xf32, #tpu.memory_space<hbm>>
    tpu.enqueue_indirect_dma source(%dma_start3A_2164 : memref<200000x64xf32, #tpu.memory_space<hbm>>) target(%arg6 : memref<128x64xf32, #tpu.memory_space<vmem>>) offsets(%dma_start3A_2161 : memref<128xi32, #tpu.memory_space<vmem>>) semaphore(%arg14 : memref<!tpu.dma_semaphore, #tpu.memory_space<semaphore_mem>>)
    %dma_wait3A_2165 = arith.constant 5248 : i32
    %dma_wait3A_2166 = tpu.memref_slice %arg5[%dma_wait3A_2165] : memref<6400xi32, #tpu.memory_space<vmem>> -> memref<128xi32, #tpu.memory_space<vmem>>
    %dma_wait3A_2167 = arith.constant 0 : i32
    %dma_wait3A_2168 = arith.constant 0 : i32
    %dma_wait3A_2169 = tpu.memref_slice %arg3[%dma_wait3A_2167, %dma_wait3A_2168] : memref<200000x64xf32, #tpu.memory_space<hbm>> -> memref<200000x64xf32, #tpu.memory_space<hbm>>
    tpu.wait_indirect_dma semaphore(%arg15 : memref<!tpu.dma_semaphore, #tpu.memory_space<semaphore_mem>>) src(%dma_wait3A_2169 : memref<200000x64xf32, #tpu.memory_space<hbm>>) dst(%arg7 : memref<128x64xf32, #tpu.memory_space<vmem>>)
    %add3A_2170 = arith.constant 5248 : i32
    %add3A_2171 = arith.addi %mul3A_2, %add3A_2170 : i32
    %jit3A_2172 = arith.constant 128 : i32
    %div3A_2173 = arith.divsi %add3A_2171, %jit3A_2172 : i32
    %sign3A_2174 = arith.constant 0 : i32
    %sign3A_2175 = arith.cmpi sgt, %add3A_2171, %sign3A_2174 : i32
    %sign3A_2176 = arith.extui %sign3A_2175 : i1 to i32
    %sign3A_2177 = arith.constant 0 : i32
    %sign3A_2178 = arith.cmpi slt, %add3A_2171, %sign3A_2177 : i32
    %sign3A_2179 = arith.extui %sign3A_2178 : i1 to i32
    %sign3A_2180 = arith.subi %sign3A_2176, %sign3A_2179 : i32
    %sign3A_2181 = arith.constant 0 : i32
    %sign3A_2182 = arith.cmpi sgt, %jit3A_2172, %sign3A_2181 : i32
    %sign3A_2183 = arith.extui %sign3A_2182 : i1 to i32
    %sign3A_2184 = arith.constant 0 : i32
    %sign3A_2185 = arith.cmpi slt, %jit3A_2172, %sign3A_2184 : i32
    %sign3A_2186 = arith.extui %sign3A_2185 : i1 to i32
    %sign3A_2187 = arith.subi %sign3A_2183, %sign3A_2186 : i32
    %ne3A_2188 = arith.cmpi ne, %sign3A_2180, %sign3A_2187 : i32
    %rem3A_2189 = arith.remsi %add3A_2171, %jit3A_2172 : i32
    %ne3A_2190 = arith.constant 0 : i32
    %ne3A_2191 = arith.cmpi ne, %rem3A_2189, %ne3A_2190 : i32
    %and3A_2192 = arith.andi %ne3A_2188, %ne3A_2191 : i1
    %sub3A_2193 = arith.constant 1 : i32
    %sub3A_2194 = arith.subi %div3A_2173, %sub3A_2193 : i32
    %select_n3A_2195 = arith.select %and3A_2192, %sub3A_2194, %div3A_2173 : i32
    %dma_start3A_2196 = arith.constant 0 : i32
    %dma_start3A_2197 = arith.constant 0 : i32
    %dma_start3A_2198 = tpu.memref_slice %arg4[%select_n3A_2195, %dma_start3A_2196, %dma_start3A_2197] : memref<1600x128x128xf32, #tpu.memory_space<hbm>> -> memref<1x128x64xf32, #tpu.memory_space<hbm>>
    %dma_start3A_2199 = tpu.memref_squeeze %dma_start3A_2198 : memref<1x128x64xf32, #tpu.memory_space<hbm>> -> memref<128x64xf32, #tpu.memory_space<hbm>>
    %dma_start3A_2200 = arith.constant 0 : i32
    %dma_start3A_2201 = arith.constant 0 : i32
    %dma_start3A_2202 = tpu.memref_slice %arg4[%select_n3A_2195, %dma_start3A_2200, %dma_start3A_2201] : memref<1600x128x128xf32, #tpu.memory_space<hbm>> -> memref<1x128x64xf32, #tpu.memory_space<hbm>>
    %dma_start3A_2203 = tpu.memref_squeeze %dma_start3A_2202 : memref<1x128x64xf32, #tpu.memory_space<hbm>> -> memref<128x64xf32, #tpu.memory_space<hbm>>
    tpu.enqueue_dma source(%arg7 : memref<128x64xf32, #tpu.memory_space<vmem>>) target(%dma_start3A_2203 : memref<128x64xf32, #tpu.memory_space<hbm>>) target_semaphore(%arg23 : memref<!tpu.dma_semaphore, #tpu.memory_space<semaphore_mem>>)
    %dma_wait3A_2204 = arith.constant 0 : i32
    %dma_wait3A_2205 = arith.constant 0 : i32
    %dma_wait3A_2206 = tpu.memref_slice %arg4[%select_n3A_2195, %dma_wait3A_2204, %dma_wait3A_2205] : memref<1600x128x128xf32, #tpu.memory_space<hbm>> -> memref<1x128x64xf32, #tpu.memory_space<hbm>>
    %dma_wait3A_2207 = tpu.memref_squeeze %dma_wait3A_2206 : memref<1x128x64xf32, #tpu.memory_space<hbm>> -> memref<128x64xf32, #tpu.memory_space<hbm>>
    %dma_wait3A_2208 = arith.constant 0 : i32
    %dma_wait3A_2209 = arith.constant 0 : i32
    %dma_wait3A_2210 = tpu.memref_slice %arg4[%select_n3A_2195, %dma_wait3A_2208, %dma_wait3A_2209] : memref<1600x128x128xf32, #tpu.memory_space<hbm>> -> memref<1x128x64xf32, #tpu.memory_space<hbm>>
    %dma_wait3A_2211 = tpu.memref_squeeze %dma_wait3A_2210 : memref<1x128x64xf32, #tpu.memory_space<hbm>> -> memref<128x64xf32, #tpu.memory_space<hbm>>
    tpu.wait_dma2 semaphore(%arg23 : memref<!tpu.dma_semaphore, #tpu.memory_space<semaphore_mem>>) src(%arg7 : memref<128x64xf32, #tpu.memory_space<vmem>>) dst(%dma_wait3A_2211 : memref<128x64xf32, #tpu.memory_space<hbm>>)
    %dma_start3A_2212 = arith.constant 6272 : i32
    %dma_start3A_2213 = tpu.memref_slice %arg5[%dma_start3A_2212] : memref<6400xi32, #tpu.memory_space<vmem>> -> memref<128xi32, #tpu.memory_space<vmem>>
    %dma_start3A_2214 = arith.constant 0 : i32
    %dma_start3A_2215 = arith.constant 0 : i32
    %dma_start3A_2216 = tpu.memref_slice %arg3[%dma_start3A_2214, %dma_start3A_2215] : memref<200000x64xf32, #tpu.memory_space<hbm>> -> memref<200000x64xf32, #tpu.memory_space<hbm>>
    tpu.enqueue_indirect_dma source(%dma_start3A_2216 : memref<200000x64xf32, #tpu.memory_space<hbm>>) target(%arg7 : memref<128x64xf32, #tpu.memory_space<vmem>>) offsets(%dma_start3A_2213 : memref<128xi32, #tpu.memory_space<vmem>>) semaphore(%arg15 : memref<!tpu.dma_semaphore, #tpu.memory_space<semaphore_mem>>)
    %dma_wait3A_2217 = arith.constant 5376 : i32
    %dma_wait3A_2218 = tpu.memref_slice %arg5[%dma_wait3A_2217] : memref<6400xi32, #tpu.memory_space<vmem>> -> memref<128xi32, #tpu.memory_space<vmem>>
    %dma_wait3A_2219 = arith.constant 0 : i32
    %dma_wait3A_2220 = arith.constant 0 : i32
    %dma_wait3A_2221 = tpu.memref_slice %arg3[%dma_wait3A_2219, %dma_wait3A_2220] : memref<200000x64xf32, #tpu.memory_space<hbm>> -> memref<200000x64xf32, #tpu.memory_space<hbm>>
    tpu.wait_indirect_dma semaphore(%arg16 : memref<!tpu.dma_semaphore, #tpu.memory_space<semaphore_mem>>) src(%dma_wait3A_2221 : memref<200000x64xf32, #tpu.memory_space<hbm>>) dst(%arg8 : memref<128x64xf32, #tpu.memory_space<vmem>>)
    %add3A_2222 = arith.constant 5376 : i32
    %add3A_2223 = arith.addi %mul3A_2, %add3A_2222 : i32
    %jit3A_2224 = arith.constant 128 : i32
    %div3A_2225 = arith.divsi %add3A_2223, %jit3A_2224 : i32
    %sign3A_2226 = arith.constant 0 : i32
    %sign3A_2227 = arith.cmpi sgt, %add3A_2223, %sign3A_2226 : i32
    %sign3A_2228 = arith.extui %sign3A_2227 : i1 to i32
    %sign3A_2229 = arith.constant 0 : i32
    %sign3A_2230 = arith.cmpi slt, %add3A_2223, %sign3A_2229 : i32
    %sign3A_2231 = arith.extui %sign3A_2230 : i1 to i32
    %sign3A_2232 = arith.subi %sign3A_2228, %sign3A_2231 : i32
    %sign3A_2233 = arith.constant 0 : i32
    %sign3A_2234 = arith.cmpi sgt, %jit3A_2224, %sign3A_2233 : i32
    %sign3A_2235 = arith.extui %sign3A_2234 : i1 to i32
    %sign3A_2236 = arith.constant 0 : i32
    %sign3A_2237 = arith.cmpi slt, %jit3A_2224, %sign3A_2236 : i32
    %sign3A_2238 = arith.extui %sign3A_2237 : i1 to i32
    %sign3A_2239 = arith.subi %sign3A_2235, %sign3A_2238 : i32
    %ne3A_2240 = arith.cmpi ne, %sign3A_2232, %sign3A_2239 : i32
    %rem3A_2241 = arith.remsi %add3A_2223, %jit3A_2224 : i32
    %ne3A_2242 = arith.constant 0 : i32
    %ne3A_2243 = arith.cmpi ne, %rem3A_2241, %ne3A_2242 : i32
    %and3A_2244 = arith.andi %ne3A_2240, %ne3A_2243 : i1
    %sub3A_2245 = arith.constant 1 : i32
    %sub3A_2246 = arith.subi %div3A_2225, %sub3A_2245 : i32
    %select_n3A_2247 = arith.select %and3A_2244, %sub3A_2246, %div3A_2225 : i32
    %dma_start3A_2248 = arith.constant 0 : i32
    %dma_start3A_2249 = arith.constant 0 : i32
    %dma_start3A_2250 = tpu.memref_slice %arg4[%select_n3A_2247, %dma_start3A_2248, %dma_start3A_2249] : memref<1600x128x128xf32, #tpu.memory_space<hbm>> -> memref<1x128x64xf32, #tpu.memory_space<hbm>>
    %dma_start3A_2251 = tpu.memref_squeeze %dma_start3A_2250 : memref<1x128x64xf32, #tpu.memory_space<hbm>> -> memref<128x64xf32, #tpu.memory_space<hbm>>
    %dma_start3A_2252 = arith.constant 0 : i32
    %dma_start3A_2253 = arith.constant 0 : i32
    %dma_start3A_2254 = tpu.memref_slice %arg4[%select_n3A_2247, %dma_start3A_2252, %dma_start3A_2253] : memref<1600x128x128xf32, #tpu.memory_space<hbm>> -> memref<1x128x64xf32, #tpu.memory_space<hbm>>
    %dma_start3A_2255 = tpu.memref_squeeze %dma_start3A_2254 : memref<1x128x64xf32, #tpu.memory_space<hbm>> -> memref<128x64xf32, #tpu.memory_space<hbm>>
    tpu.enqueue_dma source(%arg8 : memref<128x64xf32, #tpu.memory_space<vmem>>) target(%dma_start3A_2255 : memref<128x64xf32, #tpu.memory_space<hbm>>) target_semaphore(%arg24 : memref<!tpu.dma_semaphore, #tpu.memory_space<semaphore_mem>>)
    %dma_wait3A_2256 = arith.constant 5504 : i32
    %dma_wait3A_2257 = tpu.memref_slice %arg5[%dma_wait3A_2256] : memref<6400xi32, #tpu.memory_space<vmem>> -> memref<128xi32, #tpu.memory_space<vmem>>
    %dma_wait3A_2258 = arith.constant 0 : i32
    %dma_wait3A_2259 = arith.constant 0 : i32
    %dma_wait3A_2260 = tpu.memref_slice %arg3[%dma_wait3A_2258, %dma_wait3A_2259] : memref<200000x64xf32, #tpu.memory_space<hbm>> -> memref<200000x64xf32, #tpu.memory_space<hbm>>
    tpu.wait_indirect_dma semaphore(%arg17 : memref<!tpu.dma_semaphore, #tpu.memory_space<semaphore_mem>>) src(%dma_wait3A_2260 : memref<200000x64xf32, #tpu.memory_space<hbm>>) dst(%arg9 : memref<128x64xf32, #tpu.memory_space<vmem>>)
    %add3A_2261 = arith.constant 5504 : i32
    %add3A_2262 = arith.addi %mul3A_2, %add3A_2261 : i32
    %jit3A_2263 = arith.constant 128 : i32
    %div3A_2264 = arith.divsi %add3A_2262, %jit3A_2263 : i32
    %sign3A_2265 = arith.constant 0 : i32
    %sign3A_2266 = arith.cmpi sgt, %add3A_2262, %sign3A_2265 : i32
    %sign3A_2267 = arith.extui %sign3A_2266 : i1 to i32
    %sign3A_2268 = arith.constant 0 : i32
    %sign3A_2269 = arith.cmpi slt, %add3A_2262, %sign3A_2268 : i32
    %sign3A_2270 = arith.extui %sign3A_2269 : i1 to i32
    %sign3A_2271 = arith.subi %sign3A_2267, %sign3A_2270 : i32
    %sign3A_2272 = arith.constant 0 : i32
    %sign3A_2273 = arith.cmpi sgt, %jit3A_2263, %sign3A_2272 : i32
    %sign3A_2274 = arith.extui %sign3A_2273 : i1 to i32
    %sign3A_2275 = arith.constant 0 : i32
    %sign3A_2276 = arith.cmpi slt, %jit3A_2263, %sign3A_2275 : i32
    %sign3A_2277 = arith.extui %sign3A_2276 : i1 to i32
    %sign3A_2278 = arith.subi %sign3A_2274, %sign3A_2277 : i32
    %ne3A_2279 = arith.cmpi ne, %sign3A_2271, %sign3A_2278 : i32
    %rem3A_2280 = arith.remsi %add3A_2262, %jit3A_2263 : i32
    %ne3A_2281 = arith.constant 0 : i32
    %ne3A_2282 = arith.cmpi ne, %rem3A_2280, %ne3A_2281 : i32
    %and3A_2283 = arith.andi %ne3A_2279, %ne3A_2282 : i1
    %sub3A_2284 = arith.constant 1 : i32
    %sub3A_2285 = arith.subi %div3A_2264, %sub3A_2284 : i32
    %select_n3A_2286 = arith.select %and3A_2283, %sub3A_2285, %div3A_2264 : i32
    %dma_start3A_2287 = arith.constant 0 : i32
    %dma_start3A_2288 = arith.constant 0 : i32
    %dma_start3A_2289 = tpu.memref_slice %arg4[%select_n3A_2286, %dma_start3A_2287, %dma_start3A_2288] : memref<1600x128x128xf32, #tpu.memory_space<hbm>> -> memref<1x128x64xf32, #tpu.memory_space<hbm>>
    %dma_start3A_2290 = tpu.memref_squeeze %dma_start3A_2289 : memref<1x128x64xf32, #tpu.memory_space<hbm>> -> memref<128x64xf32, #tpu.memory_space<hbm>>
    %dma_start3A_2291 = arith.constant 0 : i32
    %dma_start3A_2292 = arith.constant 0 : i32
    %dma_start3A_2293 = tpu.memref_slice %arg4[%select_n3A_2286, %dma_start3A_2291, %dma_start3A_2292] : memref<1600x128x128xf32, #tpu.memory_space<hbm>> -> memref<1x128x64xf32, #tpu.memory_space<hbm>>
    %dma_start3A_2294 = tpu.memref_squeeze %dma_start3A_2293 : memref<1x128x64xf32, #tpu.memory_space<hbm>> -> memref<128x64xf32, #tpu.memory_space<hbm>>
    tpu.enqueue_dma source(%arg9 : memref<128x64xf32, #tpu.memory_space<vmem>>) target(%dma_start3A_2294 : memref<128x64xf32, #tpu.memory_space<hbm>>) target_semaphore(%arg25 : memref<!tpu.dma_semaphore, #tpu.memory_space<semaphore_mem>>)
    %dma_wait3A_2295 = arith.constant 5632 : i32
    %dma_wait3A_2296 = tpu.memref_slice %arg5[%dma_wait3A_2295] : memref<6400xi32, #tpu.memory_space<vmem>> -> memref<128xi32, #tpu.memory_space<vmem>>
    %dma_wait3A_2297 = arith.constant 0 : i32
    %dma_wait3A_2298 = arith.constant 0 : i32
    %dma_wait3A_2299 = tpu.memref_slice %arg3[%dma_wait3A_2297, %dma_wait3A_2298] : memref<200000x64xf32, #tpu.memory_space<hbm>> -> memref<200000x64xf32, #tpu.memory_space<hbm>>
    tpu.wait_indirect_dma semaphore(%arg18 : memref<!tpu.dma_semaphore, #tpu.memory_space<semaphore_mem>>) src(%dma_wait3A_2299 : memref<200000x64xf32, #tpu.memory_space<hbm>>) dst(%arg10 : memref<128x64xf32, #tpu.memory_space<vmem>>)
    %add3A_2300 = arith.constant 5632 : i32
    %add3A_2301 = arith.addi %mul3A_2, %add3A_2300 : i32
    %jit3A_2302 = arith.constant 128 : i32
    %div3A_2303 = arith.divsi %add3A_2301, %jit3A_2302 : i32
    %sign3A_2304 = arith.constant 0 : i32
    %sign3A_2305 = arith.cmpi sgt, %add3A_2301, %sign3A_2304 : i32
    %sign3A_2306 = arith.extui %sign3A_2305 : i1 to i32
    %sign3A_2307 = arith.constant 0 : i32
    %sign3A_2308 = arith.cmpi slt, %add3A_2301, %sign3A_2307 : i32
    %sign3A_2309 = arith.extui %sign3A_2308 : i1 to i32
    %sign3A_2310 = arith.subi %sign3A_2306, %sign3A_2309 : i32
    %sign3A_2311 = arith.constant 0 : i32
    %sign3A_2312 = arith.cmpi sgt, %jit3A_2302, %sign3A_2311 : i32
    %sign3A_2313 = arith.extui %sign3A_2312 : i1 to i32
    %sign3A_2314 = arith.constant 0 : i32
    %sign3A_2315 = arith.cmpi slt, %jit3A_2302, %sign3A_2314 : i32
    %sign3A_2316 = arith.extui %sign3A_2315 : i1 to i32
    %sign3A_2317 = arith.subi %sign3A_2313, %sign3A_2316 : i32
    %ne3A_2318 = arith.cmpi ne, %sign3A_2310, %sign3A_2317 : i32
    %rem3A_2319 = arith.remsi %add3A_2301, %jit3A_2302 : i32
    %ne3A_2320 = arith.constant 0 : i32
    %ne3A_2321 = arith.cmpi ne, %rem3A_2319, %ne3A_2320 : i32
    %and3A_2322 = arith.andi %ne3A_2318, %ne3A_2321 : i1
    %sub3A_2323 = arith.constant 1 : i32
    %sub3A_2324 = arith.subi %div3A_2303, %sub3A_2323 : i32
    %select_n3A_2325 = arith.select %and3A_2322, %sub3A_2324, %div3A_2303 : i32
    %dma_start3A_2326 = arith.constant 0 : i32
    %dma_start3A_2327 = arith.constant 0 : i32
    %dma_start3A_2328 = tpu.memref_slice %arg4[%select_n3A_2325, %dma_start3A_2326, %dma_start3A_2327] : memref<1600x128x128xf32, #tpu.memory_space<hbm>> -> memref<1x128x64xf32, #tpu.memory_space<hbm>>
    %dma_start3A_2329 = tpu.memref_squeeze %dma_start3A_2328 : memref<1x128x64xf32, #tpu.memory_space<hbm>> -> memref<128x64xf32, #tpu.memory_space<hbm>>
    %dma_start3A_2330 = arith.constant 0 : i32
    %dma_start3A_2331 = arith.constant 0 : i32
    %dma_start3A_2332 = tpu.memref_slice %arg4[%select_n3A_2325, %dma_start3A_2330, %dma_start3A_2331] : memref<1600x128x128xf32, #tpu.memory_space<hbm>> -> memref<1x128x64xf32, #tpu.memory_space<hbm>>
    %dma_start3A_2333 = tpu.memref_squeeze %dma_start3A_2332 : memref<1x128x64xf32, #tpu.memory_space<hbm>> -> memref<128x64xf32, #tpu.memory_space<hbm>>
    tpu.enqueue_dma source(%arg10 : memref<128x64xf32, #tpu.memory_space<vmem>>) target(%dma_start3A_2333 : memref<128x64xf32, #tpu.memory_space<hbm>>) target_semaphore(%arg26 : memref<!tpu.dma_semaphore, #tpu.memory_space<semaphore_mem>>)
    %dma_wait3A_2334 = arith.constant 5760 : i32
    %dma_wait3A_2335 = tpu.memref_slice %arg5[%dma_wait3A_2334] : memref<6400xi32, #tpu.memory_space<vmem>> -> memref<128xi32, #tpu.memory_space<vmem>>
    %dma_wait3A_2336 = arith.constant 0 : i32
    %dma_wait3A_2337 = arith.constant 0 : i32
    %dma_wait3A_2338 = tpu.memref_slice %arg3[%dma_wait3A_2336, %dma_wait3A_2337] : memref<200000x64xf32, #tpu.memory_space<hbm>> -> memref<200000x64xf32, #tpu.memory_space<hbm>>
    tpu.wait_indirect_dma semaphore(%arg19 : memref<!tpu.dma_semaphore, #tpu.memory_space<semaphore_mem>>) src(%dma_wait3A_2338 : memref<200000x64xf32, #tpu.memory_space<hbm>>) dst(%arg11 : memref<128x64xf32, #tpu.memory_space<vmem>>)
    %add3A_2339 = arith.constant 5760 : i32
    %add3A_2340 = arith.addi %mul3A_2, %add3A_2339 : i32
    %jit3A_2341 = arith.constant 128 : i32
    %div3A_2342 = arith.divsi %add3A_2340, %jit3A_2341 : i32
    %sign3A_2343 = arith.constant 0 : i32
    %sign3A_2344 = arith.cmpi sgt, %add3A_2340, %sign3A_2343 : i32
    %sign3A_2345 = arith.extui %sign3A_2344 : i1 to i32
    %sign3A_2346 = arith.constant 0 : i32
    %sign3A_2347 = arith.cmpi slt, %add3A_2340, %sign3A_2346 : i32
    %sign3A_2348 = arith.extui %sign3A_2347 : i1 to i32
    %sign3A_2349 = arith.subi %sign3A_2345, %sign3A_2348 : i32
    %sign3A_2350 = arith.constant 0 : i32
    %sign3A_2351 = arith.cmpi sgt, %jit3A_2341, %sign3A_2350 : i32
    %sign3A_2352 = arith.extui %sign3A_2351 : i1 to i32
    %sign3A_2353 = arith.constant 0 : i32
    %sign3A_2354 = arith.cmpi slt, %jit3A_2341, %sign3A_2353 : i32
    %sign3A_2355 = arith.extui %sign3A_2354 : i1 to i32
    %sign3A_2356 = arith.subi %sign3A_2352, %sign3A_2355 : i32
    %ne3A_2357 = arith.cmpi ne, %sign3A_2349, %sign3A_2356 : i32
    %rem3A_2358 = arith.remsi %add3A_2340, %jit3A_2341 : i32
    %ne3A_2359 = arith.constant 0 : i32
    %ne3A_2360 = arith.cmpi ne, %rem3A_2358, %ne3A_2359 : i32
    %and3A_2361 = arith.andi %ne3A_2357, %ne3A_2360 : i1
    %sub3A_2362 = arith.constant 1 : i32
    %sub3A_2363 = arith.subi %div3A_2342, %sub3A_2362 : i32
    %select_n3A_2364 = arith.select %and3A_2361, %sub3A_2363, %div3A_2342 : i32
    %dma_start3A_2365 = arith.constant 0 : i32
    %dma_start3A_2366 = arith.constant 0 : i32
    %dma_start3A_2367 = tpu.memref_slice %arg4[%select_n3A_2364, %dma_start3A_2365, %dma_start3A_2366] : memref<1600x128x128xf32, #tpu.memory_space<hbm>> -> memref<1x128x64xf32, #tpu.memory_space<hbm>>
    %dma_start3A_2368 = tpu.memref_squeeze %dma_start3A_2367 : memref<1x128x64xf32, #tpu.memory_space<hbm>> -> memref<128x64xf32, #tpu.memory_space<hbm>>
    %dma_start3A_2369 = arith.constant 0 : i32
    %dma_start3A_2370 = arith.constant 0 : i32
    %dma_start3A_2371 = tpu.memref_slice %arg4[%select_n3A_2364, %dma_start3A_2369, %dma_start3A_2370] : memref<1600x128x128xf32, #tpu.memory_space<hbm>> -> memref<1x128x64xf32, #tpu.memory_space<hbm>>
    %dma_start3A_2372 = tpu.memref_squeeze %dma_start3A_2371 : memref<1x128x64xf32, #tpu.memory_space<hbm>> -> memref<128x64xf32, #tpu.memory_space<hbm>>
    tpu.enqueue_dma source(%arg11 : memref<128x64xf32, #tpu.memory_space<vmem>>) target(%dma_start3A_2372 : memref<128x64xf32, #tpu.memory_space<hbm>>) target_semaphore(%arg27 : memref<!tpu.dma_semaphore, #tpu.memory_space<semaphore_mem>>)
    %dma_wait3A_2373 = arith.constant 5888 : i32
    %dma_wait3A_2374 = tpu.memref_slice %arg5[%dma_wait3A_2373] : memref<6400xi32, #tpu.memory_space<vmem>> -> memref<128xi32, #tpu.memory_space<vmem>>
    %dma_wait3A_2375 = arith.constant 0 : i32
    %dma_wait3A_2376 = arith.constant 0 : i32
    %dma_wait3A_2377 = tpu.memref_slice %arg3[%dma_wait3A_2375, %dma_wait3A_2376] : memref<200000x64xf32, #tpu.memory_space<hbm>> -> memref<200000x64xf32, #tpu.memory_space<hbm>>
    tpu.wait_indirect_dma semaphore(%arg20 : memref<!tpu.dma_semaphore, #tpu.memory_space<semaphore_mem>>) src(%dma_wait3A_2377 : memref<200000x64xf32, #tpu.memory_space<hbm>>) dst(%arg12 : memref<128x64xf32, #tpu.memory_space<vmem>>)
    %add3A_2378 = arith.constant 5888 : i32
    %add3A_2379 = arith.addi %mul3A_2, %add3A_2378 : i32
    %jit3A_2380 = arith.constant 128 : i32
    %div3A_2381 = arith.divsi %add3A_2379, %jit3A_2380 : i32
    %sign3A_2382 = arith.constant 0 : i32
    %sign3A_2383 = arith.cmpi sgt, %add3A_2379, %sign3A_2382 : i32
    %sign3A_2384 = arith.extui %sign3A_2383 : i1 to i32
    %sign3A_2385 = arith.constant 0 : i32
    %sign3A_2386 = arith.cmpi slt, %add3A_2379, %sign3A_2385 : i32
    %sign3A_2387 = arith.extui %sign3A_2386 : i1 to i32
    %sign3A_2388 = arith.subi %sign3A_2384, %sign3A_2387 : i32
    %sign3A_2389 = arith.constant 0 : i32
    %sign3A_2390 = arith.cmpi sgt, %jit3A_2380, %sign3A_2389 : i32
    %sign3A_2391 = arith.extui %sign3A_2390 : i1 to i32
    %sign3A_2392 = arith.constant 0 : i32
    %sign3A_2393 = arith.cmpi slt, %jit3A_2380, %sign3A_2392 : i32
    %sign3A_2394 = arith.extui %sign3A_2393 : i1 to i32
    %sign3A_2395 = arith.subi %sign3A_2391, %sign3A_2394 : i32
    %ne3A_2396 = arith.cmpi ne, %sign3A_2388, %sign3A_2395 : i32
    %rem3A_2397 = arith.remsi %add3A_2379, %jit3A_2380 : i32
    %ne3A_2398 = arith.constant 0 : i32
    %ne3A_2399 = arith.cmpi ne, %rem3A_2397, %ne3A_2398 : i32
    %and3A_2400 = arith.andi %ne3A_2396, %ne3A_2399 : i1
    %sub3A_2401 = arith.constant 1 : i32
    %sub3A_2402 = arith.subi %div3A_2381, %sub3A_2401 : i32
    %select_n3A_2403 = arith.select %and3A_2400, %sub3A_2402, %div3A_2381 : i32
    %dma_start3A_2404 = arith.constant 0 : i32
    %dma_start3A_2405 = arith.constant 0 : i32
    %dma_start3A_2406 = tpu.memref_slice %arg4[%select_n3A_2403, %dma_start3A_2404, %dma_start3A_2405] : memref<1600x128x128xf32, #tpu.memory_space<hbm>> -> memref<1x128x64xf32, #tpu.memory_space<hbm>>
    %dma_start3A_2407 = tpu.memref_squeeze %dma_start3A_2406 : memref<1x128x64xf32, #tpu.memory_space<hbm>> -> memref<128x64xf32, #tpu.memory_space<hbm>>
    %dma_start3A_2408 = arith.constant 0 : i32
    %dma_start3A_2409 = arith.constant 0 : i32
    %dma_start3A_2410 = tpu.memref_slice %arg4[%select_n3A_2403, %dma_start3A_2408, %dma_start3A_2409] : memref<1600x128x128xf32, #tpu.memory_space<hbm>> -> memref<1x128x64xf32, #tpu.memory_space<hbm>>
    %dma_start3A_2411 = tpu.memref_squeeze %dma_start3A_2410 : memref<1x128x64xf32, #tpu.memory_space<hbm>> -> memref<128x64xf32, #tpu.memory_space<hbm>>
    tpu.enqueue_dma source(%arg12 : memref<128x64xf32, #tpu.memory_space<vmem>>) target(%dma_start3A_2411 : memref<128x64xf32, #tpu.memory_space<hbm>>) target_semaphore(%arg28 : memref<!tpu.dma_semaphore, #tpu.memory_space<semaphore_mem>>)
    %dma_wait3A_2412 = arith.constant 6016 : i32
    %dma_wait3A_2413 = tpu.memref_slice %arg5[%dma_wait3A_2412] : memref<6400xi32, #tpu.memory_space<vmem>> -> memref<128xi32, #tpu.memory_space<vmem>>
    %dma_wait3A_2414 = arith.constant 0 : i32
    %dma_wait3A_2415 = arith.constant 0 : i32
    %dma_wait3A_2416 = tpu.memref_slice %arg3[%dma_wait3A_2414, %dma_wait3A_2415] : memref<200000x64xf32, #tpu.memory_space<hbm>> -> memref<200000x64xf32, #tpu.memory_space<hbm>>
    tpu.wait_indirect_dma semaphore(%arg21 : memref<!tpu.dma_semaphore, #tpu.memory_space<semaphore_mem>>) src(%dma_wait3A_2416 : memref<200000x64xf32, #tpu.memory_space<hbm>>) dst(%arg13 : memref<128x64xf32, #tpu.memory_space<vmem>>)
    %add3A_2417 = arith.constant 6016 : i32
    %add3A_2418 = arith.addi %mul3A_2, %add3A_2417 : i32
    %jit3A_2419 = arith.constant 128 : i32
    %div3A_2420 = arith.divsi %add3A_2418, %jit3A_2419 : i32
    %sign3A_2421 = arith.constant 0 : i32
    %sign3A_2422 = arith.cmpi sgt, %add3A_2418, %sign3A_2421 : i32
    %sign3A_2423 = arith.extui %sign3A_2422 : i1 to i32
    %sign3A_2424 = arith.constant 0 : i32
    %sign3A_2425 = arith.cmpi slt, %add3A_2418, %sign3A_2424 : i32
    %sign3A_2426 = arith.extui %sign3A_2425 : i1 to i32
    %sign3A_2427 = arith.subi %sign3A_2423, %sign3A_2426 : i32
    %sign3A_2428 = arith.constant 0 : i32
    %sign3A_2429 = arith.cmpi sgt, %jit3A_2419, %sign3A_2428 : i32
    %sign3A_2430 = arith.extui %sign3A_2429 : i1 to i32
    %sign3A_2431 = arith.constant 0 : i32
    %sign3A_2432 = arith.cmpi slt, %jit3A_2419, %sign3A_2431 : i32
    %sign3A_2433 = arith.extui %sign3A_2432 : i1 to i32
    %sign3A_2434 = arith.subi %sign3A_2430, %sign3A_2433 : i32
    %ne3A_2435 = arith.cmpi ne, %sign3A_2427, %sign3A_2434 : i32
    %rem3A_2436 = arith.remsi %add3A_2418, %jit3A_2419 : i32
    %ne3A_2437 = arith.constant 0 : i32
    %ne3A_2438 = arith.cmpi ne, %rem3A_2436, %ne3A_2437 : i32
    %and3A_2439 = arith.andi %ne3A_2435, %ne3A_2438 : i1
    %sub3A_2440 = arith.constant 1 : i32
    %sub3A_2441 = arith.subi %div3A_2420, %sub3A_2440 : i32
    %select_n3A_2442 = arith.select %and3A_2439, %sub3A_2441, %div3A_2420 : i32
    %dma_start3A_2443 = arith.constant 0 : i32
    %dma_start3A_2444 = arith.constant 0 : i32
    %dma_start3A_2445 = tpu.memref_slice %arg4[%select_n3A_2442, %dma_start3A_2443, %dma_start3A_2444] : memref<1600x128x128xf32, #tpu.memory_space<hbm>> -> memref<1x128x64xf32, #tpu.memory_space<hbm>>
    %dma_start3A_2446 = tpu.memref_squeeze %dma_start3A_2445 : memref<1x128x64xf32, #tpu.memory_space<hbm>> -> memref<128x64xf32, #tpu.memory_space<hbm>>
    %dma_start3A_2447 = arith.constant 0 : i32
    %dma_start3A_2448 = arith.constant 0 : i32
    %dma_start3A_2449 = tpu.memref_slice %arg4[%select_n3A_2442, %dma_start3A_2447, %dma_start3A_2448] : memref<1600x128x128xf32, #tpu.memory_space<hbm>> -> memref<1x128x64xf32, #tpu.memory_space<hbm>>
    %dma_start3A_2450 = tpu.memref_squeeze %dma_start3A_2449 : memref<1x128x64xf32, #tpu.memory_space<hbm>> -> memref<128x64xf32, #tpu.memory_space<hbm>>
    tpu.enqueue_dma source(%arg13 : memref<128x64xf32, #tpu.memory_space<vmem>>) target(%dma_start3A_2450 : memref<128x64xf32, #tpu.memory_space<hbm>>) target_semaphore(%arg29 : memref<!tpu.dma_semaphore, #tpu.memory_space<semaphore_mem>>)
    %dma_wait3A_2451 = arith.constant 6144 : i32
    %dma_wait3A_2452 = tpu.memref_slice %arg5[%dma_wait3A_2451] : memref<6400xi32, #tpu.memory_space<vmem>> -> memref<128xi32, #tpu.memory_space<vmem>>
    %dma_wait3A_2453 = arith.constant 0 : i32
    %dma_wait3A_2454 = arith.constant 0 : i32
    %dma_wait3A_2455 = tpu.memref_slice %arg3[%dma_wait3A_2453, %dma_wait3A_2454] : memref<200000x64xf32, #tpu.memory_space<hbm>> -> memref<200000x64xf32, #tpu.memory_space<hbm>>
    tpu.wait_indirect_dma semaphore(%arg14 : memref<!tpu.dma_semaphore, #tpu.memory_space<semaphore_mem>>) src(%dma_wait3A_2455 : memref<200000x64xf32, #tpu.memory_space<hbm>>) dst(%arg6 : memref<128x64xf32, #tpu.memory_space<vmem>>)
    %add3A_2456 = arith.constant 6144 : i32
    %add3A_2457 = arith.addi %mul3A_2, %add3A_2456 : i32
    %jit3A_2458 = arith.constant 128 : i32
    %div3A_2459 = arith.divsi %add3A_2457, %jit3A_2458 : i32
    %sign3A_2460 = arith.constant 0 : i32
    %sign3A_2461 = arith.cmpi sgt, %add3A_2457, %sign3A_2460 : i32
    %sign3A_2462 = arith.extui %sign3A_2461 : i1 to i32
    %sign3A_2463 = arith.constant 0 : i32
    %sign3A_2464 = arith.cmpi slt, %add3A_2457, %sign3A_2463 : i32
    %sign3A_2465 = arith.extui %sign3A_2464 : i1 to i32
    %sign3A_2466 = arith.subi %sign3A_2462, %sign3A_2465 : i32
    %sign3A_2467 = arith.constant 0 : i32
    %sign3A_2468 = arith.cmpi sgt, %jit3A_2458, %sign3A_2467 : i32
    %sign3A_2469 = arith.extui %sign3A_2468 : i1 to i32
    %sign3A_2470 = arith.constant 0 : i32
    %sign3A_2471 = arith.cmpi slt, %jit3A_2458, %sign3A_2470 : i32
    %sign3A_2472 = arith.extui %sign3A_2471 : i1 to i32
    %sign3A_2473 = arith.subi %sign3A_2469, %sign3A_2472 : i32
    %ne3A_2474 = arith.cmpi ne, %sign3A_2466, %sign3A_2473 : i32
    %rem3A_2475 = arith.remsi %add3A_2457, %jit3A_2458 : i32
    %ne3A_2476 = arith.constant 0 : i32
    %ne3A_2477 = arith.cmpi ne, %rem3A_2475, %ne3A_2476 : i32
    %and3A_2478 = arith.andi %ne3A_2474, %ne3A_2477 : i1
    %sub3A_2479 = arith.constant 1 : i32
    %sub3A_2480 = arith.subi %div3A_2459, %sub3A_2479 : i32
    %select_n3A_2481 = arith.select %and3A_2478, %sub3A_2480, %div3A_2459 : i32
    %dma_start3A_2482 = arith.constant 0 : i32
    %dma_start3A_2483 = arith.constant 0 : i32
    %dma_start3A_2484 = tpu.memref_slice %arg4[%select_n3A_2481, %dma_start3A_2482, %dma_start3A_2483] : memref<1600x128x128xf32, #tpu.memory_space<hbm>> -> memref<1x128x64xf32, #tpu.memory_space<hbm>>
    %dma_start3A_2485 = tpu.memref_squeeze %dma_start3A_2484 : memref<1x128x64xf32, #tpu.memory_space<hbm>> -> memref<128x64xf32, #tpu.memory_space<hbm>>
    %dma_start3A_2486 = arith.constant 0 : i32
    %dma_start3A_2487 = arith.constant 0 : i32
    %dma_start3A_2488 = tpu.memref_slice %arg4[%select_n3A_2481, %dma_start3A_2486, %dma_start3A_2487] : memref<1600x128x128xf32, #tpu.memory_space<hbm>> -> memref<1x128x64xf32, #tpu.memory_space<hbm>>
    %dma_start3A_2489 = tpu.memref_squeeze %dma_start3A_2488 : memref<1x128x64xf32, #tpu.memory_space<hbm>> -> memref<128x64xf32, #tpu.memory_space<hbm>>
    tpu.enqueue_dma source(%arg6 : memref<128x64xf32, #tpu.memory_space<vmem>>) target(%dma_start3A_2489 : memref<128x64xf32, #tpu.memory_space<hbm>>) target_semaphore(%arg22 : memref<!tpu.dma_semaphore, #tpu.memory_space<semaphore_mem>>)
    %dma_wait3A_2490 = arith.constant 6272 : i32
    %dma_wait3A_2491 = tpu.memref_slice %arg5[%dma_wait3A_2490] : memref<6400xi32, #tpu.memory_space<vmem>> -> memref<128xi32, #tpu.memory_space<vmem>>
    %dma_wait3A_2492 = arith.constant 0 : i32
    %dma_wait3A_2493 = arith.constant 0 : i32
    %dma_wait3A_2494 = tpu.memref_slice %arg3[%dma_wait3A_2492, %dma_wait3A_2493] : memref<200000x64xf32, #tpu.memory_space<hbm>> -> memref<200000x64xf32, #tpu.memory_space<hbm>>
    tpu.wait_indirect_dma semaphore(%arg15 : memref<!tpu.dma_semaphore, #tpu.memory_space<semaphore_mem>>) src(%dma_wait3A_2494 : memref<200000x64xf32, #tpu.memory_space<hbm>>) dst(%arg7 : memref<128x64xf32, #tpu.memory_space<vmem>>)
    %add3A_2495 = arith.constant 6272 : i32
    %add3A_2496 = arith.addi %mul3A_2, %add3A_2495 : i32
    %jit3A_2497 = arith.constant 128 : i32
    %div3A_2498 = arith.divsi %add3A_2496, %jit3A_2497 : i32
    %sign3A_2499 = arith.constant 0 : i32
    %sign3A_2500 = arith.cmpi sgt, %add3A_2496, %sign3A_2499 : i32
    %sign3A_2501 = arith.extui %sign3A_2500 : i1 to i32
    %sign3A_2502 = arith.constant 0 : i32
    %sign3A_2503 = arith.cmpi slt, %add3A_2496, %sign3A_2502 : i32
    %sign3A_2504 = arith.extui %sign3A_2503 : i1 to i32
    %sign3A_2505 = arith.subi %sign3A_2501, %sign3A_2504 : i32
    %sign3A_2506 = arith.constant 0 : i32
    %sign3A_2507 = arith.cmpi sgt, %jit3A_2497, %sign3A_2506 : i32
    %sign3A_2508 = arith.extui %sign3A_2507 : i1 to i32
    %sign3A_2509 = arith.constant 0 : i32
    %sign3A_2510 = arith.cmpi slt, %jit3A_2497, %sign3A_2509 : i32
    %sign3A_2511 = arith.extui %sign3A_2510 : i1 to i32
    %sign3A_2512 = arith.subi %sign3A_2508, %sign3A_2511 : i32
    %ne3A_2513 = arith.cmpi ne, %sign3A_2505, %sign3A_2512 : i32
    %rem3A_2514 = arith.remsi %add3A_2496, %jit3A_2497 : i32
    %ne3A_2515 = arith.constant 0 : i32
    %ne3A_2516 = arith.cmpi ne, %rem3A_2514, %ne3A_2515 : i32
    %and3A_2517 = arith.andi %ne3A_2513, %ne3A_2516 : i1
    %sub3A_2518 = arith.constant 1 : i32
    %sub3A_2519 = arith.subi %div3A_2498, %sub3A_2518 : i32
    %select_n3A_2520 = arith.select %and3A_2517, %sub3A_2519, %div3A_2498 : i32
    %dma_start3A_2521 = arith.constant 0 : i32
    %dma_start3A_2522 = arith.constant 0 : i32
    %dma_start3A_2523 = tpu.memref_slice %arg4[%select_n3A_2520, %dma_start3A_2521, %dma_start3A_2522] : memref<1600x128x128xf32, #tpu.memory_space<hbm>> -> memref<1x128x64xf32, #tpu.memory_space<hbm>>
    %dma_start3A_2524 = tpu.memref_squeeze %dma_start3A_2523 : memref<1x128x64xf32, #tpu.memory_space<hbm>> -> memref<128x64xf32, #tpu.memory_space<hbm>>
    %dma_start3A_2525 = arith.constant 0 : i32
    %dma_start3A_2526 = arith.constant 0 : i32
    %dma_start3A_2527 = tpu.memref_slice %arg4[%select_n3A_2520, %dma_start3A_2525, %dma_start3A_2526] : memref<1600x128x128xf32, #tpu.memory_space<hbm>> -> memref<1x128x64xf32, #tpu.memory_space<hbm>>
    %dma_start3A_2528 = tpu.memref_squeeze %dma_start3A_2527 : memref<1x128x64xf32, #tpu.memory_space<hbm>> -> memref<128x64xf32, #tpu.memory_space<hbm>>
    tpu.enqueue_dma source(%arg7 : memref<128x64xf32, #tpu.memory_space<vmem>>) target(%dma_start3A_2528 : memref<128x64xf32, #tpu.memory_space<hbm>>) target_semaphore(%arg23 : memref<!tpu.dma_semaphore, #tpu.memory_space<semaphore_mem>>)
    %dma_wait3A_2529 = arith.constant 0 : i32
    %dma_wait3A_2530 = arith.constant 0 : i32
    %dma_wait3A_2531 = tpu.memref_slice %arg4[%select_n3A_2247, %dma_wait3A_2529, %dma_wait3A_2530] : memref<1600x128x128xf32, #tpu.memory_space<hbm>> -> memref<1x128x64xf32, #tpu.memory_space<hbm>>
    %dma_wait3A_2532 = tpu.memref_squeeze %dma_wait3A_2531 : memref<1x128x64xf32, #tpu.memory_space<hbm>> -> memref<128x64xf32, #tpu.memory_space<hbm>>
    %dma_wait3A_2533 = arith.constant 0 : i32
    %dma_wait3A_2534 = arith.constant 0 : i32
    %dma_wait3A_2535 = tpu.memref_slice %arg4[%select_n3A_2247, %dma_wait3A_2533, %dma_wait3A_2534] : memref<1600x128x128xf32, #tpu.memory_space<hbm>> -> memref<1x128x64xf32, #tpu.memory_space<hbm>>
    %dma_wait3A_2536 = tpu.memref_squeeze %dma_wait3A_2535 : memref<1x128x64xf32, #tpu.memory_space<hbm>> -> memref<128x64xf32, #tpu.memory_space<hbm>>
    tpu.wait_dma2 semaphore(%arg24 : memref<!tpu.dma_semaphore, #tpu.memory_space<semaphore_mem>>) src(%arg8 : memref<128x64xf32, #tpu.memory_space<vmem>>) dst(%dma_wait3A_2536 : memref<128x64xf32, #tpu.memory_space<hbm>>)
    %dma_wait3A_2537 = arith.constant 0 : i32
    %dma_wait3A_2538 = arith.constant 0 : i32
    %dma_wait3A_2539 = tpu.memref_slice %arg4[%select_n3A_2286, %dma_wait3A_2537, %dma_wait3A_2538] : memref<1600x128x128xf32, #tpu.memory_space<hbm>> -> memref<1x128x64xf32, #tpu.memory_space<hbm>>
    %dma_wait3A_2540 = tpu.memref_squeeze %dma_wait3A_2539 : memref<1x128x64xf32, #tpu.memory_space<hbm>> -> memref<128x64xf32, #tpu.memory_space<hbm>>
    %dma_wait3A_2541 = arith.constant 0 : i32
    %dma_wait3A_2542 = arith.constant 0 : i32
    %dma_wait3A_2543 = tpu.memref_slice %arg4[%select_n3A_2286, %dma_wait3A_2541, %dma_wait3A_2542] : memref<1600x128x128xf32, #tpu.memory_space<hbm>> -> memref<1x128x64xf32, #tpu.memory_space<hbm>>
    %dma_wait3A_2544 = tpu.memref_squeeze %dma_wait3A_2543 : memref<1x128x64xf32, #tpu.memory_space<hbm>> -> memref<128x64xf32, #tpu.memory_space<hbm>>
    tpu.wait_dma2 semaphore(%arg25 : memref<!tpu.dma_semaphore, #tpu.memory_space<semaphore_mem>>) src(%arg9 : memref<128x64xf32, #tpu.memory_space<vmem>>) dst(%dma_wait3A_2544 : memref<128x64xf32, #tpu.memory_space<hbm>>)
    %dma_wait3A_2545 = arith.constant 0 : i32
    %dma_wait3A_2546 = arith.constant 0 : i32
    %dma_wait3A_2547 = tpu.memref_slice %arg4[%select_n3A_2325, %dma_wait3A_2545, %dma_wait3A_2546] : memref<1600x128x128xf32, #tpu.memory_space<hbm>> -> memref<1x128x64xf32, #tpu.memory_space<hbm>>
    %dma_wait3A_2548 = tpu.memref_squeeze %dma_wait3A_2547 : memref<1x128x64xf32, #tpu.memory_space<hbm>> -> memref<128x64xf32, #tpu.memory_space<hbm>>
    %dma_wait3A_2549 = arith.constant 0 : i32
    %dma_wait3A_2550 = arith.constant 0 : i32
    %dma_wait3A_2551 = tpu.memref_slice %arg4[%select_n3A_2325, %dma_wait3A_2549, %dma_wait3A_2550] : memref<1600x128x128xf32, #tpu.memory_space<hbm>> -> memref<1x128x64xf32, #tpu.memory_space<hbm>>
    %dma_wait3A_2552 = tpu.memref_squeeze %dma_wait3A_2551 : memref<1x128x64xf32, #tpu.memory_space<hbm>> -> memref<128x64xf32, #tpu.memory_space<hbm>>
    tpu.wait_dma2 semaphore(%arg26 : memref<!tpu.dma_semaphore, #tpu.memory_space<semaphore_mem>>) src(%arg10 : memref<128x64xf32, #tpu.memory_space<vmem>>) dst(%dma_wait3A_2552 : memref<128x64xf32, #tpu.memory_space<hbm>>)
    %dma_wait3A_2553 = arith.constant 0 : i32
    %dma_wait3A_2554 = arith.constant 0 : i32
    %dma_wait3A_2555 = tpu.memref_slice %arg4[%select_n3A_2364, %dma_wait3A_2553, %dma_wait3A_2554] : memref<1600x128x128xf32, #tpu.memory_space<hbm>> -> memref<1x128x64xf32, #tpu.memory_space<hbm>>
    %dma_wait3A_2556 = tpu.memref_squeeze %dma_wait3A_2555 : memref<1x128x64xf32, #tpu.memory_space<hbm>> -> memref<128x64xf32, #tpu.memory_space<hbm>>
    %dma_wait3A_2557 = arith.constant 0 : i32
    %dma_wait3A_2558 = arith.constant 0 : i32
    %dma_wait3A_2559 = tpu.memref_slice %arg4[%select_n3A_2364, %dma_wait3A_2557, %dma_wait3A_2558] : memref<1600x128x128xf32, #tpu.memory_space<hbm>> -> memref<1x128x64xf32, #tpu.memory_space<hbm>>
    %dma_wait3A_2560 = tpu.memref_squeeze %dma_wait3A_2559 : memref<1x128x64xf32, #tpu.memory_space<hbm>> -> memref<128x64xf32, #tpu.memory_space<hbm>>
    tpu.wait_dma2 semaphore(%arg27 : memref<!tpu.dma_semaphore, #tpu.memory_space<semaphore_mem>>) src(%arg11 : memref<128x64xf32, #tpu.memory_space<vmem>>) dst(%dma_wait3A_2560 : memref<128x64xf32, #tpu.memory_space<hbm>>)
    %dma_wait3A_2561 = arith.constant 0 : i32
    %dma_wait3A_2562 = arith.constant 0 : i32
    %dma_wait3A_2563 = tpu.memref_slice %arg4[%select_n3A_2403, %dma_wait3A_2561, %dma_wait3A_2562] : memref<1600x128x128xf32, #tpu.memory_space<hbm>> -> memref<1x128x64xf32, #tpu.memory_space<hbm>>
    %dma_wait3A_2564 = tpu.memref_squeeze %dma_wait3A_2563 : memref<1x128x64xf32, #tpu.memory_space<hbm>> -> memref<128x64xf32, #tpu.memory_space<hbm>>
    %dma_wait3A_2565 = arith.constant 0 : i32
    %dma_wait3A_2566 = arith.constant 0 : i32
    %dma_wait3A_2567 = tpu.memref_slice %arg4[%select_n3A_2403, %dma_wait3A_2565, %dma_wait3A_2566] : memref<1600x128x128xf32, #tpu.memory_space<hbm>> -> memref<1x128x64xf32, #tpu.memory_space<hbm>>
    %dma_wait3A_2568 = tpu.memref_squeeze %dma_wait3A_2567 : memref<1x128x64xf32, #tpu.memory_space<hbm>> -> memref<128x64xf32, #tpu.memory_space<hbm>>
    tpu.wait_dma2 semaphore(%arg28 : memref<!tpu.dma_semaphore, #tpu.memory_space<semaphore_mem>>) src(%arg12 : memref<128x64xf32, #tpu.memory_space<vmem>>) dst(%dma_wait3A_2568 : memref<128x64xf32, #tpu.memory_space<hbm>>)
    %dma_wait3A_2569 = arith.constant 0 : i32
    %dma_wait3A_2570 = arith.constant 0 : i32
    %dma_wait3A_2571 = tpu.memref_slice %arg4[%select_n3A_2442, %dma_wait3A_2569, %dma_wait3A_2570] : memref<1600x128x128xf32, #tpu.memory_space<hbm>> -> memref<1x128x64xf32, #tpu.memory_space<hbm>>
    %dma_wait3A_2572 = tpu.memref_squeeze %dma_wait3A_2571 : memref<1x128x64xf32, #tpu.memory_space<hbm>> -> memref<128x64xf32, #tpu.memory_space<hbm>>
    %dma_wait3A_2573 = arith.constant 0 : i32
    %dma_wait3A_2574 = arith.constant 0 : i32
    %dma_wait3A_2575 = tpu.memref_slice %arg4[%select_n3A_2442, %dma_wait3A_2573, %dma_wait3A_2574] : memref<1600x128x128xf32, #tpu.memory_space<hbm>> -> memref<1x128x64xf32, #tpu.memory_space<hbm>>
    %dma_wait3A_2576 = tpu.memref_squeeze %dma_wait3A_2575 : memref<1x128x64xf32, #tpu.memory_space<hbm>> -> memref<128x64xf32, #tpu.memory_space<hbm>>
    tpu.wait_dma2 semaphore(%arg29 : memref<!tpu.dma_semaphore, #tpu.memory_space<semaphore_mem>>) src(%arg13 : memref<128x64xf32, #tpu.memory_space<vmem>>) dst(%dma_wait3A_2576 : memref<128x64xf32, #tpu.memory_space<hbm>>)
    %dma_wait3A_2577 = arith.constant 0 : i32
    %dma_wait3A_2578 = arith.constant 0 : i32
    %dma_wait3A_2579 = tpu.memref_slice %arg4[%select_n3A_2481, %dma_wait3A_2577, %dma_wait3A_2578] : memref<1600x128x128xf32, #tpu.memory_space<hbm>> -> memref<1x128x64xf32, #tpu.memory_space<hbm>>
    %dma_wait3A_2580 = tpu.memref_squeeze %dma_wait3A_2579 : memref<1x128x64xf32, #tpu.memory_space<hbm>> -> memref<128x64xf32, #tpu.memory_space<hbm>>
    %dma_wait3A_2581 = arith.constant 0 : i32
    %dma_wait3A_2582 = arith.constant 0 : i32
    %dma_wait3A_2583 = tpu.memref_slice %arg4[%select_n3A_2481, %dma_wait3A_2581, %dma_wait3A_2582] : memref<1600x128x128xf32, #tpu.memory_space<hbm>> -> memref<1x128x64xf32, #tpu.memory_space<hbm>>
    %dma_wait3A_2584 = tpu.memref_squeeze %dma_wait3A_2583 : memref<1x128x64xf32, #tpu.memory_space<hbm>> -> memref<128x64xf32, #tpu.memory_space<hbm>>
    tpu.wait_dma2 semaphore(%arg22 : memref<!tpu.dma_semaphore, #tpu.memory_space<semaphore_mem>>) src(%arg6 : memref<128x64xf32, #tpu.memory_space<vmem>>) dst(%dma_wait3A_2584 : memref<128x64xf32, #tpu.memory_space<hbm>>)
    %dma_wait3A_2585 = arith.constant 0 : i32
    %dma_wait3A_2586 = arith.constant 0 : i32
    %dma_wait3A_2587 = tpu.memref_slice %arg4[%select_n3A_2520, %dma_wait3A_2585, %dma_wait3A_2586] : memref<1600x128x128xf32, #tpu.memory_space<hbm>> -> memref<1x128x64xf32, #tpu.memory_space<hbm>>
    %dma_wait3A_2588 = tpu.memref_squeeze %dma_wait3A_2587 : memref<1x128x64xf32, #tpu.memory_space<hbm>> -> memref<128x64xf32, #tpu.memory_space<hbm>>
    %dma_wait3A_2589 = arith.constant 0 : i32
    %dma_wait3A_2590 = arith.constant 0 : i32
    %dma_wait3A_2591 = tpu.memref_slice %arg4[%select_n3A_2520, %dma_wait3A_2589, %dma_wait3A_2590] : memref<1600x128x128xf32, #tpu.memory_space<hbm>> -> memref<1x128x64xf32, #tpu.memory_space<hbm>>
    %dma_wait3A_2592 = tpu.memref_squeeze %dma_wait3A_2591 : memref<1x128x64xf32, #tpu.memory_space<hbm>> -> memref<128x64xf32, #tpu.memory_space<hbm>>
    tpu.wait_dma2 semaphore(%arg23 : memref<!tpu.dma_semaphore, #tpu.memory_space<semaphore_mem>>) src(%arg7 : memref<128x64xf32, #tpu.memory_space<vmem>>) dst(%dma_wait3A_2592 : memref<128x64xf32, #tpu.memory_space<hbm>>)
    return
  }
}

</mosaic_0001>

<sc_bundles>
// kernel: kernel.3.cloned.1.call-start
scs
__scs_entry_jumppad:
0x0: {  	(pc) =	sbr.rel $0x88, $3  }
0x1: {  	(tag) =	ssettag $0x0;
	lr =	simm.s32 $0x1  }
0x2: {  	[smem:$0x3F9F] =	sst lr;
	_ =	strace $0xD0000000  }
0x3: {  	_ = 	snop  }
0x4: {  	_ = 	snop  }
0x5: {  	_ = 	snop  }
0x6: {  	_ = 	snop  }
0x7: {  	_ = 	snop  }
__scs_overlays_trampoline_lowered:
0x8: {  	[smem:$0x3FAE] =	sst s0  }
0x9: {  	[smem:$0x3FAF] =	sst s1  }
0xa: {  	[smem:$0x3FB0] =	sst s2  }
0xb: {  	[smem:$0x3FB1] =	sst s3  }
0xc: {  	[smem:$0x3FB2] =	sst s4  }
0xd: {  	[smem:$0x3FB3] =	sst s5  }
0xe: {  	[smem:$0x3FB4] =	sst s6  }
0xf: {  	[smem:$0x3FB5] =	sst s7  }
0x10: {  	[smem:$0x3FB6] =	sst s8  }
0x11: {  	[smem:$0x3FB7] =	sst s9;
	s0 =	simm.s32 @!p0 $0x0  }
0x12: {  	s1 =	sld [smem:$0x3F9D];
	s0 =	simm.s32 @p0 $0x1  }
0x13: {  	[smem:$0x3FB8] =	sst s0;
	s0 =	simm.s32 @!p1 $0x0  }
0x14: {  	s2 =	sld [smem:$0x3F9C];
	s0 =	simm.s32 @p1 $0x1  }
0x15: {  	[smem:$0x3FB9] =	sst s0;
	s0 =	simm.s32 @!p2 $0x0  }
0x16: {  	s3 =	sld [smem:$0x3FDB];
	s0 =	simm.s32 @p2 $0x1  }
0x17: {  	s4 =	simm.s32 $0x1BF5;
	[smem:$0x3FBB] =	sst s0  }
0x18: {  	s0 =	sld [smem:$0x3F9E];
	_ =	swait.ge [sflag:s4], $0x0  }
0x19: {  	s7 =	sld [smem:$0x3F9F]  }
0x1a: {  	s8 =	sadd.s32 $0xFFFFE003, lr  }
0x1b: {  	s9 =	sadd.s32 $0xFFFFFEF7, lr;
	s5 =	simm.s32 $0xFFFFFFFF;
	p2 =	slt.u32 s8, $0xFFFFF086  }
0x1c: {  	p1 =	slt.u32 s9, $0xF7A;
	s5 =	simm.s32 @!p2 $0x0  }
0x1d: {  	s5 =	simm.s32 @p1 $0x1;
	p0 =	seq.s32 s7, s2  }
0x1e: {  	s7 =	smul.u32 @!p0 $0xF7A, s2;
	p2 =	seq.s32 @!p0 s5, $0x0  }
0x1f: {  	s9 =	smul.u32 $0xF7A, s1;
	s8 =	simm.s32 @!p0 $0x1BF5;
	p2 =	por !p2, p0  }
0x20: {  	[sflag:s8] =	ssyncset.s32 @!p0 $0xFFFFF086;
	s6 =	sadd.s32 @!p0 s3, s7;
	s7 =	simm.s32 @!p0 $0x108  }
0x21: {  	s3 =	sadd.s32 s3, s9;
	s6 =	sadd.s32 @!p0 $0x88, s6;
	s7 =	simm.s32 @p2 $0x1082  }
0x22: {  	[simem:s7], [sflag:s8] =	dma.local @!p0 [hbm:s6], $0xF7A  }
0x23: {  	s9 =	sor.u32 $0xD0000000, s2;
	s6 =	simm.s32 $0x108;
	_ =	swait.ge @!p0 [sflag:s8], $0x0  }
0x24: {  	s3 =	sadd.s32 $0x88, s3;
	s6 =	simm.s32 @!p1 $0x1082;
	[sflag:s4] =	ssyncset.s32 $0xFFFFF086  }
0x25: {  	[simem:s6], [sflag:s4] =	dma.local [hbm:s3], $0xF7A  }
0x26: {  	[smem:$0x3F9F] =	sst s1;
	(tag) =	ssettag s2;
	_ =	strace s9  }
0x27: {  	s1 =	sld [smem:$0x3FAF]  }
0x28: {  	s2 =	sld [smem:$0x3FB0]  }
0x29: {  	s4 =	sld [smem:$0x3FB2]  }
0x2a: {  	p0 =	seq.s32 s5, $0x0;
	s5 =	sld [smem:$0x3FB3]  }
0x2b: {  	s6 =	sld [smem:$0x3FB4]  }
0x2c: {  	s7 =	sld [smem:$0x3FB5]  }
0x2d: {  	s3 =	simm.s32 $0x108;
	s8 =	sld [smem:$0x3FB6]  }
0x2e: {  	s3 =	simm.s32 @!p0 $0x1082;
	s9 =	sld [smem:$0x3FB7]  }
0x2f: {  	lr =	sadd.s32 s0, s3;
	s0 =	sld [smem:$0x3FAE]  }
0x30: {  	s3 =	sld [smem:$0x3FB1]  }
0x31: {  	[smem:$0x3FBA] =	sst s10  }
0x32: {  	s10 =	sld [smem:$0x3FB8];
	_ =	sdelay $0x3  }
0x33: {  	p0 =	seq.s32 s10, $0x1;
	s10 =	sld [smem:$0x3FBA];
	_ =	sdelay $0x3  }
0x34: {  	[smem:$0x3FBA] =	sst s10  }
0x35: {  	s10 =	sld [smem:$0x3FB9];
	_ =	sdelay $0x3  }
0x36: {  	p1 =	seq.s32 s10, $0x1;
	s10 =	sld [smem:$0x3FBA];
	_ =	sdelay $0x3  }
0x37: {  	[smem:$0x3FBA] =	sst s10  }
0x38: {  	s10 =	sld [smem:$0x3FBB]  }
0x39: {  	_ = 	snop;
	(pc) =	sbr.ind lr, $3  }
0x3a: {  	_ = 	snop  }
0x3b: {  	_ = 	snop  }
0x3c: {  	p2 =	seq.s32 s10, $0x1;
	s10 =	sld [smem:$0x3FBA]  }
0x3d: {  	_ =	shalt  }
0x3e: {  	_ =	shalt  }
0x3f: {  	_ =	shalt  }
0x40: {  	_ =	shalt  }
0x41: {  	_ =	shalt  }
0x42: {  	_ =	shalt  }
0x43: {  	_ =	shalt  }
0x44: {  	_ =	shalt  }
0x45: {  	_ =	shalt  }
0x46: {  	_ =	shalt  }
0x47: {  	_ =	shalt  }
0x48: {  	_ =	shalt  }
0x49: {  	_ =	shalt  }
0x4a: {  	_ =	shalt  }
0x4b: {  	_ =	shalt  }
0x4c: {  	_ =	shalt  }
0x4d: {  	_ =	shalt  }
0x4e: {  	_ =	shalt  }
0x4f: {  	_ =	shalt  }
0x50: {  	_ =	shalt  }
0x51: {  	_ =	shalt  }
0x52: {  	_ =	shalt  }
0x53: {  	_ =	shalt  }
0x54: {  	_ =	shalt  }
0x55: {  	_ =	shalt  }
0x56: {  	_ =	shalt  }
0x57: {  	_ =	shalt  }
0x58: {  	_ =	shalt  }
0x59: {  	_ =	shalt  }
0x5a: {  	_ =	shalt  }
0x5b: {  	_ =	shalt  }
0x5c: {  	_ =	shalt  }
0x5d: {  	_ =	shalt  }
0x5e: {  	_ =	shalt  }
0x5f: {  	_ =	shalt  }
0x60: {  	_ =	shalt  }
0x61: {  	_ =	shalt  }
0x62: {  	_ =	shalt  }
0x63: {  	_ =	shalt  }
0x64: {  	_ =	shalt  }
0x65: {  	_ =	shalt  }
0x66: {  	_ =	shalt  }
0x67: {  	_ =	shalt  }
0x68: {  	_ =	shalt  }
0x69: {  	_ =	shalt  }
0x6a: {  	_ =	shalt  }
0x6b: {  	_ =	shalt  }
0x6c: {  	_ =	shalt  }
0x6d: {  	_ =	shalt  }
0x6e: {  	_ =	shalt  }
0x6f: {  	_ =	shalt  }
0x70: {  	_ =	shalt  }
0x71: {  	_ =	shalt  }
0x72: {  	_ =	shalt  }
0x73: {  	_ =	shalt  }
0x74: {  	_ =	shalt  }
0x75: {  	_ =	shalt  }
0x76: {  	_ =	shalt  }
0x77: {  	_ =	shalt  }
0x78: {  	_ =	shalt  }
0x79: {  	_ =	shalt  }
0x7a: {  	_ =	shalt  }
0x7b: {  	_ =	shalt  }
0x7c: {  	_ =	shalt  }
0x7d: {  	_ =	shalt  }
0x7e: {  	_ =	shalt  }
0x7f: {  	_ =	shalt  }
0x80: {  	_ =	shalt  }
0x81: {  	_ =	shalt  }
0x82: {  	_ =	shalt  }
0x83: {  	_ =	shalt  }
0x84: {  	_ =	shalt  }
0x85: {  	_ =	shalt  }
0x86: {  	_ =	shalt  }
0x87: {  	_ =	shalt  }
.Lfunc_end0:
.L_simem_size_0:
called_computation.1_lowered:
.L_overlay_start_0:
0x88: {  	s2 =	sld [smem:$0x3FD9]  }
0x89: {  	s3 =	sld [smem:$0x3FFE];
	_ =	sdelay $0x1  }
0x8a: {  	s1 =	srdreg.scid  }
0x8b: {  	s0 =	sand.u32 $0x1, s1  }
0x8c: {  	s16 =	sshll.u32 s0, $0xA;
	s2 =	sadd.s32 s3, s2  }
0x8d: {  	s2 =	sadd.s32 s2, s16  }
0x8e: {  	[smem:$0x3FC6] =	sst s2  }
0x8f: {  	_ = 	snop  }
0x90: {  	(tm) =	ssettm $0x1  }
0x91: {  	s17 =	sld [smem:$0x3FFB];
	_ =	sdelay $0x3  }
0x92: {  	_ =	strace s17  }
0x93: {  	s2 =	sld [smem:$0x3FFC];
	_ =	sdelay $0x3  }
0x94: {  	_ =	strace s2  }
0x95: {  	s2 =	sld [smem:$0x3FFD];
	_ =	sdelay $0x3  }
0x96: {  	_ =	strace s2  }
0x97: {  	_ =	strace $0x8FFFFFFF  }
0x98: {  	s18 =	sld [smem:$0x3FDB];
	_ =	sdelay $0x1  }
0x99: {  	s19 =	simm.s32 $_scs_section_size  }
0x9a: {  	s4 =	simm.s32 $_size__tile_overlayer_lowered;
	s5 =	simm.s32 $_tile_overlayer_lowered  }
0x9b: {  	s22 =	simm.s32 $0x1BFF;
	s21 =	sshll.u32 s5, $0x1;
	s2 =	sadd.s32 s19, s18  }
0x9c: {  	s6 =	simm.s32 $0x0;
	s20 =	sshll.u32 s4, $0x1;
	s4 =	sadd.s32 s21, s2  }
0x9d: {  	[timem:s6], [sflag:s22] =	dma.local [hbm:s4], s20  }
0x9e: {  	_ =	swait.ge [sflag:s22], s20  }
0x9f: {  	s3 =	ssub.s32 $0x0, s20;
	[sflag:s22] =	ssyncset.done $0x0  }
0xa0: {  	[sflag:s22] =	ssyncadd.s32 s3;
	_ =	sdelay $0x1  }
0xa1: {  	s23 =	simm.s32 $0x1B8B  }
0xa2: {  	_ =	swait.ge [sflag:s23], $0x1  }
0xa3: {  	[sflag:s23] =	ssyncset.done $0x0  }
0xa4: {  	s25 =	simm.s32 $0x1B8E;
	s24 =	sld [smem:$0x3FFE];
	[sflag:s23] =	ssyncadd.s32 $0xFFFFFFFF  }
0xa5: {  	s26 =	simm.s32 $execute0_lowered;
	[smem:$0x3FD2] =	sst s25  }
0xa6: {  	s4 =	sshll.u32 s26, $0x1;
	_ =	strace $0x80000046;
	[dreg:$0x1] =	wrdreg $0xFFFFFFFF  }
0xa7: {  	s28 =	simm.s32 $_size_execute0_lowered;
	s2 =	sadd.s32 s2, s4;
	[dreg:$0x0] =	wrdreg $0x0  }
0xa8: {  	s4 =	sshll.u32 s28, $0x1;
	[dreg:$0x2] =	wrdreg s2  }
0xa9: {  	[dreg:$0x3] =	wrdreg s4  }
0xaa: {  	[dreg:$0x4] =	wrdreg $0xC0  }
0xab: {  	_ =	task [dreg:s6], $0x5FFFF  }
0xac: {  	[dreg:$0x1] =	wrdreg $0xFFFFFFFF  }
0xad: {  	[dreg:$0x0] =	wrdreg $0x60  }
0xae: {  	[dreg:$0x2] =	wrdreg s24  }
0xaf: {  	[dreg:$0x3] =	wrdreg $0x9  }
0xb0: {  	_ =	task.clear_ibuf [dreg:s6], $0x4FFFF;
	_ =	strace $0x90000046  }
0xb1: {  	s29 =	simm.s32 $0x9;
	_ =	strace $0x80000048  }
0xb2: {  	_ =	swait.ge [sflag:s29], $0x1  }
0xb3: {  	[sflag:s29] =	ssyncadd.s32 $0xFFFFFFFF  }
0xb4: {  	_ =	strace $0x90000048  }
0xb5: {  	_ =	sfence  }
0xb6: {  	s30 =	sld [smem:$0x0];
	_ =	sdelay $0x2  }
0xb7: {  	s31 =	sshll.u32 s1, $0xD;
	s1 =	sshrl.u32 s1, $0x2  }
0xb8: {  	s3 =	sand.u32 $0x4000, s31;
	s1 =	sadd.s32 s1, s30  }
0xb9: {  	s0 =	sor.u32 s3, s0;
	s1 =	sshll.u32 s1, $0x11  }
0xba: {  	s0 =	sor.u32 s1, s0  }
0xbb: {  	s0 =	sadd.s32 $0x8F2B, s0  }
0xbc: {  	[sflag:s0] =	ssyncadd.remote.s32 $0x1  }
0xbd: {  	_ =	sfence.sel $0xFFFF  }
0xbe: {  	[dreg:$0x0] =	wrdreg $0xFFFFFFFF;
	(pc) =	sbr.abs _section_cstart, $3  }
0xbf: {  	[dreg:$0x1] =	wrdreg $0xFFFFFFFF  }
0xc0: {  	_ =	task.clear_ibuf [dreg:s6], $0x2FFFF;
	_ =	strace $0x9FFFFFFF  }
0xc1: {  	(tm) =	ssettm $0x7FFFFFFF  }
tec
execute0_lowered:
.L_overlay_start_1:
0x0: {  	(tag) =	ssettag $0x1  }
0x1: {  	s0 =	srdreg.scid;
	s1 =	stileid.u32  }
0x2: {  	s0 =	sand.u32 $0x1, s0;
	s1 =	sshll.u32 s1, $0x1  }
0x3: {  	s2 =	sor.u32 s0, s1  }
0x4: {  	s3 =	smul.u32 $0x320, s2  }
0x5: {  	s31 =	simm.s32 $0x0;
	s1 =	rddreg [dreg:$0x0];
	s4 =	smul.u32 $0x19000, s2  }
0x6: {  	[smem:$0x7FF] =	sst s31;
	s2 =	smul.u32 $0xC8000, s2;
	s5 =	sadd.s32 $0x18D600, s1  }
0x7: {  	_ =	strace $0x80000047;
	s3 =	sadd.s32 s3, s1;
	s4 =	sadd.s32 s5, s4  }
0x8: {  	s2 =	sshrl.u32 s2, $0x3;
	s3 =	sadd.s32 $0x800, s3;
	[smem:$0x7B9] =	sst s4  }
0x9: {  	s25 =	sadd.s32 $0x800, s4;
	s2 =	sadd.s32 s5, s2;
	[dreg:$0x2] =	wrdreg s3  }
0xa: {  	[dreg:$0x3] =	wrdreg s25;
	s26 =	sadd.s32 $0x1000, s2  }
0xb: {  	s4 =	sadd.s32 $0x1800, s2;
	[dreg:$0x4] =	wrdreg s26  }
0xc: {  	s5 =	sadd.s32 $0x2000, s2;
	[dreg:$0x5] =	wrdreg s4  }
0xd: {  	s6 =	sadd.s32 $0x2800, s2;
	[dreg:$0x6] =	wrdreg s5  }
0xe: {  	s7 =	sadd.s32 $0x3000, s2;
	[dreg:$0x7] =	wrdreg s6  }
0xf: {  	s8 =	sadd.s32 $0x3800, s2;
	[dreg:$0x8] =	wrdreg s7  }
0x10: {  	s9 =	sadd.s32 $0x4000, s2;
	[dreg:$0x9] =	wrdreg s8  }
0x11: {  	s10 =	sadd.s32 $0x4800, s2;
	[dreg:$0xa] =	wrdreg s9  }
0x12: {  	s11 =	sadd.s32 $0x5000, s2;
	[dreg:$0xb] =	wrdreg s10  }
0x13: {  	s12 =	sadd.s32 $0x5800, s2;
	[dreg:$0xc] =	wrdreg s11  }
0x14: {  	s13 =	sadd.s32 $0x6000, s2;
	[dreg:$0xd] =	wrdreg s12  }
0x15: {  	s14 =	sadd.s32 $0x6800, s2;
	[dreg:$0xe] =	wrdreg s13  }
0x16: {  	s15 =	sadd.s32 $0x7000, s2;
	[dreg:$0xf] =	wrdreg s14  }
0x17: {  	s16 =	sadd.s32 $0x7800, s2;
	[dreg:$0x10] =	wrdreg s15  }
0x18: {  	s17 =	sadd.s32 $0x8000, s2;
	[dreg:$0x11] =	wrdreg s16  }
0x19: {  	s18 =	sadd.s32 $0x8800, s2;
	[dreg:$0x12] =	wrdreg s17  }
0x1a: {  	s19 =	sadd.s32 $0x9000, s2;
	[dreg:$0x13] =	wrdreg s18  }
0x1b: {  	s20 =	sadd.s32 $0x9800, s2;
	[dreg:$0x14] =	wrdreg s19  }
0x1c: {  	s21 =	sadd.s32 $0xA000, s2;
	[dreg:$0x15] =	wrdreg s20  }
0x1d: {  	s22 =	sadd.s32 $0xA800, s2;
	[dreg:$0x16] =	wrdreg s21  }
0x1e: {  	s23 =	sadd.s32 $0xB000, s2;
	[dreg:$0x17] =	wrdreg s22  }
0x1f: {  	s24 =	sadd.s32 $0xB800, s2;
	[dreg:$0x18] =	wrdreg s23  }
0x20: {  	s25 =	sadd.s32 $0xC000, s2;
	[dreg:$0x19] =	wrdreg s24  }
0x21: {  	s3 =	simm.s32 $0xC80;
	[dreg:$0x1a] =	wrdreg s25  }
0x22: {  	[smem:$0x7E5] =	sst s3  }
0x23: {  	s26 =	sadd.s32 $0xC800, s2;
	s30 =	rddreg [dreg:$0x2]  }
0x24: {  	s4 =	sadd.s32 $0xD000, s2;
	[dreg:$0x1b] =	wrdreg s26  }
0x25: {  	s5 =	sadd.s32 $0xD800, s2;
	[dreg:$0x1c] =	wrdreg s4  }
0x26: {  	s6 =	sadd.s32 $0xE000, s2;
	[dreg:$0x1d] =	wrdreg s5  }
0x27: {  	s7 =	sadd.s32 $0xE800, s2;
	[dreg:$0x1e] =	wrdreg s6  }
0x28: {  	s8 =	sadd.s32 $0xF000, s2;
	[dreg:$0x1f] =	wrdreg s7  }
0x29: {  	s9 =	sadd.s32 $0xF800, s2;
	[smem:$0x7BA] =	sst s8  }
0x2a: {  	s10 =	sadd.s32 $0x10000, s2;
	[smem:$0x7BB] =	sst s9  }
0x2b: {  	s11 =	sadd.s32 $0x10800, s2;
	[smem:$0x7BC] =	sst s10  }
0x2c: {  	s12 =	sadd.s32 $0x11000, s2;
	[smem:$0x7BD] =	sst s11  }
0x2d: {  	s13 =	sadd.s32 $0x11800, s2;
	[smem:$0x7BE] =	sst s12  }
0x2e: {  	s14 =	sadd.s32 $0x12000, s2;
	[smem:$0x7BF] =	sst s13  }
0x2f: {  	s15 =	sadd.s32 $0x12800, s2;
	[smem:$0x7C0] =	sst s14  }
0x30: {  	s16 =	sadd.s32 $0x13000, s2;
	[smem:$0x7C1] =	sst s15  }
0x31: {  	s17 =	sadd.s32 $0x13800, s2;
	[smem:$0x7C2] =	sst s16  }
0x32: {  	s18 =	sadd.s32 $0x14000, s2;
	[smem:$0x7C3] =	sst s17  }
0x33: {  	s19 =	sadd.s32 $0x14800, s2;
	[smem:$0x7C4] =	sst s18  }
0x34: {  	s20 =	sadd.s32 $0x15000, s2;
	[smem:$0x7C5] =	sst s19  }
0x35: {  	s21 =	sadd.s32 $0x15800, s2;
	[smem:$0x7C6] =	sst s20  }
0x36: {  	s22 =	sadd.s32 $0x16000, s2;
	[smem:$0x7C7] =	sst s21  }
0x37: {  	s23 =	sadd.s32 $0x16800, s2;
	[smem:$0x7C8] =	sst s22  }
0x38: {  	s24 =	sadd.s32 $0x17000, s2;
	[smem:$0x7C9] =	sst s23  }
0x39: {  	s25 =	sadd.s32 $0x17800, s2;
	[smem:$0x7CA] =	sst s24  }
0x3a: {  	[smem:$0x7CB] =	sst s25;
	s26 =	sadd.s32 $0x18000, s2  }
0x3b: {  	s2 =	sadd.s32 $0x18800, s2;
	[smem:$0x7CC] =	sst s26  }
0x3c: {  	s4 =	simm.s32 $0x100;
	[smem:$0x7CD] =	sst s2  }
0x3d: {  	s5 =	simm.s32 $0x180;
	[smem:$0x7CE] =	sst s4  }
0x3e: {  	s6 =	simm.s32 $0x200;
	[smem:$0x7CF] =	sst s5  }
0x3f: {  	s7 =	simm.s32 $0x280;
	[smem:$0x7D0] =	sst s6  }
0x40: {  	s8 =	simm.s32 $0x300;
	[smem:$0x7D1] =	sst s7  }
0x41: {  	s9 =	simm.s32 $0x380;
	[smem:$0x7D2] =	sst s8  }
0x42: {  	s10 =	simm.s32 $0x400;
	[smem:$0x7D3] =	sst s9  }
0x43: {  	s11 =	simm.s32 $0x480;
	[smem:$0x7D4] =	sst s10  }
0x44: {  	s12 =	simm.s32 $0x500;
	[smem:$0x7D5] =	sst s11  }
0x45: {  	s13 =	simm.s32 $0x580;
	[smem:$0x7D6] =	sst s12  }
0x46: {  	s14 =	simm.s32 $0x600;
	[smem:$0x7D7] =	sst s13  }
0x47: {  	s15 =	simm.s32 $0x680;
	[smem:$0x7D8] =	sst s14  }
0x48: {  	s16 =	simm.s32 $0x700;
	[smem:$0x7D9] =	sst s15  }
0x49: {  	s17 =	simm.s32 $0x780;
	[smem:$0x7DA] =	sst s16  }
0x4a: {  	s18 =	simm.s32 $0x800;
	[smem:$0x7DB] =	sst s17  }
0x4b: {  	s19 =	simm.s32 $0x880;
	[smem:$0x7DC] =	sst s18  }
0x4c: {  	s20 =	simm.s32 $0x900;
	[smem:$0x7DD] =	sst s19  }
0x4d: {  	s21 =	simm.s32 $0x980;
	[smem:$0x7DE] =	sst s20  }
0x4e: {  	s22 =	simm.s32 $0xA00;
	[smem:$0x7DF] =	sst s21  }
0x4f: {  	s23 =	simm.s32 $0xA80;
	[smem:$0x7E0] =	sst s22  }
0x50: {  	s24 =	simm.s32 $0xB00;
	[smem:$0x7E1] =	sst s23  }
0x51: {  	s25 =	simm.s32 $0xB80;
	[smem:$0x7E2] =	sst s24  }
0x52: {  	s28 =	simm.s32 $0x3;
	[smem:$0x7E3] =	sst s25;
	s26 =	simm.s32 $0xC00  }
0x53: {  	s29 =	simm.s32 $0x4;
	s4 =	simm.s32 $0xD00;
	[smem:$0x7E4] =	sst s26  }
0x54: {  	p0 =	por $0x0, $0x0;
	s5 =	simm.s32 $0xD80;
	[smem:$0x7E6] =	sst s4  }
0x55: {  	s0 =	ssub.s32 $0x2, s0;
	s6 =	simm.s32 $0xE00;
	[smem:$0x7E7] =	sst s5  }
0x56: {  	s3 =	simm.s32 $0x3900;
	s8 =	simm.s32 $0xE80;
	[smem:$0x7E8] =	sst s6  }
0x57: {  	s7 =	sadd.s32 $0x6C00, s1;
	s10 =	simm.s32 $0xF00;
	[smem:$0x7E9] =	sst s8  }
0x58: {  	s9 =	sshrl.u32 s0, $0x1;
	s11 =	simm.s32 $0xF80;
	[smem:$0x7EA] =	sst s10  }
0x59: {  	s12 =	simm.s32 $0x1000;
	s1 =	simm.s32 $0x11;
	[smem:$0x7EB] =	sst s11  }
0x5a: {  	s13 =	simm.s32 $0x1080;
	s2 =	simm.s32 $0x80;
	[smem:$0x7EC] =	sst s12  }
0x5b: {  	s14 =	simm.s32 $0x1100;
	s15 =	simm.s32 $0x1180;
	[smem:$0x7ED] =	sst s13  }
0x5c: {  	s16 =	simm.s32 $0x1200;
	s19 =	simm.s32 $0x5900;
	[smem:$0x7EE] =	sst s14  }
0x5d: {  	s17 =	simm.s32 $0x1280;
	s18 =	simm.s32 $0x1300;
	[smem:$0x7EF] =	sst s15  }
0x5e: {  	s20 =	simm.s32 $0x1380;
	s21 =	simm.s32 $0x1400;
	[smem:$0x7F0] =	sst s16  }
0x5f: {  	s22 =	simm.s32 $0x1480;
	s23 =	simm.s32 $0x1500;
	[smem:$0x7F1] =	sst s17  }
0x60: {  	s24 =	simm.s32 $0x1580;
	s25 =	simm.s32 $0x1680;
	[smem:$0x7F2] =	sst s18  }
0x61: {  	s0 =	ssub.s32 s0, s9;
	s4 =	simm.s32 $0x1900;
	[smem:$0x7F3] =	sst s20  }
0x62: {  	s15 =	simm.s32 $0x7900;
	s14 =	simm.s32 $0x9900;
	[smem:$0x7F4] =	sst s21  }
0x63: {  	s13 =	simm.s32 $0xB900;
	s11 =	simm.s32 $0xD900;
	[smem:$0x7F5] =	sst s22  }
0x64: {  	s10 =	simm.s32 $0xF900;
	s9 =	simm.s32 $0x1;
	[smem:$0x7F6] =	sst s23  }
0x65: {  	s8 =	simm.s32 $0x40;
	[smem:$0x7F7] =	sst s24;
	s6 =	simm.s32 $0x1600  }
0x66: {  	s5 =	simm.s32 $0x9;
	s12 =	simm.s32 $0x2;
	[smem:$0x7F9] =	sst s25  }
0x67: {  	s16 =	simm.s32 $0x1700;
	s26 =	simm.s32 $0x1780;
	s17 =	simm.s32 $0x1800  }
0x68: {  	s18 =	simm.s32 $0x1880;
	s25 =	simm.s32 $0x5;
	s0 =	smax.u32 s0, $0x1  }
0x69: {  	s22 =	simm.s32 $0xD;
	[smem:$0x7F8] =	sst s6;
	p1 =	sne.s32 s0, $0x1  }
.Ltmp0:
0x6a: {  	s21 =	simm.s32 $0xE;
	[smem:$0x7FA] =	sst s16;
	(pc) =	sbr.rel @!p1 .LBB2_1-.Ltmp0, $4  }
0x6b: {  	s24 =	simm.s32 $0x7;
	s20 =	simm.s32 $0xF;
	[smem:$0x7FB] =	sst s26  }
0x6c: {  	s23 =	simm.s32 $0x8;
	s6 =	simm.s32 $0xA;
	[smem:$0x7FC] =	sst s17  }
0x6d: {  	s16 =	simm.s32 $0xB;
	s17 =	simm.s32 $0xC;
	[smem:$0x7FD] =	sst s18  }
0x6e: {  	s26 =	simm.s32 $0x6;
	s18 =	simm.s32 $0x10;
	s0 =	sadd.s32 $0xFFFFFFFF, s0  }
0x6f: {  	[tilespmem:s31], [sflag:$0x11] =	stream.linear.gather [hbm4b:s30+s31], $0x1900, $0x38;
	[tilespmem:$0x11900] =	vst v63  }
0x70: {  	_ =	swait.ge [sflag:s1], $0x1900  }
0x71: {  	[sflag:s1] =	ssyncset.done $0x0  }
0x72: {  	[sflag:s1] =	ssyncadd.s32 $0xFFFFE700  }
0x73: {  	[tilespmem:s4], [sflag:$0x1] =	stream.indirect.gather [hbm4b:s7+s2], $0x40, s31, s2, $0xb8;
	[tilespmem:$0x11900] =	vst v63  }
0x74: {  	s30 =	sld [smem:$0x7CE]  }
0x75: {  	[tilespmem:s3], [sflag:$0x2] =	stream.indirect.gather [hbm4b:s7+s2], $0x40, s2, s2, $0xb8;
	[tilespmem:$0x11900] =	vst v63  }
0x76: {  	s31 =	sld [smem:$0x7CF]  }
0x77: {  	[tilespmem:s19], [sflag:$0x3] =	stream.indirect.gather [hbm4b:s7+s2], $0x40, s30, s2, $0xb8;
	[tilespmem:$0x11900] =	vst v63  }
0x78: {  	s30 =	sld [smem:$0x7D0]  }
0x79: {  	[tilespmem:s15], [sflag:$0x4] =	stream.indirect.gather [hbm4b:s7+s2], $0x40, s31, s2, $0xb8;
	[tilespmem:$0x11900] =	vst v63  }
0x7a: {  	s31 =	sld [smem:$0x7D1]  }
0x7b: {  	[tilespmem:s14], [sflag:$0x5] =	stream.indirect.gather [hbm4b:s7+s2], $0x40, s30, s2, $0xb8;
	[tilespmem:$0x11900] =	vst v63  }
0x7c: {  	s30 =	sld [smem:$0x7D2]  }
0x7d: {  	[tilespmem:s13], [sflag:$0x6] =	stream.indirect.gather [hbm4b:s7+s2], $0x40, s31, s2, $0xb8;
	[tilespmem:$0x11900] =	vst v63  }
0x7e: {  	s31 =	sld [smem:$0x7D3]  }
0x7f: {  	[tilespmem:s11], [sflag:$0x7] =	stream.indirect.gather [hbm4b:s7+s2], $0x40, s30, s2, $0xb8;
	[tilespmem:$0x11900] =	vst v63  }
0x80: {  	_ = 	snop  }
0x81: {  	[tilespmem:s10], [sflag:$0x8] =	stream.indirect.gather [hbm4b:s7+s2], $0x40, s31, s2, $0xb8;
	[tilespmem:$0x11900] =	vst v63  }
0x82: {  	_ =	swait.ge [sflag:s9], $0x2000  }
0x83: {  	s31 =	sld [smem:$0x7B9]  }
0x84: {  	[sflag:s9] =	ssyncset.done $0x0  }
0x85: {  	[sflag:s9] =	ssyncadd.s32 $0xFFFFE000  }
0x86: {  	[hbm4b:s31+s8] =	stream.strided.scatter [tilespmem:s4], [sflag:$0x9], $0x2000, s2, s8, $0x38;
	[tilespmem:$0x11900] =	vst v63  }
0x87: {  	_ =	swait.ge [sflag:s5], $0x2000  }
0x88: {  	s31 =	sld [smem:$0x7D4]  }
0x89: {  	[sflag:s5] =	ssyncset.done $0x0  }
0x8a: {  	[sflag:s5] =	ssyncadd.s32 $0xFFFFE000  }
0x8b: {  	[tilespmem:s4], [sflag:$0x1] =	stream.indirect.gather [hbm4b:s7+s2], $0x40, s31, s2, $0xb8;
	[tilespmem:$0x11900] =	vst v63  }
0x8c: {  	_ =	swait.ge [sflag:s12], $0x2000  }
0x8d: {  	[sflag:s12] =	ssyncset.done $0x0  }
0x8e: {  	s31 =	rddreg [dreg:$0x3];
	[sflag:s12] =	ssyncadd.s32 $0xFFFFE000  }
0x8f: {  	[hbm4b:s31+s8] =	stream.strided.scatter [tilespmem:s3], [sflag:$0xA], $0x2000, s2, s8, $0x38;
	[tilespmem:$0x11900] =	vst v63  }
0x90: {  	_ =	swait.ge [sflag:s6], $0x2000  }
0x91: {  	s31 =	sld [smem:$0x7D5]  }
0x92: {  	[sflag:s6] =	ssyncset.done $0x0  }
0x93: {  	[sflag:s6] =	ssyncadd.s32 $0xFFFFE000  }
0x94: {  	[tilespmem:s3], [sflag:$0x2] =	stream.indirect.gather [hbm4b:s7+s2], $0x40, s31, s2, $0xb8;
	[tilespmem:$0x11900] =	vst v63  }
0x95: {  	_ =	swait.ge [sflag:s28], $0x2000  }
0x96: {  	[sflag:s28] =	ssyncset.done $0x0  }
0x97: {  	s31 =	rddreg [dreg:$0x4];
	[sflag:s28] =	ssyncadd.s32 $0xFFFFE000  }
0x98: {  	[hbm4b:s31+s8] =	stream.strided.scatter [tilespmem:s19], [sflag:$0xB], $0x2000, s2, s8, $0x38;
	[tilespmem:$0x11900] =	vst v63  }
0x99: {  	_ =	swait.ge [sflag:s16], $0x2000  }
0x9a: {  	s31 =	sld [smem:$0x7D6]  }
0x9b: {  	[sflag:s16] =	ssyncset.done $0x0  }
0x9c: {  	[sflag:s16] =	ssyncadd.s32 $0xFFFFE000  }
0x9d: {  	[tilespmem:s19], [sflag:$0x3] =	stream.indirect.gather [hbm4b:s7+s2], $0x40, s31, s2, $0xb8;
	[tilespmem:$0x11900] =	vst v63  }
0x9e: {  	_ =	swait.ge [sflag:s29], $0x2000  }
0x9f: {  	[sflag:s29] =	ssyncset.done $0x0  }
0xa0: {  	s31 =	rddreg [dreg:$0x5];
	[sflag:s29] =	ssyncadd.s32 $0xFFFFE000  }
0xa1: {  	[hbm4b:s31+s8] =	stream.strided.scatter [tilespmem:s15], [sflag:$0xC], $0x2000, s2, s8, $0x38;
	[tilespmem:$0x11900] =	vst v63  }
0xa2: {  	_ =	swait.ge [sflag:s17], $0x2000  }
0xa3: {  	s31 =	sld [smem:$0x7D7]  }
0xa4: {  	[sflag:s17] =	ssyncset.done $0x0  }
0xa5: {  	[sflag:s17] =	ssyncadd.s32 $0xFFFFE000  }
0xa6: {  	[tilespmem:s15], [sflag:$0x4] =	stream.indirect.gather [hbm4b:s7+s2], $0x40, s31, s2, $0xb8;
	[tilespmem:$0x11900] =	vst v63  }
0xa7: {  	_ =	swait.ge [sflag:s25], $0x2000  }
0xa8: {  	[sflag:s25] =	ssyncset.done $0x0  }
0xa9: {  	s31 =	rddreg [dreg:$0x6];
	[sflag:s25] =	ssyncadd.s32 $0xFFFFE000  }
0xaa: {  	[hbm4b:s31+s8] =	stream.strided.scatter [tilespmem:s14], [sflag:$0xD], $0x2000, s2, s8, $0x38;
	[tilespmem:$0x11900] =	vst v63  }
0xab: {  	_ =	swait.ge [sflag:s22], $0x2000  }
0xac: {  	s31 =	sld [smem:$0x7D8]  }
0xad: {  	[sflag:s22] =	ssyncset.done $0x0  }
0xae: {  	[sflag:s22] =	ssyncadd.s32 $0xFFFFE000  }
0xaf: {  	[tilespmem:s14], [sflag:$0x5] =	stream.indirect.gather [hbm4b:s7+s2], $0x40, s31, s2, $0xb8;
	[tilespmem:$0x11900] =	vst v63  }
0xb0: {  	_ =	swait.ge [sflag:s26], $0x2000  }
0xb1: {  	[sflag:s26] =	ssyncset.done $0x0  }
0xb2: {  	s31 =	rddreg [dreg:$0x7];
	[sflag:s26] =	ssyncadd.s32 $0xFFFFE000  }
0xb3: {  	[hbm4b:s31+s8] =	stream.strided.scatter [tilespmem:s13], [sflag:$0xE], $0x2000, s2, s8, $0x38;
	[tilespmem:$0x11900] =	vst v63  }
0xb4: {  	_ =	swait.ge [sflag:s21], $0x2000  }
0xb5: {  	s31 =	sld [smem:$0x7D9]  }
0xb6: {  	[sflag:s21] =	ssyncset.done $0x0  }
0xb7: {  	[sflag:s21] =	ssyncadd.s32 $0xFFFFE000  }
0xb8: {  	[tilespmem:s13], [sflag:$0x6] =	stream.indirect.gather [hbm4b:s7+s2], $0x40, s31, s2, $0xb8;
	[tilespmem:$0x11900] =	vst v63  }
0xb9: {  	_ =	swait.ge [sflag:s24], $0x2000  }
0xba: {  	[sflag:s24] =	ssyncset.done $0x0  }
0xbb: {  	s31 =	rddreg [dreg:$0x8];
	[sflag:s24] =	ssyncadd.s32 $0xFFFFE000  }
0xbc: {  	[hbm4b:s31+s8] =	stream.strided.scatter [tilespmem:s11], [sflag:$0xF], $0x2000, s2, s8, $0x38;
	[tilespmem:$0x11900] =	vst v63  }
0xbd: {  	_ =	swait.ge [sflag:s20], $0x2000  }
0xbe: {  	s31 =	sld [smem:$0x7DA]  }
0xbf: {  	[sflag:s20] =	ssyncset.done $0x0  }
0xc0: {  	[sflag:s20] =	ssyncadd.s32 $0xFFFFE000  }
0xc1: {  	[tilespmem:s11], [sflag:$0x7] =	stream.indirect.gather [hbm4b:s7+s2], $0x40, s31, s2, $0xb8;
	[tilespmem:$0x11900] =	vst v63  }
0xc2: {  	_ =	swait.ge [sflag:s23], $0x2000  }
0xc3: {  	[sflag:s23] =	ssyncset.done $0x0  }
0xc4: {  	s31 =	rddreg [dreg:$0x9];
	[sflag:s23] =	ssyncadd.s32 $0xFFFFE000  }
0xc5: {  	[hbm4b:s31+s8] =	stream.strided.scatter [tilespmem:s10], [sflag:$0x10], $0x2000, s2, s8, $0x38;
	[tilespmem:$0x11900] =	vst v63  }
0xc6: {  	_ =	swait.ge [sflag:s18], $0x2000  }
0xc7: {  	s31 =	sld [smem:$0x7DB]  }
0xc8: {  	[sflag:s18] =	ssyncset.done $0x0  }
0xc9: {  	[sflag:s18] =	ssyncadd.s32 $0xFFFFE000  }
0xca: {  	[tilespmem:s10], [sflag:$0x8] =	stream.indirect.gather [hbm4b:s7+s2], $0x40, s31, s2, $0xb8;
	[tilespmem:$0x11900] =	vst v63  }
0xcb: {  	_ =	swait.ge [sflag:s9], $0x2000  }
0xcc: {  	[sflag:s9] =	ssyncset.done $0x0  }
0xcd: {  	s31 =	rddreg [dreg:$0xa];
	[sflag:s9] =	ssyncadd.s32 $0xFFFFE000  }
0xce: {  	[hbm4b:s31+s8] =	stream.strided.scatter [tilespmem:s4], [sflag:$0x9], $0x2000, s2, s8, $0x38;
	[tilespmem:$0x11900] =	vst v63  }
0xcf: {  	_ =	swait.ge [sflag:s5], $0x2000  }
0xd0: {  	s31 =	sld [smem:$0x7DC]  }
0xd1: {  	[sflag:s5] =	ssyncset.done $0x0  }
0xd2: {  	[sflag:s5] =	ssyncadd.s32 $0xFFFFE000  }
0xd3: {  	[tilespmem:s4], [sflag:$0x1] =	stream.indirect.gather [hbm4b:s7+s2], $0x40, s31, s2, $0xb8;
	[tilespmem:$0x11900] =	vst v63  }
0xd4: {  	_ =	swait.ge [sflag:s12], $0x2000  }
0xd5: {  	[sflag:s12] =	ssyncset.done $0x0  }
0xd6: {  	s31 =	rddreg [dreg:$0xb];
	[sflag:s12] =	ssyncadd.s32 $0xFFFFE000  }
0xd7: {  	[hbm4b:s31+s8] =	stream.strided.scatter [tilespmem:s3], [sflag:$0xA], $0x2000, s2, s8, $0x38;
	[tilespmem:$0x11900] =	vst v63  }
0xd8: {  	_ =	swait.ge [sflag:s6], $0x2000  }
0xd9: {  	s31 =	sld [smem:$0x7DD]  }
0xda: {  	[sflag:s6] =	ssyncset.done $0x0  }
0xdb: {  	[sflag:s6] =	ssyncadd.s32 $0xFFFFE000  }
0xdc: {  	[tilespmem:s3], [sflag:$0x2] =	stream.indirect.gather [hbm4b:s7+s2], $0x40, s31, s2, $0xb8;
	[tilespmem:$0x11900] =	vst v63  }
0xdd: {  	_ =	swait.ge [sflag:s28], $0x2000  }
0xde: {  	[sflag:s28] =	ssyncset.done $0x0  }
0xdf: {  	s31 =	rddreg [dreg:$0xc];
	[sflag:s28] =	ssyncadd.s32 $0xFFFFE000  }
0xe0: {  	[hbm4b:s31+s8] =	stream.strided.scatter [tilespmem:s19], [sflag:$0xB], $0x2000, s2, s8, $0x38;
	[tilespmem:$0x11900] =	vst v63  }
0xe1: {  	_ =	swait.ge [sflag:s16], $0x2000  }
0xe2: {  	s31 =	sld [smem:$0x7DE]  }
0xe3: {  	[sflag:s16] =	ssyncset.done $0x0  }
0xe4: {  	[sflag:s16] =	ssyncadd.s32 $0xFFFFE000  }
0xe5: {  	[tilespmem:s19], [sflag:$0x3] =	stream.indirect.gather [hbm4b:s7+s2], $0x40, s31, s2, $0xb8;
	[tilespmem:$0x11900] =	vst v63  }
0xe6: {  	_ =	swait.ge [sflag:s29], $0x2000  }
0xe7: {  	[sflag:s29] =	ssyncset.done $0x0  }
0xe8: {  	s31 =	rddreg [dreg:$0xd];
	[sflag:s29] =	ssyncadd.s32 $0xFFFFE000  }
0xe9: {  	[hbm4b:s31+s8] =	stream.strided.scatter [tilespmem:s15], [sflag:$0xC], $0x2000, s2, s8, $0x38;
	[tilespmem:$0x11900] =	vst v63  }
0xea: {  	_ =	swait.ge [sflag:s17], $0x2000  }
0xeb: {  	s31 =	sld [smem:$0x7DF]  }
0xec: {  	[sflag:s17] =	ssyncset.done $0x0  }
0xed: {  	[sflag:s17] =	ssyncadd.s32 $0xFFFFE000  }
0xee: {  	[tilespmem:s15], [sflag:$0x4] =	stream.indirect.gather [hbm4b:s7+s2], $0x40, s31, s2, $0xb8;
	[tilespmem:$0x11900] =	vst v63  }
0xef: {  	_ =	swait.ge [sflag:s25], $0x2000  }
0xf0: {  	[sflag:s25] =	ssyncset.done $0x0  }
0xf1: {  	s31 =	rddreg [dreg:$0xe];
	[sflag:s25] =	ssyncadd.s32 $0xFFFFE000  }
0xf2: {  	[hbm4b:s31+s8] =	stream.strided.scatter [tilespmem:s14], [sflag:$0xD], $0x2000, s2, s8, $0x38;
	[tilespmem:$0x11900] =	vst v63  }
0xf3: {  	_ =	swait.ge [sflag:s22], $0x2000  }
0xf4: {  	s31 =	sld [smem:$0x7E0]  }
0xf5: {  	[sflag:s22] =	ssyncset.done $0x0  }
0xf6: {  	[sflag:s22] =	ssyncadd.s32 $0xFFFFE000  }
0xf7: {  	[tilespmem:s14], [sflag:$0x5] =	stream.indirect.gather [hbm4b:s7+s2], $0x40, s31, s2, $0xb8;
	[tilespmem:$0x11900] =	vst v63  }
0xf8: {  	_ =	swait.ge [sflag:s26], $0x2000  }
0xf9: {  	[sflag:s26] =	ssyncset.done $0x0  }
0xfa: {  	s31 =	rddreg [dreg:$0xf];
	[sflag:s26] =	ssyncadd.s32 $0xFFFFE000  }
0xfb: {  	[hbm4b:s31+s8] =	stream.strided.scatter [tilespmem:s13], [sflag:$0xE], $0x2000, s2, s8, $0x38;
	[tilespmem:$0x11900] =	vst v63  }
0xfc: {  	_ =	swait.ge [sflag:s21], $0x2000  }
0xfd: {  	s31 =	sld [smem:$0x7E1]  }
0xfe: {  	[sflag:s21] =	ssyncset.done $0x0  }
0xff: {  	[sflag:s21] =	ssyncadd.s32 $0xFFFFE000  }
0x100: {  	[tilespmem:s13], [sflag:$0x6] =	stream.indirect.gather [hbm4b:s7+s2], $0x40, s31, s2, $0xb8;
	[tilespmem:$0x11900] =	vst v63  }
0x101: {  	_ =	swait.ge [sflag:s24], $0x2000  }
0x102: {  	[sflag:s24] =	ssyncset.done $0x0  }
0x103: {  	s31 =	rddreg [dreg:$0x10];
	[sflag:s24] =	ssyncadd.s32 $0xFFFFE000  }
0x104: {  	[hbm4b:s31+s8] =	stream.strided.scatter [tilespmem:s11], [sflag:$0xF], $0x2000, s2, s8, $0x38;
	[tilespmem:$0x11900] =	vst v63  }
0x105: {  	_ =	swait.ge [sflag:s20], $0x2000  }
0x106: {  	s31 =	sld [smem:$0x7E2]  }
0x107: {  	[sflag:s20] =	ssyncset.done $0x0  }
0x108: {  	[sflag:s20] =	ssyncadd.s32 $0xFFFFE000  }
0x109: {  	[tilespmem:s11], [sflag:$0x7] =	stream.indirect.gather [hbm4b:s7+s2], $0x40, s31, s2, $0xb8;
	[tilespmem:$0x11900] =	vst v63  }
0x10a: {  	_ =	swait.ge [sflag:s23], $0x2000  }
0x10b: {  	[sflag:s23] =	ssyncset.done $0x0  }
0x10c: {  	s31 =	rddreg [dreg:$0x11];
	[sflag:s23] =	ssyncadd.s32 $0xFFFFE000  }
0x10d: {  	[hbm4b:s31+s8] =	stream.strided.scatter [tilespmem:s10], [sflag:$0x10], $0x2000, s2, s8, $0x38;
	[tilespmem:$0x11900] =	vst v63  }
0x10e: {  	_ =	swait.ge [sflag:s18], $0x2000  }
0x10f: {  	s31 =	sld [smem:$0x7E3]  }
0x110: {  	[sflag:s18] =	ssyncset.done $0x0  }
0x111: {  	[sflag:s18] =	ssyncadd.s32 $0xFFFFE000  }
0x112: {  	[tilespmem:s10], [sflag:$0x8] =	stream.indirect.gather [hbm4b:s7+s2], $0x40, s31, s2, $0xb8;
	[tilespmem:$0x11900] =	vst v63  }
0x113: {  	_ =	swait.ge [sflag:s9], $0x2000  }
0x114: {  	[sflag:s9] =	ssyncset.done $0x0  }
0x115: {  	s31 =	rddreg [dreg:$0x12];
	[sflag:s9] =	ssyncadd.s32 $0xFFFFE000  }
0x116: {  	[hbm4b:s31+s8] =	stream.strided.scatter [tilespmem:s4], [sflag:$0x9], $0x2000, s2, s8, $0x38;
	[tilespmem:$0x11900] =	vst v63  }
0x117: {  	_ =	swait.ge [sflag:s5], $0x2000  }
0x118: {  	s31 =	sld [smem:$0x7E4]  }
0x119: {  	[sflag:s5] =	ssyncset.done $0x0  }
0x11a: {  	[sflag:s5] =	ssyncadd.s32 $0xFFFFE000  }
0x11b: {  	[tilespmem:s4], [sflag:$0x1] =	stream.indirect.gather [hbm4b:s7+s2], $0x40, s31, s2, $0xb8;
	[tilespmem:$0x11900] =	vst v63  }
0x11c: {  	_ =	swait.ge [sflag:s12], $0x2000  }
0x11d: {  	[sflag:s12] =	ssyncset.done $0x0  }
0x11e: {  	s31 =	rddreg [dreg:$0x13];
	[sflag:s12] =	ssyncadd.s32 $0xFFFFE000  }
0x11f: {  	[hbm4b:s31+s8] =	stream.strided.scatter [tilespmem:s3], [sflag:$0xA], $0x2000, s2, s8, $0x38;
	[tilespmem:$0x11900] =	vst v63  }
0x120: {  	_ =	swait.ge [sflag:s6], $0x2000  }
0x121: {  	s31 =	sld [smem:$0x7E5]  }
0x122: {  	[sflag:s6] =	ssyncset.done $0x0  }
0x123: {  	[sflag:s6] =	ssyncadd.s32 $0xFFFFE000  }
0x124: {  	[tilespmem:s3], [sflag:$0x2] =	stream.indirect.gather [hbm4b:s7+s2], $0x40, s31, s2, $0xb8;
	[tilespmem:$0x11900] =	vst v63  }
0x125: {  	_ =	swait.ge [sflag:s28], $0x2000  }
0x126: {  	[sflag:s28] =	ssyncset.done $0x0  }
0x127: {  	s31 =	rddreg [dreg:$0x14];
	[sflag:s28] =	ssyncadd.s32 $0xFFFFE000  }
0x128: {  	[hbm4b:s31+s8] =	stream.strided.scatter [tilespmem:s19], [sflag:$0xB], $0x2000, s2, s8, $0x38;
	[tilespmem:$0x11900] =	vst v63  }
0x129: {  	_ =	swait.ge [sflag:s16], $0x2000  }
0x12a: {  	s31 =	sld [smem:$0x7E6]  }
0x12b: {  	[sflag:s16] =	ssyncset.done $0x0  }
0x12c: {  	[sflag:s16] =	ssyncadd.s32 $0xFFFFE000  }
0x12d: {  	[tilespmem:s19], [sflag:$0x3] =	stream.indirect.gather [hbm4b:s7+s2], $0x40, s31, s2, $0xb8;
	[tilespmem:$0x11900] =	vst v63  }
0x12e: {  	_ =	swait.ge [sflag:s29], $0x2000  }
0x12f: {  	[sflag:s29] =	ssyncset.done $0x0  }
0x130: {  	s31 =	rddreg [dreg:$0x15];
	[sflag:s29] =	ssyncadd.s32 $0xFFFFE000  }
0x131: {  	[hbm4b:s31+s8] =	stream.strided.scatter [tilespmem:s15], [sflag:$0xC], $0x2000, s2, s8, $0x38;
	[tilespmem:$0x11900] =	vst v63  }
0x132: {  	_ =	swait.ge [sflag:s17], $0x2000  }
0x133: {  	s31 =	sld [smem:$0x7E7]  }
0x134: {  	[sflag:s17] =	ssyncset.done $0x0  }
0x135: {  	[sflag:s17] =	ssyncadd.s32 $0xFFFFE000  }
0x136: {  	[tilespmem:s15], [sflag:$0x4] =	stream.indirect.gather [hbm4b:s7+s2], $0x40, s31, s2, $0xb8;
	[tilespmem:$0x11900] =	vst v63  }
0x137: {  	_ =	swait.ge [sflag:s25], $0x2000  }
0x138: {  	[sflag:s25] =	ssyncset.done $0x0  }
0x139: {  	s31 =	rddreg [dreg:$0x16];
	[sflag:s25] =	ssyncadd.s32 $0xFFFFE000  }
0x13a: {  	[hbm4b:s31+s8] =	stream.strided.scatter [tilespmem:s14], [sflag:$0xD], $0x2000, s2, s8, $0x38;
	[tilespmem:$0x11900] =	vst v63  }
0x13b: {  	_ =	swait.ge [sflag:s22], $0x2000  }
0x13c: {  	s31 =	sld [smem:$0x7E8]  }
0x13d: {  	[sflag:s22] =	ssyncset.done $0x0  }
0x13e: {  	[sflag:s22] =	ssyncadd.s32 $0xFFFFE000  }
0x13f: {  	[tilespmem:s14], [sflag:$0x5] =	stream.indirect.gather [hbm4b:s7+s2], $0x40, s31, s2, $0xb8;
	[tilespmem:$0x11900] =	vst v63  }
0x140: {  	_ =	swait.ge [sflag:s26], $0x2000  }
0x141: {  	[sflag:s26] =	ssyncset.done $0x0  }
0x142: {  	s31 =	rddreg [dreg:$0x17];
	[sflag:s26] =	ssyncadd.s32 $0xFFFFE000  }
0x143: {  	[hbm4b:s31+s8] =	stream.strided.scatter [tilespmem:s13], [sflag:$0xE], $0x2000, s2, s8, $0x38;
	[tilespmem:$0x11900] =	vst v63  }
0x144: {  	_ =	swait.ge [sflag:s21], $0x2000  }
0x145: {  	s31 =	sld [smem:$0x7E9]  }
0x146: {  	[sflag:s21] =	ssyncset.done $0x0  }
0x147: {  	[sflag:s21] =	ssyncadd.s32 $0xFFFFE000  }
0x148: {  	[tilespmem:s13], [sflag:$0x6] =	stream.indirect.gather [hbm4b:s7+s2], $0x40, s31, s2, $0xb8;
	[tilespmem:$0x11900] =	vst v63  }
0x149: {  	_ =	swait.ge [sflag:s24], $0x2000  }
0x14a: {  	[sflag:s24] =	ssyncset.done $0x0  }
0x14b: {  	s31 =	rddreg [dreg:$0x18];
	[sflag:s24] =	ssyncadd.s32 $0xFFFFE000  }
0x14c: {  	[hbm4b:s31+s8] =	stream.strided.scatter [tilespmem:s11], [sflag:$0xF], $0x2000, s2, s8, $0x38;
	[tilespmem:$0x11900] =	vst v63  }
0x14d: {  	_ =	swait.ge [sflag:s20], $0x2000  }
0x14e: {  	s31 =	sld [smem:$0x7EA]  }
0x14f: {  	[sflag:s20] =	ssyncset.done $0x0  }
0x150: {  	[sflag:s20] =	ssyncadd.s32 $0xFFFFE000  }
0x151: {  	[tilespmem:s11], [sflag:$0x7] =	stream.indirect.gather [hbm4b:s7+s2], $0x40, s31, s2, $0xb8;
	[tilespmem:$0x11900] =	vst v63  }
0x152: {  	_ =	swait.ge [sflag:s23], $0x2000  }
0x153: {  	[sflag:s23] =	ssyncset.done $0x0  }
0x154: {  	s31 =	rddreg [dreg:$0x19];
	[sflag:s23] =	ssyncadd.s32 $0xFFFFE000  }
0x155: {  	[hbm4b:s31+s8] =	stream.strided.scatter [tilespmem:s10], [sflag:$0x10], $0x2000, s2, s8, $0x38;
	[tilespmem:$0x11900] =	vst v63  }
0x156: {  	_ =	swait.ge [sflag:s18], $0x2000  }
0x157: {  	s31 =	sld [smem:$0x7EB]  }
0x158: {  	[sflag:s18] =	ssyncset.done $0x0  }
0x159: {  	[sflag:s18] =	ssyncadd.s32 $0xFFFFE000  }
0x15a: {  	[tilespmem:s10], [sflag:$0x8] =	stream.indirect.gather [hbm4b:s7+s2], $0x40, s31, s2, $0xb8;
	[tilespmem:$0x11900] =	vst v63  }
0x15b: {  	_ =	swait.ge [sflag:s9], $0x2000  }
0x15c: {  	[sflag:s9] =	ssyncset.done $0x0  }
0x15d: {  	s31 =	rddreg [dreg:$0x1a];
	[sflag:s9] =	ssyncadd.s32 $0xFFFFE000  }
0x15e: {  	[hbm4b:s31+s8] =	stream.strided.scatter [tilespmem:s4], [sflag:$0x9], $0x2000, s2, s8, $0x38;
	[tilespmem:$0x11900] =	vst v63  }
0x15f: {  	_ =	swait.ge [sflag:s5], $0x2000  }
0x160: {  	s31 =	sld [smem:$0x7EC]  }
0x161: {  	[sflag:s5] =	ssyncset.done $0x0  }
0x162: {  	[sflag:s5] =	ssyncadd.s32 $0xFFFFE000  }
0x163: {  	[tilespmem:s4], [sflag:$0x1] =	stream.indirect.gather [hbm4b:s7+s2], $0x40, s31, s2, $0xb8;
	[tilespmem:$0x11900] =	vst v63  }
0x164: {  	_ =	swait.ge [sflag:s12], $0x2000  }
0x165: {  	[sflag:s12] =	ssyncset.done $0x0  }
0x166: {  	s31 =	rddreg [dreg:$0x1b];
	[sflag:s12] =	ssyncadd.s32 $0xFFFFE000  }
0x167: {  	[hbm4b:s31+s8] =	stream.strided.scatter [tilespmem:s3], [sflag:$0xA], $0x2000, s2, s8, $0x38;
	[tilespmem:$0x11900] =	vst v63  }
0x168: {  	_ =	swait.ge [sflag:s6], $0x2000  }
0x169: {  	s31 =	sld [smem:$0x7ED]  }
0x16a: {  	[sflag:s6] =	ssyncset.done $0x0  }
0x16b: {  	[sflag:s6] =	ssyncadd.s32 $0xFFFFE000  }
0x16c: {  	[tilespmem:s3], [sflag:$0x2] =	stream.indirect.gather [hbm4b:s7+s2], $0x40, s31, s2, $0xb8;
	[tilespmem:$0x11900] =	vst v63  }
0x16d: {  	_ =	swait.ge [sflag:s28], $0x2000  }
0x16e: {  	[sflag:s28] =	ssyncset.done $0x0  }
0x16f: {  	s31 =	rddreg [dreg:$0x1c];
	[sflag:s28] =	ssyncadd.s32 $0xFFFFE000  }
0x170: {  	[hbm4b:s31+s8] =	stream.strided.scatter [tilespmem:s19], [sflag:$0xB], $0x2000, s2, s8, $0x38;
	[tilespmem:$0x11900] =	vst v63  }
0x171: {  	_ =	swait.ge [sflag:s16], $0x2000  }
0x172: {  	s31 =	sld [smem:$0x7EE]  }
0x173: {  	[sflag:s16] =	ssyncset.done $0x0  }
0x174: {  	[sflag:s16] =	ssyncadd.s32 $0xFFFFE000  }
0x175: {  	[tilespmem:s19], [sflag:$0x3] =	stream.indirect.gather [hbm4b:s7+s2], $0x40, s31, s2, $0xb8;
	[tilespmem:$0x11900] =	vst v63  }
0x176: {  	_ =	swait.ge [sflag:s29], $0x2000  }
0x177: {  	[sflag:s29] =	ssyncset.done $0x0  }
0x178: {  	s31 =	rddreg [dreg:$0x1d];
	[sflag:s29] =	ssyncadd.s32 $0xFFFFE000  }
0x179: {  	[hbm4b:s31+s8] =	stream.strided.scatter [tilespmem:s15], [sflag:$0xC], $0x2000, s2, s8, $0x38;
	[tilespmem:$0x11900] =	vst v63  }
0x17a: {  	_ =	swait.ge [sflag:s17], $0x2000  }
0x17b: {  	s31 =	sld [smem:$0x7EF]  }
0x17c: {  	[sflag:s17] =	ssyncset.done $0x0  }
0x17d: {  	[sflag:s17] =	ssyncadd.s32 $0xFFFFE000  }
0x17e: {  	[tilespmem:s15], [sflag:$0x4] =	stream.indirect.gather [hbm4b:s7+s2], $0x40, s31, s2, $0xb8;
	[tilespmem:$0x11900] =	vst v63  }
0x17f: {  	_ =	swait.ge [sflag:s25], $0x2000  }
0x180: {  	[sflag:s25] =	ssyncset.done $0x0  }
0x181: {  	s31 =	rddreg [dreg:$0x1e];
	[sflag:s25] =	ssyncadd.s32 $0xFFFFE000  }
0x182: {  	[hbm4b:s31+s8] =	stream.strided.scatter [tilespmem:s14], [sflag:$0xD], $0x2000, s2, s8, $0x38;
	[tilespmem:$0x11900] =	vst v63  }
0x183: {  	_ =	swait.ge [sflag:s22], $0x2000  }
0x184: {  	s31 =	sld [smem:$0x7F0]  }
0x185: {  	[sflag:s22] =	ssyncset.done $0x0  }
0x186: {  	[sflag:s22] =	ssyncadd.s32 $0xFFFFE000  }
0x187: {  	[tilespmem:s14], [sflag:$0x5] =	stream.indirect.gather [hbm4b:s7+s2], $0x40, s31, s2, $0xb8;
	[tilespmem:$0x11900] =	vst v63  }
0x188: {  	_ =	swait.ge [sflag:s26], $0x2000  }
0x189: {  	[sflag:s26] =	ssyncset.done $0x0  }
0x18a: {  	s31 =	rddreg [dreg:$0x1f];
	[sflag:s26] =	ssyncadd.s32 $0xFFFFE000  }
0x18b: {  	[hbm4b:s31+s8] =	stream.strided.scatter [tilespmem:s13], [sflag:$0xE], $0x2000, s2, s8, $0x38;
	[tilespmem:$0x11900] =	vst v63  }
0x18c: {  	_ =	swait.ge [sflag:s21], $0x2000  }
0x18d: {  	s31 =	sld [smem:$0x7F1]  }
0x18e: {  	[sflag:s21] =	ssyncset.done $0x0  }
0x18f: {  	[sflag:s21] =	ssyncadd.s32 $0xFFFFE000  }
0x190: {  	[tilespmem:s13], [sflag:$0x6] =	stream.indirect.gather [hbm4b:s7+s2], $0x40, s31, s2, $0xb8;
	[tilespmem:$0x11900] =	vst v63  }
0x191: {  	_ =	swait.ge [sflag:s24], $0x2000  }
0x192: {  	s31 =	sld [smem:$0x7BA]  }
0x193: {  	[sflag:s24] =	ssyncset.done $0x0  }
0x194: {  	[sflag:s24] =	ssyncadd.s32 $0xFFFFE000  }
0x195: {  	[hbm4b:s31+s8] =	stream.strided.scatter [tilespmem:s11], [sflag:$0xF], $0x2000, s2, s8, $0x38;
	[tilespmem:$0x11900] =	vst v63  }
0x196: {  	_ =	swait.ge [sflag:s20], $0x2000  }
0x197: {  	s31 =	sld [smem:$0x7F2]  }
0x198: {  	[sflag:s20] =	ssyncset.done $0x0  }
0x199: {  	[sflag:s20] =	ssyncadd.s32 $0xFFFFE000  }
0x19a: {  	[tilespmem:s11], [sflag:$0x7] =	stream.indirect.gather [hbm4b:s7+s2], $0x40, s31, s2, $0xb8;
	[tilespmem:$0x11900] =	vst v63  }
0x19b: {  	_ =	swait.ge [sflag:s23], $0x2000  }
0x19c: {  	s31 =	sld [smem:$0x7BB]  }
0x19d: {  	[sflag:s23] =	ssyncset.done $0x0  }
0x19e: {  	[sflag:s23] =	ssyncadd.s32 $0xFFFFE000  }
0x19f: {  	[hbm4b:s31+s8] =	stream.strided.scatter [tilespmem:s10], [sflag:$0x10], $0x2000, s2, s8, $0x38;
	[tilespmem:$0x11900] =	vst v63  }
0x1a0: {  	_ =	swait.ge [sflag:s18], $0x2000  }
0x1a1: {  	s31 =	sld [smem:$0x7F3]  }
0x1a2: {  	[sflag:s18] =	ssyncset.done $0x0  }
0x1a3: {  	[sflag:s18] =	ssyncadd.s32 $0xFFFFE000  }
0x1a4: {  	[tilespmem:s10], [sflag:$0x8] =	stream.indirect.gather [hbm4b:s7+s2], $0x40, s31, s2, $0xb8;
	[tilespmem:$0x11900] =	vst v63  }
0x1a5: {  	_ =	swait.ge [sflag:s9], $0x2000  }
0x1a6: {  	s31 =	sld [smem:$0x7BC]  }
0x1a7: {  	[sflag:s9] =	ssyncset.done $0x0  }
0x1a8: {  	[sflag:s9] =	ssyncadd.s32 $0xFFFFE000  }
0x1a9: {  	[hbm4b:s31+s8] =	stream.strided.scatter [tilespmem:s4], [sflag:$0x9], $0x2000, s2, s8, $0x38;
	[tilespmem:$0x11900] =	vst v63  }
0x1aa: {  	_ =	swait.ge [sflag:s5], $0x2000  }
0x1ab: {  	s31 =	sld [smem:$0x7F4]  }
0x1ac: {  	[sflag:s5] =	ssyncset.done $0x0  }
0x1ad: {  	[sflag:s5] =	ssyncadd.s32 $0xFFFFE000  }
0x1ae: {  	[tilespmem:s4], [sflag:$0x1] =	stream.indirect.gather [hbm4b:s7+s2], $0x40, s31, s2, $0xb8;
	[tilespmem:$0x11900] =	vst v63  }
0x1af: {  	_ =	swait.ge [sflag:s12], $0x2000  }
0x1b0: {  	s31 =	sld [smem:$0x7BD]  }
0x1b1: {  	[sflag:s12] =	ssyncset.done $0x0  }
0x1b2: {  	[sflag:s12] =	ssyncadd.s32 $0xFFFFE000  }
0x1b3: {  	[hbm4b:s31+s8] =	stream.strided.scatter [tilespmem:s3], [sflag:$0xA], $0x2000, s2, s8, $0x38;
	[tilespmem:$0x11900] =	vst v63  }
0x1b4: {  	_ =	swait.ge [sflag:s6], $0x2000  }
0x1b5: {  	s31 =	sld [smem:$0x7F5]  }
0x1b6: {  	[sflag:s6] =	ssyncset.done $0x0  }
0x1b7: {  	[sflag:s6] =	ssyncadd.s32 $0xFFFFE000  }
0x1b8: {  	[tilespmem:s3], [sflag:$0x2] =	stream.indirect.gather [hbm4b:s7+s2], $0x40, s31, s2, $0xb8;
	[tilespmem:$0x11900] =	vst v63  }
0x1b9: {  	_ =	swait.ge [sflag:s28], $0x2000  }
0x1ba: {  	s31 =	sld [smem:$0x7BE]  }
0x1bb: {  	[sflag:s28] =	ssyncset.done $0x0  }
0x1bc: {  	[sflag:s28] =	ssyncadd.s32 $0xFFFFE000  }
0x1bd: {  	[hbm4b:s31+s8] =	stream.strided.scatter [tilespmem:s19], [sflag:$0xB], $0x2000, s2, s8, $0x38;
	[tilespmem:$0x11900] =	vst v63  }
0x1be: {  	_ =	swait.ge [sflag:s16], $0x2000  }
0x1bf: {  	s31 =	sld [smem:$0x7F6]  }
0x1c0: {  	[sflag:s16] =	ssyncset.done $0x0  }
0x1c1: {  	[sflag:s16] =	ssyncadd.s32 $0xFFFFE000  }
0x1c2: {  	[tilespmem:s19], [sflag:$0x3] =	stream.indirect.gather [hbm4b:s7+s2], $0x40, s31, s2, $0xb8;
	[tilespmem:$0x11900] =	vst v63  }
0x1c3: {  	_ =	swait.ge [sflag:s29], $0x2000  }
0x1c4: {  	s31 =	sld [smem:$0x7BF]  }
0x1c5: {  	[sflag:s29] =	ssyncset.done $0x0  }
0x1c6: {  	[sflag:s29] =	ssyncadd.s32 $0xFFFFE000  }
0x1c7: {  	[hbm4b:s31+s8] =	stream.strided.scatter [tilespmem:s15], [sflag:$0xC], $0x2000, s2, s8, $0x38;
	[tilespmem:$0x11900] =	vst v63  }
0x1c8: {  	_ =	swait.ge [sflag:s17], $0x2000  }
0x1c9: {  	s31 =	sld [smem:$0x7F7]  }
0x1ca: {  	[sflag:s17] =	ssyncset.done $0x0  }
0x1cb: {  	[sflag:s17] =	ssyncadd.s32 $0xFFFFE000  }
0x1cc: {  	[tilespmem:s15], [sflag:$0x4] =	stream.indirect.gather [hbm4b:s7+s2], $0x40, s31, s2, $0xb8;
	[tilespmem:$0x11900] =	vst v63  }
0x1cd: {  	_ =	swait.ge [sflag:s25], $0x2000  }
0x1ce: {  	s31 =	sld [smem:$0x7C0]  }
0x1cf: {  	[sflag:s25] =	ssyncset.done $0x0  }
0x1d0: {  	[sflag:s25] =	ssyncadd.s32 $0xFFFFE000  }
0x1d1: {  	[hbm4b:s31+s8] =	stream.strided.scatter [tilespmem:s14], [sflag:$0xD], $0x2000, s2, s8, $0x38;
	[tilespmem:$0x11900] =	vst v63  }
0x1d2: {  	_ =	swait.ge [sflag:s22], $0x2000  }
0x1d3: {  	s31 =	sld [smem:$0x7F8]  }
0x1d4: {  	[sflag:s22] =	ssyncset.done $0x0  }
0x1d5: {  	[sflag:s22] =	ssyncadd.s32 $0xFFFFE000  }
0x1d6: {  	[tilespmem:s14], [sflag:$0x5] =	stream.indirect.gather [hbm4b:s7+s2], $0x40, s31, s2, $0xb8;
	[tilespmem:$0x11900] =	vst v63  }
0x1d7: {  	_ =	swait.ge [sflag:s26], $0x2000  }
0x1d8: {  	s31 =	sld [smem:$0x7C1]  }
0x1d9: {  	[sflag:s26] =	ssyncset.done $0x0  }
0x1da: {  	[sflag:s26] =	ssyncadd.s32 $0xFFFFE000  }
0x1db: {  	[hbm4b:s31+s8] =	stream.strided.scatter [tilespmem:s13], [sflag:$0xE], $0x2000, s2, s8, $0x38;
	[tilespmem:$0x11900] =	vst v63  }
0x1dc: {  	_ =	swait.ge [sflag:s21], $0x2000  }
0x1dd: {  	s31 =	sld [smem:$0x7F9]  }
0x1de: {  	[sflag:s21] =	ssyncset.done $0x0  }
0x1df: {  	[sflag:s21] =	ssyncadd.s32 $0xFFFFE000  }
0x1e0: {  	[tilespmem:s13], [sflag:$0x6] =	stream.indirect.gather [hbm4b:s7+s2], $0x40, s31, s2, $0xb8;
	[tilespmem:$0x11900] =	vst v63  }
0x1e1: {  	_ =	swait.ge [sflag:s24], $0x2000  }
0x1e2: {  	s31 =	sld [smem:$0x7C2]  }
0x1e3: {  	[sflag:s24] =	ssyncset.done $0x0  }
0x1e4: {  	[sflag:s24] =	ssyncadd.s32 $0xFFFFE000  }
0x1e5: {  	[hbm4b:s31+s8] =	stream.strided.scatter [tilespmem:s11], [sflag:$0xF], $0x2000, s2, s8, $0x38;
	[tilespmem:$0x11900] =	vst v63  }
0x1e6: {  	_ =	swait.ge [sflag:s20], $0x2000  }
0x1e7: {  	s31 =	sld [smem:$0x7FA]  }
0x1e8: {  	[sflag:s20] =	ssyncset.done $0x0  }
0x1e9: {  	[sflag:s20] =	ssyncadd.s32 $0xFFFFE000  }
0x1ea: {  	[tilespmem:s11], [sflag:$0x7] =	stream.indirect.gather [hbm4b:s7+s2], $0x40, s31, s2, $0xb8;
	[tilespmem:$0x11900] =	vst v63  }
0x1eb: {  	_ =	swait.ge [sflag:s23], $0x2000  }
0x1ec: {  	s31 =	sld [smem:$0x7C3]  }
0x1ed: {  	[sflag:s23] =	ssyncset.done $0x0  }
0x1ee: {  	[sflag:s23] =	ssyncadd.s32 $0xFFFFE000  }
0x1ef: {  	[hbm4b:s31+s8] =	stream.strided.scatter [tilespmem:s10], [sflag:$0x10], $0x2000, s2, s8, $0x38;
	[tilespmem:$0x11900] =	vst v63  }
0x1f0: {  	_ =	swait.ge [sflag:s18], $0x2000  }
0x1f1: {  	s31 =	sld [smem:$0x7FB]  }
0x1f2: {  	[sflag:s18] =	ssyncset.done $0x0  }
0x1f3: {  	[sflag:s18] =	ssyncadd.s32 $0xFFFFE000  }
0x1f4: {  	[tilespmem:s10], [sflag:$0x8] =	stream.indirect.gather [hbm4b:s7+s2], $0x40, s31, s2, $0xb8;
	[tilespmem:$0x11900] =	vst v63  }
0x1f5: {  	_ =	swait.ge [sflag:s9], $0x2000  }
0x1f6: {  	s31 =	sld [smem:$0x7C4]  }
0x1f7: {  	[sflag:s9] =	ssyncset.done $0x0  }
0x1f8: {  	[sflag:s9] =	ssyncadd.s32 $0xFFFFE000  }
0x1f9: {  	[hbm4b:s31+s8] =	stream.strided.scatter [tilespmem:s4], [sflag:$0x9], $0x2000, s2, s8, $0x38;
	[tilespmem:$0x11900] =	vst v63  }
0x1fa: {  	_ =	swait.ge [sflag:s5], $0x2000  }
0x1fb: {  	s31 =	sld [smem:$0x7FC]  }
0x1fc: {  	[sflag:s5] =	ssyncset.done $0x0  }
0x1fd: {  	[sflag:s5] =	ssyncadd.s32 $0xFFFFE000  }
0x1fe: {  	[tilespmem:s4], [sflag:$0x1] =	stream.indirect.gather [hbm4b:s7+s2], $0x40, s31, s2, $0xb8;
	[tilespmem:$0x11900] =	vst v63  }
0x1ff: {  	_ =	swait.ge [sflag:s12], $0x2000  }
0x200: {  	s31 =	sld [smem:$0x7C5]  }
0x201: {  	[sflag:s12] =	ssyncset.done $0x0  }
0x202: {  	[sflag:s12] =	ssyncadd.s32 $0xFFFFE000  }
0x203: {  	[hbm4b:s31+s8] =	stream.strided.scatter [tilespmem:s3], [sflag:$0xA], $0x2000, s2, s8, $0x38;
	[tilespmem:$0x11900] =	vst v63  }
0x204: {  	_ =	swait.ge [sflag:s6], $0x2000  }
0x205: {  	s31 =	sld [smem:$0x7FD]  }
0x206: {  	[sflag:s6] =	ssyncset.done $0x0  }
0x207: {  	[sflag:s6] =	ssyncadd.s32 $0xFFFFE000  }
0x208: {  	[tilespmem:s3], [sflag:$0x2] =	stream.indirect.gather [hbm4b:s7+s2], $0x40, s31, s2, $0xb8;
	[tilespmem:$0x11900] =	vst v63  }
0x209: {  	_ =	swait.ge [sflag:s28], $0x2000  }
0x20a: {  	s31 =	sld [smem:$0x7C6]  }
0x20b: {  	[sflag:s28] =	ssyncset.done $0x0  }
0x20c: {  	[sflag:s28] =	ssyncadd.s32 $0xFFFFE000  }
0x20d: {  	[hbm4b:s31+s8] =	stream.strided.scatter [tilespmem:s19], [sflag:$0xB], $0x2000, s2, s8, $0x38;
	[tilespmem:$0x11900] =	vst v63  }
0x20e: {  	_ =	swait.ge [sflag:s29], $0x2000  }
0x20f: {  	s31 =	sld [smem:$0x7C7]  }
0x210: {  	[sflag:s29] =	ssyncset.done $0x0  }
0x211: {  	[sflag:s29] =	ssyncadd.s32 $0xFFFFE000  }
0x212: {  	[hbm4b:s31+s8] =	stream.strided.scatter [tilespmem:s15], [sflag:$0xC], $0x2000, s2, s8, $0x38;
	[tilespmem:$0x11900] =	vst v63  }
0x213: {  	_ =	swait.ge [sflag:s25], $0x2000  }
0x214: {  	s31 =	sld [smem:$0x7C8]  }
0x215: {  	[sflag:s25] =	ssyncset.done $0x0  }
0x216: {  	[sflag:s25] =	ssyncadd.s32 $0xFFFFE000  }
0x217: {  	[hbm4b:s31+s8] =	stream.strided.scatter [tilespmem:s14], [sflag:$0xD], $0x2000, s2, s8, $0x38;
	[tilespmem:$0x11900] =	vst v63  }
0x218: {  	_ =	swait.ge [sflag:s26], $0x2000  }
0x219: {  	s31 =	sld [smem:$0x7C9]  }
0x21a: {  	[sflag:s26] =	ssyncset.done $0x0  }
0x21b: {  	[sflag:s26] =	ssyncadd.s32 $0xFFFFE000  }
0x21c: {  	[hbm4b:s31+s8] =	stream.strided.scatter [tilespmem:s13], [sflag:$0xE], $0x2000, s2, s8, $0x38;
	[tilespmem:$0x11900] =	vst v63  }
0x21d: {  	_ =	swait.ge [sflag:s24], $0x2000  }
0x21e: {  	s31 =	sld [smem:$0x7CA]  }
0x21f: {  	[sflag:s24] =	ssyncset.done $0x0  }
0x220: {  	[sflag:s24] =	ssyncadd.s32 $0xFFFFE000  }
0x221: {  	[hbm4b:s31+s8] =	stream.strided.scatter [tilespmem:s11], [sflag:$0xF], $0x2000, s2, s8, $0x38;
	[tilespmem:$0x11900] =	vst v63  }
0x222: {  	_ =	swait.ge [sflag:s23], $0x2000  }
0x223: {  	s31 =	sld [smem:$0x7CB]  }
0x224: {  	[sflag:s23] =	ssyncset.done $0x0  }
0x225: {  	[sflag:s23] =	ssyncadd.s32 $0xFFFFE000  }
0x226: {  	[hbm4b:s31+s8] =	stream.strided.scatter [tilespmem:s10], [sflag:$0x10], $0x2000, s2, s8, $0x38;
	[tilespmem:$0x11900] =	vst v63  }
0x227: {  	_ =	swait.ge [sflag:s9], $0x2000  }
0x228: {  	s31 =	sld [smem:$0x7CC]  }
0x229: {  	[sflag:s9] =	ssyncset.done $0x0  }
0x22a: {  	[sflag:s9] =	ssyncadd.s32 $0xFFFFE000  }
0x22b: {  	[hbm4b:s31+s8] =	stream.strided.scatter [tilespmem:s4], [sflag:$0x9], $0x2000, s2, s8, $0x38;
	[tilespmem:$0x11900] =	vst v63  }
0x22c: {  	_ =	swait.ge [sflag:s12], $0x2000  }
0x22d: {  	s31 =	sld [smem:$0x7CD]  }
0x22e: {  	[sflag:s12] =	ssyncset.done $0x0  }
0x22f: {  	[sflag:s12] =	ssyncadd.s32 $0xFFFFE000  }
0x230: {  	[hbm4b:s31+s8] =	stream.strided.scatter [tilespmem:s3], [sflag:$0xA], $0x2000, s2, s8, $0x38;
	[tilespmem:$0x11900] =	vst v63  }
0x231: {  	_ =	swait.ge [sflag:s16], $0x2000  }
0x232: {  	[sflag:s16] =	ssyncset.done $0x0  }
0x233: {  	[sflag:s16] =	ssyncadd.s32 $0xFFFFE000  }
0x234: {  	_ =	swait.ge [sflag:s17], $0x2000  }
0x235: {  	[sflag:s17] =	ssyncset.done $0x0  }
0x236: {  	[sflag:s17] =	ssyncadd.s32 $0xFFFFE000  }
0x237: {  	_ =	swait.ge [sflag:s22], $0x2000  }
0x238: {  	[sflag:s22] =	ssyncset.done $0x0  }
0x239: {  	[sflag:s22] =	ssyncadd.s32 $0xFFFFE000  }
0x23a: {  	_ =	swait.ge [sflag:s21], $0x2000  }
0x23b: {  	[sflag:s21] =	ssyncset.done $0x0  }
0x23c: {  	[sflag:s21] =	ssyncadd.s32 $0xFFFFE000  }
0x23d: {  	_ =	swait.ge [sflag:s20], $0x2000  }
0x23e: {  	[sflag:s20] =	ssyncset.done $0x0  }
0x23f: {  	[sflag:s20] =	ssyncadd.s32 $0xFFFFE000  }
0x240: {  	_ =	swait.ge [sflag:s18], $0x2000  }
0x241: {  	s1 =	smov.u32 s0;
	[sflag:s18] =	ssyncset.done $0x0  }
0x242: {  	p1 =	sne.s32 s1, $0x1;
	[sflag:s18] =	ssyncadd.s32 $0xFFFFE000  }
.Ltmp1:
0x243: {  	_ =	swait.ge [sflag:s5], $0x2000;
	(pc) =	sbr.rel @!p1 .LBB2_3-.Ltmp1, $4  }
0x244: {  	[sflag:s5] =	ssyncset.done $0x0  }
0x245: {  	[sflag:s5] =	ssyncadd.s32 $0xFFFFE000  }
0x246: {  	p0 =	por $0x1, $0x1;
	s0 =	sadd.s32 $0xFFFFFFFF, s1;
	_ =	swait.ge [sflag:s6], $0x2000  }
0x247: {  	s1 =	simm.s32 $0x11;
	s30 =	rddreg [dreg:$0x2];
	[sflag:s6] =	ssyncset.done $0x0  }
.LBB2_4:
0x248: {  	[sflag:s6] =	ssyncadd.s32 $0xFFFFE000;
	s31 =	simm.s32 $0x0  }
0x249: {  	[tilespmem:s31], [sflag:$0x11] =	stream.linear.gather [hbm4b:s30+s31], $0x1900, $0x38;
	[tilespmem:$0x11900] =	vst v63  }
0x24a: {  	_ =	swait.ge [sflag:s1], $0x1900  }
0x24b: {  	[sflag:s1] =	ssyncset.done $0x0  }
0x24c: {  	[sflag:s1] =	ssyncadd.s32 $0xFFFFE700  }
0x24d: {  	[tilespmem:s4], [sflag:$0x1] =	stream.indirect.gather [hbm4b:s7+s2], $0x40, s31, s2, $0xb8;
	[tilespmem:$0x11900] =	vst v63  }
0x24e: {  	s30 =	sld [smem:$0x7CE]  }
0x24f: {  	[tilespmem:s3], [sflag:$0x2] =	stream.indirect.gather [hbm4b:s7+s2], $0x40, s2, s2, $0xb8;
	[tilespmem:$0x11900] =	vst v63  }
0x250: {  	s31 =	sld [smem:$0x7CF]  }
0x251: {  	[tilespmem:s19], [sflag:$0x3] =	stream.indirect.gather [hbm4b:s7+s2], $0x40, s30, s2, $0xb8;
	[tilespmem:$0x11900] =	vst v63  }
0x252: {  	s30 =	sld [smem:$0x7D0]  }
0x253: {  	[tilespmem:s15], [sflag:$0x4] =	stream.indirect.gather [hbm4b:s7+s2], $0x40, s31, s2, $0xb8;
	[tilespmem:$0x11900] =	vst v63  }
0x254: {  	s31 =	sld [smem:$0x7D1]  }
0x255: {  	[tilespmem:s14], [sflag:$0x5] =	stream.indirect.gather [hbm4b:s7+s2], $0x40, s30, s2, $0xb8;
	[tilespmem:$0x11900] =	vst v63  }
0x256: {  	s30 =	sld [smem:$0x7D2]  }
0x257: {  	[tilespmem:s13], [sflag:$0x6] =	stream.indirect.gather [hbm4b:s7+s2], $0x40, s31, s2, $0xb8;
	[tilespmem:$0x11900] =	vst v63  }
0x258: {  	s31 =	sld [smem:$0x7D3]  }
0x259: {  	[tilespmem:s11], [sflag:$0x7] =	stream.indirect.gather [hbm4b:s7+s2], $0x40, s30, s2, $0xb8;
	[tilespmem:$0x11900] =	vst v63  }
0x25a: {  	_ = 	snop  }
0x25b: {  	[tilespmem:s10], [sflag:$0x8] =	stream.indirect.gather [hbm4b:s7+s2], $0x40, s31, s2, $0xb8;
	[tilespmem:$0x11900] =	vst v63  }
0x25c: {  	_ =	swait.ge [sflag:s9], $0x2000  }
0x25d: {  	s30 =	sld [smem:$0x7B9]  }
0x25e: {  	[sflag:s9] =	ssyncset.done $0x0  }
0x25f: {  	[sflag:s9] =	ssyncadd.s32 $0xFFFFE000  }
0x260: {  	[hbm4b:s30+s8] =	stream.strided.scatter [tilespmem:s4], [sflag:$0x9], $0x2000, s2, s8, $0x38;
	[tilespmem:$0x11900] =	vst v63  }
0x261: {  	_ =	swait.ge [sflag:s5], $0x2000  }
0x262: {  	s30 =	sld [smem:$0x7D4]  }
0x263: {  	[sflag:s5] =	ssyncset.done $0x0  }
0x264: {  	[sflag:s5] =	ssyncadd.s32 $0xFFFFE000  }
0x265: {  	[tilespmem:s4], [sflag:$0x1] =	stream.indirect.gather [hbm4b:s7+s2], $0x40, s30, s2, $0xb8;
	[tilespmem:$0x11900] =	vst v63  }
0x266: {  	_ =	swait.ge [sflag:s12], $0x2000  }
0x267: {  	[sflag:s12] =	ssyncset.done $0x0  }
0x268: {  	s30 =	rddreg [dreg:$0x3];
	[sflag:s12] =	ssyncadd.s32 $0xFFFFE000  }
0x269: {  	[hbm4b:s30+s8] =	stream.strided.scatter [tilespmem:s3], [sflag:$0xA], $0x2000, s2, s8, $0x38;
	[tilespmem:$0x11900] =	vst v63  }
0x26a: {  	_ =	swait.ge [sflag:s6], $0x2000  }
0x26b: {  	s30 =	sld [smem:$0x7D5]  }
0x26c: {  	[sflag:s6] =	ssyncset.done $0x0  }
0x26d: {  	[sflag:s6] =	ssyncadd.s32 $0xFFFFE000  }
0x26e: {  	[tilespmem:s3], [sflag:$0x2] =	stream.indirect.gather [hbm4b:s7+s2], $0x40, s30, s2, $0xb8;
	[tilespmem:$0x11900] =	vst v63  }
0x26f: {  	_ =	swait.ge [sflag:s28], $0x2000  }
0x270: {  	[sflag:s28] =	ssyncset.done $0x0  }
0x271: {  	s30 =	rddreg [dreg:$0x4];
	[sflag:s28] =	ssyncadd.s32 $0xFFFFE000  }
0x272: {  	[hbm4b:s30+s8] =	stream.strided.scatter [tilespmem:s19], [sflag:$0xB], $0x2000, s2, s8, $0x38;
	[tilespmem:$0x11900] =	vst v63  }
0x273: {  	_ =	swait.ge [sflag:s16], $0x2000  }
0x274: {  	s30 =	sld [smem:$0x7D6]  }
0x275: {  	[sflag:s16] =	ssyncset.done $0x0  }
0x276: {  	[sflag:s16] =	ssyncadd.s32 $0xFFFFE000  }
0x277: {  	[tilespmem:s19], [sflag:$0x3] =	stream.indirect.gather [hbm4b:s7+s2], $0x40, s30, s2, $0xb8;
	[tilespmem:$0x11900] =	vst v63  }
0x278: {  	_ =	swait.ge [sflag:s29], $0x2000  }
0x279: {  	[sflag:s29] =	ssyncset.done $0x0  }
0x27a: {  	s30 =	rddreg [dreg:$0x5];
	[sflag:s29] =	ssyncadd.s32 $0xFFFFE000  }
0x27b: {  	[hbm4b:s30+s8] =	stream.strided.scatter [tilespmem:s15], [sflag:$0xC], $0x2000, s2, s8, $0x38;
	[tilespmem:$0x11900] =	vst v63  }
0x27c: {  	_ =	swait.ge [sflag:s17], $0x2000  }
0x27d: {  	s30 =	sld [smem:$0x7D7]  }
0x27e: {  	[sflag:s17] =	ssyncset.done $0x0  }
0x27f: {  	[sflag:s17] =	ssyncadd.s32 $0xFFFFE000  }
0x280: {  	[tilespmem:s15], [sflag:$0x4] =	stream.indirect.gather [hbm4b:s7+s2], $0x40, s30, s2, $0xb8;
	[tilespmem:$0x11900] =	vst v63  }
0x281: {  	_ =	swait.ge [sflag:s25], $0x2000  }
0x282: {  	[sflag:s25] =	ssyncset.done $0x0  }
0x283: {  	s30 =	rddreg [dreg:$0x6];
	[sflag:s25] =	ssyncadd.s32 $0xFFFFE000  }
0x284: {  	[hbm4b:s30+s8] =	stream.strided.scatter [tilespmem:s14], [sflag:$0xD], $0x2000, s2, s8, $0x38;
	[tilespmem:$0x11900] =	vst v63  }
0x285: {  	_ =	swait.ge [sflag:s22], $0x2000  }
0x286: {  	s30 =	sld [smem:$0x7D8]  }
0x287: {  	[sflag:s22] =	ssyncset.done $0x0  }
0x288: {  	[sflag:s22] =	ssyncadd.s32 $0xFFFFE000  }
0x289: {  	[tilespmem:s14], [sflag:$0x5] =	stream.indirect.gather [hbm4b:s7+s2], $0x40, s30, s2, $0xb8;
	[tilespmem:$0x11900] =	vst v63  }
0x28a: {  	_ =	swait.ge [sflag:s26], $0x2000  }
0x28b: {  	[sflag:s26] =	ssyncset.done $0x0  }
0x28c: {  	s30 =	rddreg [dreg:$0x7];
	[sflag:s26] =	ssyncadd.s32 $0xFFFFE000  }
0x28d: {  	[hbm4b:s30+s8] =	stream.strided.scatter [tilespmem:s13], [sflag:$0xE], $0x2000, s2, s8, $0x38;
	[tilespmem:$0x11900] =	vst v63  }
0x28e: {  	_ =	swait.ge [sflag:s21], $0x2000  }
0x28f: {  	s30 =	sld [smem:$0x7D9]  }
0x290: {  	[sflag:s21] =	ssyncset.done $0x0  }
0x291: {  	[sflag:s21] =	ssyncadd.s32 $0xFFFFE000  }
0x292: {  	[tilespmem:s13], [sflag:$0x6] =	stream.indirect.gather [hbm4b:s7+s2], $0x40, s30, s2, $0xb8;
	[tilespmem:$0x11900] =	vst v63  }
0x293: {  	_ =	swait.ge [sflag:s24], $0x2000  }
0x294: {  	[sflag:s24] =	ssyncset.done $0x0  }
0x295: {  	s30 =	rddreg [dreg:$0x8];
	[sflag:s24] =	ssyncadd.s32 $0xFFFFE000  }
0x296: {  	[hbm4b:s30+s8] =	stream.strided.scatter [tilespmem:s11], [sflag:$0xF], $0x2000, s2, s8, $0x38;
	[tilespmem:$0x11900] =	vst v63  }
0x297: {  	_ =	swait.ge [sflag:s20], $0x2000  }
0x298: {  	s30 =	sld [smem:$0x7DA]  }
0x299: {  	[sflag:s20] =	ssyncset.done $0x0  }
0x29a: {  	[sflag:s20] =	ssyncadd.s32 $0xFFFFE000  }
0x29b: {  	[tilespmem:s11], [sflag:$0x7] =	stream.indirect.gather [hbm4b:s7+s2], $0x40, s30, s2, $0xb8;
	[tilespmem:$0x11900] =	vst v63  }
0x29c: {  	_ =	swait.ge [sflag:s23], $0x2000  }
0x29d: {  	[sflag:s23] =	ssyncset.done $0x0  }
0x29e: {  	s30 =	rddreg [dreg:$0x9];
	[sflag:s23] =	ssyncadd.s32 $0xFFFFE000  }
0x29f: {  	[hbm4b:s30+s8] =	stream.strided.scatter [tilespmem:s10], [sflag:$0x10], $0x2000, s2, s8, $0x38;
	[tilespmem:$0x11900] =	vst v63  }
0x2a0: {  	_ =	swait.ge [sflag:s18], $0x2000  }
0x2a1: {  	s30 =	sld [smem:$0x7DB]  }
0x2a2: {  	[sflag:s18] =	ssyncset.done $0x0  }
0x2a3: {  	[sflag:s18] =	ssyncadd.s32 $0xFFFFE000  }
0x2a4: {  	[tilespmem:s10], [sflag:$0x8] =	stream.indirect.gather [hbm4b:s7+s2], $0x40, s30, s2, $0xb8;
	[tilespmem:$0x11900] =	vst v63  }
0x2a5: {  	_ =	swait.ge [sflag:s9], $0x2000  }
0x2a6: {  	[sflag:s9] =	ssyncset.done $0x0  }
0x2a7: {  	s30 =	rddreg [dreg:$0xa];
	[sflag:s9] =	ssyncadd.s32 $0xFFFFE000  }
0x2a8: {  	[hbm4b:s30+s8] =	stream.strided.scatter [tilespmem:s4], [sflag:$0x9], $0x2000, s2, s8, $0x38;
	[tilespmem:$0x11900] =	vst v63  }
0x2a9: {  	_ =	swait.ge [sflag:s5], $0x2000  }
0x2aa: {  	s30 =	sld [smem:$0x7DC]  }
0x2ab: {  	[sflag:s5] =	ssyncset.done $0x0  }
0x2ac: {  	[sflag:s5] =	ssyncadd.s32 $0xFFFFE000  }
0x2ad: {  	[tilespmem:s4], [sflag:$0x1] =	stream.indirect.gather [hbm4b:s7+s2], $0x40, s30, s2, $0xb8;
	[tilespmem:$0x11900] =	vst v63  }
0x2ae: {  	_ =	swait.ge [sflag:s12], $0x2000  }
0x2af: {  	[sflag:s12] =	ssyncset.done $0x0  }
0x2b0: {  	s30 =	rddreg [dreg:$0xb];
	[sflag:s12] =	ssyncadd.s32 $0xFFFFE000  }
0x2b1: {  	[hbm4b:s30+s8] =	stream.strided.scatter [tilespmem:s3], [sflag:$0xA], $0x2000, s2, s8, $0x38;
	[tilespmem:$0x11900] =	vst v63  }
0x2b2: {  	_ =	swait.ge [sflag:s6], $0x2000  }
0x2b3: {  	s30 =	sld [smem:$0x7DD]  }
0x2b4: {  	[sflag:s6] =	ssyncset.done $0x0  }
0x2b5: {  	[sflag:s6] =	ssyncadd.s32 $0xFFFFE000  }
0x2b6: {  	[tilespmem:s3], [sflag:$0x2] =	stream.indirect.gather [hbm4b:s7+s2], $0x40, s30, s2, $0xb8;
	[tilespmem:$0x11900] =	vst v63  }
0x2b7: {  	_ =	swait.ge [sflag:s28], $0x2000  }
0x2b8: {  	[sflag:s28] =	ssyncset.done $0x0  }
0x2b9: {  	s30 =	rddreg [dreg:$0xc];
	[sflag:s28] =	ssyncadd.s32 $0xFFFFE000  }
0x2ba: {  	[hbm4b:s30+s8] =	stream.strided.scatter [tilespmem:s19], [sflag:$0xB], $0x2000, s2, s8, $0x38;
	[tilespmem:$0x11900] =	vst v63  }
0x2bb: {  	_ =	swait.ge [sflag:s16], $0x2000  }
0x2bc: {  	s30 =	sld [smem:$0x7DE]  }
0x2bd: {  	[sflag:s16] =	ssyncset.done $0x0  }
0x2be: {  	[sflag:s16] =	ssyncadd.s32 $0xFFFFE000  }
0x2bf: {  	[tilespmem:s19], [sflag:$0x3] =	stream.indirect.gather [hbm4b:s7+s2], $0x40, s30, s2, $0xb8;
	[tilespmem:$0x11900] =	vst v63  }
0x2c0: {  	_ =	swait.ge [sflag:s29], $0x2000  }
0x2c1: {  	[sflag:s29] =	ssyncset.done $0x0  }
0x2c2: {  	s30 =	rddreg [dreg:$0xd];
	[sflag:s29] =	ssyncadd.s32 $0xFFFFE000  }
0x2c3: {  	[hbm4b:s30+s8] =	stream.strided.scatter [tilespmem:s15], [sflag:$0xC], $0x2000, s2, s8, $0x38;
	[tilespmem:$0x11900] =	vst v63  }
0x2c4: {  	_ =	swait.ge [sflag:s17], $0x2000  }
0x2c5: {  	s30 =	sld [smem:$0x7DF]  }
0x2c6: {  	[sflag:s17] =	ssyncset.done $0x0  }
0x2c7: {  	[sflag:s17] =	ssyncadd.s32 $0xFFFFE000  }
0x2c8: {  	[tilespmem:s15], [sflag:$0x4] =	stream.indirect.gather [hbm4b:s7+s2], $0x40, s30, s2, $0xb8;
	[tilespmem:$0x11900] =	vst v63  }
0x2c9: {  	_ =	swait.ge [sflag:s25], $0x2000  }
0x2ca: {  	[sflag:s25] =	ssyncset.done $0x0  }
0x2cb: {  	s30 =	rddreg [dreg:$0xe];
	[sflag:s25] =	ssyncadd.s32 $0xFFFFE000  }
0x2cc: {  	[hbm4b:s30+s8] =	stream.strided.scatter [tilespmem:s14], [sflag:$0xD], $0x2000, s2, s8, $0x38;
	[tilespmem:$0x11900] =	vst v63  }
0x2cd: {  	_ =	swait.ge [sflag:s22], $0x2000  }
0x2ce: {  	s30 =	sld [smem:$0x7E0]  }
0x2cf: {  	[sflag:s22] =	ssyncset.done $0x0  }
0x2d0: {  	[sflag:s22] =	ssyncadd.s32 $0xFFFFE000  }
0x2d1: {  	[tilespmem:s14], [sflag:$0x5] =	stream.indirect.gather [hbm4b:s7+s2], $0x40, s30, s2, $0xb8;
	[tilespmem:$0x11900] =	vst v63  }
0x2d2: {  	_ =	swait.ge [sflag:s26], $0x2000  }
0x2d3: {  	[sflag:s26] =	ssyncset.done $0x0  }
0x2d4: {  	s30 =	rddreg [dreg:$0xf];
	[sflag:s26] =	ssyncadd.s32 $0xFFFFE000  }
0x2d5: {  	[hbm4b:s30+s8] =	stream.strided.scatter [tilespmem:s13], [sflag:$0xE], $0x2000, s2, s8, $0x38;
	[tilespmem:$0x11900] =	vst v63  }
0x2d6: {  	_ =	swait.ge [sflag:s21], $0x2000  }
0x2d7: {  	s30 =	sld [smem:$0x7E1]  }
0x2d8: {  	[sflag:s21] =	ssyncset.done $0x0  }
0x2d9: {  	[sflag:s21] =	ssyncadd.s32 $0xFFFFE000  }
0x2da: {  	[tilespmem:s13], [sflag:$0x6] =	stream.indirect.gather [hbm4b:s7+s2], $0x40, s30, s2, $0xb8;
	[tilespmem:$0x11900] =	vst v63  }
0x2db: {  	_ =	swait.ge [sflag:s24], $0x2000  }
0x2dc: {  	[sflag:s24] =	ssyncset.done $0x0  }
0x2dd: {  	s30 =	rddreg [dreg:$0x10];
	[sflag:s24] =	ssyncadd.s32 $0xFFFFE000  }
0x2de: {  	[hbm4b:s30+s8] =	stream.strided.scatter [tilespmem:s11], [sflag:$0xF], $0x2000, s2, s8, $0x38;
	[tilespmem:$0x11900] =	vst v63  }
0x2df: {  	_ =	swait.ge [sflag:s20], $0x2000  }
0x2e0: {  	s30 =	sld [smem:$0x7E2]  }
0x2e1: {  	[sflag:s20] =	ssyncset.done $0x0  }
0x2e2: {  	[sflag:s20] =	ssyncadd.s32 $0xFFFFE000  }
0x2e3: {  	[tilespmem:s11], [sflag:$0x7] =	stream.indirect.gather [hbm4b:s7+s2], $0x40, s30, s2, $0xb8;
	[tilespmem:$0x11900] =	vst v63  }
0x2e4: {  	_ =	swait.ge [sflag:s23], $0x2000  }
0x2e5: {  	[sflag:s23] =	ssyncset.done $0x0  }
0x2e6: {  	s30 =	rddreg [dreg:$0x11];
	[sflag:s23] =	ssyncadd.s32 $0xFFFFE000  }
0x2e7: {  	[hbm4b:s30+s8] =	stream.strided.scatter [tilespmem:s10], [sflag:$0x10], $0x2000, s2, s8, $0x38;
	[tilespmem:$0x11900] =	vst v63  }
0x2e8: {  	_ =	swait.ge [sflag:s18], $0x2000  }
0x2e9: {  	s30 =	sld [smem:$0x7E3]  }
0x2ea: {  	[sflag:s18] =	ssyncset.done $0x0  }
0x2eb: {  	[sflag:s18] =	ssyncadd.s32 $0xFFFFE000  }
0x2ec: {  	[tilespmem:s10], [sflag:$0x8] =	stream.indirect.gather [hbm4b:s7+s2], $0x40, s30, s2, $0xb8;
	[tilespmem:$0x11900] =	vst v63  }
0x2ed: {  	_ =	swait.ge [sflag:s9], $0x2000  }
0x2ee: {  	[sflag:s9] =	ssyncset.done $0x0  }
0x2ef: {  	s30 =	rddreg [dreg:$0x12];
	[sflag:s9] =	ssyncadd.s32 $0xFFFFE000  }
0x2f0: {  	[hbm4b:s30+s8] =	stream.strided.scatter [tilespmem:s4], [sflag:$0x9], $0x2000, s2, s8, $0x38;
	[tilespmem:$0x11900] =	vst v63  }
0x2f1: {  	_ =	swait.ge [sflag:s5], $0x2000  }
0x2f2: {  	s30 =	sld [smem:$0x7E4]  }
0x2f3: {  	[sflag:s5] =	ssyncset.done $0x0  }
0x2f4: {  	[sflag:s5] =	ssyncadd.s32 $0xFFFFE000  }
0x2f5: {  	[tilespmem:s4], [sflag:$0x1] =	stream.indirect.gather [hbm4b:s7+s2], $0x40, s30, s2, $0xb8;
	[tilespmem:$0x11900] =	vst v63  }
0x2f6: {  	_ =	swait.ge [sflag:s12], $0x2000  }
0x2f7: {  	[sflag:s12] =	ssyncset.done $0x0  }
0x2f8: {  	s30 =	rddreg [dreg:$0x13];
	[sflag:s12] =	ssyncadd.s32 $0xFFFFE000  }
0x2f9: {  	[hbm4b:s30+s8] =	stream.strided.scatter [tilespmem:s3], [sflag:$0xA], $0x2000, s2, s8, $0x38;
	[tilespmem:$0x11900] =	vst v63  }
0x2fa: {  	_ =	swait.ge [sflag:s6], $0x2000  }
0x2fb: {  	s30 =	sld [smem:$0x7E5]  }
0x2fc: {  	[sflag:s6] =	ssyncset.done $0x0  }
0x2fd: {  	[sflag:s6] =	ssyncadd.s32 $0xFFFFE000  }
0x2fe: {  	[tilespmem:s3], [sflag:$0x2] =	stream.indirect.gather [hbm4b:s7+s2], $0x40, s30, s2, $0xb8;
	[tilespmem:$0x11900] =	vst v63  }
0x2ff: {  	_ =	swait.ge [sflag:s28], $0x2000  }
0x300: {  	[sflag:s28] =	ssyncset.done $0x0  }
0x301: {  	s30 =	rddreg [dreg:$0x14];
	[sflag:s28] =	ssyncadd.s32 $0xFFFFE000  }
0x302: {  	[hbm4b:s30+s8] =	stream.strided.scatter [tilespmem:s19], [sflag:$0xB], $0x2000, s2, s8, $0x38;
	[tilespmem:$0x11900] =	vst v63  }
0x303: {  	_ =	swait.ge [sflag:s16], $0x2000  }
0x304: {  	s30 =	sld [smem:$0x7E6]  }
0x305: {  	[sflag:s16] =	ssyncset.done $0x0  }
0x306: {  	[sflag:s16] =	ssyncadd.s32 $0xFFFFE000  }
0x307: {  	[tilespmem:s19], [sflag:$0x3] =	stream.indirect.gather [hbm4b:s7+s2], $0x40, s30, s2, $0xb8;
	[tilespmem:$0x11900] =	vst v63  }
0x308: {  	_ =	swait.ge [sflag:s29], $0x2000  }
0x309: {  	[sflag:s29] =	ssyncset.done $0x0  }
0x30a: {  	s30 =	rddreg [dreg:$0x15];
	[sflag:s29] =	ssyncadd.s32 $0xFFFFE000  }
0x30b: {  	[hbm4b:s30+s8] =	stream.strided.scatter [tilespmem:s15], [sflag:$0xC], $0x2000, s2, s8, $0x38;
	[tilespmem:$0x11900] =	vst v63  }
0x30c: {  	_ =	swait.ge [sflag:s17], $0x2000  }
0x30d: {  	s30 =	sld [smem:$0x7E7]  }
0x30e: {  	[sflag:s17] =	ssyncset.done $0x0  }
0x30f: {  	[sflag:s17] =	ssyncadd.s32 $0xFFFFE000  }
0x310: {  	[tilespmem:s15], [sflag:$0x4] =	stream.indirect.gather [hbm4b:s7+s2], $0x40, s30, s2, $0xb8;
	[tilespmem:$0x11900] =	vst v63  }
0x311: {  	_ =	swait.ge [sflag:s25], $0x2000  }
0x312: {  	[sflag:s25] =	ssyncset.done $0x0  }
0x313: {  	s30 =	rddreg [dreg:$0x16];
	[sflag:s25] =	ssyncadd.s32 $0xFFFFE000  }
0x314: {  	[hbm4b:s30+s8] =	stream.strided.scatter [tilespmem:s14], [sflag:$0xD], $0x2000, s2, s8, $0x38;
	[tilespmem:$0x11900] =	vst v63  }
0x315: {  	_ =	swait.ge [sflag:s22], $0x2000  }
0x316: {  	s30 =	sld [smem:$0x7E8]  }
0x317: {  	[sflag:s22] =	ssyncset.done $0x0  }
0x318: {  	[sflag:s22] =	ssyncadd.s32 $0xFFFFE000  }
0x319: {  	[tilespmem:s14], [sflag:$0x5] =	stream.indirect.gather [hbm4b:s7+s2], $0x40, s30, s2, $0xb8;
	[tilespmem:$0x11900] =	vst v63  }
0x31a: {  	_ =	swait.ge [sflag:s26], $0x2000  }
0x31b: {  	[sflag:s26] =	ssyncset.done $0x0  }
0x31c: {  	s30 =	rddreg [dreg:$0x17];
	[sflag:s26] =	ssyncadd.s32 $0xFFFFE000  }
0x31d: {  	[hbm4b:s30+s8] =	stream.strided.scatter [tilespmem:s13], [sflag:$0xE], $0x2000, s2, s8, $0x38;
	[tilespmem:$0x11900] =	vst v63  }
0x31e: {  	_ =	swait.ge [sflag:s21], $0x2000  }
0x31f: {  	s30 =	sld [smem:$0x7E9]  }
0x320: {  	[sflag:s21] =	ssyncset.done $0x0  }
0x321: {  	[sflag:s21] =	ssyncadd.s32 $0xFFFFE000  }
0x322: {  	[tilespmem:s13], [sflag:$0x6] =	stream.indirect.gather [hbm4b:s7+s2], $0x40, s30, s2, $0xb8;
	[tilespmem:$0x11900] =	vst v63  }
0x323: {  	_ =	swait.ge [sflag:s24], $0x2000  }
0x324: {  	[sflag:s24] =	ssyncset.done $0x0  }
0x325: {  	s30 =	rddreg [dreg:$0x18];
	[sflag:s24] =	ssyncadd.s32 $0xFFFFE000  }
0x326: {  	[hbm4b:s30+s8] =	stream.strided.scatter [tilespmem:s11], [sflag:$0xF], $0x2000, s2, s8, $0x38;
	[tilespmem:$0x11900] =	vst v63  }
0x327: {  	_ =	swait.ge [sflag:s20], $0x2000  }
0x328: {  	s30 =	sld [smem:$0x7EA]  }
0x329: {  	[sflag:s20] =	ssyncset.done $0x0  }
0x32a: {  	[sflag:s20] =	ssyncadd.s32 $0xFFFFE000  }
0x32b: {  	[tilespmem:s11], [sflag:$0x7] =	stream.indirect.gather [hbm4b:s7+s2], $0x40, s30, s2, $0xb8;
	[tilespmem:$0x11900] =	vst v63  }
0x32c: {  	_ =	swait.ge [sflag:s23], $0x2000  }
0x32d: {  	[sflag:s23] =	ssyncset.done $0x0  }
0x32e: {  	s30 =	rddreg [dreg:$0x19];
	[sflag:s23] =	ssyncadd.s32 $0xFFFFE000  }
0x32f: {  	[hbm4b:s30+s8] =	stream.strided.scatter [tilespmem:s10], [sflag:$0x10], $0x2000, s2, s8, $0x38;
	[tilespmem:$0x11900] =	vst v63  }
0x330: {  	_ =	swait.ge [sflag:s18], $0x2000  }
0x331: {  	s30 =	sld [smem:$0x7EB]  }
0x332: {  	[sflag:s18] =	ssyncset.done $0x0  }
0x333: {  	[sflag:s18] =	ssyncadd.s32 $0xFFFFE000  }
0x334: {  	[tilespmem:s10], [sflag:$0x8] =	stream.indirect.gather [hbm4b:s7+s2], $0x40, s30, s2, $0xb8;
	[tilespmem:$0x11900] =	vst v63  }
0x335: {  	_ =	swait.ge [sflag:s9], $0x2000  }
0x336: {  	[sflag:s9] =	ssyncset.done $0x0  }
0x337: {  	s30 =	rddreg [dreg:$0x1a];
	[sflag:s9] =	ssyncadd.s32 $0xFFFFE000  }
0x338: {  	[hbm4b:s30+s8] =	stream.strided.scatter [tilespmem:s4], [sflag:$0x9], $0x2000, s2, s8, $0x38;
	[tilespmem:$0x11900] =	vst v63  }
0x339: {  	_ =	swait.ge [sflag:s5], $0x2000  }
0x33a: {  	s30 =	sld [smem:$0x7EC]  }
0x33b: {  	[sflag:s5] =	ssyncset.done $0x0  }
0x33c: {  	[sflag:s5] =	ssyncadd.s32 $0xFFFFE000  }
0x33d: {  	[tilespmem:s4], [sflag:$0x1] =	stream.indirect.gather [hbm4b:s7+s2], $0x40, s30, s2, $0xb8;
	[tilespmem:$0x11900] =	vst v63  }
0x33e: {  	_ =	swait.ge [sflag:s12], $0x2000  }
0x33f: {  	[sflag:s12] =	ssyncset.done $0x0  }
0x340: {  	s30 =	rddreg [dreg:$0x1b];
	[sflag:s12] =	ssyncadd.s32 $0xFFFFE000  }
0x341: {  	[hbm4b:s30+s8] =	stream.strided.scatter [tilespmem:s3], [sflag:$0xA], $0x2000, s2, s8, $0x38;
	[tilespmem:$0x11900] =	vst v63  }
0x342: {  	_ =	swait.ge [sflag:s6], $0x2000  }
0x343: {  	s30 =	sld [smem:$0x7ED]  }
0x344: {  	[sflag:s6] =	ssyncset.done $0x0  }
0x345: {  	[sflag:s6] =	ssyncadd.s32 $0xFFFFE000  }
0x346: {  	[tilespmem:s3], [sflag:$0x2] =	stream.indirect.gather [hbm4b:s7+s2], $0x40, s30, s2, $0xb8;
	[tilespmem:$0x11900] =	vst v63  }
0x347: {  	_ =	swait.ge [sflag:s28], $0x2000  }
0x348: {  	[sflag:s28] =	ssyncset.done $0x0  }
0x349: {  	s30 =	rddreg [dreg:$0x1c];
	[sflag:s28] =	ssyncadd.s32 $0xFFFFE000  }
0x34a: {  	[hbm4b:s30+s8] =	stream.strided.scatter [tilespmem:s19], [sflag:$0xB], $0x2000, s2, s8, $0x38;
	[tilespmem:$0x11900] =	vst v63  }
0x34b: {  	_ =	swait.ge [sflag:s16], $0x2000  }
0x34c: {  	s30 =	sld [smem:$0x7EE]  }
0x34d: {  	[sflag:s16] =	ssyncset.done $0x0  }
0x34e: {  	[sflag:s16] =	ssyncadd.s32 $0xFFFFE000  }
0x34f: {  	[tilespmem:s19], [sflag:$0x3] =	stream.indirect.gather [hbm4b:s7+s2], $0x40, s30, s2, $0xb8;
	[tilespmem:$0x11900] =	vst v63  }
0x350: {  	_ =	swait.ge [sflag:s29], $0x2000  }
0x351: {  	[sflag:s29] =	ssyncset.done $0x0  }
0x352: {  	s30 =	rddreg [dreg:$0x1d];
	[sflag:s29] =	ssyncadd.s32 $0xFFFFE000  }
0x353: {  	[hbm4b:s30+s8] =	stream.strided.scatter [tilespmem:s15], [sflag:$0xC], $0x2000, s2, s8, $0x38;
	[tilespmem:$0x11900] =	vst v63  }
0x354: {  	_ =	swait.ge [sflag:s17], $0x2000  }
0x355: {  	s30 =	sld [smem:$0x7EF]  }
0x356: {  	[sflag:s17] =	ssyncset.done $0x0  }
0x357: {  	[sflag:s17] =	ssyncadd.s32 $0xFFFFE000  }
0x358: {  	[tilespmem:s15], [sflag:$0x4] =	stream.indirect.gather [hbm4b:s7+s2], $0x40, s30, s2, $0xb8;
	[tilespmem:$0x11900] =	vst v63  }
0x359: {  	_ =	swait.ge [sflag:s25], $0x2000  }
0x35a: {  	[sflag:s25] =	ssyncset.done $0x0  }
0x35b: {  	s30 =	rddreg [dreg:$0x1e];
	[sflag:s25] =	ssyncadd.s32 $0xFFFFE000  }
0x35c: {  	[hbm4b:s30+s8] =	stream.strided.scatter [tilespmem:s14], [sflag:$0xD], $0x2000, s2, s8, $0x38;
	[tilespmem:$0x11900] =	vst v63  }
0x35d: {  	_ =	swait.ge [sflag:s22], $0x2000  }
0x35e: {  	s30 =	sld [smem:$0x7F0]  }
0x35f: {  	[sflag:s22] =	ssyncset.done $0x0  }
0x360: {  	[sflag:s22] =	ssyncadd.s32 $0xFFFFE000  }
0x361: {  	[tilespmem:s14], [sflag:$0x5] =	stream.indirect.gather [hbm4b:s7+s2], $0x40, s30, s2, $0xb8;
	[tilespmem:$0x11900] =	vst v63  }
0x362: {  	_ =	swait.ge [sflag:s26], $0x2000  }
0x363: {  	[sflag:s26] =	ssyncset.done $0x0  }
0x364: {  	s30 =	rddreg [dreg:$0x1f];
	[sflag:s26] =	ssyncadd.s32 $0xFFFFE000  }
0x365: {  	[hbm4b:s30+s8] =	stream.strided.scatter [tilespmem:s13], [sflag:$0xE], $0x2000, s2, s8, $0x38;
	[tilespmem:$0x11900] =	vst v63  }
0x366: {  	_ =	swait.ge [sflag:s21], $0x2000  }
0x367: {  	s30 =	sld [smem:$0x7F1]  }
0x368: {  	[sflag:s21] =	ssyncset.done $0x0  }
0x369: {  	[sflag:s21] =	ssyncadd.s32 $0xFFFFE000  }
0x36a: {  	[tilespmem:s13], [sflag:$0x6] =	stream.indirect.gather [hbm4b:s7+s2], $0x40, s30, s2, $0xb8;
	[tilespmem:$0x11900] =	vst v63  }
0x36b: {  	_ =	swait.ge [sflag:s24], $0x2000  }
0x36c: {  	s30 =	sld [smem:$0x7BA]  }
0x36d: {  	[sflag:s24] =	ssyncset.done $0x0  }
0x36e: {  	[sflag:s24] =	ssyncadd.s32 $0xFFFFE000  }
0x36f: {  	[hbm4b:s30+s8] =	stream.strided.scatter [tilespmem:s11], [sflag:$0xF], $0x2000, s2, s8, $0x38;
	[tilespmem:$0x11900] =	vst v63  }
0x370: {  	_ =	swait.ge [sflag:s20], $0x2000  }
0x371: {  	s30 =	sld [smem:$0x7F2]  }
0x372: {  	[sflag:s20] =	ssyncset.done $0x0  }
0x373: {  	[sflag:s20] =	ssyncadd.s32 $0xFFFFE000  }
0x374: {  	[tilespmem:s11], [sflag:$0x7] =	stream.indirect.gather [hbm4b:s7+s2], $0x40, s30, s2, $0xb8;
	[tilespmem:$0x11900] =	vst v63  }
0x375: {  	_ =	swait.ge [sflag:s23], $0x2000  }
0x376: {  	s30 =	sld [smem:$0x7BB]  }
0x377: {  	[sflag:s23] =	ssyncset.done $0x0  }
0x378: {  	[sflag:s23] =	ssyncadd.s32 $0xFFFFE000  }
0x379: {  	[hbm4b:s30+s8] =	stream.strided.scatter [tilespmem:s10], [sflag:$0x10], $0x2000, s2, s8, $0x38;
	[tilespmem:$0x11900] =	vst v63  }
0x37a: {  	_ =	swait.ge [sflag:s18], $0x2000  }
0x37b: {  	s30 =	sld [smem:$0x7F3]  }
0x37c: {  	[sflag:s18] =	ssyncset.done $0x0  }
0x37d: {  	[sflag:s18] =	ssyncadd.s32 $0xFFFFE000  }
0x37e: {  	[tilespmem:s10], [sflag:$0x8] =	stream.indirect.gather [hbm4b:s7+s2], $0x40, s30, s2, $0xb8;
	[tilespmem:$0x11900] =	vst v63  }
0x37f: {  	_ =	swait.ge [sflag:s9], $0x2000  }
0x380: {  	s30 =	sld [smem:$0x7BC]  }
0x381: {  	[sflag:s9] =	ssyncset.done $0x0  }
0x382: {  	[sflag:s9] =	ssyncadd.s32 $0xFFFFE000  }
0x383: {  	[hbm4b:s30+s8] =	stream.strided.scatter [tilespmem:s4], [sflag:$0x9], $0x2000, s2, s8, $0x38;
	[tilespmem:$0x11900] =	vst v63  }
0x384: {  	_ =	swait.ge [sflag:s5], $0x2000  }
0x385: {  	s30 =	sld [smem:$0x7F4]  }
0x386: {  	[sflag:s5] =	ssyncset.done $0x0  }
0x387: {  	[sflag:s5] =	ssyncadd.s32 $0xFFFFE000  }
0x388: {  	[tilespmem:s4], [sflag:$0x1] =	stream.indirect.gather [hbm4b:s7+s2], $0x40, s30, s2, $0xb8;
	[tilespmem:$0x11900] =	vst v63  }
0x389: {  	_ =	swait.ge [sflag:s12], $0x2000  }
0x38a: {  	s30 =	sld [smem:$0x7BD]  }
0x38b: {  	[sflag:s12] =	ssyncset.done $0x0  }
0x38c: {  	[sflag:s12] =	ssyncadd.s32 $0xFFFFE000  }
0x38d: {  	[hbm4b:s30+s8] =	stream.strided.scatter [tilespmem:s3], [sflag:$0xA], $0x2000, s2, s8, $0x38;
	[tilespmem:$0x11900] =	vst v63  }
0x38e: {  	_ =	swait.ge [sflag:s6], $0x2000  }
0x38f: {  	s30 =	sld [smem:$0x7F5]  }
0x390: {  	[sflag:s6] =	ssyncset.done $0x0  }
0x391: {  	[sflag:s6] =	ssyncadd.s32 $0xFFFFE000  }
0x392: {  	[tilespmem:s3], [sflag:$0x2] =	stream.indirect.gather [hbm4b:s7+s2], $0x40, s30, s2, $0xb8;
	[tilespmem:$0x11900] =	vst v63  }
0x393: {  	_ =	swait.ge [sflag:s28], $0x2000  }
0x394: {  	s30 =	sld [smem:$0x7BE]  }
0x395: {  	[sflag:s28] =	ssyncset.done $0x0  }
0x396: {  	[sflag:s28] =	ssyncadd.s32 $0xFFFFE000  }
0x397: {  	[hbm4b:s30+s8] =	stream.strided.scatter [tilespmem:s19], [sflag:$0xB], $0x2000, s2, s8, $0x38;
	[tilespmem:$0x11900] =	vst v63  }
0x398: {  	_ =	swait.ge [sflag:s16], $0x2000  }
0x399: {  	s30 =	sld [smem:$0x7F6]  }
0x39a: {  	[sflag:s16] =	ssyncset.done $0x0  }
0x39b: {  	[sflag:s16] =	ssyncadd.s32 $0xFFFFE000  }
0x39c: {  	[tilespmem:s19], [sflag:$0x3] =	stream.indirect.gather [hbm4b:s7+s2], $0x40, s30, s2, $0xb8;
	[tilespmem:$0x11900] =	vst v63  }
0x39d: {  	_ =	swait.ge [sflag:s29], $0x2000  }
0x39e: {  	s30 =	sld [smem:$0x7BF]  }
0x39f: {  	[sflag:s29] =	ssyncset.done $0x0  }
0x3a0: {  	[sflag:s29] =	ssyncadd.s32 $0xFFFFE000  }
0x3a1: {  	[hbm4b:s30+s8] =	stream.strided.scatter [tilespmem:s15], [sflag:$0xC], $0x2000, s2, s8, $0x38;
	[tilespmem:$0x11900] =	vst v63  }
0x3a2: {  	_ =	swait.ge [sflag:s17], $0x2000  }
0x3a3: {  	s30 =	sld [smem:$0x7F7]  }
0x3a4: {  	[sflag:s17] =	ssyncset.done $0x0  }
0x3a5: {  	[sflag:s17] =	ssyncadd.s32 $0xFFFFE000  }
0x3a6: {  	[tilespmem:s15], [sflag:$0x4] =	stream.indirect.gather [hbm4b:s7+s2], $0x40, s30, s2, $0xb8;
	[tilespmem:$0x11900] =	vst v63  }
0x3a7: {  	_ =	swait.ge [sflag:s25], $0x2000  }
0x3a8: {  	s30 =	sld [smem:$0x7C0]  }
0x3a9: {  	[sflag:s25] =	ssyncset.done $0x0  }
0x3aa: {  	[sflag:s25] =	ssyncadd.s32 $0xFFFFE000  }
0x3ab: {  	[hbm4b:s30+s8] =	stream.strided.scatter [tilespmem:s14], [sflag:$0xD], $0x2000, s2, s8, $0x38;
	[tilespmem:$0x11900] =	vst v63  }
0x3ac: {  	_ =	swait.ge [sflag:s22], $0x2000  }
0x3ad: {  	s30 =	sld [smem:$0x7F8]  }
0x3ae: {  	[sflag:s22] =	ssyncset.done $0x0  }
0x3af: {  	[sflag:s22] =	ssyncadd.s32 $0xFFFFE000  }
0x3b0: {  	[tilespmem:s14], [sflag:$0x5] =	stream.indirect.gather [hbm4b:s7+s2], $0x40, s30, s2, $0xb8;
	[tilespmem:$0x11900] =	vst v63  }
0x3b1: {  	_ =	swait.ge [sflag:s26], $0x2000  }
0x3b2: {  	s30 =	sld [smem:$0x7C1]  }
0x3b3: {  	[sflag:s26] =	ssyncset.done $0x0  }
0x3b4: {  	[sflag:s26] =	ssyncadd.s32 $0xFFFFE000  }
0x3b5: {  	[hbm4b:s30+s8] =	stream.strided.scatter [tilespmem:s13], [sflag:$0xE], $0x2000, s2, s8, $0x38;
	[tilespmem:$0x11900] =	vst v63  }
0x3b6: {  	_ =	swait.ge [sflag:s21], $0x2000  }
0x3b7: {  	s30 =	sld [smem:$0x7F9]  }
0x3b8: {  	[sflag:s21] =	ssyncset.done $0x0  }
0x3b9: {  	[sflag:s21] =	ssyncadd.s32 $0xFFFFE000  }
0x3ba: {  	[tilespmem:s13], [sflag:$0x6] =	stream.indirect.gather [hbm4b:s7+s2], $0x40, s30, s2, $0xb8;
	[tilespmem:$0x11900] =	vst v63  }
0x3bb: {  	_ =	swait.ge [sflag:s24], $0x2000  }
0x3bc: {  	s30 =	sld [smem:$0x7C2]  }
0x3bd: {  	[sflag:s24] =	ssyncset.done $0x0  }
0x3be: {  	[sflag:s24] =	ssyncadd.s32 $0xFFFFE000  }
0x3bf: {  	[hbm4b:s30+s8] =	stream.strided.scatter [tilespmem:s11], [sflag:$0xF], $0x2000, s2, s8, $0x38;
	[tilespmem:$0x11900] =	vst v63  }
0x3c0: {  	_ =	swait.ge [sflag:s20], $0x2000  }
0x3c1: {  	s30 =	sld [smem:$0x7FA]  }
0x3c2: {  	[sflag:s20] =	ssyncset.done $0x0  }
0x3c3: {  	[sflag:s20] =	ssyncadd.s32 $0xFFFFE000  }
0x3c4: {  	[tilespmem:s11], [sflag:$0x7] =	stream.indirect.gather [hbm4b:s7+s2], $0x40, s30, s2, $0xb8;
	[tilespmem:$0x11900] =	vst v63  }
0x3c5: {  	_ =	swait.ge [sflag:s23], $0x2000  }
0x3c6: {  	s30 =	sld [smem:$0x7C3]  }
0x3c7: {  	[sflag:s23] =	ssyncset.done $0x0  }
0x3c8: {  	[sflag:s23] =	ssyncadd.s32 $0xFFFFE000  }
0x3c9: {  	[hbm4b:s30+s8] =	stream.strided.scatter [tilespmem:s10], [sflag:$0x10], $0x2000, s2, s8, $0x38;
	[tilespmem:$0x11900] =	vst v63  }
0x3ca: {  	_ =	swait.ge [sflag:s18], $0x2000  }
0x3cb: {  	s30 =	sld [smem:$0x7FB]  }
0x3cc: {  	[sflag:s18] =	ssyncset.done $0x0  }
0x3cd: {  	[sflag:s18] =	ssyncadd.s32 $0xFFFFE000  }
0x3ce: {  	[tilespmem:s10], [sflag:$0x8] =	stream.indirect.gather [hbm4b:s7+s2], $0x40, s30, s2, $0xb8;
	[tilespmem:$0x11900] =	vst v63  }
0x3cf: {  	_ =	swait.ge [sflag:s9], $0x2000  }
0x3d0: {  	s30 =	sld [smem:$0x7C4]  }
0x3d1: {  	[sflag:s9] =	ssyncset.done $0x0  }
0x3d2: {  	[sflag:s9] =	ssyncadd.s32 $0xFFFFE000  }
0x3d3: {  	[hbm4b:s30+s8] =	stream.strided.scatter [tilespmem:s4], [sflag:$0x9], $0x2000, s2, s8, $0x38;
	[tilespmem:$0x11900] =	vst v63  }
0x3d4: {  	_ =	swait.ge [sflag:s5], $0x2000  }
0x3d5: {  	s30 =	sld [smem:$0x7FC]  }
0x3d6: {  	[sflag:s5] =	ssyncset.done $0x0  }
0x3d7: {  	[sflag:s5] =	ssyncadd.s32 $0xFFFFE000  }
0x3d8: {  	[tilespmem:s4], [sflag:$0x1] =	stream.indirect.gather [hbm4b:s7+s2], $0x40, s30, s2, $0xb8;
	[tilespmem:$0x11900] =	vst v63  }
0x3d9: {  	_ =	swait.ge [sflag:s12], $0x2000  }
0x3da: {  	s30 =	sld [smem:$0x7C5]  }
0x3db: {  	[sflag:s12] =	ssyncset.done $0x0  }
0x3dc: {  	[sflag:s12] =	ssyncadd.s32 $0xFFFFE000  }
0x3dd: {  	[hbm4b:s30+s8] =	stream.strided.scatter [tilespmem:s3], [sflag:$0xA], $0x2000, s2, s8, $0x38;
	[tilespmem:$0x11900] =	vst v63  }
0x3de: {  	_ =	swait.ge [sflag:s6], $0x2000  }
0x3df: {  	s30 =	sld [smem:$0x7FD]  }
0x3e0: {  	[sflag:s6] =	ssyncset.done $0x0  }
0x3e1: {  	[sflag:s6] =	ssyncadd.s32 $0xFFFFE000  }
0x3e2: {  	[tilespmem:s3], [sflag:$0x2] =	stream.indirect.gather [hbm4b:s7+s2], $0x40, s30, s2, $0xb8;
	[tilespmem:$0x11900] =	vst v63  }
0x3e3: {  	_ =	swait.ge [sflag:s28], $0x2000  }
0x3e4: {  	s30 =	sld [smem:$0x7C6]  }
0x3e5: {  	[sflag:s28] =	ssyncset.done $0x0  }
0x3e6: {  	[sflag:s28] =	ssyncadd.s32 $0xFFFFE000  }
0x3e7: {  	[hbm4b:s30+s8] =	stream.strided.scatter [tilespmem:s19], [sflag:$0xB], $0x2000, s2, s8, $0x38;
	[tilespmem:$0x11900] =	vst v63  }
0x3e8: {  	_ =	swait.ge [sflag:s29], $0x2000  }
0x3e9: {  	s30 =	sld [smem:$0x7C7]  }
0x3ea: {  	[sflag:s29] =	ssyncset.done $0x0  }
0x3eb: {  	[sflag:s29] =	ssyncadd.s32 $0xFFFFE000  }
0x3ec: {  	[hbm4b:s30+s8] =	stream.strided.scatter [tilespmem:s15], [sflag:$0xC], $0x2000, s2, s8, $0x38;
	[tilespmem:$0x11900] =	vst v63  }
0x3ed: {  	_ =	swait.ge [sflag:s25], $0x2000  }
0x3ee: {  	s30 =	sld [smem:$0x7C8]  }
0x3ef: {  	[sflag:s25] =	ssyncset.done $0x0  }
0x3f0: {  	[sflag:s25] =	ssyncadd.s32 $0xFFFFE000  }
0x3f1: {  	[hbm4b:s30+s8] =	stream.strided.scatter [tilespmem:s14], [sflag:$0xD], $0x2000, s2, s8, $0x38;
	[tilespmem:$0x11900] =	vst v63  }
0x3f2: {  	_ =	swait.ge [sflag:s26], $0x2000  }
0x3f3: {  	s30 =	sld [smem:$0x7C9]  }
0x3f4: {  	[sflag:s26] =	ssyncset.done $0x0  }
0x3f5: {  	[sflag:s26] =	ssyncadd.s32 $0xFFFFE000  }
0x3f6: {  	[hbm4b:s30+s8] =	stream.strided.scatter [tilespmem:s13], [sflag:$0xE], $0x2000, s2, s8, $0x38;
	[tilespmem:$0x11900] =	vst v63  }
0x3f7: {  	_ =	swait.ge [sflag:s24], $0x2000  }
0x3f8: {  	s30 =	sld [smem:$0x7CA]  }
0x3f9: {  	[sflag:s24] =	ssyncset.done $0x0  }
0x3fa: {  	[sflag:s24] =	ssyncadd.s32 $0xFFFFE000  }
0x3fb: {  	[hbm4b:s30+s8] =	stream.strided.scatter [tilespmem:s11], [sflag:$0xF], $0x2000, s2, s8, $0x38;
	[tilespmem:$0x11900] =	vst v63  }
0x3fc: {  	_ =	swait.ge [sflag:s23], $0x2000  }
0x3fd: {  	s30 =	sld [smem:$0x7CB]  }
0x3fe: {  	[sflag:s23] =	ssyncset.done $0x0  }
0x3ff: {  	[sflag:s23] =	ssyncadd.s32 $0xFFFFE000  }
0x400: {  	[hbm4b:s30+s8] =	stream.strided.scatter [tilespmem:s10], [sflag:$0x10], $0x2000, s2, s8, $0x38;
	[tilespmem:$0x11900] =	vst v63  }
0x401: {  	_ =	swait.ge [sflag:s9], $0x2000  }
0x402: {  	s30 =	sld [smem:$0x7CC]  }
0x403: {  	[sflag:s9] =	ssyncset.done $0x0  }
0x404: {  	[sflag:s9] =	ssyncadd.s32 $0xFFFFE000  }
0x405: {  	[hbm4b:s30+s8] =	stream.strided.scatter [tilespmem:s4], [sflag:$0x9], $0x2000, s2, s8, $0x38;
	[tilespmem:$0x11900] =	vst v63  }
0x406: {  	_ =	swait.ge [sflag:s12], $0x2000  }
0x407: {  	s30 =	sld [smem:$0x7CD]  }
0x408: {  	[sflag:s12] =	ssyncset.done $0x0  }
0x409: {  	[sflag:s12] =	ssyncadd.s32 $0xFFFFE000  }
0x40a: {  	[hbm4b:s30+s8] =	stream.strided.scatter [tilespmem:s3], [sflag:$0xA], $0x2000, s2, s8, $0x38;
	[tilespmem:$0x11900] =	vst v63  }
0x40b: {  	_ =	swait.ge [sflag:s16], $0x2000  }
0x40c: {  	[sflag:s16] =	ssyncset.done $0x0  }
0x40d: {  	[sflag:s16] =	ssyncadd.s32 $0xFFFFE000  }
0x40e: {  	_ =	swait.ge [sflag:s17], $0x2000  }
0x40f: {  	[sflag:s17] =	ssyncset.done $0x0  }
0x410: {  	[sflag:s17] =	ssyncadd.s32 $0xFFFFE000  }
0x411: {  	_ =	swait.ge [sflag:s22], $0x2000  }
0x412: {  	[sflag:s22] =	ssyncset.done $0x0  }
0x413: {  	[sflag:s22] =	ssyncadd.s32 $0xFFFFE000  }
0x414: {  	_ =	swait.ge [sflag:s21], $0x2000  }
0x415: {  	[sflag:s21] =	ssyncset.done $0x0  }
0x416: {  	[sflag:s21] =	ssyncadd.s32 $0xFFFFE000  }
0x417: {  	_ =	swait.ge [sflag:s20], $0x2000  }
0x418: {  	[sflag:s20] =	ssyncset.done $0x0  }
0x419: {  	[sflag:s20] =	ssyncadd.s32 $0xFFFFE000  }
0x41a: {  	_ =	swait.ge [sflag:s18], $0x2000  }
0x41b: {  	[sflag:s18] =	ssyncset.done $0x0  }
0x41c: {  	p1 =	sne.s32 s0, $0x1;
	[sflag:s18] =	ssyncadd.s32 $0xFFFFE000  }
.Ltmp2:
0x41d: {  	_ =	swait.ge [sflag:s5], $0x2000;
	(pc) =	sbr.rel @p1 .LBB2_4-.Ltmp2, $4  }
0x41e: {  	[sflag:s5] =	ssyncset.done $0x0  }
0x41f: {  	[sflag:s5] =	ssyncadd.s32 $0xFFFFE000  }
0x420: {  	_ =	swait.ge [sflag:s6], $0x2000  }
0x421: {  	s0 =	sadd.s32 $0xFFFFFFFF, s0;
	s30 =	rddreg [dreg:$0x2];
	[sflag:s6] =	ssyncset.done $0x0  }
0x422: {  	s31 =	sld [smem:$0x7B9];
	s1 =	simm.s32 $0x11  }
.LBB2_6:
0x423: {  	[sflag:s6] =	ssyncadd.s32 @p0 $0xFFFFE000;
	s0 =	simm.s32 $0x0  }
0x424: {  	[tilespmem:s0], [sflag:$0x11] =	stream.linear.gather [hbm4b:s30+s0], $0x1900, $0x38;
	[tilespmem:$0x11900] =	vst v63  }
0x425: {  	_ =	swait.ge [sflag:s1], $0x1900  }
0x426: {  	[sflag:s1] =	ssyncset.done $0x0  }
0x427: {  	[sflag:s1] =	ssyncadd.s32 $0xFFFFE700  }
0x428: {  	[tilespmem:s4], [sflag:$0x1] =	stream.indirect.gather [hbm4b:s7+s2], $0x40, s0, s2, $0xb8;
	[tilespmem:$0x11900] =	vst v63  }
0x429: {  	s1 =	sld [smem:$0x7CE]  }
0x42a: {  	[tilespmem:s3], [sflag:$0x2] =	stream.indirect.gather [hbm4b:s7+s2], $0x40, s2, s2, $0xb8;
	[tilespmem:$0x11900] =	vst v63  }
0x42b: {  	s30 =	sld [smem:$0x7CF]  }
0x42c: {  	[tilespmem:s19], [sflag:$0x3] =	stream.indirect.gather [hbm4b:s7+s2], $0x40, s1, s2, $0xb8;
	[tilespmem:$0x11900] =	vst v63  }
0x42d: {  	s0 =	sld [smem:$0x7D0]  }
0x42e: {  	[tilespmem:s15], [sflag:$0x4] =	stream.indirect.gather [hbm4b:s7+s2], $0x40, s30, s2, $0xb8;
	[tilespmem:$0x11900] =	vst v63  }
0x42f: {  	s30 =	sld [smem:$0x7D1]  }
0x430: {  	[tilespmem:s14], [sflag:$0x5] =	stream.indirect.gather [hbm4b:s7+s2], $0x40, s0, s2, $0xb8;
	[tilespmem:$0x11900] =	vst v63  }
0x431: {  	s0 =	sld [smem:$0x7D2]  }
0x432: {  	[tilespmem:s13], [sflag:$0x6] =	stream.indirect.gather [hbm4b:s7+s2], $0x40, s30, s2, $0xb8;
	[tilespmem:$0x11900] =	vst v63  }
0x433: {  	s30 =	sld [smem:$0x7D3]  }
0x434: {  	[tilespmem:s11], [sflag:$0x7] =	stream.indirect.gather [hbm4b:s7+s2], $0x40, s0, s2, $0xb8;
	[tilespmem:$0x11900] =	vst v63  }
0x435: {  	_ = 	snop  }
0x436: {  	[tilespmem:s10], [sflag:$0x8] =	stream.indirect.gather [hbm4b:s7+s2], $0x40, s30, s2, $0xb8;
	[tilespmem:$0x11900] =	vst v63  }
0x437: {  	_ =	swait.ge [sflag:s9], $0x2000  }
0x438: {  	[sflag:s9] =	ssyncset.done $0x0  }
0x439: {  	[sflag:s9] =	ssyncadd.s32 $0xFFFFE000  }
0x43a: {  	[hbm4b:s31+s8] =	stream.strided.scatter [tilespmem:s4], [sflag:$0x9], $0x2000, s2, s8, $0x38;
	[tilespmem:$0x11900] =	vst v63  }
0x43b: {  	_ =	swait.ge [sflag:s5], $0x2000  }
0x43c: {  	s30 =	sld [smem:$0x7D4]  }
0x43d: {  	[sflag:s5] =	ssyncset.done $0x0  }
0x43e: {  	[sflag:s5] =	ssyncadd.s32 $0xFFFFE000  }
0x43f: {  	[tilespmem:s4], [sflag:$0x1] =	stream.indirect.gather [hbm4b:s7+s2], $0x40, s30, s2, $0xb8;
	[tilespmem:$0x11900] =	vst v63  }
0x440: {  	_ =	swait.ge [sflag:s12], $0x2000  }
0x441: {  	[sflag:s12] =	ssyncset.done $0x0  }
0x442: {  	s31 =	rddreg [dreg:$0x3];
	[sflag:s12] =	ssyncadd.s32 $0xFFFFE000  }
0x443: {  	[hbm4b:s31+s8] =	stream.strided.scatter [tilespmem:s3], [sflag:$0xA], $0x2000, s2, s8, $0x38;
	[tilespmem:$0x11900] =	vst v63  }
0x444: {  	_ =	swait.ge [sflag:s6], $0x2000  }
0x445: {  	s1 =	sld [smem:$0x7D5]  }
0x446: {  	[sflag:s6] =	ssyncset.done $0x0  }
0x447: {  	[sflag:s6] =	ssyncadd.s32 $0xFFFFE000  }
0x448: {  	[tilespmem:s3], [sflag:$0x2] =	stream.indirect.gather [hbm4b:s7+s2], $0x40, s1, s2, $0xb8;
	[tilespmem:$0x11900] =	vst v63  }
0x449: {  	_ =	swait.ge [sflag:s28], $0x2000  }
0x44a: {  	[sflag:s28] =	ssyncset.done $0x0  }
0x44b: {  	s30 =	rddreg [dreg:$0x4];
	[sflag:s28] =	ssyncadd.s32 $0xFFFFE000  }
0x44c: {  	[hbm4b:s30+s8] =	stream.strided.scatter [tilespmem:s19], [sflag:$0xB], $0x2000, s2, s8, $0x38;
	[tilespmem:$0x11900] =	vst v63  }
0x44d: {  	_ =	swait.ge [sflag:s16], $0x2000  }
0x44e: {  	s31 =	sld [smem:$0x7D6]  }
0x44f: {  	[sflag:s16] =	ssyncset.done $0x0  }
0x450: {  	[sflag:s16] =	ssyncadd.s32 $0xFFFFE000  }
0x451: {  	[tilespmem:s19], [sflag:$0x3] =	stream.indirect.gather [hbm4b:s7+s2], $0x40, s31, s2, $0xb8;
	[tilespmem:$0x11900] =	vst v63  }
0x452: {  	_ =	swait.ge [sflag:s29], $0x2000  }
0x453: {  	[sflag:s29] =	ssyncset.done $0x0  }
0x454: {  	s1 =	rddreg [dreg:$0x5];
	[sflag:s29] =	ssyncadd.s32 $0xFFFFE000  }
0x455: {  	[hbm4b:s1+s8] =	stream.strided.scatter [tilespmem:s15], [sflag:$0xC], $0x2000, s2, s8, $0x38;
	[tilespmem:$0x11900] =	vst v63  }
0x456: {  	_ =	swait.ge [sflag:s17], $0x2000  }
0x457: {  	s30 =	sld [smem:$0x7D7]  }
0x458: {  	[sflag:s17] =	ssyncset.done $0x0  }
0x459: {  	[sflag:s17] =	ssyncadd.s32 $0xFFFFE000  }
0x45a: {  	[tilespmem:s15], [sflag:$0x4] =	stream.indirect.gather [hbm4b:s7+s2], $0x40, s30, s2, $0xb8;
	[tilespmem:$0x11900] =	vst v63  }
0x45b: {  	_ =	swait.ge [sflag:s25], $0x2000  }
0x45c: {  	[sflag:s25] =	ssyncset.done $0x0  }
0x45d: {  	s31 =	rddreg [dreg:$0x6];
	[sflag:s25] =	ssyncadd.s32 $0xFFFFE000  }
0x45e: {  	[hbm4b:s31+s8] =	stream.strided.scatter [tilespmem:s14], [sflag:$0xD], $0x2000, s2, s8, $0x38;
	[tilespmem:$0x11900] =	vst v63  }
0x45f: {  	_ =	swait.ge [sflag:s22], $0x2000  }
0x460: {  	s1 =	sld [smem:$0x7D8]  }
0x461: {  	[sflag:s22] =	ssyncset.done $0x0  }
0x462: {  	[sflag:s22] =	ssyncadd.s32 $0xFFFFE000  }
0x463: {  	[tilespmem:s14], [sflag:$0x5] =	stream.indirect.gather [hbm4b:s7+s2], $0x40, s1, s2, $0xb8;
	[tilespmem:$0x11900] =	vst v63  }
0x464: {  	_ =	swait.ge [sflag:s26], $0x2000  }
0x465: {  	[sflag:s26] =	ssyncset.done $0x0  }
0x466: {  	s30 =	rddreg [dreg:$0x7];
	[sflag:s26] =	ssyncadd.s32 $0xFFFFE000  }
0x467: {  	[hbm4b:s30+s8] =	stream.strided.scatter [tilespmem:s13], [sflag:$0xE], $0x2000, s2, s8, $0x38;
	[tilespmem:$0x11900] =	vst v63  }
0x468: {  	_ =	swait.ge [sflag:s21], $0x2000  }
0x469: {  	s31 =	sld [smem:$0x7D9]  }
0x46a: {  	[sflag:s21] =	ssyncset.done $0x0  }
0x46b: {  	[sflag:s21] =	ssyncadd.s32 $0xFFFFE000  }
0x46c: {  	[tilespmem:s13], [sflag:$0x6] =	stream.indirect.gather [hbm4b:s7+s2], $0x40, s31, s2, $0xb8;
	[tilespmem:$0x11900] =	vst v63  }
0x46d: {  	_ =	swait.ge [sflag:s24], $0x2000  }
0x46e: {  	[sflag:s24] =	ssyncset.done $0x0  }
0x46f: {  	s1 =	rddreg [dreg:$0x8];
	[sflag:s24] =	ssyncadd.s32 $0xFFFFE000  }
0x470: {  	[hbm4b:s1+s8] =	stream.strided.scatter [tilespmem:s11], [sflag:$0xF], $0x2000, s2, s8, $0x38;
	[tilespmem:$0x11900] =	vst v63  }
0x471: {  	_ =	swait.ge [sflag:s20], $0x2000  }
0x472: {  	s30 =	sld [smem:$0x7DA]  }
0x473: {  	[sflag:s20] =	ssyncset.done $0x0  }
0x474: {  	[sflag:s20] =	ssyncadd.s32 $0xFFFFE000  }
0x475: {  	[tilespmem:s11], [sflag:$0x7] =	stream.indirect.gather [hbm4b:s7+s2], $0x40, s30, s2, $0xb8;
	[tilespmem:$0x11900] =	vst v63  }
0x476: {  	_ =	swait.ge [sflag:s23], $0x2000  }
0x477: {  	[sflag:s23] =	ssyncset.done $0x0  }
0x478: {  	s31 =	rddreg [dreg:$0x9];
	[sflag:s23] =	ssyncadd.s32 $0xFFFFE000  }
0x479: {  	[hbm4b:s31+s8] =	stream.strided.scatter [tilespmem:s10], [sflag:$0x10], $0x2000, s2, s8, $0x38;
	[tilespmem:$0x11900] =	vst v63  }
0x47a: {  	_ =	swait.ge [sflag:s18], $0x2000  }
0x47b: {  	s1 =	sld [smem:$0x7DB]  }
0x47c: {  	[sflag:s18] =	ssyncset.done $0x0  }
0x47d: {  	[sflag:s18] =	ssyncadd.s32 $0xFFFFE000  }
0x47e: {  	[tilespmem:s10], [sflag:$0x8] =	stream.indirect.gather [hbm4b:s7+s2], $0x40, s1, s2, $0xb8;
	[tilespmem:$0x11900] =	vst v63  }
0x47f: {  	_ =	swait.ge [sflag:s9], $0x2000  }
0x480: {  	[sflag:s9] =	ssyncset.done $0x0  }
0x481: {  	s30 =	rddreg [dreg:$0xa];
	[sflag:s9] =	ssyncadd.s32 $0xFFFFE000  }
0x482: {  	[hbm4b:s30+s8] =	stream.strided.scatter [tilespmem:s4], [sflag:$0x9], $0x2000, s2, s8, $0x38;
	[tilespmem:$0x11900] =	vst v63  }
0x483: {  	_ =	swait.ge [sflag:s5], $0x2000  }
0x484: {  	s31 =	sld [smem:$0x7DC]  }
0x485: {  	[sflag:s5] =	ssyncset.done $0x0  }
0x486: {  	[sflag:s5] =	ssyncadd.s32 $0xFFFFE000  }
0x487: {  	[tilespmem:s4], [sflag:$0x1] =	stream.indirect.gather [hbm4b:s7+s2], $0x40, s31, s2, $0xb8;
	[tilespmem:$0x11900] =	vst v63  }
0x488: {  	_ =	swait.ge [sflag:s12], $0x2000  }
0x489: {  	[sflag:s12] =	ssyncset.done $0x0  }
0x48a: {  	s1 =	rddreg [dreg:$0xb];
	[sflag:s12] =	ssyncadd.s32 $0xFFFFE000  }
0x48b: {  	[hbm4b:s1+s8] =	stream.strided.scatter [tilespmem:s3], [sflag:$0xA], $0x2000, s2, s8, $0x38;
	[tilespmem:$0x11900] =	vst v63  }
0x48c: {  	_ =	swait.ge [sflag:s6], $0x2000  }
0x48d: {  	s30 =	sld [smem:$0x7DD]  }
0x48e: {  	[sflag:s6] =	ssyncset.done $0x0  }
0x48f: {  	[sflag:s6] =	ssyncadd.s32 $0xFFFFE000  }
0x490: {  	[tilespmem:s3], [sflag:$0x2] =	stream.indirect.gather [hbm4b:s7+s2], $0x40, s30, s2, $0xb8;
	[tilespmem:$0x11900] =	vst v63  }
0x491: {  	_ =	swait.ge [sflag:s28], $0x2000  }
0x492: {  	[sflag:s28] =	ssyncset.done $0x0  }
0x493: {  	s31 =	rddreg [dreg:$0xc];
	[sflag:s28] =	ssyncadd.s32 $0xFFFFE000  }
0x494: {  	[hbm4b:s31+s8] =	stream.strided.scatter [tilespmem:s19], [sflag:$0xB], $0x2000, s2, s8, $0x38;
	[tilespmem:$0x11900] =	vst v63  }
0x495: {  	_ =	swait.ge [sflag:s16], $0x2000  }
0x496: {  	s1 =	sld [smem:$0x7DE]  }
0x497: {  	[sflag:s16] =	ssyncset.done $0x0  }
0x498: {  	[sflag:s16] =	ssyncadd.s32 $0xFFFFE000  }
0x499: {  	[tilespmem:s19], [sflag:$0x3] =	stream.indirect.gather [hbm4b:s7+s2], $0x40, s1, s2, $0xb8;
	[tilespmem:$0x11900] =	vst v63  }
0x49a: {  	_ =	swait.ge [sflag:s29], $0x2000  }
0x49b: {  	[sflag:s29] =	ssyncset.done $0x0  }
0x49c: {  	s30 =	rddreg [dreg:$0xd];
	[sflag:s29] =	ssyncadd.s32 $0xFFFFE000  }
0x49d: {  	[hbm4b:s30+s8] =	stream.strided.scatter [tilespmem:s15], [sflag:$0xC], $0x2000, s2, s8, $0x38;
	[tilespmem:$0x11900] =	vst v63  }
0x49e: {  	_ =	swait.ge [sflag:s17], $0x2000  }
0x49f: {  	s31 =	sld [smem:$0x7DF]  }
0x4a0: {  	[sflag:s17] =	ssyncset.done $0x0  }
0x4a1: {  	[sflag:s17] =	ssyncadd.s32 $0xFFFFE000  }
0x4a2: {  	[tilespmem:s15], [sflag:$0x4] =	stream.indirect.gather [hbm4b:s7+s2], $0x40, s31, s2, $0xb8;
	[tilespmem:$0x11900] =	vst v63  }
0x4a3: {  	_ =	swait.ge [sflag:s25], $0x2000  }
0x4a4: {  	[sflag:s25] =	ssyncset.done $0x0  }
0x4a5: {  	s1 =	rddreg [dreg:$0xe];
	[sflag:s25] =	ssyncadd.s32 $0xFFFFE000  }
0x4a6: {  	[hbm4b:s1+s8] =	stream.strided.scatter [tilespmem:s14], [sflag:$0xD], $0x2000, s2, s8, $0x38;
	[tilespmem:$0x11900] =	vst v63  }
0x4a7: {  	_ =	swait.ge [sflag:s22], $0x2000  }
0x4a8: {  	s30 =	sld [smem:$0x7E0]  }
0x4a9: {  	[sflag:s22] =	ssyncset.done $0x0  }
0x4aa: {  	[sflag:s22] =	ssyncadd.s32 $0xFFFFE000  }
0x4ab: {  	[tilespmem:s14], [sflag:$0x5] =	stream.indirect.gather [hbm4b:s7+s2], $0x40, s30, s2, $0xb8;
	[tilespmem:$0x11900] =	vst v63  }
0x4ac: {  	_ =	swait.ge [sflag:s26], $0x2000  }
0x4ad: {  	[sflag:s26] =	ssyncset.done $0x0  }
0x4ae: {  	s31 =	rddreg [dreg:$0xf];
	[sflag:s26] =	ssyncadd.s32 $0xFFFFE000  }
0x4af: {  	[hbm4b:s31+s8] =	stream.strided.scatter [tilespmem:s13], [sflag:$0xE], $0x2000, s2, s8, $0x38;
	[tilespmem:$0x11900] =	vst v63  }
0x4b0: {  	_ =	swait.ge [sflag:s21], $0x2000  }
0x4b1: {  	s1 =	sld [smem:$0x7E1]  }
0x4b2: {  	[sflag:s21] =	ssyncset.done $0x0  }
0x4b3: {  	[sflag:s21] =	ssyncadd.s32 $0xFFFFE000  }
0x4b4: {  	[tilespmem:s13], [sflag:$0x6] =	stream.indirect.gather [hbm4b:s7+s2], $0x40, s1, s2, $0xb8;
	[tilespmem:$0x11900] =	vst v63  }
0x4b5: {  	_ =	swait.ge [sflag:s24], $0x2000  }
0x4b6: {  	[sflag:s24] =	ssyncset.done $0x0  }
0x4b7: {  	s30 =	rddreg [dreg:$0x10];
	[sflag:s24] =	ssyncadd.s32 $0xFFFFE000  }
0x4b8: {  	[hbm4b:s30+s8] =	stream.strided.scatter [tilespmem:s11], [sflag:$0xF], $0x2000, s2, s8, $0x38;
	[tilespmem:$0x11900] =	vst v63  }
0x4b9: {  	_ =	swait.ge [sflag:s20], $0x2000  }
0x4ba: {  	s31 =	sld [smem:$0x7E2]  }
0x4bb: {  	[sflag:s20] =	ssyncset.done $0x0  }
0x4bc: {  	[sflag:s20] =	ssyncadd.s32 $0xFFFFE000  }
0x4bd: {  	[tilespmem:s11], [sflag:$0x7] =	stream.indirect.gather [hbm4b:s7+s2], $0x40, s31, s2, $0xb8;
	[tilespmem:$0x11900] =	vst v63  }
0x4be: {  	_ =	swait.ge [sflag:s23], $0x2000  }
0x4bf: {  	[sflag:s23] =	ssyncset.done $0x0  }
0x4c0: {  	s1 =	rddreg [dreg:$0x11];
	[sflag:s23] =	ssyncadd.s32 $0xFFFFE000  }
0x4c1: {  	[hbm4b:s1+s8] =	stream.strided.scatter [tilespmem:s10], [sflag:$0x10], $0x2000, s2, s8, $0x38;
	[tilespmem:$0x11900] =	vst v63  }
0x4c2: {  	_ =	swait.ge [sflag:s18], $0x2000  }
0x4c3: {  	s30 =	sld [smem:$0x7E3]  }
0x4c4: {  	[sflag:s18] =	ssyncset.done $0x0  }
0x4c5: {  	[sflag:s18] =	ssyncadd.s32 $0xFFFFE000  }
0x4c6: {  	[tilespmem:s10], [sflag:$0x8] =	stream.indirect.gather [hbm4b:s7+s2], $0x40, s30, s2, $0xb8;
	[tilespmem:$0x11900] =	vst v63  }
0x4c7: {  	_ =	swait.ge [sflag:s9], $0x2000  }
0x4c8: {  	[sflag:s9] =	ssyncset.done $0x0  }
0x4c9: {  	s31 =	rddreg [dreg:$0x12];
	[sflag:s9] =	ssyncadd.s32 $0xFFFFE000  }
0x4ca: {  	[hbm4b:s31+s8] =	stream.strided.scatter [tilespmem:s4], [sflag:$0x9], $0x2000, s2, s8, $0x38;
	[tilespmem:$0x11900] =	vst v63  }
0x4cb: {  	_ =	swait.ge [sflag:s5], $0x2000  }
0x4cc: {  	s1 =	sld [smem:$0x7E4]  }
0x4cd: {  	[sflag:s5] =	ssyncset.done $0x0  }
0x4ce: {  	[sflag:s5] =	ssyncadd.s32 $0xFFFFE000  }
0x4cf: {  	[tilespmem:s4], [sflag:$0x1] =	stream.indirect.gather [hbm4b:s7+s2], $0x40, s1, s2, $0xb8;
	[tilespmem:$0x11900] =	vst v63  }
0x4d0: {  	_ =	swait.ge [sflag:s12], $0x2000  }
0x4d1: {  	[sflag:s12] =	ssyncset.done $0x0  }
0x4d2: {  	s30 =	rddreg [dreg:$0x13];
	[sflag:s12] =	ssyncadd.s32 $0xFFFFE000  }
0x4d3: {  	[hbm4b:s30+s8] =	stream.strided.scatter [tilespmem:s3], [sflag:$0xA], $0x2000, s2, s8, $0x38;
	[tilespmem:$0x11900] =	vst v63  }
0x4d4: {  	_ =	swait.ge [sflag:s6], $0x2000  }
0x4d5: {  	s31 =	sld [smem:$0x7E5]  }
0x4d6: {  	[sflag:s6] =	ssyncset.done $0x0  }
0x4d7: {  	[sflag:s6] =	ssyncadd.s32 $0xFFFFE000  }
0x4d8: {  	[tilespmem:s3], [sflag:$0x2] =	stream.indirect.gather [hbm4b:s7+s2], $0x40, s31, s2, $0xb8;
	[tilespmem:$0x11900] =	vst v63  }
0x4d9: {  	_ =	swait.ge [sflag:s28], $0x2000  }
0x4da: {  	[sflag:s28] =	ssyncset.done $0x0  }
0x4db: {  	s1 =	rddreg [dreg:$0x14];
	[sflag:s28] =	ssyncadd.s32 $0xFFFFE000  }
0x4dc: {  	[hbm4b:s1+s8] =	stream.strided.scatter [tilespmem:s19], [sflag:$0xB], $0x2000, s2, s8, $0x38;
	[tilespmem:$0x11900] =	vst v63  }
0x4dd: {  	_ =	swait.ge [sflag:s16], $0x2000  }
0x4de: {  	s30 =	sld [smem:$0x7E6]  }
0x4df: {  	[sflag:s16] =	ssyncset.done $0x0  }
0x4e0: {  	[sflag:s16] =	ssyncadd.s32 $0xFFFFE000  }
0x4e1: {  	[tilespmem:s19], [sflag:$0x3] =	stream.indirect.gather [hbm4b:s7+s2], $0x40, s30, s2, $0xb8;
	[tilespmem:$0x11900] =	vst v63  }
0x4e2: {  	_ =	swait.ge [sflag:s29], $0x2000  }
0x4e3: {  	[sflag:s29] =	ssyncset.done $0x0  }
0x4e4: {  	s31 =	rddreg [dreg:$0x15];
	[sflag:s29] =	ssyncadd.s32 $0xFFFFE000  }
0x4e5: {  	[hbm4b:s31+s8] =	stream.strided.scatter [tilespmem:s15], [sflag:$0xC], $0x2000, s2, s8, $0x38;
	[tilespmem:$0x11900] =	vst v63  }
0x4e6: {  	_ =	swait.ge [sflag:s17], $0x2000  }
0x4e7: {  	s1 =	sld [smem:$0x7E7]  }
0x4e8: {  	[sflag:s17] =	ssyncset.done $0x0  }
0x4e9: {  	[sflag:s17] =	ssyncadd.s32 $0xFFFFE000  }
0x4ea: {  	[tilespmem:s15], [sflag:$0x4] =	stream.indirect.gather [hbm4b:s7+s2], $0x40, s1, s2, $0xb8;
	[tilespmem:$0x11900] =	vst v63  }
0x4eb: {  	_ =	swait.ge [sflag:s25], $0x2000  }
0x4ec: {  	[sflag:s25] =	ssyncset.done $0x0  }
0x4ed: {  	s30 =	rddreg [dreg:$0x16];
	[sflag:s25] =	ssyncadd.s32 $0xFFFFE000  }
0x4ee: {  	[hbm4b:s30+s8] =	stream.strided.scatter [tilespmem:s14], [sflag:$0xD], $0x2000, s2, s8, $0x38;
	[tilespmem:$0x11900] =	vst v63  }
0x4ef: {  	_ =	swait.ge [sflag:s22], $0x2000  }
0x4f0: {  	s31 =	sld [smem:$0x7E8]  }
0x4f1: {  	[sflag:s22] =	ssyncset.done $0x0  }
0x4f2: {  	[sflag:s22] =	ssyncadd.s32 $0xFFFFE000  }
0x4f3: {  	[tilespmem:s14], [sflag:$0x5] =	stream.indirect.gather [hbm4b:s7+s2], $0x40, s31, s2, $0xb8;
	[tilespmem:$0x11900] =	vst v63  }
0x4f4: {  	_ =	swait.ge [sflag:s26], $0x2000  }
0x4f5: {  	[sflag:s26] =	ssyncset.done $0x0  }
0x4f6: {  	s1 =	rddreg [dreg:$0x17];
	[sflag:s26] =	ssyncadd.s32 $0xFFFFE000  }
0x4f7: {  	[hbm4b:s1+s8] =	stream.strided.scatter [tilespmem:s13], [sflag:$0xE], $0x2000, s2, s8, $0x38;
	[tilespmem:$0x11900] =	vst v63  }
0x4f8: {  	_ =	swait.ge [sflag:s21], $0x2000  }
0x4f9: {  	s30 =	sld [smem:$0x7E9]  }
0x4fa: {  	[sflag:s21] =	ssyncset.done $0x0  }
0x4fb: {  	[sflag:s21] =	ssyncadd.s32 $0xFFFFE000  }
0x4fc: {  	[tilespmem:s13], [sflag:$0x6] =	stream.indirect.gather [hbm4b:s7+s2], $0x40, s30, s2, $0xb8;
	[tilespmem:$0x11900] =	vst v63  }
0x4fd: {  	_ =	swait.ge [sflag:s24], $0x2000  }
0x4fe: {  	[sflag:s24] =	ssyncset.done $0x0  }
0x4ff: {  	s31 =	rddreg [dreg:$0x18];
	[sflag:s24] =	ssyncadd.s32 $0xFFFFE000  }
0x500: {  	[hbm4b:s31+s8] =	stream.strided.scatter [tilespmem:s11], [sflag:$0xF], $0x2000, s2, s8, $0x38;
	[tilespmem:$0x11900] =	vst v63  }
0x501: {  	_ =	swait.ge [sflag:s20], $0x2000  }
0x502: {  	s1 =	sld [smem:$0x7EA]  }
0x503: {  	[sflag:s20] =	ssyncset.done $0x0  }
0x504: {  	[sflag:s20] =	ssyncadd.s32 $0xFFFFE000  }
0x505: {  	[tilespmem:s11], [sflag:$0x7] =	stream.indirect.gather [hbm4b:s7+s2], $0x40, s1, s2, $0xb8;
	[tilespmem:$0x11900] =	vst v63  }
0x506: {  	_ =	swait.ge [sflag:s23], $0x2000  }
0x507: {  	[sflag:s23] =	ssyncset.done $0x0  }
0x508: {  	s30 =	rddreg [dreg:$0x19];
	[sflag:s23] =	ssyncadd.s32 $0xFFFFE000  }
0x509: {  	[hbm4b:s30+s8] =	stream.strided.scatter [tilespmem:s10], [sflag:$0x10], $0x2000, s2, s8, $0x38;
	[tilespmem:$0x11900] =	vst v63  }
0x50a: {  	_ =	swait.ge [sflag:s18], $0x2000  }
0x50b: {  	s31 =	sld [smem:$0x7EB]  }
0x50c: {  	[sflag:s18] =	ssyncset.done $0x0  }
0x50d: {  	[sflag:s18] =	ssyncadd.s32 $0xFFFFE000  }
0x50e: {  	[tilespmem:s10], [sflag:$0x8] =	stream.indirect.gather [hbm4b:s7+s2], $0x40, s31, s2, $0xb8;
	[tilespmem:$0x11900] =	vst v63  }
0x50f: {  	_ =	swait.ge [sflag:s9], $0x2000  }
0x510: {  	[sflag:s9] =	ssyncset.done $0x0  }
0x511: {  	s1 =	rddreg [dreg:$0x1a];
	[sflag:s9] =	ssyncadd.s32 $0xFFFFE000  }
0x512: {  	[hbm4b:s1+s8] =	stream.strided.scatter [tilespmem:s4], [sflag:$0x9], $0x2000, s2, s8, $0x38;
	[tilespmem:$0x11900] =	vst v63  }
0x513: {  	_ =	swait.ge [sflag:s5], $0x2000  }
0x514: {  	s30 =	sld [smem:$0x7EC]  }
0x515: {  	[sflag:s5] =	ssyncset.done $0x0  }
0x516: {  	[sflag:s5] =	ssyncadd.s32 $0xFFFFE000  }
0x517: {  	[tilespmem:s4], [sflag:$0x1] =	stream.indirect.gather [hbm4b:s7+s2], $0x40, s30, s2, $0xb8;
	[tilespmem:$0x11900] =	vst v63  }
0x518: {  	_ =	swait.ge [sflag:s12], $0x2000  }
0x519: {  	[sflag:s12] =	ssyncset.done $0x0  }
0x51a: {  	s31 =	rddreg [dreg:$0x1b];
	[sflag:s12] =	ssyncadd.s32 $0xFFFFE000  }
0x51b: {  	[hbm4b:s31+s8] =	stream.strided.scatter [tilespmem:s3], [sflag:$0xA], $0x2000, s2, s8, $0x38;
	[tilespmem:$0x11900] =	vst v63  }
0x51c: {  	_ =	swait.ge [sflag:s6], $0x2000  }
0x51d: {  	s1 =	sld [smem:$0x7ED]  }
0x51e: {  	[sflag:s6] =	ssyncset.done $0x0  }
0x51f: {  	[sflag:s6] =	ssyncadd.s32 $0xFFFFE000  }
0x520: {  	[tilespmem:s3], [sflag:$0x2] =	stream.indirect.gather [hbm4b:s7+s2], $0x40, s1, s2, $0xb8;
	[tilespmem:$0x11900] =	vst v63  }
0x521: {  	_ =	swait.ge [sflag:s28], $0x2000  }
0x522: {  	[sflag:s28] =	ssyncset.done $0x0  }
0x523: {  	s30 =	rddreg [dreg:$0x1c];
	[sflag:s28] =	ssyncadd.s32 $0xFFFFE000  }
0x524: {  	[hbm4b:s30+s8] =	stream.strided.scatter [tilespmem:s19], [sflag:$0xB], $0x2000, s2, s8, $0x38;
	[tilespmem:$0x11900] =	vst v63  }
0x525: {  	_ =	swait.ge [sflag:s16], $0x2000  }
0x526: {  	s31 =	sld [smem:$0x7EE]  }
0x527: {  	[sflag:s16] =	ssyncset.done $0x0  }
0x528: {  	[sflag:s16] =	ssyncadd.s32 $0xFFFFE000  }
0x529: {  	[tilespmem:s19], [sflag:$0x3] =	stream.indirect.gather [hbm4b:s7+s2], $0x40, s31, s2, $0xb8;
	[tilespmem:$0x11900] =	vst v63  }
0x52a: {  	_ =	swait.ge [sflag:s29], $0x2000  }
0x52b: {  	[sflag:s29] =	ssyncset.done $0x0  }
0x52c: {  	s1 =	rddreg [dreg:$0x1d];
	[sflag:s29] =	ssyncadd.s32 $0xFFFFE000  }
0x52d: {  	[hbm4b:s1+s8] =	stream.strided.scatter [tilespmem:s15], [sflag:$0xC], $0x2000, s2, s8, $0x38;
	[tilespmem:$0x11900] =	vst v63  }
0x52e: {  	_ =	swait.ge [sflag:s17], $0x2000  }
0x52f: {  	s30 =	sld [smem:$0x7EF]  }
0x530: {  	[sflag:s17] =	ssyncset.done $0x0  }
0x531: {  	[sflag:s17] =	ssyncadd.s32 $0xFFFFE000  }
0x532: {  	[tilespmem:s15], [sflag:$0x4] =	stream.indirect.gather [hbm4b:s7+s2], $0x40, s30, s2, $0xb8;
	[tilespmem:$0x11900] =	vst v63  }
0x533: {  	_ =	swait.ge [sflag:s25], $0x2000  }
0x534: {  	[sflag:s25] =	ssyncset.done $0x0  }
0x535: {  	s31 =	rddreg [dreg:$0x1e];
	[sflag:s25] =	ssyncadd.s32 $0xFFFFE000  }
0x536: {  	[hbm4b:s31+s8] =	stream.strided.scatter [tilespmem:s14], [sflag:$0xD], $0x2000, s2, s8, $0x38;
	[tilespmem:$0x11900] =	vst v63  }
0x537: {  	_ =	swait.ge [sflag:s22], $0x2000  }
0x538: {  	s1 =	sld [smem:$0x7F0]  }
0x539: {  	[sflag:s22] =	ssyncset.done $0x0  }
0x53a: {  	[sflag:s22] =	ssyncadd.s32 $0xFFFFE000  }
0x53b: {  	[tilespmem:s14], [sflag:$0x5] =	stream.indirect.gather [hbm4b:s7+s2], $0x40, s1, s2, $0xb8;
	[tilespmem:$0x11900] =	vst v63  }
0x53c: {  	_ =	swait.ge [sflag:s26], $0x2000  }
0x53d: {  	[sflag:s26] =	ssyncset.done $0x0  }
0x53e: {  	s30 =	rddreg [dreg:$0x1f];
	[sflag:s26] =	ssyncadd.s32 $0xFFFFE000  }
0x53f: {  	[hbm4b:s30+s8] =	stream.strided.scatter [tilespmem:s13], [sflag:$0xE], $0x2000, s2, s8, $0x38;
	[tilespmem:$0x11900] =	vst v63  }
0x540: {  	_ =	swait.ge [sflag:s21], $0x2000  }
0x541: {  	s31 =	sld [smem:$0x7F1]  }
0x542: {  	[sflag:s21] =	ssyncset.done $0x0  }
0x543: {  	[sflag:s21] =	ssyncadd.s32 $0xFFFFE000  }
0x544: {  	[tilespmem:s13], [sflag:$0x6] =	stream.indirect.gather [hbm4b:s7+s2], $0x40, s31, s2, $0xb8;
	[tilespmem:$0x11900] =	vst v63  }
0x545: {  	_ =	swait.ge [sflag:s24], $0x2000  }
0x546: {  	s1 =	sld [smem:$0x7BA]  }
0x547: {  	[sflag:s24] =	ssyncset.done $0x0  }
0x548: {  	[sflag:s24] =	ssyncadd.s32 $0xFFFFE000  }
0x549: {  	[hbm4b:s1+s8] =	stream.strided.scatter [tilespmem:s11], [sflag:$0xF], $0x2000, s2, s8, $0x38;
	[tilespmem:$0x11900] =	vst v63  }
0x54a: {  	_ =	swait.ge [sflag:s20], $0x2000  }
0x54b: {  	s30 =	sld [smem:$0x7F2]  }
0x54c: {  	[sflag:s20] =	ssyncset.done $0x0  }
0x54d: {  	[sflag:s20] =	ssyncadd.s32 $0xFFFFE000  }
0x54e: {  	[tilespmem:s11], [sflag:$0x7] =	stream.indirect.gather [hbm4b:s7+s2], $0x40, s30, s2, $0xb8;
	[tilespmem:$0x11900] =	vst v63  }
0x54f: {  	_ =	swait.ge [sflag:s23], $0x2000  }
0x550: {  	s31 =	sld [smem:$0x7BB]  }
0x551: {  	[sflag:s23] =	ssyncset.done $0x0  }
0x552: {  	[sflag:s23] =	ssyncadd.s32 $0xFFFFE000  }
0x553: {  	[hbm4b:s31+s8] =	stream.strided.scatter [tilespmem:s10], [sflag:$0x10], $0x2000, s2, s8, $0x38;
	[tilespmem:$0x11900] =	vst v63  }
0x554: {  	_ =	swait.ge [sflag:s18], $0x2000  }
0x555: {  	s1 =	sld [smem:$0x7F3]  }
0x556: {  	[sflag:s18] =	ssyncset.done $0x0  }
0x557: {  	[sflag:s18] =	ssyncadd.s32 $0xFFFFE000  }
0x558: {  	[tilespmem:s10], [sflag:$0x8] =	stream.indirect.gather [hbm4b:s7+s2], $0x40, s1, s2, $0xb8;
	[tilespmem:$0x11900] =	vst v63  }
0x559: {  	_ =	swait.ge [sflag:s9], $0x2000  }
0x55a: {  	s30 =	sld [smem:$0x7BC]  }
0x55b: {  	[sflag:s9] =	ssyncset.done $0x0  }
0x55c: {  	[sflag:s9] =	ssyncadd.s32 $0xFFFFE000  }
0x55d: {  	[hbm4b:s30+s8] =	stream.strided.scatter [tilespmem:s4], [sflag:$0x9], $0x2000, s2, s8, $0x38;
	[tilespmem:$0x11900] =	vst v63  }
0x55e: {  	_ =	swait.ge [sflag:s5], $0x2000  }
0x55f: {  	s31 =	sld [smem:$0x7F4]  }
0x560: {  	[sflag:s5] =	ssyncset.done $0x0  }
0x561: {  	[sflag:s5] =	ssyncadd.s32 $0xFFFFE000  }
0x562: {  	[tilespmem:s4], [sflag:$0x1] =	stream.indirect.gather [hbm4b:s7+s2], $0x40, s31, s2, $0xb8;
	[tilespmem:$0x11900] =	vst v63  }
0x563: {  	_ =	swait.ge [sflag:s12], $0x2000  }
0x564: {  	s1 =	sld [smem:$0x7BD]  }
0x565: {  	[sflag:s12] =	ssyncset.done $0x0  }
0x566: {  	[sflag:s12] =	ssyncadd.s32 $0xFFFFE000  }
0x567: {  	[hbm4b:s1+s8] =	stream.strided.scatter [tilespmem:s3], [sflag:$0xA], $0x2000, s2, s8, $0x38;
	[tilespmem:$0x11900] =	vst v63  }
0x568: {  	_ =	swait.ge [sflag:s6], $0x2000  }
0x569: {  	s30 =	sld [smem:$0x7F5]  }
0x56a: {  	[sflag:s6] =	ssyncset.done $0x0  }
0x56b: {  	[sflag:s6] =	ssyncadd.s32 $0xFFFFE000  }
0x56c: {  	[tilespmem:s3], [sflag:$0x2] =	stream.indirect.gather [hbm4b:s7+s2], $0x40, s30, s2, $0xb8;
	[tilespmem:$0x11900] =	vst v63  }
0x56d: {  	_ =	swait.ge [sflag:s28], $0x2000  }
0x56e: {  	s31 =	sld [smem:$0x7BE]  }
0x56f: {  	[sflag:s28] =	ssyncset.done $0x0  }
0x570: {  	[sflag:s28] =	ssyncadd.s32 $0xFFFFE000  }
0x571: {  	[hbm4b:s31+s8] =	stream.strided.scatter [tilespmem:s19], [sflag:$0xB], $0x2000, s2, s8, $0x38;
	[tilespmem:$0x11900] =	vst v63  }
0x572: {  	_ =	swait.ge [sflag:s16], $0x2000  }
0x573: {  	s1 =	sld [smem:$0x7F6]  }
0x574: {  	[sflag:s16] =	ssyncset.done $0x0  }
0x575: {  	[sflag:s16] =	ssyncadd.s32 $0xFFFFE000  }
0x576: {  	[tilespmem:s19], [sflag:$0x3] =	stream.indirect.gather [hbm4b:s7+s2], $0x40, s1, s2, $0xb8;
	[tilespmem:$0x11900] =	vst v63  }
0x577: {  	_ =	swait.ge [sflag:s29], $0x2000  }
0x578: {  	s30 =	sld [smem:$0x7BF]  }
0x579: {  	[sflag:s29] =	ssyncset.done $0x0  }
0x57a: {  	[sflag:s29] =	ssyncadd.s32 $0xFFFFE000  }
0x57b: {  	[hbm4b:s30+s8] =	stream.strided.scatter [tilespmem:s15], [sflag:$0xC], $0x2000, s2, s8, $0x38;
	[tilespmem:$0x11900] =	vst v63  }
0x57c: {  	_ =	swait.ge [sflag:s17], $0x2000  }
0x57d: {  	s31 =	sld [smem:$0x7F7]  }
0x57e: {  	[sflag:s17] =	ssyncset.done $0x0  }
0x57f: {  	[sflag:s17] =	ssyncadd.s32 $0xFFFFE000  }
0x580: {  	[tilespmem:s15], [sflag:$0x4] =	stream.indirect.gather [hbm4b:s7+s2], $0x40, s31, s2, $0xb8;
	[tilespmem:$0x11900] =	vst v63  }
0x581: {  	_ =	swait.ge [sflag:s25], $0x2000  }
0x582: {  	s1 =	sld [smem:$0x7C0]  }
0x583: {  	[sflag:s25] =	ssyncset.done $0x0  }
0x584: {  	[sflag:s25] =	ssyncadd.s32 $0xFFFFE000  }
0x585: {  	[hbm4b:s1+s8] =	stream.strided.scatter [tilespmem:s14], [sflag:$0xD], $0x2000, s2, s8, $0x38;
	[tilespmem:$0x11900] =	vst v63  }
0x586: {  	_ =	swait.ge [sflag:s22], $0x2000  }
0x587: {  	s30 =	sld [smem:$0x7F8]  }
0x588: {  	[sflag:s22] =	ssyncset.done $0x0  }
0x589: {  	[sflag:s22] =	ssyncadd.s32 $0xFFFFE000  }
0x58a: {  	[tilespmem:s14], [sflag:$0x5] =	stream.indirect.gather [hbm4b:s7+s2], $0x40, s30, s2, $0xb8;
	[tilespmem:$0x11900] =	vst v63  }
0x58b: {  	_ =	swait.ge [sflag:s26], $0x2000  }
0x58c: {  	s31 =	sld [smem:$0x7C1]  }
0x58d: {  	[sflag:s26] =	ssyncset.done $0x0  }
0x58e: {  	[sflag:s26] =	ssyncadd.s32 $0xFFFFE000  }
0x58f: {  	[hbm4b:s31+s8] =	stream.strided.scatter [tilespmem:s13], [sflag:$0xE], $0x2000, s2, s8, $0x38;
	[tilespmem:$0x11900] =	vst v63  }
0x590: {  	_ =	swait.ge [sflag:s21], $0x2000  }
0x591: {  	s1 =	sld [smem:$0x7F9]  }
0x592: {  	[sflag:s21] =	ssyncset.done $0x0  }
0x593: {  	[sflag:s21] =	ssyncadd.s32 $0xFFFFE000  }
0x594: {  	[tilespmem:s13], [sflag:$0x6] =	stream.indirect.gather [hbm4b:s7+s2], $0x40, s1, s2, $0xb8;
	[tilespmem:$0x11900] =	vst v63  }
0x595: {  	_ =	swait.ge [sflag:s24], $0x2000  }
0x596: {  	s30 =	sld [smem:$0x7C2]  }
0x597: {  	[sflag:s24] =	ssyncset.done $0x0  }
0x598: {  	[sflag:s24] =	ssyncadd.s32 $0xFFFFE000  }
0x599: {  	[hbm4b:s30+s8] =	stream.strided.scatter [tilespmem:s11], [sflag:$0xF], $0x2000, s2, s8, $0x38;
	[tilespmem:$0x11900] =	vst v63  }
0x59a: {  	_ =	swait.ge [sflag:s20], $0x2000  }
0x59b: {  	s31 =	sld [smem:$0x7FA]  }
0x59c: {  	[sflag:s20] =	ssyncset.done $0x0  }
0x59d: {  	[sflag:s20] =	ssyncadd.s32 $0xFFFFE000  }
0x59e: {  	[tilespmem:s11], [sflag:$0x7] =	stream.indirect.gather [hbm4b:s7+s2], $0x40, s31, s2, $0xb8;
	[tilespmem:$0x11900] =	vst v63  }
0x59f: {  	_ =	swait.ge [sflag:s23], $0x2000  }
0x5a0: {  	s1 =	sld [smem:$0x7C3]  }
0x5a1: {  	[sflag:s23] =	ssyncset.done $0x0  }
0x5a2: {  	[sflag:s23] =	ssyncadd.s32 $0xFFFFE000  }
0x5a3: {  	[hbm4b:s1+s8] =	stream.strided.scatter [tilespmem:s10], [sflag:$0x10], $0x2000, s2, s8, $0x38;
	[tilespmem:$0x11900] =	vst v63  }
0x5a4: {  	_ =	swait.ge [sflag:s18], $0x2000  }
0x5a5: {  	s30 =	sld [smem:$0x7FB]  }
0x5a6: {  	[sflag:s18] =	ssyncset.done $0x0  }
0x5a7: {  	[sflag:s18] =	ssyncadd.s32 $0xFFFFE000  }
0x5a8: {  	[tilespmem:s10], [sflag:$0x8] =	stream.indirect.gather [hbm4b:s7+s2], $0x40, s30, s2, $0xb8;
	[tilespmem:$0x11900] =	vst v63  }
0x5a9: {  	_ =	swait.ge [sflag:s9], $0x2000  }
0x5aa: {  	s31 =	sld [smem:$0x7C4]  }
0x5ab: {  	[sflag:s9] =	ssyncset.done $0x0  }
0x5ac: {  	[sflag:s9] =	ssyncadd.s32 $0xFFFFE000  }
0x5ad: {  	[hbm4b:s31+s8] =	stream.strided.scatter [tilespmem:s4], [sflag:$0x9], $0x2000, s2, s8, $0x38;
	[tilespmem:$0x11900] =	vst v63  }
0x5ae: {  	_ =	swait.ge [sflag:s5], $0x2000  }
0x5af: {  	s1 =	sld [smem:$0x7FC]  }
0x5b0: {  	[sflag:s5] =	ssyncset.done $0x0  }
0x5b1: {  	[sflag:s5] =	ssyncadd.s32 $0xFFFFE000  }
0x5b2: {  	[tilespmem:s4], [sflag:$0x1] =	stream.indirect.gather [hbm4b:s7+s2], $0x40, s1, s2, $0xb8;
	[tilespmem:$0x11900] =	vst v63  }
0x5b3: {  	_ =	swait.ge [sflag:s12], $0x2000  }
0x5b4: {  	s30 =	sld [smem:$0x7C5]  }
0x5b5: {  	[sflag:s12] =	ssyncset.done $0x0  }
0x5b6: {  	[sflag:s12] =	ssyncadd.s32 $0xFFFFE000  }
0x5b7: {  	[hbm4b:s30+s8] =	stream.strided.scatter [tilespmem:s3], [sflag:$0xA], $0x2000, s2, s8, $0x38;
	[tilespmem:$0x11900] =	vst v63  }
0x5b8: {  	_ =	swait.ge [sflag:s6], $0x2000  }
0x5b9: {  	s31 =	sld [smem:$0x7FD]  }
0x5ba: {  	[sflag:s6] =	ssyncset.done $0x0  }
0x5bb: {  	[sflag:s6] =	ssyncadd.s32 $0xFFFFE000  }
0x5bc: {  	[tilespmem:s3], [sflag:$0x2] =	stream.indirect.gather [hbm4b:s7+s2], $0x40, s31, s2, $0xb8;
	[tilespmem:$0x11900] =	vst v63  }
0x5bd: {  	_ =	swait.ge [sflag:s28], $0x2000  }
0x5be: {  	s1 =	sld [smem:$0x7C6]  }
0x5bf: {  	[sflag:s28] =	ssyncset.done $0x0  }
0x5c0: {  	[sflag:s28] =	ssyncadd.s32 $0xFFFFE000  }
0x5c1: {  	[hbm4b:s1+s8] =	stream.strided.scatter [tilespmem:s19], [sflag:$0xB], $0x2000, s2, s8, $0x38;
	[tilespmem:$0x11900] =	vst v63  }
0x5c2: {  	_ =	swait.ge [sflag:s29], $0x2000  }
0x5c3: {  	s7 =	sld [smem:$0x7C7]  }
0x5c4: {  	[sflag:s29] =	ssyncset.done $0x0  }
0x5c5: {  	[sflag:s29] =	ssyncadd.s32 $0xFFFFE000  }
0x5c6: {  	[hbm4b:s7+s8] =	stream.strided.scatter [tilespmem:s15], [sflag:$0xC], $0x2000, s2, s8, $0x38;
	[tilespmem:$0x11900] =	vst v63  }
0x5c7: {  	_ =	swait.ge [sflag:s25], $0x2000  }
0x5c8: {  	s19 =	sld [smem:$0x7C8]  }
0x5c9: {  	[sflag:s25] =	ssyncset.done $0x0  }
0x5ca: {  	[sflag:s25] =	ssyncadd.s32 $0xFFFFE000  }
0x5cb: {  	[hbm4b:s19+s8] =	stream.strided.scatter [tilespmem:s14], [sflag:$0xD], $0x2000, s2, s8, $0x38;
	[tilespmem:$0x11900] =	vst v63  }
0x5cc: {  	_ =	swait.ge [sflag:s26], $0x2000  }
0x5cd: {  	s25 =	sld [smem:$0x7C9]  }
0x5ce: {  	[sflag:s26] =	ssyncset.done $0x0  }
0x5cf: {  	[sflag:s26] =	ssyncadd.s32 $0xFFFFE000  }
0x5d0: {  	[hbm4b:s25+s8] =	stream.strided.scatter [tilespmem:s13], [sflag:$0xE], $0x2000, s2, s8, $0x38;
	[tilespmem:$0x11900] =	vst v63  }
0x5d1: {  	_ =	swait.ge [sflag:s24], $0x2000  }
0x5d2: {  	s26 =	sld [smem:$0x7CA]  }
0x5d3: {  	[sflag:s24] =	ssyncset.done $0x0  }
0x5d4: {  	[sflag:s24] =	ssyncadd.s32 $0xFFFFE000  }
0x5d5: {  	[hbm4b:s26+s8] =	stream.strided.scatter [tilespmem:s11], [sflag:$0xF], $0x2000, s2, s8, $0x38;
	[tilespmem:$0x11900] =	vst v63  }
0x5d6: {  	_ =	swait.ge [sflag:s23], $0x2000  }
0x5d7: {  	s28 =	sld [smem:$0x7CB]  }
0x5d8: {  	[sflag:s23] =	ssyncset.done $0x0  }
0x5d9: {  	[sflag:s23] =	ssyncadd.s32 $0xFFFFE000  }
0x5da: {  	[hbm4b:s28+s8] =	stream.strided.scatter [tilespmem:s10], [sflag:$0x10], $0x2000, s2, s8, $0x38;
	[tilespmem:$0x11900] =	vst v63  }
0x5db: {  	_ =	swait.ge [sflag:s9], $0x2000  }
0x5dc: {  	s29 =	sld [smem:$0x7CC]  }
0x5dd: {  	[sflag:s9] =	ssyncset.done $0x0  }
0x5de: {  	[sflag:s9] =	ssyncadd.s32 $0xFFFFE000  }
0x5df: {  	[hbm4b:s29+s8] =	stream.strided.scatter [tilespmem:s4], [sflag:$0x9], $0x2000, s2, s8, $0x38;
	[tilespmem:$0x11900] =	vst v63  }
0x5e0: {  	_ =	swait.ge [sflag:s12], $0x2000  }
0x5e1: {  	s30 =	sld [smem:$0x7CD]  }
0x5e2: {  	[sflag:s12] =	ssyncset.done $0x0  }
0x5e3: {  	[sflag:s12] =	ssyncadd.s32 $0xFFFFE000  }
0x5e4: {  	[hbm4b:s30+s8] =	stream.strided.scatter [tilespmem:s3], [sflag:$0xA], $0x2000, s2, s8, $0x38;
	[tilespmem:$0x11900] =	vst v63  }
0x5e5: {  	_ =	swait.ge [sflag:s16], $0x2000  }
0x5e6: {  	[sflag:s16] =	ssyncset.done $0x0  }
0x5e7: {  	[sflag:s16] =	ssyncadd.s32 $0xFFFFE000  }
0x5e8: {  	_ =	swait.ge [sflag:s17], $0x2000  }
0x5e9: {  	[sflag:s17] =	ssyncset.done $0x0  }
0x5ea: {  	[sflag:s17] =	ssyncadd.s32 $0xFFFFE000  }
0x5eb: {  	_ =	swait.ge [sflag:s22], $0x2000  }
0x5ec: {  	[sflag:s22] =	ssyncset.done $0x0  }
0x5ed: {  	[sflag:s22] =	ssyncadd.s32 $0xFFFFE000  }
0x5ee: {  	_ =	swait.ge [sflag:s21], $0x2000  }
0x5ef: {  	[sflag:s21] =	ssyncset.done $0x0  }
0x5f0: {  	[sflag:s21] =	ssyncadd.s32 $0xFFFFE000  }
0x5f1: {  	_ =	swait.ge [sflag:s20], $0x2000  }
0x5f2: {  	[sflag:s20] =	ssyncset.done $0x0  }
0x5f3: {  	[sflag:s20] =	ssyncadd.s32 $0xFFFFE000  }
0x5f4: {  	_ =	swait.ge [sflag:s18], $0x2000  }
0x5f5: {  	[sflag:s18] =	ssyncset.done $0x0  }
0x5f6: {  	[sflag:s18] =	ssyncadd.s32 $0xFFFFE000  }
0x5f7: {  	_ =	swait.ge [sflag:s5], $0x2000  }
0x5f8: {  	[sflag:s5] =	ssyncset.done $0x0  }
0x5f9: {  	[sflag:s5] =	ssyncadd.s32 $0xFFFFE000  }
0x5fa: {  	_ =	swait.ge [sflag:s6], $0x2000  }
0x5fb: {  	[sflag:s6] =	ssyncset.done $0x0  }
0x5fc: {  	[sflag:s6] =	ssyncadd.s32 $0xFFFFE000  }
0x5fd: {  	_ =	sfence.sel $0x180000  }
0x5fe: {  	[bflag:$0x0] =	sbarrier.arrive $0xFFFF  }
0x5ff: {  	_ =	strace $0x90000047  }
0x600: {  	s31 =	stileid.u32;
	[bflag:$0x2] =	sbarrier.arrive $0xFFFF  }
0x601: {  	p0 =	sne.s32 s31, $0x0;
	s0 =	rddreg [dreg:$0x1]  }
0x602: {  	s0 =	sadd.s32 @!p0 $0x100000, s0  }
0x603: {  	[sflag:s0] =	ssyncadd.tile.s32 @!p0 $0x1;
	_ =	shalt  }
.LBB2_1:
.Ltmp3:
0x604: {  	(pc) =	sbr.rel .LBB2_6-.Ltmp3, $2  }
0x605: {  	_ =	sdelay $0x2  }
0x606: {  	s31 =	sld [smem:$0x7B9]  }
.LBB2_3:
.Ltmp4:
0x607: {  	(pc) =	sbr.rel .LBB2_6-.Ltmp4, $2  }
0x608: {  	_ =	sdelay $0x2  }
0x609: {  	s31 =	sld [smem:$0x7B9];
	s1 =	simm.s32 $0x11  }
.Lfunc_end2:
_tile_overlayer_lowered:
.L_overlay_start_2:
0x60a: {  	(tag) =	ssettag $0x2  }
0x60b: {  	s0 =	rddreg [dreg:$0x0];
	s2 =	stileid.u32  }
0x60c: {  	s1 =	rddreg [dreg:$0x1];
	p0 =	sne.s32 s2, $0x0  }
0x60d: {  	s3 =	rddreg [dreg:$0x2];
	[bflag:$0x3] =	sbarrier.arrive $0xFFFF;
	s2 =	simm.s32 @!p0 $0x1C11  }
0x60e: {  	[timem:s3], [sflag:s2] =	dma.local @!p0 [hbm:s0], s1  }
0x60f: {  	s0 =	simm.s32 @!p0 $0x11  }
0x610: {  	_ =	swait.ge @!p0 [sflag:s0], s1  }
0x611: {  	s1 =	ssub.s32 @!p0 $0x0, s1;
	[sflag:s0] =	ssyncset.done @!p0 $0x0  }
0x612: {  	[sflag:s0] =	ssyncadd.s32 @!p0 s1  }
0x613: {  	[bflag:$0x3] =	sbarrier.arrive $0xFFFF  }
0x614: {  	_ =	shalt  }

// kernel: sparse-core-data-format-call.cloned.1.call-start
scs
called_computation_lowered:
.L_overlay_start_0:
0x0: {  	s2 =	sld [smem:$0x3FD9]  }
0x1: {  	s3 =	sld [smem:$0x3FFE];
	_ =	sdelay $0x1  }
0x2: {  	s1 =	srdreg.scid  }
0x3: {  	s0 =	sand.u32 $0x1, s1  }
0x4: {  	s18 =	sshll.u32 s0, $0xA;
	s2 =	sadd.s32 s3, s2  }
0x5: {  	s2 =	sadd.s32 s2, s18  }
0x6: {  	[smem:$0x3FC6] =	sst s2  }
0x7: {  	_ = 	snop  }
0x8: {  	s2 =	sld [smem:$0x3FD0];
	(tm) =	ssettm $0x1  }
0x9: {  	s19 =	sld [smem:$0x3FFB];
	_ =	sdelay $0x3  }
0xa: {  	_ =	strace s19  }
0xb: {  	s3 =	sld [smem:$0x3FFC];
	_ =	sdelay $0x3  }
0xc: {  	_ =	strace s3  }
0xd: {  	s3 =	sld [smem:$0x3FFD];
	_ =	sdelay $0x3  }
0xe: {  	_ =	strace s3  }
0xf: {  	_ =	strace $0x8FFFFFFF  }
0x10: {  	s20 =	sld [smem:$0x3FDB];
	_ =	sdelay $0x1  }
0x11: {  	s4 =	simm.s32 $_scs_section_size  }
0x12: {  	s5 =	simm.s32 $_size__tile_overlayer_lowered;
	s6 =	simm.s32 $_tile_overlayer_lowered  }
0x13: {  	s23 =	simm.s32 $0x1BFF;
	s22 =	sshll.u32 s6, $0x1;
	s3 =	sadd.s32 s4, s20  }
0x14: {  	s7 =	simm.s32 $0x0;
	s21 =	sshll.u32 s5, $0x1;
	s5 =	sadd.s32 s22, s3  }
0x15: {  	[timem:s7], [sflag:s23] =	dma.local [hbm:s5], s21  }
0x16: {  	_ =	swait.ge [sflag:s23], s21  }
0x17: {  	s4 =	ssub.s32 $0x0, s21;
	[sflag:s23] =	ssyncset.done $0x0  }
0x18: {  	[sflag:s23] =	ssyncadd.s32 s4;
	_ =	sdelay $0x1  }
0x19: {  	s24 =	simm.s32 $0x1B8B  }
0x1a: {  	_ =	swait.ge [sflag:s24], $0x1  }
0x1b: {  	[sflag:s24] =	ssyncset.done $0x0  }
0x1c: {  	s26 =	simm.s32 $0x1B8E;
	s25 =	sld [smem:$0x3FFE];
	[sflag:s24] =	ssyncadd.s32 $0xFFFFFFFF  }
0x1d: {  	s27 =	simm.s32 $execute0_lowered;
	[smem:$0x3FD2] =	sst s26  }
0x1e: {  	s5 =	sshll.u32 s27, $0x1;
	_ =	strace $0x80000049;
	[dreg:$0x1] =	wrdreg $0xFFFFFFFF  }
0x1f: {  	s28 =	simm.s32 $_size_execute0_lowered;
	s3 =	sadd.s32 s3, s5;
	[dreg:$0x0] =	wrdreg $0x0  }
0x20: {  	s5 =	sshll.u32 s28, $0x1;
	[dreg:$0x2] =	wrdreg s3  }
0x21: {  	[dreg:$0x3] =	wrdreg s5  }
0x22: {  	[dreg:$0x4] =	wrdreg $0xC0  }
0x23: {  	_ =	task [dreg:s7], $0x5FFFF  }
0x24: {  	[dreg:$0x1] =	wrdreg $0xFFFFFFFF  }
0x25: {  	[dreg:$0x0] =	wrdreg $0x60  }
0x26: {  	[dreg:$0x2] =	wrdreg s25  }
0x27: {  	[dreg:$0x3] =	wrdreg s2  }
0x28: {  	[dreg:$0x4] =	wrdreg $0x9  }
0x29: {  	_ =	task.clear_ibuf [dreg:s7], $0x5FFFF;
	_ =	strace $0x90000049  }
0x2a: {  	s29 =	simm.s32 $0x9;
	_ =	strace $0x8000004B  }
0x2b: {  	_ =	swait.ge [sflag:s29], $0x1  }
0x2c: {  	[sflag:s29] =	ssyncadd.s32 $0xFFFFFFFF  }
0x2d: {  	_ =	strace $0x9000004B  }
0x2e: {  	_ =	sfence  }
0x2f: {  	s30 =	sld [smem:$0x0];
	_ =	sdelay $0x2  }
0x30: {  	s31 =	sshll.u32 s1, $0xD;
	s1 =	sshrl.u32 s1, $0x2  }
0x31: {  	s3 =	sand.u32 $0x4000, s31;
	s1 =	sadd.s32 s1, s30  }
0x32: {  	s0 =	sor.u32 s3, s0;
	s1 =	sshll.u32 s1, $0x11  }
0x33: {  	s0 =	sor.u32 s1, s0  }
0x34: {  	s0 =	sadd.s32 $0x8F2B, s0  }
0x35: {  	[sflag:s0] =	ssyncadd.remote.s32 $0x1  }
0x36: {  	_ =	sfence.sel $0xFFFF  }
0x37: {  	[dreg:$0x0] =	wrdreg $0xFFFFFFFF;
	(pc) =	sbr.abs _section_cstart, $3  }
0x38: {  	[dreg:$0x1] =	wrdreg $0xFFFFFFFF  }
0x39: {  	_ =	task.clear_ibuf [dreg:s7], $0x2FFFF;
	_ =	strace $0x9FFFFFFF  }
0x3a: {  	(tm) =	ssettm $0x7FFFFFFF  }
0x3b: {  	_ =	shalt  }
tec
execute0_lowered:
.L_overlay_start_1:
0x0: {  	(tag) =	ssettag $0x1  }
0x1: {  	s0 =	srdreg.scid  }
0x2: {  	s1 =	sshll.u32 s0, $0x4  }
0x3: {  	s4 =	rddreg [dreg:$0x0];
	s0 =	stileid.u32;
	s1 =	sand.u32 $0x10, s1  }
0x4: {  	s2 =	rddreg [dreg:$0x1];
	s7 =	simm.s32 $0x1;
	s1 =	sor.u32 s0, s1  }
0x5: {  	s8 =	simm.s32 $0x2;
	s11 =	simm.s32 $0x0;
	s3 =	sshll.u32 s1, $0x7  }
0x6: {  	s10 =	simm.s32 $0x0;
	s4 =	sadd.s32 $0x18D600, s4;
	s6 =	ssub.s32 $0x32000, s3  }
.Ltmp0:
0x7: {  	s1 =	rddreg [dreg:$0x2];
	s5 =	sand.u32 $0xF80, s6;
	(pc) =	sbr.rel .LBB1_1-.Ltmp0, $4  }
0x8: {  	_ =	strace $0x8000004A;
	s9 =	smov.u32 s3;
	p0 =	sne.s32 s5, $0x0  }
0x9: {  	s6 =	sshrl.u32 s6, $0xC;
	s5 =	simm.s32 $0x1;
	s7 =	simm.s32 @!p0 $0x0  }
0xa: {  	[sflag:s5] =	ssyncpa.u1 $0x0;
	p0 =	por $0x0, $0x0;
	s6 =	sadd.s32 s7, s6  }
0xb: {  	[sflag:s8] =	ssyncpa.u1 $0x0;
	s8 =	simm.s32 $0x190000;
	s7 =	sadd.s32 $0x1, s6  }
.LBB1_4:
0xc: {  	s14 =	sshll.u32 s11, $0x3  }
0xd: {  	s30 =	sand.u32 $0x7F, s11;
	s15 =	sand.u32 $0xFFFFFC00, s14  }
0xe: {  	s11 =	sor.u32 s30, s15  }
0xf: {  	s15 =	smulhi.u32 $0x51EB851F, s11  }
0x10: {  	s14 =	smulhi.u32 $0x51EB851F, s14  }
0x11: {  	s15 =	sshrl.u32 s15, $0x10  }
0x12: {  	s14 =	sshrl.u32 s14, $0x10;
	s15 =	smul.u32 $0x32000, s15  }
0x13: {  	s14 =	sand.u32 $0x3F, s14  }
0x14: {  	s14 =	smul.u32 $0x6400, s14;
	s11 =	ssub.s32 s11, s15  }
0x15: {  	[tilespmem:s13+$0x810 ss:$0x81] =	vst.msk $0xffff, v2;
	s15 =	sand.u32 $0x7, s11  }
0x16: {  	[tilespmem:s13+$0x1020 ss:$0x81] =	vst.msk $0xffff, v0;
	s14 =	sadd.s32 s2, s14;
	s11 =	sshrl.u32 s11, $0x3;
	s15 =	sshll.u32 s15, $0x12  }
0x17: {  	[tilespmem:s13+$0x0 ss:$0x81] =	vst.msk $0xffff, v1;
	s11 =	sadd.s32 s11, s14;
	s31 =	sor.u32 $0x400, s15  }
0x18: {  	[hbm4b:s11+s31] =	stream.strided.scatter [tilespmem:s12], [sflag:$0x2], $0x2000, s8, s31, $0x20;
	[tilespmem:$0x8080] =	vst v63  }
.LBB1_5:
0x19: {  	s13 =	sadd.s32 $0x1000, s9  }
0x1a: {  	p2 =	sgt.s32 s13, $0x31FFF  }
0x1b: {  	s13 =	smov.u32 @p2 s3;
	p2 =	sne.s32 s10, s7  }
.Ltmp1:
0x1c: {  	p1 =	slt.u32 s10, $0x2;
	(pc) =	sbr.rel @!p2 .LBB1_6-.Ltmp1, $4  }
0x1d: {  	s12 =	simm.s32 @!p1 $0x2  }
0x1e: {  	s14 =	sadd.s32 $0x1, s10;
	_ =	swait.ge @!p1 [sflag:s12], $0x2000  }
0x1f: {  	s11 =	smov.u32 s9;
	p0 =	por !p0, !p0;
	[sflag:s12] =	ssyncset.done @!p1 $0x0  }
0x20: {  	s10 =	smov.u32 s14;
	s9 =	smov.u32 s13;
	[sflag:s12] =	ssyncadd.s32 @!p1 $0xFFFFE000  }
.LBB1_1:
0x21: {  	p1 =	sge.u32 s10, s6  }
0x22: {  	s12 =	sand.u32 @!p1 $0x1FFFFFF, s9  }
0x23: {  	s13 =	smulhi.u32 @!p1 $0x147AE15, s12;
	_ =	sdelay $0x1  }
0x24: {  	s13 =	sshrl.u32 @!p1 s13, $0xA  }
0x25: {  	s13 =	smul.u32 @!p1 $0x32000, s13;
	_ =	sdelay $0x1  }
0x26: {  	s31 =	sadd.s32 $0xFFFFFFFF, s10;
	s14 =	sxor.u32 @!p1 $0xFFFFFFFF, s10;
	s12 =	ssub.s32 @!p1 s12, s13  }
0x27: {  	s15 =	simm.s32 @!p1 $0x80;
	s14 =	sshll.u32 @!p1 s14, $0xD;
	s12 =	sshll.u32 @!p1 s12, $0x4  }
0x28: {  	s13 =	sand.u32 @!p1 $0x2000, s14;
	s14 =	simm.s32 @!p1 $0x40;
	s12 =	sadd.s32 @!p1 s4, s12  }
0x29: {  	[tilespmem:s13], [sflag:$0x1] =	stream.strided.gather @!p1 [hbm4b:s12+s14], $0x2000, s15, s14, $0x38;
	[tilespmem:$0x8080] =	vst v63  }
0x2a: {  	p1 =	sge.u32 s31, s6  }
.Ltmp2:
0x2b: {  	_ = 	snop;
	(pc) =	sbr.rel @p1 .LBB1_5-.Ltmp2, $1  }
0x2c: {  	_ =	sdelay $0x3  }
0x2d: {  	s12 =	simm.s32 $0x1  }
0x2e: {  	_ =	swait.ge [sflag:s5], $0x2000;
	s12 =	simm.s32 @!p0 $0x0  }
0x2f: {  	[sflag:s5] =	ssyncset.done $0x0;
	s13 =	sshll.u32 s12, $0xD  }
0x30: {  	[sflag:s5] =	ssyncadd.s32 $0xFFFFE000;
	s16 =	sor.u32 $0x20, s13  }
0x31: {  	s12 =	smul.u32 $0x8100, s12;
	v3 =	vld [tilespmem:s16+$0x10]  }
0x32: {  	s30 =	sand.u32 $0x1, s10;
	v2 =	vld [tilespmem:s16+$0xFFFFFFF0]  }
0x33: {  	s13 =	smul.u32 $0x8100, s30;
	s12 =	sshrl.u32 s12, $0x2;
	v0 =	vld [tilespmem:s16+$0x0]  }
0x34: {  	v1 =	vld [tilespmem:s16+$0xFFFFFFE0];
	s14 =	sor.u32 $0x4000, s12  }
0x35: {  	s31 =	sshrl.u32 s13, $0x2;
	s13 =	sadd.s32 $0x0, s14  }
0x36: {  	s15 =	simm.s32 $0x4;
	s16 =	sadd.s32 $0x40, s16;
	s12 =	sor.u32 $0x4000, s31;
	[tilespmem:s13+$0x1830 ss:$0x81] =	vst.msk $0xffff, v3  }
.LBB1_3:
0x37: {  	v3 =	vld [tilespmem:s16+$0x10];
	p1 =	sne.s32 s15, $0x1FC;
	[tilespmem:s13+$0x810 ss:$0x81] =	vst.msk $0xffff, v2;
	s17 =	smov.u32 s15;
	s15 =	sadd.s32 $0x4, s15  }
.Ltmp3:
0x38: {  	v2 =	vld [tilespmem:s16+$0xFFFFFFF0];
	[tilespmem:s13+$0x1020 ss:$0x81] =	vst.msk $0xffff, v0;
	(pc) =	sbr.rel @p1 .LBB1_3-.Ltmp3, $4  }
0x39: {  	v0 =	vld [tilespmem:s16+$0x0];
	[tilespmem:s13+$0x0 ss:$0x81] =	vst.msk $0xffff, v1  }
0x3a: {  	s13 =	sshra.s32 s17, $0x2;
	v1 =	vld [tilespmem:s16+$0xFFFFFFE0]  }
0x3b: {  	s13 =	sadd.s32 s13, s14  }
0x3c: {  	s16 =	sadd.s32 $0x40, s16;
	[tilespmem:s13+$0x1830 ss:$0x81] =	vst.msk $0xffff, v3  }
.Ltmp4:
0x3d: {  	_ = 	snop;
	(pc) =	sbr.rel .LBB1_4-.Ltmp4, $1  }
0x3e: {  	_ =	sdelay $0x3  }
.LBB1_6:
0x3f: {  	_ =	sfence.sel $0x180000  }
0x40: {  	s2 =	simm.s32 $0x1;
	[bflag:$0x0] =	sbarrier.arrive $0xFFFF  }
0x41: {  	s31 =	simm.s32 $0x2;
	[sflag:s2] =	ssyncpa.u1 $0x1  }
0x42: {  	[sflag:s31] =	ssyncpa.u1 $0x1  }
0x43: {  	p0 =	sne.s32 s0, $0x0;
	_ =	strace $0x9000004A  }
0x44: {  	s0 =	sadd.s32 @!p0 $0x100000, s1;
	[bflag:$0x2] =	sbarrier.arrive $0xFFFF  }
0x45: {  	[sflag:s0] =	ssyncadd.tile.s32 @!p0 $0x1;
	_ =	shalt  }
.Lfunc_end1:
_tile_overlayer_lowered:
.L_overlay_start_2:
0x46: {  	(tag) =	ssettag $0x2  }
0x47: {  	s0 =	rddreg [dreg:$0x0];
	s2 =	stileid.u32  }
0x48: {  	s1 =	rddreg [dreg:$0x1];
	p0 =	sne.s32 s2, $0x0  }
0x49: {  	s3 =	rddreg [dreg:$0x2];
	[bflag:$0x3] =	sbarrier.arrive $0xFFFF;
	s2 =	simm.s32 @!p0 $0x1C01  }
0x4a: {  	[timem:s3], [sflag:s2] =	dma.local @!p0 [hbm:s0], s1  }
0x4b: {  	s0 =	simm.s32 @!p0 $0x1  }
0x4c: {  	_ =	swait.ge @!p0 [sflag:s0], s1  }
0x4d: {  	s1 =	ssub.s32 @!p0 $0x0, s1;
	[sflag:s0] =	ssyncset.done @!p0 $0x0  }
0x4e: {  	[sflag:s0] =	ssyncadd.s32 @!p0 s1  }
0x4f: {  	[bflag:$0x3] =	sbarrier.arrive $0xFFFF  }
0x50: {  	_ =	shalt  }

</sc_bundles>
